<compile_context>
chip_gen: v7x
topology: tpu7x:2x2x1
jax: 0.10.2.dev20260603
libtpu: 0.0.44.dev20260713+nightly
codegen_flags: <defaults>
</compile_context>

<pallas_src>
import jax
import jax.numpy as jnp
from jax import lax
from jax.experimental import pallas as pl
from jax.experimental.pallas import tpu as pltpu
from jax.experimental.pallas import tpu_sc as plsc

NC = 2
NS = 16
L = 16
NW = NC * NS

K = 3
D = 1024
CH = 8
NB = 4

UNROLL = 2


def _body(table_hbm, ids_hbm, logits_hbm, out_hbm,
          idx_v, logits_v, weights_v, rows_v, out_v,
          gsem0, gsem1, gsem2, gsem3, osem0, osem1):
    ntok = out_hbm.shape[0]
    tpw = ntok // NW
    nch = tpw // CH
    gsem = (gsem0, gsem1, gsem2, gsem3)
    osem = (osem0, osem1)

    cid = lax.axis_index("c")
    sid = lax.axis_index("s")
    wid = sid * NC + cid
    tok0 = wid * tpw

    pltpu.sync_copy(ids_hbm.at[pl.ds(wid * nch, nch)], idx_v)
    for p in range(NB - 1):
        pltpu.async_copy(table_hbm.at[idx_v.at[p]], rows_v.at[p], gsem[p])
    pltpu.sync_copy(logits_hbm.at[pl.ds(wid * tpw * K, tpw * K)], logits_v)

    for tg in range(tpw // L):
        tvec = jnp.arange(L, dtype=jnp.int32) * K + (tg * L * K)
        w0 = plsc.load_gather(logits_v, [tvec])
        w1 = plsc.load_gather(logits_v, [tvec + 1])
        w2 = plsc.load_gather(logits_v, [tvec + 2])
        m = jnp.maximum(w0, jnp.maximum(w1, w2))
        e0 = jnp.exp(w0 - m)
        e1 = jnp.exp(w1 - m)
        e2 = jnp.exp(w2 - m)
        inv = 1.0 / (e0 + e1 + e2)
        weights_v[pl.ds(0 * tpw + tg * L, L)] = e0 * inv
        weights_v[pl.ds(1 * tpw + tg * L, L)] = e1 * inv
        weights_v[pl.ds(2 * tpw + tg * L, L)] = e2 * inv

    def ring_body(cq, carry):
        for b in range(NB):
            c = NB * cq + b
            pb = (b + NB - 1) % NB

            @pl.when(c + NB - 1 < nch)
            def _():
                pltpu.async_copy(
                    table_hbm.at[idx_v.at[c + NB - 1]],
                    rows_v.at[pb], gsem[pb])

            pltpu.make_async_copy(
                table_hbm.at[idx_v.at[c]], rows_v.at[b], gsem[b]).wait()

            ob = b % 2
            if b >= 2:
                pltpu.make_async_copy(
                    out_v.at[ob], out_hbm.at[pl.ds(tok0, CH)], osem[ob]).wait()
            else:
                @pl.when(cq > 0)
                def _():
                    pltpu.make_async_copy(
                        out_v.at[ob],
                        out_hbm.at[pl.ds(tok0, CH)], osem[ob]).wait()

            for t in range(CH):
                tix = c * CH + t
                w0, w1, w2 = (
                    plsc.load_gather(
                        weights_v,
                        [jnp.full((L,), kk * tpw + tix, jnp.int32)])
                    for kk in range(K))

                def d_body(d, t=t, w0=w0, w1=w1, w2=w2):
                    sl = pl.ds(d * L, L)
                    r0 = rows_v[b, K * t + 0, sl]
                    r1 = rows_v[b, K * t + 1, sl]
                    r2 = rows_v[b, K * t + 2, sl]
                    out_v[ob, t, sl] = w0 * r0 + w1 * r1 + w2 * r2

                plsc.parallel_loop(0, D // L, unroll=UNROLL)(d_body)

            pltpu.async_copy(
                out_v.at[ob], out_hbm.at[pl.ds(tok0 + c * CH, CH)], osem[ob])
        return carry

    lax.fori_loop(0, nch // NB, ring_body, 0)

    pltpu.make_async_copy(
        out_v.at[0], out_hbm.at[pl.ds(tok0, CH)], osem[0]).wait()
    pltpu.make_async_copy(
        out_v.at[1], out_hbm.at[pl.ds(tok0, CH)], osem[1]).wait()


def kernel(vocab_embeddings, random_ids, weight_logits):
    B, S, k = random_ids.shape
    ntok = B * S
    assert k == K and vocab_embeddings.shape[1] == D
    assert ntok % (NW * CH * NB) == 0
    tpw = ntok // NW
    nch = tpw // CH

    ids2d = random_ids.reshape(ntok // CH, CH * K)
    logits_flat = weight_logits.reshape(ntok * K)

    mesh = plsc.VectorSubcoreMesh(
        core_axis_name="c", subcore_axis_name="s",
        num_cores=NC, num_subcores=NS)

    run = pl.kernel(
        _body,
        out_type=jax.ShapeDtypeStruct((ntok, D), jnp.float32),
        mesh=mesh,
        scratch_types=[
            pltpu.VMEM((nch, CH * K), jnp.int32),
            pltpu.VMEM((tpw * K,), jnp.float32),
            pltpu.VMEM((K * tpw,), jnp.float32),
            pltpu.VMEM((NB, CH * K, D), jnp.float32),
            pltpu.VMEM((2, CH, D), jnp.float32),
            pltpu.SemaphoreType.DMA,
            pltpu.SemaphoreType.DMA,
            pltpu.SemaphoreType.DMA,
            pltpu.SemaphoreType.DMA,
            pltpu.SemaphoreType.DMA,
            pltpu.SemaphoreType.DMA,
        ],
        compiler_params=pltpu.CompilerParams(needs_layout_passes=False),
    )
    out = run(vocab_embeddings, ids2d, logits_flat)
    return out.reshape(B, S, D)

# --- scband reference (transcript-rebuilt; emitter-appended) ---
"""Pipeline reference for scband-random-interpolation-baseline-77988016161042 (READ-ONLY COPY).

The authoritative reference and input builder live on the scoring server;
editing this copy changes nothing except your own understanding.
"""

import jax, jax.numpy as jnp
import numpy as np

VOCAB = 100000
D_MODEL = 1024
BATCH = 4
SEQ = 2048
K = 3

def setup_inputs(seed: int = 0) -> dict:
    key = jax.random.key(seed)
    k1, k2, k3 = jax.random.split(key, 3)
    vocab_embeddings = jax.random.normal(k1, (VOCAB, D_MODEL), dtype=jnp.float32)
    # The torch module samples these internally with torch.randint/randn; we
    # materialize them deterministically here so the computation is reproducible.
    random_ids = jax.random.randint(k2, (BATCH, SEQ, K), 0, VOCAB, dtype=jnp.int32)
    weight_logits = jax.random.normal(k3, (BATCH, SEQ, K), dtype=jnp.float32)
    return {"vocab_embeddings": vocab_embeddings, "random_ids": random_ids, "weight_logits": weight_logits}

def reference(vocab_embeddings, random_ids, weight_logits):
    # gather: [B, S, K, d_model]
    random_embeddings = jnp.take(vocab_embeddings, random_ids, axis=0)
    # softmax over the K interpolation slots
    weights = jax.nn.softmax(weight_logits, axis=-1)
    # convex combination over K
    interpolated = jnp.sum(weights[..., None] * random_embeddings, axis=2)
    return interpolated

if __name__ == "__main__":
    import jax
    _d = setup_inputs()
    print(jax.jit(kernel)(*tuple(_d.values())))

</pallas_src>

<mosaic_0001>
#map = affine_map<(d0, d1) -> (0, 0)>
#map1 = affine_map<(d0, d1) -> (0)>
module attributes {stable_mosaic.version = 14 : i64} {
  func.func @_body(%arg0: i32, %arg1: i32, %arg2: memref<100000x1024xf32, #tpu.memory_space<hbm>>, %arg3: memref<1024x24xi32, #tpu.memory_space<hbm>>, %arg4: memref<24576xf32, #tpu.memory_space<hbm>>, %arg5: memref<8192x1024xf32, #tpu.memory_space<hbm>>, %arg6: memref<32x24xi32, #tpu.memory_space<vmem>>, %arg7: memref<768xf32, #tpu.memory_space<vmem>>, %arg8: memref<768xf32, #tpu.memory_space<vmem>>, %arg9: memref<4x24x1024xf32, #tpu.memory_space<vmem>>, %arg10: memref<2x8x1024xf32, #tpu.memory_space<vmem>>, %arg11: memref<!tpu.dma_semaphore, #tpu.memory_space<semaphore_mem>>, %arg12: memref<!tpu.dma_semaphore, #tpu.memory_space<semaphore_mem>>, %arg13: memref<!tpu.dma_semaphore, #tpu.memory_space<semaphore_mem>>, %arg14: memref<!tpu.dma_semaphore, #tpu.memory_space<semaphore_mem>>, %arg15: memref<!tpu.dma_semaphore, #tpu.memory_space<semaphore_mem>>, %arg16: memref<!tpu.dma_semaphore, #tpu.memory_space<semaphore_mem>>) attributes {dimension_semantics = [#tpu.dimension_semantics<core_parallel>, #tpu.dimension_semantics<subcore_parallel>], iteration_bounds = array<i64: 2, 16>, scalar_prefetch = 0 : i64, scratch_operands = 11 : i64, tpu.core_type = #tpu.core_type<sc_vector_subcore>, window_params = [{transform_indices = #map}, {transform_indices = #map}, {transform_indices = #map1}, {transform_indices = #map}]} {
    %mul3A = arith.constant 2 : i32
    %mul3A_0 = arith.muli %arg1, %mul3A : i32
    %add3A = arith.addi %mul3A_0, %arg0 : i32
    %mul3A_1 = arith.constant 256 : i32
    %mul3A_2 = arith.muli %add3A, %mul3A_1 : i32
    %mul3A_3 = arith.constant 32 : i32
    %mul3A_4 = arith.muli %add3A, %mul3A_3 : i32
    "tpu.region"() ({
      %run_scoped3A = tpu.sem_alloc : memref<!tpu.dma_semaphore, #tpu.memory_space<semaphore_mem>>
      %dma_start3A_675 = arith.constant 0 : i32
      %dma_start3A_676 = tpu.memref_slice %arg3[%mul3A_4, %dma_start3A_675] : memref<1024x24xi32, #tpu.memory_space<hbm>> -> memref<32x24xi32, #tpu.memory_space<hbm>>
      %dma_start3A_677 = arith.constant 0 : i32
      %dma_start3A_678 = tpu.memref_slice %arg3[%mul3A_4, %dma_start3A_677] : memref<1024x24xi32, #tpu.memory_space<hbm>> -> memref<32x24xi32, #tpu.memory_space<hbm>>
      tpu.enqueue_dma source(%dma_start3A_678 : memref<32x24xi32, #tpu.memory_space<hbm>>) target(%arg6 : memref<32x24xi32, #tpu.memory_space<vmem>>) target_semaphore(%run_scoped3A : memref<!tpu.dma_semaphore, #tpu.memory_space<semaphore_mem>>)
      %dma_wait3A_679 = arith.constant 0 : i32
      %dma_wait3A_680 = tpu.memref_slice %arg3[%mul3A_4, %dma_wait3A_679] : memref<1024x24xi32, #tpu.memory_space<hbm>> -> memref<32x24xi32, #tpu.memory_space<hbm>>
      %dma_wait3A_681 = arith.constant 0 : i32
      %dma_wait3A_682 = tpu.memref_slice %arg3[%mul3A_4, %dma_wait3A_681] : memref<1024x24xi32, #tpu.memory_space<hbm>> -> memref<32x24xi32, #tpu.memory_space<hbm>>
      tpu.wait_dma2 semaphore(%run_scoped3A : memref<!tpu.dma_semaphore, #tpu.memory_space<semaphore_mem>>) src(%dma_wait3A_682 : memref<32x24xi32, #tpu.memory_space<hbm>>) dst(%arg6 : memref<32x24xi32, #tpu.memory_space<vmem>>)
      tpu.yield
    }) : () -> ()
    %dma_start3A = arith.constant 0 : i32
    %dma_start3A_5 = arith.constant 0 : i32
    %dma_start3A_6 = arith.constant 0 : i32
    %dma_start3A_7 = arith.constant 0 : i32
    %dma_start3A_8 = tpu.memref_slice %arg9[%dma_start3A_5, %dma_start3A_6, %dma_start3A_7] : memref<4x24x1024xf32, #tpu.memory_space<vmem>> -> memref<1x24x1024xf32, #tpu.memory_space<vmem>>
    %dma_start3A_9 = tpu.memref_squeeze %dma_start3A_8 : memref<1x24x1024xf32, #tpu.memory_space<vmem>> -> memref<24x1024xf32, #tpu.memory_space<vmem>>
    %dma_start3A_10 = arith.constant 0 : i32
    %dma_start3A_11 = tpu.memref_slice %arg6[%dma_start3A, %dma_start3A_10] : memref<32x24xi32, #tpu.memory_space<vmem>> -> memref<1x24xi32, #tpu.memory_space<vmem>>
    %dma_start3A_12 = tpu.memref_squeeze %dma_start3A_11 : memref<1x24xi32, #tpu.memory_space<vmem>> -> memref<24xi32, #tpu.memory_space<vmem>>
    %dma_start3A_13 = arith.constant 0 : i32
    %dma_start3A_14 = arith.constant 0 : i32
    %dma_start3A_15 = tpu.memref_slice %arg2[%dma_start3A_13, %dma_start3A_14] : memref<100000x1024xf32, #tpu.memory_space<hbm>> -> memref<100000x1024xf32, #tpu.memory_space<hbm>>
    tpu.enqueue_indirect_dma source(%dma_start3A_15 : memref<100000x1024xf32, #tpu.memory_space<hbm>>) target(%dma_start3A_9 : memref<24x1024xf32, #tpu.memory_space<vmem>>) offsets(%dma_start3A_12 : memref<24xi32, #tpu.memory_space<vmem>>) semaphore(%arg11 : memref<!tpu.dma_semaphore, #tpu.memory_space<semaphore_mem>>)
    %dma_start3A_16 = arith.constant 1 : i32
    %dma_start3A_17 = arith.constant 1 : i32
    %dma_start3A_18 = arith.constant 0 : i32
    %dma_start3A_19 = arith.constant 0 : i32
    %dma_start3A_20 = tpu.memref_slice %arg9[%dma_start3A_17, %dma_start3A_18, %dma_start3A_19] : memref<4x24x1024xf32, #tpu.memory_space<vmem>> -> memref<1x24x1024xf32, #tpu.memory_space<vmem>>
    %dma_start3A_21 = tpu.memref_squeeze %dma_start3A_20 : memref<1x24x1024xf32, #tpu.memory_space<vmem>> -> memref<24x1024xf32, #tpu.memory_space<vmem>>
    %dma_start3A_22 = arith.constant 0 : i32
    %dma_start3A_23 = tpu.memref_slice %arg6[%dma_start3A_16, %dma_start3A_22] : memref<32x24xi32, #tpu.memory_space<vmem>> -> memref<1x24xi32, #tpu.memory_space<vmem>>
    %dma_start3A_24 = tpu.memref_squeeze %dma_start3A_23 : memref<1x24xi32, #tpu.memory_space<vmem>> -> memref<24xi32, #tpu.memory_space<vmem>>
    %dma_start3A_25 = arith.constant 0 : i32
    %dma_start3A_26 = arith.constant 0 : i32
    %dma_start3A_27 = tpu.memref_slice %arg2[%dma_start3A_25, %dma_start3A_26] : memref<100000x1024xf32, #tpu.memory_space<hbm>> -> memref<100000x1024xf32, #tpu.memory_space<hbm>>
    tpu.enqueue_indirect_dma source(%dma_start3A_27 : memref<100000x1024xf32, #tpu.memory_space<hbm>>) target(%dma_start3A_21 : memref<24x1024xf32, #tpu.memory_space<vmem>>) offsets(%dma_start3A_24 : memref<24xi32, #tpu.memory_space<vmem>>) semaphore(%arg12 : memref<!tpu.dma_semaphore, #tpu.memory_space<semaphore_mem>>)
    %dma_start3A_28 = arith.constant 2 : i32
    %dma_start3A_29 = arith.constant 2 : i32
    %dma_start3A_30 = arith.constant 0 : i32
    %dma_start3A_31 = arith.constant 0 : i32
    %dma_start3A_32 = tpu.memref_slice %arg9[%dma_start3A_29, %dma_start3A_30, %dma_start3A_31] : memref<4x24x1024xf32, #tpu.memory_space<vmem>> -> memref<1x24x1024xf32, #tpu.memory_space<vmem>>
    %dma_start3A_33 = tpu.memref_squeeze %dma_start3A_32 : memref<1x24x1024xf32, #tpu.memory_space<vmem>> -> memref<24x1024xf32, #tpu.memory_space<vmem>>
    %dma_start3A_34 = arith.constant 0 : i32
    %dma_start3A_35 = tpu.memref_slice %arg6[%dma_start3A_28, %dma_start3A_34] : memref<32x24xi32, #tpu.memory_space<vmem>> -> memref<1x24xi32, #tpu.memory_space<vmem>>
    %dma_start3A_36 = tpu.memref_squeeze %dma_start3A_35 : memref<1x24xi32, #tpu.memory_space<vmem>> -> memref<24xi32, #tpu.memory_space<vmem>>
    %dma_start3A_37 = arith.constant 0 : i32
    %dma_start3A_38 = arith.constant 0 : i32
    %dma_start3A_39 = tpu.memref_slice %arg2[%dma_start3A_37, %dma_start3A_38] : memref<100000x1024xf32, #tpu.memory_space<hbm>> -> memref<100000x1024xf32, #tpu.memory_space<hbm>>
    tpu.enqueue_indirect_dma source(%dma_start3A_39 : memref<100000x1024xf32, #tpu.memory_space<hbm>>) target(%dma_start3A_33 : memref<24x1024xf32, #tpu.memory_space<vmem>>) offsets(%dma_start3A_36 : memref<24xi32, #tpu.memory_space<vmem>>) semaphore(%arg13 : memref<!tpu.dma_semaphore, #tpu.memory_space<semaphore_mem>>)
    %mul3A_40 = arith.constant 256 : i32
    %mul3A_41 = arith.muli %add3A, %mul3A_40 : i32
    %mul3A_42 = arith.constant 3 : i32
    %mul3A_43 = arith.muli %mul3A_41, %mul3A_42 : i32
    "tpu.region"() ({
      %run_scoped3A = tpu.sem_alloc : memref<!tpu.dma_semaphore, #tpu.memory_space<semaphore_mem>>
      %dma_start3A_675 = tpu.memref_slice %arg4[%mul3A_43] : memref<24576xf32, #tpu.memory_space<hbm>> -> memref<768xf32, #tpu.memory_space<hbm>>
      %dma_start3A_676 = tpu.memref_slice %arg4[%mul3A_43] : memref<24576xf32, #tpu.memory_space<hbm>> -> memref<768xf32, #tpu.memory_space<hbm>>
      tpu.enqueue_dma source(%dma_start3A_676 : memref<768xf32, #tpu.memory_space<hbm>>) target(%arg7 : memref<768xf32, #tpu.memory_space<vmem>>) target_semaphore(%run_scoped3A : memref<!tpu.dma_semaphore, #tpu.memory_space<semaphore_mem>>)
      %dma_wait3A_677 = tpu.memref_slice %arg4[%mul3A_43] : memref<24576xf32, #tpu.memory_space<hbm>> -> memref<768xf32, #tpu.memory_space<hbm>>
      %dma_wait3A_678 = tpu.memref_slice %arg4[%mul3A_43] : memref<24576xf32, #tpu.memory_space<hbm>> -> memref<768xf32, #tpu.memory_space<hbm>>
      tpu.wait_dma2 semaphore(%run_scoped3A : memref<!tpu.dma_semaphore, #tpu.memory_space<semaphore_mem>>) src(%dma_wait3A_678 : memref<768xf32, #tpu.memory_space<hbm>>) dst(%arg7 : memref<768xf32, #tpu.memory_space<vmem>>)
      tpu.yield
    }) : () -> ()
    %iota3A = tpu.iota {dimensions = array<i32: 0>} : vector<16xi32>
    %mul3A_44 = arith.constant 3 : i32
    %mul3A_45 = vector.broadcast %mul3A_44 : i32 to vector<16xi32>
    %mul3A_46 = arith.muli %iota3A, %mul3A_45 : vector<16xi32>
    %add3A_47 = arith.constant 0 : i32
    %add3A_48 = vector.broadcast %add3A_47 : i32 to vector<16xi32>
    %add3A_49 = arith.addi %mul3A_46, %add3A_48 : vector<16xi32>
    %gather3A = tpu.vector_load_idx %arg7[%add3A_49] : memref<768xf32, #tpu.memory_space<vmem>>[vector<16xi32>], vector<16xf32>,
    %add3A_50 = arith.constant 1 : i32
    %add3A_51 = vector.broadcast %add3A_50 : i32 to vector<16xi32>
    %add3A_52 = arith.addi %add3A_49, %add3A_51 : vector<16xi32>
    %gather3A_53 = tpu.vector_load_idx %arg7[%add3A_52] : memref<768xf32, #tpu.memory_space<vmem>>[vector<16xi32>], vector<16xf32>,
    %add3A_54 = arith.constant 2 : i32
    %add3A_55 = vector.broadcast %add3A_54 : i32 to vector<16xi32>
    %add3A_56 = arith.addi %add3A_49, %add3A_55 : vector<16xi32>
    %gather3A_57 = tpu.vector_load_idx %arg7[%add3A_56] : memref<768xf32, #tpu.memory_space<vmem>>[vector<16xi32>], vector<16xf32>,
    %max3A = arith.maximumf %gather3A_53, %gather3A_57 : vector<16xf32>
    %max3A_58 = arith.maximumf %gather3A, %max3A : vector<16xf32>
    %sub3A = arith.subf %gather3A, %max3A_58 : vector<16xf32>
    %exp3A = math.exp %sub3A : vector<16xf32>
    %sub3A_59 = arith.subf %gather3A_53, %max3A_58 : vector<16xf32>
    %exp3A_60 = math.exp %sub3A_59 : vector<16xf32>
    %sub3A_61 = arith.subf %gather3A_57, %max3A_58 : vector<16xf32>
    %exp3A_62 = math.exp %sub3A_61 : vector<16xf32>
    %add3A_63 = arith.addf %exp3A, %exp3A_60 : vector<16xf32>
    %add3A_64 = arith.addf %add3A_63, %exp3A_62 : vector<16xf32>
    %div3A = arith.constant 1.000000e+00 : f32
    %div3A_65 = vector.broadcast %div3A : f32 to vector<16xf32>
    %div3A_66 = arith.divf %div3A_65, %add3A_64 : vector<16xf32>
    %mul3A_67 = arith.mulf %exp3A, %div3A_66 : vector<16xf32>
    %swap3A = arith.constant 0 : index
    %swap3A_68 = tpu.vector_load %arg8[%swap3A] {strides = array<i32>} : memref<768xf32, #tpu.memory_space<vmem>>, vector<16xf32>,
    tpu.vector_store %arg8[%swap3A], %mul3A_67 {strides = array<i32>} : memref<768xf32, #tpu.memory_space<vmem>>, vector<16xf32>,
    %mul3A_69 = arith.mulf %exp3A_60, %div3A_66 : vector<16xf32>
    %swap3A_70 = arith.constant 256 : index
    %swap3A_71 = tpu.vector_load %arg8[%swap3A_70] {strides = array<i32>} : memref<768xf32, #tpu.memory_space<vmem>>, vector<16xf32>,
    tpu.vector_store %arg8[%swap3A_70], %mul3A_69 {strides = array<i32>} : memref<768xf32, #tpu.memory_space<vmem>>, vector<16xf32>,
    %mul3A_72 = arith.mulf %exp3A_62, %div3A_66 : vector<16xf32>
    %swap3A_73 = arith.constant 512 : index
    %swap3A_74 = tpu.vector_load %arg8[%swap3A_73] {strides = array<i32>} : memref<768xf32, #tpu.memory_space<vmem>>, vector<16xf32>,
    tpu.vector_store %arg8[%swap3A_73], %mul3A_72 {strides = array<i32>} : memref<768xf32, #tpu.memory_space<vmem>>, vector<16xf32>,
    %iota3A_75 = tpu.iota {dimensions = array<i32: 0>} : vector<16xi32>
    %mul3A_76 = arith.constant 3 : i32
    %mul3A_77 = vector.broadcast %mul3A_76 : i32 to vector<16xi32>
    %mul3A_78 = arith.muli %iota3A_75, %mul3A_77 : vector<16xi32>
    %add3A_79 = arith.constant 48 : i32
    %add3A_80 = vector.broadcast %add3A_79 : i32 to vector<16xi32>
    %add3A_81 = arith.addi %mul3A_78, %add3A_80 : vector<16xi32>
    %gather3A_82 = tpu.vector_load_idx %arg7[%add3A_81] : memref<768xf32, #tpu.memory_space<vmem>>[vector<16xi32>], vector<16xf32>,
    %add3A_83 = arith.constant 1 : i32
    %add3A_84 = vector.broadcast %add3A_83 : i32 to vector<16xi32>
    %add3A_85 = arith.addi %add3A_81, %add3A_84 : vector<16xi32>
    %gather3A_86 = tpu.vector_load_idx %arg7[%add3A_85] : memref<768xf32, #tpu.memory_space<vmem>>[vector<16xi32>], vector<16xf32>,
    %add3A_87 = arith.constant 2 : i32
    %add3A_88 = vector.broadcast %add3A_87 : i32 to vector<16xi32>
    %add3A_89 = arith.addi %add3A_81, %add3A_88 : vector<16xi32>
    %gather3A_90 = tpu.vector_load_idx %arg7[%add3A_89] : memref<768xf32, #tpu.memory_space<vmem>>[vector<16xi32>], vector<16xf32>,
    %max3A_91 = arith.maximumf %gather3A_86, %gather3A_90 : vector<16xf32>
    %max3A_92 = arith.maximumf %gather3A_82, %max3A_91 : vector<16xf32>
    %sub3A_93 = arith.subf %gather3A_82, %max3A_92 : vector<16xf32>
    %exp3A_94 = math.exp %sub3A_93 : vector<16xf32>
    %sub3A_95 = arith.subf %gather3A_86, %max3A_92 : vector<16xf32>
    %exp3A_96 = math.exp %sub3A_95 : vector<16xf32>
    %sub3A_97 = arith.subf %gather3A_90, %max3A_92 : vector<16xf32>
    %exp3A_98 = math.exp %sub3A_97 : vector<16xf32>
    %add3A_99 = arith.addf %exp3A_94, %exp3A_96 : vector<16xf32>
    %add3A_100 = arith.addf %add3A_99, %exp3A_98 : vector<16xf32>
    %div3A_101 = arith.constant 1.000000e+00 : f32
    %div3A_102 = vector.broadcast %div3A_101 : f32 to vector<16xf32>
    %div3A_103 = arith.divf %div3A_102, %add3A_100 : vector<16xf32>
    %mul3A_104 = arith.mulf %exp3A_94, %div3A_103 : vector<16xf32>
    %swap3A_105 = arith.constant 16 : index
    %swap3A_106 = tpu.vector_load %arg8[%swap3A_105] {strides = array<i32>} : memref<768xf32, #tpu.memory_space<vmem>>, vector<16xf32>,
    tpu.vector_store %arg8[%swap3A_105], %mul3A_104 {strides = array<i32>} : memref<768xf32, #tpu.memory_space<vmem>>, vector<16xf32>,
    %mul3A_107 = arith.mulf %exp3A_96, %div3A_103 : vector<16xf32>
    %swap3A_108 = arith.constant 272 : index
    %swap3A_109 = tpu.vector_load %arg8[%swap3A_108] {strides = array<i32>} : memref<768xf32, #tpu.memory_space<vmem>>, vector<16xf32>,
    tpu.vector_store %arg8[%swap3A_108], %mul3A_107 {strides = array<i32>} : memref<768xf32, #tpu.memory_space<vmem>>, vector<16xf32>,
    %mul3A_110 = arith.mulf %exp3A_98, %div3A_103 : vector<16xf32>
    %swap3A_111 = arith.constant 528 : index
    %swap3A_112 = tpu.vector_load %arg8[%swap3A_111] {strides = array<i32>} : memref<768xf32, #tpu.memory_space<vmem>>, vector<16xf32>,
    tpu.vector_store %arg8[%swap3A_111], %mul3A_110 {strides = array<i32>} : memref<768xf32, #tpu.memory_space<vmem>>, vector<16xf32>,
    %iota3A_113 = tpu.iota {dimensions = array<i32: 0>} : vector<16xi32>
    %mul3A_114 = arith.constant 3 : i32
    %mul3A_115 = vector.broadcast %mul3A_114 : i32 to vector<16xi32>
    %mul3A_116 = arith.muli %iota3A_113, %mul3A_115 : vector<16xi32>
    %add3A_117 = arith.constant 96 : i32
    %add3A_118 = vector.broadcast %add3A_117 : i32 to vector<16xi32>
    %add3A_119 = arith.addi %mul3A_116, %add3A_118 : vector<16xi32>
    %gather3A_120 = tpu.vector_load_idx %arg7[%add3A_119] : memref<768xf32, #tpu.memory_space<vmem>>[vector<16xi32>], vector<16xf32>,
    %add3A_121 = arith.constant 1 : i32
    %add3A_122 = vector.broadcast %add3A_121 : i32 to vector<16xi32>
    %add3A_123 = arith.addi %add3A_119, %add3A_122 : vector<16xi32>
    %gather3A_124 = tpu.vector_load_idx %arg7[%add3A_123] : memref<768xf32, #tpu.memory_space<vmem>>[vector<16xi32>], vector<16xf32>,
    %add3A_125 = arith.constant 2 : i32
    %add3A_126 = vector.broadcast %add3A_125 : i32 to vector<16xi32>
    %add3A_127 = arith.addi %add3A_119, %add3A_126 : vector<16xi32>
    %gather3A_128 = tpu.vector_load_idx %arg7[%add3A_127] : memref<768xf32, #tpu.memory_space<vmem>>[vector<16xi32>], vector<16xf32>,
    %max3A_129 = arith.maximumf %gather3A_124, %gather3A_128 : vector<16xf32>
    %max3A_130 = arith.maximumf %gather3A_120, %max3A_129 : vector<16xf32>
    %sub3A_131 = arith.subf %gather3A_120, %max3A_130 : vector<16xf32>
    %exp3A_132 = math.exp %sub3A_131 : vector<16xf32>
    %sub3A_133 = arith.subf %gather3A_124, %max3A_130 : vector<16xf32>
    %exp3A_134 = math.exp %sub3A_133 : vector<16xf32>
    %sub3A_135 = arith.subf %gather3A_128, %max3A_130 : vector<16xf32>
    %exp3A_136 = math.exp %sub3A_135 : vector<16xf32>
    %add3A_137 = arith.addf %exp3A_132, %exp3A_134 : vector<16xf32>
    %add3A_138 = arith.addf %add3A_137, %exp3A_136 : vector<16xf32>
    %div3A_139 = arith.constant 1.000000e+00 : f32
    %div3A_140 = vector.broadcast %div3A_139 : f32 to vector<16xf32>
    %div3A_141 = arith.divf %div3A_140, %add3A_138 : vector<16xf32>
    %mul3A_142 = arith.mulf %exp3A_132, %div3A_141 : vector<16xf32>
    %swap3A_143 = arith.constant 32 : index
    %swap3A_144 = tpu.vector_load %arg8[%swap3A_143] {strides = array<i32>} : memref<768xf32, #tpu.memory_space<vmem>>, vector<16xf32>,
    tpu.vector_store %arg8[%swap3A_143], %mul3A_142 {strides = array<i32>} : memref<768xf32, #tpu.memory_space<vmem>>, vector<16xf32>,
    %mul3A_145 = arith.mulf %exp3A_134, %div3A_141 : vector<16xf32>
    %swap3A_146 = arith.constant 288 : index
    %swap3A_147 = tpu.vector_load %arg8[%swap3A_146] {strides = array<i32>} : memref<768xf32, #tpu.memory_space<vmem>>, vector<16xf32>,
    tpu.vector_store %arg8[%swap3A_146], %mul3A_145 {strides = array<i32>} : memref<768xf32, #tpu.memory_space<vmem>>, vector<16xf32>,
    %mul3A_148 = arith.mulf %exp3A_136, %div3A_141 : vector<16xf32>
    %swap3A_149 = arith.constant 544 : index
    %swap3A_150 = tpu.vector_load %arg8[%swap3A_149] {strides = array<i32>} : memref<768xf32, #tpu.memory_space<vmem>>, vector<16xf32>,
    tpu.vector_store %arg8[%swap3A_149], %mul3A_148 {strides = array<i32>} : memref<768xf32, #tpu.memory_space<vmem>>, vector<16xf32>,
    %iota3A_151 = tpu.iota {dimensions = array<i32: 0>} : vector<16xi32>
    %mul3A_152 = arith.constant 3 : i32
    %mul3A_153 = vector.broadcast %mul3A_152 : i32 to vector<16xi32>
    %mul3A_154 = arith.muli %iota3A_151, %mul3A_153 : vector<16xi32>
    %add3A_155 = arith.constant 144 : i32
    %add3A_156 = vector.broadcast %add3A_155 : i32 to vector<16xi32>
    %add3A_157 = arith.addi %mul3A_154, %add3A_156 : vector<16xi32>
    %gather3A_158 = tpu.vector_load_idx %arg7[%add3A_157] : memref<768xf32, #tpu.memory_space<vmem>>[vector<16xi32>], vector<16xf32>,
    %add3A_159 = arith.constant 1 : i32
    %add3A_160 = vector.broadcast %add3A_159 : i32 to vector<16xi32>
    %add3A_161 = arith.addi %add3A_157, %add3A_160 : vector<16xi32>
    %gather3A_162 = tpu.vector_load_idx %arg7[%add3A_161] : memref<768xf32, #tpu.memory_space<vmem>>[vector<16xi32>], vector<16xf32>,
    %add3A_163 = arith.constant 2 : i32
    %add3A_164 = vector.broadcast %add3A_163 : i32 to vector<16xi32>
    %add3A_165 = arith.addi %add3A_157, %add3A_164 : vector<16xi32>
    %gather3A_166 = tpu.vector_load_idx %arg7[%add3A_165] : memref<768xf32, #tpu.memory_space<vmem>>[vector<16xi32>], vector<16xf32>,
    %max3A_167 = arith.maximumf %gather3A_162, %gather3A_166 : vector<16xf32>
    %max3A_168 = arith.maximumf %gather3A_158, %max3A_167 : vector<16xf32>
    %sub3A_169 = arith.subf %gather3A_158, %max3A_168 : vector<16xf32>
    %exp3A_170 = math.exp %sub3A_169 : vector<16xf32>
    %sub3A_171 = arith.subf %gather3A_162, %max3A_168 : vector<16xf32>
    %exp3A_172 = math.exp %sub3A_171 : vector<16xf32>
    %sub3A_173 = arith.subf %gather3A_166, %max3A_168 : vector<16xf32>
    %exp3A_174 = math.exp %sub3A_173 : vector<16xf32>
    %add3A_175 = arith.addf %exp3A_170, %exp3A_172 : vector<16xf32>
    %add3A_176 = arith.addf %add3A_175, %exp3A_174 : vector<16xf32>
    %div3A_177 = arith.constant 1.000000e+00 : f32
    %div3A_178 = vector.broadcast %div3A_177 : f32 to vector<16xf32>
    %div3A_179 = arith.divf %div3A_178, %add3A_176 : vector<16xf32>
    %mul3A_180 = arith.mulf %exp3A_170, %div3A_179 : vector<16xf32>
    %swap3A_181 = arith.constant 48 : index
    %swap3A_182 = tpu.vector_load %arg8[%swap3A_181] {strides = array<i32>} : memref<768xf32, #tpu.memory_space<vmem>>, vector<16xf32>,
    tpu.vector_store %arg8[%swap3A_181], %mul3A_180 {strides = array<i32>} : memref<768xf32, #tpu.memory_space<vmem>>, vector<16xf32>,
    %mul3A_183 = arith.mulf %exp3A_172, %div3A_179 : vector<16xf32>
    %swap3A_184 = arith.constant 304 : index
    %swap3A_185 = tpu.vector_load %arg8[%swap3A_184] {strides = array<i32>} : memref<768xf32, #tpu.memory_space<vmem>>, vector<16xf32>,
    tpu.vector_store %arg8[%swap3A_184], %mul3A_183 {strides = array<i32>} : memref<768xf32, #tpu.memory_space<vmem>>, vector<16xf32>,
    %mul3A_186 = arith.mulf %exp3A_174, %div3A_179 : vector<16xf32>
    %swap3A_187 = arith.constant 560 : index
    %swap3A_188 = tpu.vector_load %arg8[%swap3A_187] {strides = array<i32>} : memref<768xf32, #tpu.memory_space<vmem>>, vector<16xf32>,
    tpu.vector_store %arg8[%swap3A_187], %mul3A_186 {strides = array<i32>} : memref<768xf32, #tpu.memory_space<vmem>>, vector<16xf32>,
    %iota3A_189 = tpu.iota {dimensions = array<i32: 0>} : vector<16xi32>
    %mul3A_190 = arith.constant 3 : i32
    %mul3A_191 = vector.broadcast %mul3A_190 : i32 to vector<16xi32>
    %mul3A_192 = arith.muli %iota3A_189, %mul3A_191 : vector<16xi32>
    %add3A_193 = arith.constant 192 : i32
    %add3A_194 = vector.broadcast %add3A_193 : i32 to vector<16xi32>
    %add3A_195 = arith.addi %mul3A_192, %add3A_194 : vector<16xi32>
    %gather3A_196 = tpu.vector_load_idx %arg7[%add3A_195] : memref<768xf32, #tpu.memory_space<vmem>>[vector<16xi32>], vector<16xf32>,
    %add3A_197 = arith.constant 1 : i32
    %add3A_198 = vector.broadcast %add3A_197 : i32 to vector<16xi32>
    %add3A_199 = arith.addi %add3A_195, %add3A_198 : vector<16xi32>
    %gather3A_200 = tpu.vector_load_idx %arg7[%add3A_199] : memref<768xf32, #tpu.memory_space<vmem>>[vector<16xi32>], vector<16xf32>,
    %add3A_201 = arith.constant 2 : i32
    %add3A_202 = vector.broadcast %add3A_201 : i32 to vector<16xi32>
    %add3A_203 = arith.addi %add3A_195, %add3A_202 : vector<16xi32>
    %gather3A_204 = tpu.vector_load_idx %arg7[%add3A_203] : memref<768xf32, #tpu.memory_space<vmem>>[vector<16xi32>], vector<16xf32>,
    %max3A_205 = arith.maximumf %gather3A_200, %gather3A_204 : vector<16xf32>
    %max3A_206 = arith.maximumf %gather3A_196, %max3A_205 : vector<16xf32>
    %sub3A_207 = arith.subf %gather3A_196, %max3A_206 : vector<16xf32>
    %exp3A_208 = math.exp %sub3A_207 : vector<16xf32>
    %sub3A_209 = arith.subf %gather3A_200, %max3A_206 : vector<16xf32>
    %exp3A_210 = math.exp %sub3A_209 : vector<16xf32>
    %sub3A_211 = arith.subf %gather3A_204, %max3A_206 : vector<16xf32>
    %exp3A_212 = math.exp %sub3A_211 : vector<16xf32>
    %add3A_213 = arith.addf %exp3A_208, %exp3A_210 : vector<16xf32>
    %add3A_214 = arith.addf %add3A_213, %exp3A_212 : vector<16xf32>
    %div3A_215 = arith.constant 1.000000e+00 : f32
    %div3A_216 = vector.broadcast %div3A_215 : f32 to vector<16xf32>
    %div3A_217 = arith.divf %div3A_216, %add3A_214 : vector<16xf32>
    %mul3A_218 = arith.mulf %exp3A_208, %div3A_217 : vector<16xf32>
    %swap3A_219 = arith.constant 64 : index
    %swap3A_220 = tpu.vector_load %arg8[%swap3A_219] {strides = array<i32>} : memref<768xf32, #tpu.memory_space<vmem>>, vector<16xf32>,
    tpu.vector_store %arg8[%swap3A_219], %mul3A_218 {strides = array<i32>} : memref<768xf32, #tpu.memory_space<vmem>>, vector<16xf32>,
    %mul3A_221 = arith.mulf %exp3A_210, %div3A_217 : vector<16xf32>
    %swap3A_222 = arith.constant 320 : index
    %swap3A_223 = tpu.vector_load %arg8[%swap3A_222] {strides = array<i32>} : memref<768xf32, #tpu.memory_space<vmem>>, vector<16xf32>,
    tpu.vector_store %arg8[%swap3A_222], %mul3A_221 {strides = array<i32>} : memref<768xf32, #tpu.memory_space<vmem>>, vector<16xf32>,
    %mul3A_224 = arith.mulf %exp3A_212, %div3A_217 : vector<16xf32>
    %swap3A_225 = arith.constant 576 : index
    %swap3A_226 = tpu.vector_load %arg8[%swap3A_225] {strides = array<i32>} : memref<768xf32, #tpu.memory_space<vmem>>, vector<16xf32>,
    tpu.vector_store %arg8[%swap3A_225], %mul3A_224 {strides = array<i32>} : memref<768xf32, #tpu.memory_space<vmem>>, vector<16xf32>,
    %iota3A_227 = tpu.iota {dimensions = array<i32: 0>} : vector<16xi32>
    %mul3A_228 = arith.constant 3 : i32
    %mul3A_229 = vector.broadcast %mul3A_228 : i32 to vector<16xi32>
    %mul3A_230 = arith.muli %iota3A_227, %mul3A_229 : vector<16xi32>
    %add3A_231 = arith.constant 240 : i32
    %add3A_232 = vector.broadcast %add3A_231 : i32 to vector<16xi32>
    %add3A_233 = arith.addi %mul3A_230, %add3A_232 : vector<16xi32>
    %gather3A_234 = tpu.vector_load_idx %arg7[%add3A_233] : memref<768xf32, #tpu.memory_space<vmem>>[vector<16xi32>], vector<16xf32>,
    %add3A_235 = arith.constant 1 : i32
    %add3A_236 = vector.broadcast %add3A_235 : i32 to vector<16xi32>
    %add3A_237 = arith.addi %add3A_233, %add3A_236 : vector<16xi32>
    %gather3A_238 = tpu.vector_load_idx %arg7[%add3A_237] : memref<768xf32, #tpu.memory_space<vmem>>[vector<16xi32>], vector<16xf32>,
    %add3A_239 = arith.constant 2 : i32
    %add3A_240 = vector.broadcast %add3A_239 : i32 to vector<16xi32>
    %add3A_241 = arith.addi %add3A_233, %add3A_240 : vector<16xi32>
    %gather3A_242 = tpu.vector_load_idx %arg7[%add3A_241] : memref<768xf32, #tpu.memory_space<vmem>>[vector<16xi32>], vector<16xf32>,
    %max3A_243 = arith.maximumf %gather3A_238, %gather3A_242 : vector<16xf32>
    %max3A_244 = arith.maximumf %gather3A_234, %max3A_243 : vector<16xf32>
    %sub3A_245 = arith.subf %gather3A_234, %max3A_244 : vector<16xf32>
    %exp3A_246 = math.exp %sub3A_245 : vector<16xf32>
    %sub3A_247 = arith.subf %gather3A_238, %max3A_244 : vector<16xf32>
    %exp3A_248 = math.exp %sub3A_247 : vector<16xf32>
    %sub3A_249 = arith.subf %gather3A_242, %max3A_244 : vector<16xf32>
    %exp3A_250 = math.exp %sub3A_249 : vector<16xf32>
    %add3A_251 = arith.addf %exp3A_246, %exp3A_248 : vector<16xf32>
    %add3A_252 = arith.addf %add3A_251, %exp3A_250 : vector<16xf32>
    %div3A_253 = arith.constant 1.000000e+00 : f32
    %div3A_254 = vector.broadcast %div3A_253 : f32 to vector<16xf32>
    %div3A_255 = arith.divf %div3A_254, %add3A_252 : vector<16xf32>
    %mul3A_256 = arith.mulf %exp3A_246, %div3A_255 : vector<16xf32>
    %swap3A_257 = arith.constant 80 : index
    %swap3A_258 = tpu.vector_load %arg8[%swap3A_257] {strides = array<i32>} : memref<768xf32, #tpu.memory_space<vmem>>, vector<16xf32>,
    tpu.vector_store %arg8[%swap3A_257], %mul3A_256 {strides = array<i32>} : memref<768xf32, #tpu.memory_space<vmem>>, vector<16xf32>,
    %mul3A_259 = arith.mulf %exp3A_248, %div3A_255 : vector<16xf32>
    %swap3A_260 = arith.constant 336 : index
    %swap3A_261 = tpu.vector_load %arg8[%swap3A_260] {strides = array<i32>} : memref<768xf32, #tpu.memory_space<vmem>>, vector<16xf32>,
    tpu.vector_store %arg8[%swap3A_260], %mul3A_259 {strides = array<i32>} : memref<768xf32, #tpu.memory_space<vmem>>, vector<16xf32>,
    %mul3A_262 = arith.mulf %exp3A_250, %div3A_255 : vector<16xf32>
    %swap3A_263 = arith.constant 592 : index
    %swap3A_264 = tpu.vector_load %arg8[%swap3A_263] {strides = array<i32>} : memref<768xf32, #tpu.memory_space<vmem>>, vector<16xf32>,
    tpu.vector_store %arg8[%swap3A_263], %mul3A_262 {strides = array<i32>} : memref<768xf32, #tpu.memory_space<vmem>>, vector<16xf32>,
    %iota3A_265 = tpu.iota {dimensions = array<i32: 0>} : vector<16xi32>
    %mul3A_266 = arith.constant 3 : i32
    %mul3A_267 = vector.broadcast %mul3A_266 : i32 to vector<16xi32>
    %mul3A_268 = arith.muli %iota3A_265, %mul3A_267 : vector<16xi32>
    %add3A_269 = arith.constant 288 : i32
    %add3A_270 = vector.broadcast %add3A_269 : i32 to vector<16xi32>
    %add3A_271 = arith.addi %mul3A_268, %add3A_270 : vector<16xi32>
    %gather3A_272 = tpu.vector_load_idx %arg7[%add3A_271] : memref<768xf32, #tpu.memory_space<vmem>>[vector<16xi32>], vector<16xf32>,
    %add3A_273 = arith.constant 1 : i32
    %add3A_274 = vector.broadcast %add3A_273 : i32 to vector<16xi32>
    %add3A_275 = arith.addi %add3A_271, %add3A_274 : vector<16xi32>
    %gather3A_276 = tpu.vector_load_idx %arg7[%add3A_275] : memref<768xf32, #tpu.memory_space<vmem>>[vector<16xi32>], vector<16xf32>,
    %add3A_277 = arith.constant 2 : i32
    %add3A_278 = vector.broadcast %add3A_277 : i32 to vector<16xi32>
    %add3A_279 = arith.addi %add3A_271, %add3A_278 : vector<16xi32>
    %gather3A_280 = tpu.vector_load_idx %arg7[%add3A_279] : memref<768xf32, #tpu.memory_space<vmem>>[vector<16xi32>], vector<16xf32>,
    %max3A_281 = arith.maximumf %gather3A_276, %gather3A_280 : vector<16xf32>
    %max3A_282 = arith.maximumf %gather3A_272, %max3A_281 : vector<16xf32>
    %sub3A_283 = arith.subf %gather3A_272, %max3A_282 : vector<16xf32>
    %exp3A_284 = math.exp %sub3A_283 : vector<16xf32>
    %sub3A_285 = arith.subf %gather3A_276, %max3A_282 : vector<16xf32>
    %exp3A_286 = math.exp %sub3A_285 : vector<16xf32>
    %sub3A_287 = arith.subf %gather3A_280, %max3A_282 : vector<16xf32>
    %exp3A_288 = math.exp %sub3A_287 : vector<16xf32>
    %add3A_289 = arith.addf %exp3A_284, %exp3A_286 : vector<16xf32>
    %add3A_290 = arith.addf %add3A_289, %exp3A_288 : vector<16xf32>
    %div3A_291 = arith.constant 1.000000e+00 : f32
    %div3A_292 = vector.broadcast %div3A_291 : f32 to vector<16xf32>
    %div3A_293 = arith.divf %div3A_292, %add3A_290 : vector<16xf32>
    %mul3A_294 = arith.mulf %exp3A_284, %div3A_293 : vector<16xf32>
    %swap3A_295 = arith.constant 96 : index
    %swap3A_296 = tpu.vector_load %arg8[%swap3A_295] {strides = array<i32>} : memref<768xf32, #tpu.memory_space<vmem>>, vector<16xf32>,
    tpu.vector_store %arg8[%swap3A_295], %mul3A_294 {strides = array<i32>} : memref<768xf32, #tpu.memory_space<vmem>>, vector<16xf32>,
    %mul3A_297 = arith.mulf %exp3A_286, %div3A_293 : vector<16xf32>
    %swap3A_298 = arith.constant 352 : index
    %swap3A_299 = tpu.vector_load %arg8[%swap3A_298] {strides = array<i32>} : memref<768xf32, #tpu.memory_space<vmem>>, vector<16xf32>,
    tpu.vector_store %arg8[%swap3A_298], %mul3A_297 {strides = array<i32>} : memref<768xf32, #tpu.memory_space<vmem>>, vector<16xf32>,
    %mul3A_300 = arith.mulf %exp3A_288, %div3A_293 : vector<16xf32>
    %swap3A_301 = arith.constant 608 : index
    %swap3A_302 = tpu.vector_load %arg8[%swap3A_301] {strides = array<i32>} : memref<768xf32, #tpu.memory_space<vmem>>, vector<16xf32>,
    tpu.vector_store %arg8[%swap3A_301], %mul3A_300 {strides = array<i32>} : memref<768xf32, #tpu.memory_space<vmem>>, vector<16xf32>,
    %iota3A_303 = tpu.iota {dimensions = array<i32: 0>} : vector<16xi32>
    %mul3A_304 = arith.constant 3 : i32
    %mul3A_305 = vector.broadcast %mul3A_304 : i32 to vector<16xi32>
    %mul3A_306 = arith.muli %iota3A_303, %mul3A_305 : vector<16xi32>
    %add3A_307 = arith.constant 336 : i32
    %add3A_308 = vector.broadcast %add3A_307 : i32 to vector<16xi32>
    %add3A_309 = arith.addi %mul3A_306, %add3A_308 : vector<16xi32>
    %gather3A_310 = tpu.vector_load_idx %arg7[%add3A_309] : memref<768xf32, #tpu.memory_space<vmem>>[vector<16xi32>], vector<16xf32>,
    %add3A_311 = arith.constant 1 : i32
    %add3A_312 = vector.broadcast %add3A_311 : i32 to vector<16xi32>
    %add3A_313 = arith.addi %add3A_309, %add3A_312 : vector<16xi32>
    %gather3A_314 = tpu.vector_load_idx %arg7[%add3A_313] : memref<768xf32, #tpu.memory_space<vmem>>[vector<16xi32>], vector<16xf32>,
    %add3A_315 = arith.constant 2 : i32
    %add3A_316 = vector.broadcast %add3A_315 : i32 to vector<16xi32>
    %add3A_317 = arith.addi %add3A_309, %add3A_316 : vector<16xi32>
    %gather3A_318 = tpu.vector_load_idx %arg7[%add3A_317] : memref<768xf32, #tpu.memory_space<vmem>>[vector<16xi32>], vector<16xf32>,
    %max3A_319 = arith.maximumf %gather3A_314, %gather3A_318 : vector<16xf32>
    %max3A_320 = arith.maximumf %gather3A_310, %max3A_319 : vector<16xf32>
    %sub3A_321 = arith.subf %gather3A_310, %max3A_320 : vector<16xf32>
    %exp3A_322 = math.exp %sub3A_321 : vector<16xf32>
    %sub3A_323 = arith.subf %gather3A_314, %max3A_320 : vector<16xf32>
    %exp3A_324 = math.exp %sub3A_323 : vector<16xf32>
    %sub3A_325 = arith.subf %gather3A_318, %max3A_320 : vector<16xf32>
    %exp3A_326 = math.exp %sub3A_325 : vector<16xf32>
    %add3A_327 = arith.addf %exp3A_322, %exp3A_324 : vector<16xf32>
    %add3A_328 = arith.addf %add3A_327, %exp3A_326 : vector<16xf32>
    %div3A_329 = arith.constant 1.000000e+00 : f32
    %div3A_330 = vector.broadcast %div3A_329 : f32 to vector<16xf32>
    %div3A_331 = arith.divf %div3A_330, %add3A_328 : vector<16xf32>
    %mul3A_332 = arith.mulf %exp3A_322, %div3A_331 : vector<16xf32>
    %swap3A_333 = arith.constant 112 : index
    %swap3A_334 = tpu.vector_load %arg8[%swap3A_333] {strides = array<i32>} : memref<768xf32, #tpu.memory_space<vmem>>, vector<16xf32>,
    tpu.vector_store %arg8[%swap3A_333], %mul3A_332 {strides = array<i32>} : memref<768xf32, #tpu.memory_space<vmem>>, vector<16xf32>,
    %mul3A_335 = arith.mulf %exp3A_324, %div3A_331 : vector<16xf32>
    %swap3A_336 = arith.constant 368 : index
    %swap3A_337 = tpu.vector_load %arg8[%swap3A_336] {strides = array<i32>} : memref<768xf32, #tpu.memory_space<vmem>>, vector<16xf32>,
    tpu.vector_store %arg8[%swap3A_336], %mul3A_335 {strides = array<i32>} : memref<768xf32, #tpu.memory_space<vmem>>, vector<16xf32>,
    %mul3A_338 = arith.mulf %exp3A_326, %div3A_331 : vector<16xf32>
    %swap3A_339 = arith.constant 624 : index
    %swap3A_340 = tpu.vector_load %arg8[%swap3A_339] {strides = array<i32>} : memref<768xf32, #tpu.memory_space<vmem>>, vector<16xf32>,
    tpu.vector_store %arg8[%swap3A_339], %mul3A_338 {strides = array<i32>} : memref<768xf32, #tpu.memory_space<vmem>>, vector<16xf32>,
    %iota3A_341 = tpu.iota {dimensions = array<i32: 0>} : vector<16xi32>
    %mul3A_342 = arith.constant 3 : i32
    %mul3A_343 = vector.broadcast %mul3A_342 : i32 to vector<16xi32>
    %mul3A_344 = arith.muli %iota3A_341, %mul3A_343 : vector<16xi32>
    %add3A_345 = arith.constant 384 : i32
    %add3A_346 = vector.broadcast %add3A_345 : i32 to vector<16xi32>
    %add3A_347 = arith.addi %mul3A_344, %add3A_346 : vector<16xi32>
    %gather3A_348 = tpu.vector_load_idx %arg7[%add3A_347] : memref<768xf32, #tpu.memory_space<vmem>>[vector<16xi32>], vector<16xf32>,
    %add3A_349 = arith.constant 1 : i32
    %add3A_350 = vector.broadcast %add3A_349 : i32 to vector<16xi32>
    %add3A_351 = arith.addi %add3A_347, %add3A_350 : vector<16xi32>
    %gather3A_352 = tpu.vector_load_idx %arg7[%add3A_351] : memref<768xf32, #tpu.memory_space<vmem>>[vector<16xi32>], vector<16xf32>,
    %add3A_353 = arith.constant 2 : i32
    %add3A_354 = vector.broadcast %add3A_353 : i32 to vector<16xi32>
    %add3A_355 = arith.addi %add3A_347, %add3A_354 : vector<16xi32>
    %gather3A_356 = tpu.vector_load_idx %arg7[%add3A_355] : memref<768xf32, #tpu.memory_space<vmem>>[vector<16xi32>], vector<16xf32>,
    %max3A_357 = arith.maximumf %gather3A_352, %gather3A_356 : vector<16xf32>
    %max3A_358 = arith.maximumf %gather3A_348, %max3A_357 : vector<16xf32>
    %sub3A_359 = arith.subf %gather3A_348, %max3A_358 : vector<16xf32>
    %exp3A_360 = math.exp %sub3A_359 : vector<16xf32>
    %sub3A_361 = arith.subf %gather3A_352, %max3A_358 : vector<16xf32>
    %exp3A_362 = math.exp %sub3A_361 : vector<16xf32>
    %sub3A_363 = arith.subf %gather3A_356, %max3A_358 : vector<16xf32>
    %exp3A_364 = math.exp %sub3A_363 : vector<16xf32>
    %add3A_365 = arith.addf %exp3A_360, %exp3A_362 : vector<16xf32>
    %add3A_366 = arith.addf %add3A_365, %exp3A_364 : vector<16xf32>
    %div3A_367 = arith.constant 1.000000e+00 : f32
    %div3A_368 = vector.broadcast %div3A_367 : f32 to vector<16xf32>
    %div3A_369 = arith.divf %div3A_368, %add3A_366 : vector<16xf32>
    %mul3A_370 = arith.mulf %exp3A_360, %div3A_369 : vector<16xf32>
    %swap3A_371 = arith.constant 128 : index
    %swap3A_372 = tpu.vector_load %arg8[%swap3A_371] {strides = array<i32>} : memref<768xf32, #tpu.memory_space<vmem>>, vector<16xf32>,
    tpu.vector_store %arg8[%swap3A_371], %mul3A_370 {strides = array<i32>} : memref<768xf32, #tpu.memory_space<vmem>>, vector<16xf32>,
    %mul3A_373 = arith.mulf %exp3A_362, %div3A_369 : vector<16xf32>
    %swap3A_374 = arith.constant 384 : index
    %swap3A_375 = tpu.vector_load %arg8[%swap3A_374] {strides = array<i32>} : memref<768xf32, #tpu.memory_space<vmem>>, vector<16xf32>,
    tpu.vector_store %arg8[%swap3A_374], %mul3A_373 {strides = array<i32>} : memref<768xf32, #tpu.memory_space<vmem>>, vector<16xf32>,
    %mul3A_376 = arith.mulf %exp3A_364, %div3A_369 : vector<16xf32>
    %swap3A_377 = arith.constant 640 : index
    %swap3A_378 = tpu.vector_load %arg8[%swap3A_377] {strides = array<i32>} : memref<768xf32, #tpu.memory_space<vmem>>, vector<16xf32>,
    tpu.vector_store %arg8[%swap3A_377], %mul3A_376 {strides = array<i32>} : memref<768xf32, #tpu.memory_space<vmem>>, vector<16xf32>,
    %iota3A_379 = tpu.iota {dimensions = array<i32: 0>} : vector<16xi32>
    %mul3A_380 = arith.constant 3 : i32
    %mul3A_381 = vector.broadcast %mul3A_380 : i32 to vector<16xi32>
    %mul3A_382 = arith.muli %iota3A_379, %mul3A_381 : vector<16xi32>
    %add3A_383 = arith.constant 432 : i32
    %add3A_384 = vector.broadcast %add3A_383 : i32 to vector<16xi32>
    %add3A_385 = arith.addi %mul3A_382, %add3A_384 : vector<16xi32>
    %gather3A_386 = tpu.vector_load_idx %arg7[%add3A_385] : memref<768xf32, #tpu.memory_space<vmem>>[vector<16xi32>], vector<16xf32>,
    %add3A_387 = arith.constant 1 : i32
    %add3A_388 = vector.broadcast %add3A_387 : i32 to vector<16xi32>
    %add3A_389 = arith.addi %add3A_385, %add3A_388 : vector<16xi32>
    %gather3A_390 = tpu.vector_load_idx %arg7[%add3A_389] : memref<768xf32, #tpu.memory_space<vmem>>[vector<16xi32>], vector<16xf32>,
    %add3A_391 = arith.constant 2 : i32
    %add3A_392 = vector.broadcast %add3A_391 : i32 to vector<16xi32>
    %add3A_393 = arith.addi %add3A_385, %add3A_392 : vector<16xi32>
    %gather3A_394 = tpu.vector_load_idx %arg7[%add3A_393] : memref<768xf32, #tpu.memory_space<vmem>>[vector<16xi32>], vector<16xf32>,
    %max3A_395 = arith.maximumf %gather3A_390, %gather3A_394 : vector<16xf32>
    %max3A_396 = arith.maximumf %gather3A_386, %max3A_395 : vector<16xf32>
    %sub3A_397 = arith.subf %gather3A_386, %max3A_396 : vector<16xf32>
    %exp3A_398 = math.exp %sub3A_397 : vector<16xf32>
    %sub3A_399 = arith.subf %gather3A_390, %max3A_396 : vector<16xf32>
    %exp3A_400 = math.exp %sub3A_399 : vector<16xf32>
    %sub3A_401 = arith.subf %gather3A_394, %max3A_396 : vector<16xf32>
    %exp3A_402 = math.exp %sub3A_401 : vector<16xf32>
    %add3A_403 = arith.addf %exp3A_398, %exp3A_400 : vector<16xf32>
    %add3A_404 = arith.addf %add3A_403, %exp3A_402 : vector<16xf32>
    %div3A_405 = arith.constant 1.000000e+00 : f32
    %div3A_406 = vector.broadcast %div3A_405 : f32 to vector<16xf32>
    %div3A_407 = arith.divf %div3A_406, %add3A_404 : vector<16xf32>
    %mul3A_408 = arith.mulf %exp3A_398, %div3A_407 : vector<16xf32>
    %swap3A_409 = arith.constant 144 : index
    %swap3A_410 = tpu.vector_load %arg8[%swap3A_409] {strides = array<i32>} : memref<768xf32, #tpu.memory_space<vmem>>, vector<16xf32>,
    tpu.vector_store %arg8[%swap3A_409], %mul3A_408 {strides = array<i32>} : memref<768xf32, #tpu.memory_space<vmem>>, vector<16xf32>,
    %mul3A_411 = arith.mulf %exp3A_400, %div3A_407 : vector<16xf32>
    %swap3A_412 = arith.constant 400 : index
    %swap3A_413 = tpu.vector_load %arg8[%swap3A_412] {strides = array<i32>} : memref<768xf32, #tpu.memory_space<vmem>>, vector<16xf32>,
    tpu.vector_store %arg8[%swap3A_412], %mul3A_411 {strides = array<i32>} : memref<768xf32, #tpu.memory_space<vmem>>, vector<16xf32>,
    %mul3A_414 = arith.mulf %exp3A_402, %div3A_407 : vector<16xf32>
    %swap3A_415 = arith.constant 656 : index
    %swap3A_416 = tpu.vector_load %arg8[%swap3A_415] {strides = array<i32>} : memref<768xf32, #tpu.memory_space<vmem>>, vector<16xf32>,
    tpu.vector_store %arg8[%swap3A_415], %mul3A_414 {strides = array<i32>} : memref<768xf32, #tpu.memory_space<vmem>>, vector<16xf32>,
    %iota3A_417 = tpu.iota {dimensions = array<i32: 0>} : vector<16xi32>
    %mul3A_418 = arith.constant 3 : i32
    %mul3A_419 = vector.broadcast %mul3A_418 : i32 to vector<16xi32>
    %mul3A_420 = arith.muli %iota3A_417, %mul3A_419 : vector<16xi32>
    %add3A_421 = arith.constant 480 : i32
    %add3A_422 = vector.broadcast %add3A_421 : i32 to vector<16xi32>
    %add3A_423 = arith.addi %mul3A_420, %add3A_422 : vector<16xi32>
    %gather3A_424 = tpu.vector_load_idx %arg7[%add3A_423] : memref<768xf32, #tpu.memory_space<vmem>>[vector<16xi32>], vector<16xf32>,
    %add3A_425 = arith.constant 1 : i32
    %add3A_426 = vector.broadcast %add3A_425 : i32 to vector<16xi32>
    %add3A_427 = arith.addi %add3A_423, %add3A_426 : vector<16xi32>
    %gather3A_428 = tpu.vector_load_idx %arg7[%add3A_427] : memref<768xf32, #tpu.memory_space<vmem>>[vector<16xi32>], vector<16xf32>,
    %add3A_429 = arith.constant 2 : i32
    %add3A_430 = vector.broadcast %add3A_429 : i32 to vector<16xi32>
    %add3A_431 = arith.addi %add3A_423, %add3A_430 : vector<16xi32>
    %gather3A_432 = tpu.vector_load_idx %arg7[%add3A_431] : memref<768xf32, #tpu.memory_space<vmem>>[vector<16xi32>], vector<16xf32>,
    %max3A_433 = arith.maximumf %gather3A_428, %gather3A_432 : vector<16xf32>
    %max3A_434 = arith.maximumf %gather3A_424, %max3A_433 : vector<16xf32>
    %sub3A_435 = arith.subf %gather3A_424, %max3A_434 : vector<16xf32>
    %exp3A_436 = math.exp %sub3A_435 : vector<16xf32>
    %sub3A_437 = arith.subf %gather3A_428, %max3A_434 : vector<16xf32>
    %exp3A_438 = math.exp %sub3A_437 : vector<16xf32>
    %sub3A_439 = arith.subf %gather3A_432, %max3A_434 : vector<16xf32>
    %exp3A_440 = math.exp %sub3A_439 : vector<16xf32>
    %add3A_441 = arith.addf %exp3A_436, %exp3A_438 : vector<16xf32>
    %add3A_442 = arith.addf %add3A_441, %exp3A_440 : vector<16xf32>
    %div3A_443 = arith.constant 1.000000e+00 : f32
    %div3A_444 = vector.broadcast %div3A_443 : f32 to vector<16xf32>
    %div3A_445 = arith.divf %div3A_444, %add3A_442 : vector<16xf32>
    %mul3A_446 = arith.mulf %exp3A_436, %div3A_445 : vector<16xf32>
    %swap3A_447 = arith.constant 160 : index
    %swap3A_448 = tpu.vector_load %arg8[%swap3A_447] {strides = array<i32>} : memref<768xf32, #tpu.memory_space<vmem>>, vector<16xf32>,
    tpu.vector_store %arg8[%swap3A_447], %mul3A_446 {strides = array<i32>} : memref<768xf32, #tpu.memory_space<vmem>>, vector<16xf32>,
    %mul3A_449 = arith.mulf %exp3A_438, %div3A_445 : vector<16xf32>
    %swap3A_450 = arith.constant 416 : index
    %swap3A_451 = tpu.vector_load %arg8[%swap3A_450] {strides = array<i32>} : memref<768xf32, #tpu.memory_space<vmem>>, vector<16xf32>,
    tpu.vector_store %arg8[%swap3A_450], %mul3A_449 {strides = array<i32>} : memref<768xf32, #tpu.memory_space<vmem>>, vector<16xf32>,
    %mul3A_452 = arith.mulf %exp3A_440, %div3A_445 : vector<16xf32>
    %swap3A_453 = arith.constant 672 : index
    %swap3A_454 = tpu.vector_load %arg8[%swap3A_453] {strides = array<i32>} : memref<768xf32, #tpu.memory_space<vmem>>, vector<16xf32>,
    tpu.vector_store %arg8[%swap3A_453], %mul3A_452 {strides = array<i32>} : memref<768xf32, #tpu.memory_space<vmem>>, vector<16xf32>,
    %iota3A_455 = tpu.iota {dimensions = array<i32: 0>} : vector<16xi32>
    %mul3A_456 = arith.constant 3 : i32
    %mul3A_457 = vector.broadcast %mul3A_456 : i32 to vector<16xi32>
    %mul3A_458 = arith.muli %iota3A_455, %mul3A_457 : vector<16xi32>
    %add3A_459 = arith.constant 528 : i32
    %add3A_460 = vector.broadcast %add3A_459 : i32 to vector<16xi32>
    %add3A_461 = arith.addi %mul3A_458, %add3A_460 : vector<16xi32>
    %gather3A_462 = tpu.vector_load_idx %arg7[%add3A_461] : memref<768xf32, #tpu.memory_space<vmem>>[vector<16xi32>], vector<16xf32>,
    %add3A_463 = arith.constant 1 : i32
    %add3A_464 = vector.broadcast %add3A_463 : i32 to vector<16xi32>
    %add3A_465 = arith.addi %add3A_461, %add3A_464 : vector<16xi32>
    %gather3A_466 = tpu.vector_load_idx %arg7[%add3A_465] : memref<768xf32, #tpu.memory_space<vmem>>[vector<16xi32>], vector<16xf32>,
    %add3A_467 = arith.constant 2 : i32
    %add3A_468 = vector.broadcast %add3A_467 : i32 to vector<16xi32>
    %add3A_469 = arith.addi %add3A_461, %add3A_468 : vector<16xi32>
    %gather3A_470 = tpu.vector_load_idx %arg7[%add3A_469] : memref<768xf32, #tpu.memory_space<vmem>>[vector<16xi32>], vector<16xf32>,
    %max3A_471 = arith.maximumf %gather3A_466, %gather3A_470 : vector<16xf32>
    %max3A_472 = arith.maximumf %gather3A_462, %max3A_471 : vector<16xf32>
    %sub3A_473 = arith.subf %gather3A_462, %max3A_472 : vector<16xf32>
    %exp3A_474 = math.exp %sub3A_473 : vector<16xf32>
    %sub3A_475 = arith.subf %gather3A_466, %max3A_472 : vector<16xf32>
    %exp3A_476 = math.exp %sub3A_475 : vector<16xf32>
    %sub3A_477 = arith.subf %gather3A_470, %max3A_472 : vector<16xf32>
    %exp3A_478 = math.exp %sub3A_477 : vector<16xf32>
    %add3A_479 = arith.addf %exp3A_474, %exp3A_476 : vector<16xf32>
    %add3A_480 = arith.addf %add3A_479, %exp3A_478 : vector<16xf32>
    %div3A_481 = arith.constant 1.000000e+00 : f32
    %div3A_482 = vector.broadcast %div3A_481 : f32 to vector<16xf32>
    %div3A_483 = arith.divf %div3A_482, %add3A_480 : vector<16xf32>
    %mul3A_484 = arith.mulf %exp3A_474, %div3A_483 : vector<16xf32>
    %swap3A_485 = arith.constant 176 : index
    %swap3A_486 = tpu.vector_load %arg8[%swap3A_485] {strides = array<i32>} : memref<768xf32, #tpu.memory_space<vmem>>, vector<16xf32>,
    tpu.vector_store %arg8[%swap3A_485], %mul3A_484 {strides = array<i32>} : memref<768xf32, #tpu.memory_space<vmem>>, vector<16xf32>,
    %mul3A_487 = arith.mulf %exp3A_476, %div3A_483 : vector<16xf32>
    %swap3A_488 = arith.constant 432 : index
    %swap3A_489 = tpu.vector_load %arg8[%swap3A_488] {strides = array<i32>} : memref<768xf32, #tpu.memory_space<vmem>>, vector<16xf32>,
    tpu.vector_store %arg8[%swap3A_488], %mul3A_487 {strides = array<i32>} : memref<768xf32, #tpu.memory_space<vmem>>, vector<16xf32>,
    %mul3A_490 = arith.mulf %exp3A_478, %div3A_483 : vector<16xf32>
    %swap3A_491 = arith.constant 688 : index
    %swap3A_492 = tpu.vector_load %arg8[%swap3A_491] {strides = array<i32>} : memref<768xf32, #tpu.memory_space<vmem>>, vector<16xf32>,
    tpu.vector_store %arg8[%swap3A_491], %mul3A_490 {strides = array<i32>} : memref<768xf32, #tpu.memory_space<vmem>>, vector<16xf32>,
    %iota3A_493 = tpu.iota {dimensions = array<i32: 0>} : vector<16xi32>
    %mul3A_494 = arith.constant 3 : i32
    %mul3A_495 = vector.broadcast %mul3A_494 : i32 to vector<16xi32>
    %mul3A_496 = arith.muli %iota3A_493, %mul3A_495 : vector<16xi32>
    %add3A_497 = arith.constant 576 : i32
    %add3A_498 = vector.broadcast %add3A_497 : i32 to vector<16xi32>
    %add3A_499 = arith.addi %mul3A_496, %add3A_498 : vector<16xi32>
    %gather3A_500 = tpu.vector_load_idx %arg7[%add3A_499] : memref<768xf32, #tpu.memory_space<vmem>>[vector<16xi32>], vector<16xf32>,
    %add3A_501 = arith.constant 1 : i32
    %add3A_502 = vector.broadcast %add3A_501 : i32 to vector<16xi32>
    %add3A_503 = arith.addi %add3A_499, %add3A_502 : vector<16xi32>
    %gather3A_504 = tpu.vector_load_idx %arg7[%add3A_503] : memref<768xf32, #tpu.memory_space<vmem>>[vector<16xi32>], vector<16xf32>,
    %add3A_505 = arith.constant 2 : i32
    %add3A_506 = vector.broadcast %add3A_505 : i32 to vector<16xi32>
    %add3A_507 = arith.addi %add3A_499, %add3A_506 : vector<16xi32>
    %gather3A_508 = tpu.vector_load_idx %arg7[%add3A_507] : memref<768xf32, #tpu.memory_space<vmem>>[vector<16xi32>], vector<16xf32>,
    %max3A_509 = arith.maximumf %gather3A_504, %gather3A_508 : vector<16xf32>
    %max3A_510 = arith.maximumf %gather3A_500, %max3A_509 : vector<16xf32>
    %sub3A_511 = arith.subf %gather3A_500, %max3A_510 : vector<16xf32>
    %exp3A_512 = math.exp %sub3A_511 : vector<16xf32>
    %sub3A_513 = arith.subf %gather3A_504, %max3A_510 : vector<16xf32>
    %exp3A_514 = math.exp %sub3A_513 : vector<16xf32>
    %sub3A_515 = arith.subf %gather3A_508, %max3A_510 : vector<16xf32>
    %exp3A_516 = math.exp %sub3A_515 : vector<16xf32>
    %add3A_517 = arith.addf %exp3A_512, %exp3A_514 : vector<16xf32>
    %add3A_518 = arith.addf %add3A_517, %exp3A_516 : vector<16xf32>
    %div3A_519 = arith.constant 1.000000e+00 : f32
    %div3A_520 = vector.broadcast %div3A_519 : f32 to vector<16xf32>
    %div3A_521 = arith.divf %div3A_520, %add3A_518 : vector<16xf32>
    %mul3A_522 = arith.mulf %exp3A_512, %div3A_521 : vector<16xf32>
    %swap3A_523 = arith.constant 192 : index
    %swap3A_524 = tpu.vector_load %arg8[%swap3A_523] {strides = array<i32>} : memref<768xf32, #tpu.memory_space<vmem>>, vector<16xf32>,
    tpu.vector_store %arg8[%swap3A_523], %mul3A_522 {strides = array<i32>} : memref<768xf32, #tpu.memory_space<vmem>>, vector<16xf32>,
    %mul3A_525 = arith.mulf %exp3A_514, %div3A_521 : vector<16xf32>
    %swap3A_526 = arith.constant 448 : index
    %swap3A_527 = tpu.vector_load %arg8[%swap3A_526] {strides = array<i32>} : memref<768xf32, #tpu.memory_space<vmem>>, vector<16xf32>,
    tpu.vector_store %arg8[%swap3A_526], %mul3A_525 {strides = array<i32>} : memref<768xf32, #tpu.memory_space<vmem>>, vector<16xf32>,
    %mul3A_528 = arith.mulf %exp3A_516, %div3A_521 : vector<16xf32>
    %swap3A_529 = arith.constant 704 : index
    %swap3A_530 = tpu.vector_load %arg8[%swap3A_529] {strides = array<i32>} : memref<768xf32, #tpu.memory_space<vmem>>, vector<16xf32>,
    tpu.vector_store %arg8[%swap3A_529], %mul3A_528 {strides = array<i32>} : memref<768xf32, #tpu.memory_space<vmem>>, vector<16xf32>,
    %iota3A_531 = tpu.iota {dimensions = array<i32: 0>} : vector<16xi32>
    %mul3A_532 = arith.constant 3 : i32
    %mul3A_533 = vector.broadcast %mul3A_532 : i32 to vector<16xi32>
    %mul3A_534 = arith.muli %iota3A_531, %mul3A_533 : vector<16xi32>
    %add3A_535 = arith.constant 624 : i32
    %add3A_536 = vector.broadcast %add3A_535 : i32 to vector<16xi32>
    %add3A_537 = arith.addi %mul3A_534, %add3A_536 : vector<16xi32>
    %gather3A_538 = tpu.vector_load_idx %arg7[%add3A_537] : memref<768xf32, #tpu.memory_space<vmem>>[vector<16xi32>], vector<16xf32>,
    %add3A_539 = arith.constant 1 : i32
    %add3A_540 = vector.broadcast %add3A_539 : i32 to vector<16xi32>
    %add3A_541 = arith.addi %add3A_537, %add3A_540 : vector<16xi32>
    %gather3A_542 = tpu.vector_load_idx %arg7[%add3A_541] : memref<768xf32, #tpu.memory_space<vmem>>[vector<16xi32>], vector<16xf32>,
    %add3A_543 = arith.constant 2 : i32
    %add3A_544 = vector.broadcast %add3A_543 : i32 to vector<16xi32>
    %add3A_545 = arith.addi %add3A_537, %add3A_544 : vector<16xi32>
    %gather3A_546 = tpu.vector_load_idx %arg7[%add3A_545] : memref<768xf32, #tpu.memory_space<vmem>>[vector<16xi32>], vector<16xf32>,
    %max3A_547 = arith.maximumf %gather3A_542, %gather3A_546 : vector<16xf32>
    %max3A_548 = arith.maximumf %gather3A_538, %max3A_547 : vector<16xf32>
    %sub3A_549 = arith.subf %gather3A_538, %max3A_548 : vector<16xf32>
    %exp3A_550 = math.exp %sub3A_549 : vector<16xf32>
    %sub3A_551 = arith.subf %gather3A_542, %max3A_548 : vector<16xf32>
    %exp3A_552 = math.exp %sub3A_551 : vector<16xf32>
    %sub3A_553 = arith.subf %gather3A_546, %max3A_548 : vector<16xf32>
    %exp3A_554 = math.exp %sub3A_553 : vector<16xf32>
    %add3A_555 = arith.addf %exp3A_550, %exp3A_552 : vector<16xf32>
    %add3A_556 = arith.addf %add3A_555, %exp3A_554 : vector<16xf32>
    %div3A_557 = arith.constant 1.000000e+00 : f32
    %div3A_558 = vector.broadcast %div3A_557 : f32 to vector<16xf32>
    %div3A_559 = arith.divf %div3A_558, %add3A_556 : vector<16xf32>
    %mul3A_560 = arith.mulf %exp3A_550, %div3A_559 : vector<16xf32>
    %swap3A_561 = arith.constant 208 : index
    %swap3A_562 = tpu.vector_load %arg8[%swap3A_561] {strides = array<i32>} : memref<768xf32, #tpu.memory_space<vmem>>, vector<16xf32>,
    tpu.vector_store %arg8[%swap3A_561], %mul3A_560 {strides = array<i32>} : memref<768xf32, #tpu.memory_space<vmem>>, vector<16xf32>,
    %mul3A_563 = arith.mulf %exp3A_552, %div3A_559 : vector<16xf32>
    %swap3A_564 = arith.constant 464 : index
    %swap3A_565 = tpu.vector_load %arg8[%swap3A_564] {strides = array<i32>} : memref<768xf32, #tpu.memory_space<vmem>>, vector<16xf32>,
    tpu.vector_store %arg8[%swap3A_564], %mul3A_563 {strides = array<i32>} : memref<768xf32, #tpu.memory_space<vmem>>, vector<16xf32>,
    %mul3A_566 = arith.mulf %exp3A_554, %div3A_559 : vector<16xf32>
    %swap3A_567 = arith.constant 720 : index
    %swap3A_568 = tpu.vector_load %arg8[%swap3A_567] {strides = array<i32>} : memref<768xf32, #tpu.memory_space<vmem>>, vector<16xf32>,
    tpu.vector_store %arg8[%swap3A_567], %mul3A_566 {strides = array<i32>} : memref<768xf32, #tpu.memory_space<vmem>>, vector<16xf32>,
    %iota3A_569 = tpu.iota {dimensions = array<i32: 0>} : vector<16xi32>
    %mul3A_570 = arith.constant 3 : i32
    %mul3A_571 = vector.broadcast %mul3A_570 : i32 to vector<16xi32>
    %mul3A_572 = arith.muli %iota3A_569, %mul3A_571 : vector<16xi32>
    %add3A_573 = arith.constant 672 : i32
    %add3A_574 = vector.broadcast %add3A_573 : i32 to vector<16xi32>
    %add3A_575 = arith.addi %mul3A_572, %add3A_574 : vector<16xi32>
    %gather3A_576 = tpu.vector_load_idx %arg7[%add3A_575] : memref<768xf32, #tpu.memory_space<vmem>>[vector<16xi32>], vector<16xf32>,
    %add3A_577 = arith.constant 1 : i32
    %add3A_578 = vector.broadcast %add3A_577 : i32 to vector<16xi32>
    %add3A_579 = arith.addi %add3A_575, %add3A_578 : vector<16xi32>
    %gather3A_580 = tpu.vector_load_idx %arg7[%add3A_579] : memref<768xf32, #tpu.memory_space<vmem>>[vector<16xi32>], vector<16xf32>,
    %add3A_581 = arith.constant 2 : i32
    %add3A_582 = vector.broadcast %add3A_581 : i32 to vector<16xi32>
    %add3A_583 = arith.addi %add3A_575, %add3A_582 : vector<16xi32>
    %gather3A_584 = tpu.vector_load_idx %arg7[%add3A_583] : memref<768xf32, #tpu.memory_space<vmem>>[vector<16xi32>], vector<16xf32>,
    %max3A_585 = arith.maximumf %gather3A_580, %gather3A_584 : vector<16xf32>
    %max3A_586 = arith.maximumf %gather3A_576, %max3A_585 : vector<16xf32>
    %sub3A_587 = arith.subf %gather3A_576, %max3A_586 : vector<16xf32>
    %exp3A_588 = math.exp %sub3A_587 : vector<16xf32>
    %sub3A_589 = arith.subf %gather3A_580, %max3A_586 : vector<16xf32>
    %exp3A_590 = math.exp %sub3A_589 : vector<16xf32>
    %sub3A_591 = arith.subf %gather3A_584, %max3A_586 : vector<16xf32>
    %exp3A_592 = math.exp %sub3A_591 : vector<16xf32>
    %add3A_593 = arith.addf %exp3A_588, %exp3A_590 : vector<16xf32>
    %add3A_594 = arith.addf %add3A_593, %exp3A_592 : vector<16xf32>
    %div3A_595 = arith.constant 1.000000e+00 : f32
    %div3A_596 = vector.broadcast %div3A_595 : f32 to vector<16xf32>
    %div3A_597 = arith.divf %div3A_596, %add3A_594 : vector<16xf32>
    %mul3A_598 = arith.mulf %exp3A_588, %div3A_597 : vector<16xf32>
    %swap3A_599 = arith.constant 224 : index
    %swap3A_600 = tpu.vector_load %arg8[%swap3A_599] {strides = array<i32>} : memref<768xf32, #tpu.memory_space<vmem>>, vector<16xf32>,
    tpu.vector_store %arg8[%swap3A_599], %mul3A_598 {strides = array<i32>} : memref<768xf32, #tpu.memory_space<vmem>>, vector<16xf32>,
    %mul3A_601 = arith.mulf %exp3A_590, %div3A_597 : vector<16xf32>
    %swap3A_602 = arith.constant 480 : index
    %swap3A_603 = tpu.vector_load %arg8[%swap3A_602] {strides = array<i32>} : memref<768xf32, #tpu.memory_space<vmem>>, vector<16xf32>,
    tpu.vector_store %arg8[%swap3A_602], %mul3A_601 {strides = array<i32>} : memref<768xf32, #tpu.memory_space<vmem>>, vector<16xf32>,
    %mul3A_604 = arith.mulf %exp3A_592, %div3A_597 : vector<16xf32>
    %swap3A_605 = arith.constant 736 : index
    %swap3A_606 = tpu.vector_load %arg8[%swap3A_605] {strides = array<i32>} : memref<768xf32, #tpu.memory_space<vmem>>, vector<16xf32>,
    tpu.vector_store %arg8[%swap3A_605], %mul3A_604 {strides = array<i32>} : memref<768xf32, #tpu.memory_space<vmem>>, vector<16xf32>,
    %iota3A_607 = tpu.iota {dimensions = array<i32: 0>} : vector<16xi32>
    %mul3A_608 = arith.constant 3 : i32
    %mul3A_609 = vector.broadcast %mul3A_608 : i32 to vector<16xi32>
    %mul3A_610 = arith.muli %iota3A_607, %mul3A_609 : vector<16xi32>
    %add3A_611 = arith.constant 720 : i32
    %add3A_612 = vector.broadcast %add3A_611 : i32 to vector<16xi32>
    %add3A_613 = arith.addi %mul3A_610, %add3A_612 : vector<16xi32>
    %gather3A_614 = tpu.vector_load_idx %arg7[%add3A_613] : memref<768xf32, #tpu.memory_space<vmem>>[vector<16xi32>], vector<16xf32>,
    %add3A_615 = arith.constant 1 : i32
    %add3A_616 = vector.broadcast %add3A_615 : i32 to vector<16xi32>
    %add3A_617 = arith.addi %add3A_613, %add3A_616 : vector<16xi32>
    %gather3A_618 = tpu.vector_load_idx %arg7[%add3A_617] : memref<768xf32, #tpu.memory_space<vmem>>[vector<16xi32>], vector<16xf32>,
    %add3A_619 = arith.constant 2 : i32
    %add3A_620 = vector.broadcast %add3A_619 : i32 to vector<16xi32>
    %add3A_621 = arith.addi %add3A_613, %add3A_620 : vector<16xi32>
    %gather3A_622 = tpu.vector_load_idx %arg7[%add3A_621] : memref<768xf32, #tpu.memory_space<vmem>>[vector<16xi32>], vector<16xf32>,
    %max3A_623 = arith.maximumf %gather3A_618, %gather3A_622 : vector<16xf32>
    %max3A_624 = arith.maximumf %gather3A_614, %max3A_623 : vector<16xf32>
    %sub3A_625 = arith.subf %gather3A_614, %max3A_624 : vector<16xf32>
    %exp3A_626 = math.exp %sub3A_625 : vector<16xf32>
    %sub3A_627 = arith.subf %gather3A_618, %max3A_624 : vector<16xf32>
    %exp3A_628 = math.exp %sub3A_627 : vector<16xf32>
    %sub3A_629 = arith.subf %gather3A_622, %max3A_624 : vector<16xf32>
    %exp3A_630 = math.exp %sub3A_629 : vector<16xf32>
    %add3A_631 = arith.addf %exp3A_626, %exp3A_628 : vector<16xf32>
    %add3A_632 = arith.addf %add3A_631, %exp3A_630 : vector<16xf32>
    %div3A_633 = arith.constant 1.000000e+00 : f32
    %div3A_634 = vector.broadcast %div3A_633 : f32 to vector<16xf32>
    %div3A_635 = arith.divf %div3A_634, %add3A_632 : vector<16xf32>
    %mul3A_636 = arith.mulf %exp3A_626, %div3A_635 : vector<16xf32>
    %swap3A_637 = arith.constant 240 : index
    %swap3A_638 = tpu.vector_load %arg8[%swap3A_637] {strides = array<i32>} : memref<768xf32, #tpu.memory_space<vmem>>, vector<16xf32>,
    tpu.vector_store %arg8[%swap3A_637], %mul3A_636 {strides = array<i32>} : memref<768xf32, #tpu.memory_space<vmem>>, vector<16xf32>,
    %mul3A_639 = arith.mulf %exp3A_628, %div3A_635 : vector<16xf32>
    %swap3A_640 = arith.constant 496 : index
    %swap3A_641 = tpu.vector_load %arg8[%swap3A_640] {strides = array<i32>} : memref<768xf32, #tpu.memory_space<vmem>>, vector<16xf32>,
    tpu.vector_store %arg8[%swap3A_640], %mul3A_639 {strides = array<i32>} : memref<768xf32, #tpu.memory_space<vmem>>, vector<16xf32>,
    %mul3A_642 = arith.mulf %exp3A_630, %div3A_635 : vector<16xf32>
    %swap3A_643 = arith.constant 752 : index
    %swap3A_644 = tpu.vector_load %arg8[%swap3A_643] {strides = array<i32>} : memref<768xf32, #tpu.memory_space<vmem>>, vector<16xf32>,
    tpu.vector_store %arg8[%swap3A_643], %mul3A_642 {strides = array<i32>} : memref<768xf32, #tpu.memory_space<vmem>>, vector<16xf32>,
    %scan3A = arith.constant 0 : i32
    %scan3A_645 = arith.constant 0 : i32
    %scan3A_646 = arith.constant 8 : i32
    %scan3A_647 = arith.addi %scan3A_645, %scan3A_646 : i32
    %scan3A_648 = arith.constant 1 : i32
    scf.for %scan3A_675 = %scan3A_645 to %scan3A_647 step %scan3A_648  : i32 {
      %mul3A_676 = arith.constant 4 : i32
      %mul3A_677 = arith.muli %mul3A_676, %scan3A_675 : i32
      %add3A_678 = arith.constant 0 : i32
      %add3A_679 = arith.addi %mul3A_677, %add3A_678 : i32
      %add3A_680 = arith.constant 4 : i32
      %add3A_681 = arith.addi %add3A_679, %add3A_680 : i32
      %sub3A_682 = arith.constant 1 : i32
      %sub3A_683 = arith.subi %add3A_681, %sub3A_682 : i32
      %lt3A = arith.constant 32 : i32
      %lt3A_684 = arith.cmpi slt, %sub3A_683, %lt3A : i32
      %convert_element_type3A = arith.extui %lt3A_684 : i1 to i32
      %cond3A = arith.constant 0 : i32
      %cond3A_685 = arith.cmpi ne, %convert_element_type3A, %cond3A : i32
      scf.if %cond3A_685 {
        %add3A_1474 = arith.constant 4 : i32
        %add3A_1475 = arith.addi %add3A_679, %add3A_1474 : i32
        %sub3A_1476 = arith.constant 1 : i32
        %sub3A_1477 = arith.subi %add3A_1475, %sub3A_1476 : i32
        %dma_start3A_1478 = arith.constant 3 : i32
        %dma_start3A_1479 = arith.constant 0 : i32
        %dma_start3A_1480 = arith.constant 0 : i32
        %dma_start3A_1481 = tpu.memref_slice %arg9[%dma_start3A_1478, %dma_start3A_1479, %dma_start3A_1480] : memref<4x24x1024xf32, #tpu.memory_space<vmem>> -> memref<1x24x1024xf32, #tpu.memory_space<vmem>>
        %dma_start3A_1482 = tpu.memref_squeeze %dma_start3A_1481 : memref<1x24x1024xf32, #tpu.memory_space<vmem>> -> memref<24x1024xf32, #tpu.memory_space<vmem>>
        %dma_start3A_1483 = arith.constant 0 : i32
        %dma_start3A_1484 = tpu.memref_slice %arg6[%sub3A_1477, %dma_start3A_1483] : memref<32x24xi32, #tpu.memory_space<vmem>> -> memref<1x24xi32, #tpu.memory_space<vmem>>
        %dma_start3A_1485 = tpu.memref_squeeze %dma_start3A_1484 : memref<1x24xi32, #tpu.memory_space<vmem>> -> memref<24xi32, #tpu.memory_space<vmem>>
        %dma_start3A_1486 = arith.constant 0 : i32
        %dma_start3A_1487 = arith.constant 0 : i32
        %dma_start3A_1488 = tpu.memref_slice %arg2[%dma_start3A_1486, %dma_start3A_1487] : memref<100000x1024xf32, #tpu.memory_space<hbm>> -> memref<100000x1024xf32, #tpu.memory_space<hbm>>
        tpu.enqueue_indirect_dma source(%dma_start3A_1488 : memref<100000x1024xf32, #tpu.memory_space<hbm>>) target(%dma_start3A_1482 : memref<24x1024xf32, #tpu.memory_space<vmem>>) offsets(%dma_start3A_1485 : memref<24xi32, #tpu.memory_space<vmem>>) semaphore(%arg14 : memref<!tpu.dma_semaphore, #tpu.memory_space<semaphore_mem>>)
      } else {
      }
      %dma_wait3A_686 = arith.constant 0 : i32
      %dma_wait3A_687 = arith.constant 0 : i32
      %dma_wait3A_688 = arith.constant 0 : i32
      %dma_wait3A_689 = tpu.memref_slice %arg9[%dma_wait3A_686, %dma_wait3A_687, %dma_wait3A_688] : memref<4x24x1024xf32, #tpu.memory_space<vmem>> -> memref<1x24x1024xf32, #tpu.memory_space<vmem>>
      %dma_wait3A_690 = tpu.memref_squeeze %dma_wait3A_689 : memref<1x24x1024xf32, #tpu.memory_space<vmem>> -> memref<24x1024xf32, #tpu.memory_space<vmem>>
      %dma_wait3A_691 = arith.constant 0 : i32
      %dma_wait3A_692 = tpu.memref_slice %arg6[%add3A_679, %dma_wait3A_691] : memref<32x24xi32, #tpu.memory_space<vmem>> -> memref<1x24xi32, #tpu.memory_space<vmem>>
      %dma_wait3A_693 = tpu.memref_squeeze %dma_wait3A_692 : memref<1x24xi32, #tpu.memory_space<vmem>> -> memref<24xi32, #tpu.memory_space<vmem>>
      %dma_wait3A_694 = arith.constant 0 : i32
      %dma_wait3A_695 = arith.constant 0 : i32
      %dma_wait3A_696 = tpu.memref_slice %arg2[%dma_wait3A_694, %dma_wait3A_695] : memref<100000x1024xf32, #tpu.memory_space<hbm>> -> memref<100000x1024xf32, #tpu.memory_space<hbm>>
      tpu.wait_indirect_dma semaphore(%arg11 : memref<!tpu.dma_semaphore, #tpu.memory_space<semaphore_mem>>) src(%dma_wait3A_696 : memref<100000x1024xf32, #tpu.memory_space<hbm>>) dst(%dma_wait3A_690 : memref<24x1024xf32, #tpu.memory_space<vmem>>)
      %gt3A = arith.constant 0 : i32
      %gt3A_697 = arith.cmpi sgt, %scan3A_675, %gt3A : i32
      %convert_element_type3A_698 = arith.extui %gt3A_697 : i1 to i32
      %cond3A_699 = arith.constant 0 : i32
      %cond3A_700 = arith.cmpi ne, %convert_element_type3A_698, %cond3A_699 : i32
      scf.if %cond3A_700 {
        %dma_wait3A_1474 = arith.constant 0 : i32
        %dma_wait3A_1475 = arith.constant 0 : i32
        %dma_wait3A_1476 = arith.constant 0 : i32
        %dma_wait3A_1477 = tpu.memref_slice %arg10[%dma_wait3A_1474, %dma_wait3A_1475, %dma_wait3A_1476] : memref<2x8x1024xf32, #tpu.memory_space<vmem>> -> memref<1x8x1024xf32, #tpu.memory_space<vmem>>
        %dma_wait3A_1478 = tpu.memref_squeeze %dma_wait3A_1477 : memref<1x8x1024xf32, #tpu.memory_space<vmem>> -> memref<8x1024xf32, #tpu.memory_space<vmem>>
        %dma_wait3A_1479 = arith.constant 0 : i32
        %dma_wait3A_1480 = tpu.memref_slice %arg5[%mul3A_2, %dma_wait3A_1479] : memref<8192x1024xf32, #tpu.memory_space<hbm>> -> memref<8x1024xf32, #tpu.memory_space<hbm>>
        %dma_wait3A_1481 = arith.constant 0 : i32
        %dma_wait3A_1482 = tpu.memref_slice %arg5[%mul3A_2, %dma_wait3A_1481] : memref<8192x1024xf32, #tpu.memory_space<hbm>> -> memref<8x1024xf32, #tpu.memory_space<hbm>>
        %dma_wait3A_1483 = arith.constant 0 : i32
        %dma_wait3A_1484 = arith.constant 0 : i32
        %dma_wait3A_1485 = tpu.memref_slice %arg10[%dma_wait3A_1474, %dma_wait3A_1483, %dma_wait3A_1484] : memref<2x8x1024xf32, #tpu.memory_space<vmem>> -> memref<1x8x1024xf32, #tpu.memory_space<vmem>>
        %dma_wait3A_1486 = tpu.memref_squeeze %dma_wait3A_1485 : memref<1x8x1024xf32, #tpu.memory_space<vmem>> -> memref<8x1024xf32, #tpu.memory_space<vmem>>
        tpu.wait_dma2 semaphore(%arg15 : memref<!tpu.dma_semaphore, #tpu.memory_space<semaphore_mem>>) src(%dma_wait3A_1486 : memref<8x1024xf32, #tpu.memory_space<vmem>>) dst(%dma_wait3A_1482 : memref<8x1024xf32, #tpu.memory_space<hbm>>)
      } else {
      }
      %mul3A_701 = arith.constant 8 : i32
      %mul3A_702 = arith.muli %add3A_679, %mul3A_701 : i32
      %add3A_703 = arith.constant 0 : i32
      %add3A_704 = arith.addi %mul3A_702, %add3A_703 : i32
      %add3A_705 = arith.constant 0 : i32
      %add3A_706 = arith.addi %add3A_705, %add3A_704 : i32
      %broadcast_in_dim3A = vector.broadcast %add3A_706 : i32 to vector<16xi32>
      %gather3A_707 = tpu.vector_load_idx %arg8[%broadcast_in_dim3A] : memref<768xf32, #tpu.memory_space<vmem>>[vector<16xi32>], vector<16xf32>,
      %add3A_708 = arith.constant 256 : i32
      %add3A_709 = arith.addi %add3A_708, %add3A_704 : i32
      %broadcast_in_dim3A_710 = vector.broadcast %add3A_709 : i32 to vector<16xi32>
      %gather3A_711 = tpu.vector_load_idx %arg8[%broadcast_in_dim3A_710] : memref<768xf32, #tpu.memory_space<vmem>>[vector<16xi32>], vector<16xf32>,
      %add3A_712 = arith.constant 512 : i32
      %add3A_713 = arith.addi %add3A_712, %add3A_704 : i32
      %broadcast_in_dim3A_714 = vector.broadcast %add3A_713 : i32 to vector<16xi32>
      %gather3A_715 = tpu.vector_load_idx %arg8[%broadcast_in_dim3A_714] : memref<768xf32, #tpu.memory_space<vmem>>[vector<16xi32>], vector<16xf32>,
      %parallel_loop3A = arith.constant 0 : i32
      %parallel_loop3A_716 = arith.constant 64 : i32
      %parallel_loop3A_717 = arith.constant 1 : i32
      scf.for %parallel_loop3A_1474 = %parallel_loop3A to %parallel_loop3A_716 step %parallel_loop3A_717  : i32 {
        %parallel_loop3A_1475 = arith.constant 16 : i32
        %parallel_loop3A_1476 = arith.muli %parallel_loop3A_1474, %parallel_loop3A_1475 : i32
        %parallel_loop3A_1477 = arith.constant 0 : i32
        %parallel_loop3A_1478 = arith.constant 0 : i32
        %parallel_loop3A_1479 = arith.index_cast %parallel_loop3A_1477 : i32 to index
        %parallel_loop3A_1480 = arith.index_cast %parallel_loop3A_1478 : i32 to index
        %parallel_loop3A_1481 = arith.index_cast %parallel_loop3A_1476 : i32 to index
        %parallel_loop3A_1482 = tpu.vector_load %arg9[%parallel_loop3A_1479, %parallel_loop3A_1480, %parallel_loop3A_1481] {strides = array<i32>} : memref<4x24x1024xf32, #tpu.memory_space<vmem>>, vector<16xf32>,
        %parallel_loop3A_1483 = arith.constant 0 : i32
        %parallel_loop3A_1484 = arith.constant 1 : i32
        %parallel_loop3A_1485 = arith.index_cast %parallel_loop3A_1483 : i32 to index
        %parallel_loop3A_1486 = arith.index_cast %parallel_loop3A_1484 : i32 to index
        %parallel_loop3A_1487 = arith.index_cast %parallel_loop3A_1476 : i32 to index
        %parallel_loop3A_1488 = tpu.vector_load %arg9[%parallel_loop3A_1485, %parallel_loop3A_1486, %parallel_loop3A_1487] {strides = array<i32>} : memref<4x24x1024xf32, #tpu.memory_space<vmem>>, vector<16xf32>,
        %parallel_loop3A_1489 = arith.constant 0 : i32
        %parallel_loop3A_1490 = arith.constant 2 : i32
        %parallel_loop3A_1491 = arith.index_cast %parallel_loop3A_1489 : i32 to index
        %parallel_loop3A_1492 = arith.index_cast %parallel_loop3A_1490 : i32 to index
        %parallel_loop3A_1493 = arith.index_cast %parallel_loop3A_1476 : i32 to index
        %parallel_loop3A_1494 = tpu.vector_load %arg9[%parallel_loop3A_1491, %parallel_loop3A_1492, %parallel_loop3A_1493] {strides = array<i32>} : memref<4x24x1024xf32, #tpu.memory_space<vmem>>, vector<16xf32>,
        %parallel_loop3A_1495 = arith.mulf %gather3A_707, %parallel_loop3A_1482 : vector<16xf32>
        %parallel_loop3A_1496 = arith.mulf %gather3A_711, %parallel_loop3A_1488 : vector<16xf32>
        %parallel_loop3A_1497 = arith.addf %parallel_loop3A_1495, %parallel_loop3A_1496 : vector<16xf32>
        %parallel_loop3A_1498 = arith.mulf %gather3A_715, %parallel_loop3A_1494 : vector<16xf32>
        %parallel_loop3A_1499 = arith.addf %parallel_loop3A_1497, %parallel_loop3A_1498 : vector<16xf32>
        %parallel_loop3A_1500 = arith.constant 0 : i32
        %parallel_loop3A_1501 = arith.constant 0 : i32
        %parallel_loop3A_1502 = arith.index_cast %parallel_loop3A_1500 : i32 to index
        %parallel_loop3A_1503 = arith.index_cast %parallel_loop3A_1501 : i32 to index
        %parallel_loop3A_1504 = arith.index_cast %parallel_loop3A_1476 : i32 to index
        %parallel_loop3A_1505 = tpu.vector_load %arg10[%parallel_loop3A_1502, %parallel_loop3A_1503, %parallel_loop3A_1504] {strides = array<i32>} : memref<2x8x1024xf32, #tpu.memory_space<vmem>>, vector<16xf32>,
        tpu.vector_store %arg10[%parallel_loop3A_1502, %parallel_loop3A_1503, %parallel_loop3A_1504], %parallel_loop3A_1499 {strides = array<i32>} : memref<2x8x1024xf32, #tpu.memory_space<vmem>>, vector<16xf32>,
      } {sc.loop_unroll_factor = 2 : i64, sc.parallel_access}
      %mul3A_718 = arith.constant 8 : i32
      %mul3A_719 = arith.muli %add3A_679, %mul3A_718 : i32
      %add3A_720 = arith.constant 1 : i32
      %add3A_721 = arith.addi %mul3A_719, %add3A_720 : i32
      %add3A_722 = arith.constant 0 : i32
      %add3A_723 = arith.addi %add3A_722, %add3A_721 : i32
      %broadcast_in_dim3A_724 = vector.broadcast %add3A_723 : i32 to vector<16xi32>
      %gather3A_725 = tpu.vector_load_idx %arg8[%broadcast_in_dim3A_724] : memref<768xf32, #tpu.memory_space<vmem>>[vector<16xi32>], vector<16xf32>,
      %add3A_726 = arith.constant 256 : i32
      %add3A_727 = arith.addi %add3A_726, %add3A_721 : i32
      %broadcast_in_dim3A_728 = vector.broadcast %add3A_727 : i32 to vector<16xi32>
      %gather3A_729 = tpu.vector_load_idx %arg8[%broadcast_in_dim3A_728] : memref<768xf32, #tpu.memory_space<vmem>>[vector<16xi32>], vector<16xf32>,
      %add3A_730 = arith.constant 512 : i32
      %add3A_731 = arith.addi %add3A_730, %add3A_721 : i32
      %broadcast_in_dim3A_732 = vector.broadcast %add3A_731 : i32 to vector<16xi32>
      %gather3A_733 = tpu.vector_load_idx %arg8[%broadcast_in_dim3A_732] : memref<768xf32, #tpu.memory_space<vmem>>[vector<16xi32>], vector<16xf32>,
      %parallel_loop3A_734 = arith.constant 0 : i32
      %parallel_loop3A_735 = arith.constant 64 : i32
      %parallel_loop3A_736 = arith.constant 1 : i32
      scf.for %parallel_loop3A_1474 = %parallel_loop3A_734 to %parallel_loop3A_735 step %parallel_loop3A_736  : i32 {
        %parallel_loop3A_1475 = arith.constant 16 : i32
        %parallel_loop3A_1476 = arith.muli %parallel_loop3A_1474, %parallel_loop3A_1475 : i32
        %parallel_loop3A_1477 = arith.constant 0 : i32
        %parallel_loop3A_1478 = arith.constant 3 : i32
        %parallel_loop3A_1479 = arith.index_cast %parallel_loop3A_1477 : i32 to index
        %parallel_loop3A_1480 = arith.index_cast %parallel_loop3A_1478 : i32 to index
        %parallel_loop3A_1481 = arith.index_cast %parallel_loop3A_1476 : i32 to index
        %parallel_loop3A_1482 = tpu.vector_load %arg9[%parallel_loop3A_1479, %parallel_loop3A_1480, %parallel_loop3A_1481] {strides = array<i32>} : memref<4x24x1024xf32, #tpu.memory_space<vmem>>, vector<16xf32>,
        %parallel_loop3A_1483 = arith.constant 0 : i32
        %parallel_loop3A_1484 = arith.constant 4 : i32
        %parallel_loop3A_1485 = arith.index_cast %parallel_loop3A_1483 : i32 to index
        %parallel_loop3A_1486 = arith.index_cast %parallel_loop3A_1484 : i32 to index
        %parallel_loop3A_1487 = arith.index_cast %parallel_loop3A_1476 : i32 to index
        %parallel_loop3A_1488 = tpu.vector_load %arg9[%parallel_loop3A_1485, %parallel_loop3A_1486, %parallel_loop3A_1487] {strides = array<i32>} : memref<4x24x1024xf32, #tpu.memory_space<vmem>>, vector<16xf32>,
        %parallel_loop3A_1489 = arith.constant 0 : i32
        %parallel_loop3A_1490 = arith.constant 5 : i32
        %parallel_loop3A_1491 = arith.index_cast %parallel_loop3A_1489 : i32 to index
        %parallel_loop3A_1492 = arith.index_cast %parallel_loop3A_1490 : i32 to index
        %parallel_loop3A_1493 = arith.index_cast %parallel_loop3A_1476 : i32 to index
        %parallel_loop3A_1494 = tpu.vector_load %arg9[%parallel_loop3A_1491, %parallel_loop3A_1492, %parallel_loop3A_1493] {strides = array<i32>} : memref<4x24x1024xf32, #tpu.memory_space<vmem>>, vector<16xf32>,
        %parallel_loop3A_1495 = arith.mulf %gather3A_725, %parallel_loop3A_1482 : vector<16xf32>
        %parallel_loop3A_1496 = arith.mulf %gather3A_729, %parallel_loop3A_1488 : vector<16xf32>
        %parallel_loop3A_1497 = arith.addf %parallel_loop3A_1495, %parallel_loop3A_1496 : vector<16xf32>
        %parallel_loop3A_1498 = arith.mulf %gather3A_733, %parallel_loop3A_1494 : vector<16xf32>
        %parallel_loop3A_1499 = arith.addf %parallel_loop3A_1497, %parallel_loop3A_1498 : vector<16xf32>
        %parallel_loop3A_1500 = arith.constant 0 : i32
        %parallel_loop3A_1501 = arith.constant 1 : i32
        %parallel_loop3A_1502 = arith.index_cast %parallel_loop3A_1500 : i32 to index
        %parallel_loop3A_1503 = arith.index_cast %parallel_loop3A_1501 : i32 to index
        %parallel_loop3A_1504 = arith.index_cast %parallel_loop3A_1476 : i32 to index
        %parallel_loop3A_1505 = tpu.vector_load %arg10[%parallel_loop3A_1502, %parallel_loop3A_1503, %parallel_loop3A_1504] {strides = array<i32>} : memref<2x8x1024xf32, #tpu.memory_space<vmem>>, vector<16xf32>,
        tpu.vector_store %arg10[%parallel_loop3A_1502, %parallel_loop3A_1503, %parallel_loop3A_1504], %parallel_loop3A_1499 {strides = array<i32>} : memref<2x8x1024xf32, #tpu.memory_space<vmem>>, vector<16xf32>,
      } {sc.loop_unroll_factor = 2 : i64, sc.parallel_access}
      %mul3A_737 = arith.constant 8 : i32
      %mul3A_738 = arith.muli %add3A_679, %mul3A_737 : i32
      %add3A_739 = arith.constant 2 : i32
      %add3A_740 = arith.addi %mul3A_738, %add3A_739 : i32
      %add3A_741 = arith.constant 0 : i32
      %add3A_742 = arith.addi %add3A_741, %add3A_740 : i32
      %broadcast_in_dim3A_743 = vector.broadcast %add3A_742 : i32 to vector<16xi32>
      %gather3A_744 = tpu.vector_load_idx %arg8[%broadcast_in_dim3A_743] : memref<768xf32, #tpu.memory_space<vmem>>[vector<16xi32>], vector<16xf32>,
      %add3A_745 = arith.constant 256 : i32
      %add3A_746 = arith.addi %add3A_745, %add3A_740 : i32
      %broadcast_in_dim3A_747 = vector.broadcast %add3A_746 : i32 to vector<16xi32>
      %gather3A_748 = tpu.vector_load_idx %arg8[%broadcast_in_dim3A_747] : memref<768xf32, #tpu.memory_space<vmem>>[vector<16xi32>], vector<16xf32>,
      %add3A_749 = arith.constant 512 : i32
      %add3A_750 = arith.addi %add3A_749, %add3A_740 : i32
      %broadcast_in_dim3A_751 = vector.broadcast %add3A_750 : i32 to vector<16xi32>
      %gather3A_752 = tpu.vector_load_idx %arg8[%broadcast_in_dim3A_751] : memref<768xf32, #tpu.memory_space<vmem>>[vector<16xi32>], vector<16xf32>,
      %parallel_loop3A_753 = arith.constant 0 : i32
      %parallel_loop3A_754 = arith.constant 64 : i32
      %parallel_loop3A_755 = arith.constant 1 : i32
      scf.for %parallel_loop3A_1474 = %parallel_loop3A_753 to %parallel_loop3A_754 step %parallel_loop3A_755  : i32 {
        %parallel_loop3A_1475 = arith.constant 16 : i32
        %parallel_loop3A_1476 = arith.muli %parallel_loop3A_1474, %parallel_loop3A_1475 : i32
        %parallel_loop3A_1477 = arith.constant 0 : i32
        %parallel_loop3A_1478 = arith.constant 6 : i32
        %parallel_loop3A_1479 = arith.index_cast %parallel_loop3A_1477 : i32 to index
        %parallel_loop3A_1480 = arith.index_cast %parallel_loop3A_1478 : i32 to index
        %parallel_loop3A_1481 = arith.index_cast %parallel_loop3A_1476 : i32 to index
        %parallel_loop3A_1482 = tpu.vector_load %arg9[%parallel_loop3A_1479, %parallel_loop3A_1480, %parallel_loop3A_1481] {strides = array<i32>} : memref<4x24x1024xf32, #tpu.memory_space<vmem>>, vector<16xf32>,
        %parallel_loop3A_1483 = arith.constant 0 : i32
        %parallel_loop3A_1484 = arith.constant 7 : i32
        %parallel_loop3A_1485 = arith.index_cast %parallel_loop3A_1483 : i32 to index
        %parallel_loop3A_1486 = arith.index_cast %parallel_loop3A_1484 : i32 to index
        %parallel_loop3A_1487 = arith.index_cast %parallel_loop3A_1476 : i32 to index
        %parallel_loop3A_1488 = tpu.vector_load %arg9[%parallel_loop3A_1485, %parallel_loop3A_1486, %parallel_loop3A_1487] {strides = array<i32>} : memref<4x24x1024xf32, #tpu.memory_space<vmem>>, vector<16xf32>,
        %parallel_loop3A_1489 = arith.constant 0 : i32
        %parallel_loop3A_1490 = arith.constant 8 : i32
        %parallel_loop3A_1491 = arith.index_cast %parallel_loop3A_1489 : i32 to index
        %parallel_loop3A_1492 = arith.index_cast %parallel_loop3A_1490 : i32 to index
        %parallel_loop3A_1493 = arith.index_cast %parallel_loop3A_1476 : i32 to index
        %parallel_loop3A_1494 = tpu.vector_load %arg9[%parallel_loop3A_1491, %parallel_loop3A_1492, %parallel_loop3A_1493] {strides = array<i32>} : memref<4x24x1024xf32, #tpu.memory_space<vmem>>, vector<16xf32>,
        %parallel_loop3A_1495 = arith.mulf %gather3A_744, %parallel_loop3A_1482 : vector<16xf32>
        %parallel_loop3A_1496 = arith.mulf %gather3A_748, %parallel_loop3A_1488 : vector<16xf32>
        %parallel_loop3A_1497 = arith.addf %parallel_loop3A_1495, %parallel_loop3A_1496 : vector<16xf32>
        %parallel_loop3A_1498 = arith.mulf %gather3A_752, %parallel_loop3A_1494 : vector<16xf32>
        %parallel_loop3A_1499 = arith.addf %parallel_loop3A_1497, %parallel_loop3A_1498 : vector<16xf32>
        %parallel_loop3A_1500 = arith.constant 0 : i32
        %parallel_loop3A_1501 = arith.constant 2 : i32
        %parallel_loop3A_1502 = arith.index_cast %parallel_loop3A_1500 : i32 to index
        %parallel_loop3A_1503 = arith.index_cast %parallel_loop3A_1501 : i32 to index
        %parallel_loop3A_1504 = arith.index_cast %parallel_loop3A_1476 : i32 to index
        %parallel_loop3A_1505 = tpu.vector_load %arg10[%parallel_loop3A_1502, %parallel_loop3A_1503, %parallel_loop3A_1504] {strides = array<i32>} : memref<2x8x1024xf32, #tpu.memory_space<vmem>>, vector<16xf32>,
        tpu.vector_store %arg10[%parallel_loop3A_1502, %parallel_loop3A_1503, %parallel_loop3A_1504], %parallel_loop3A_1499 {strides = array<i32>} : memref<2x8x1024xf32, #tpu.memory_space<vmem>>, vector<16xf32>,
      } {sc.loop_unroll_factor = 2 : i64, sc.parallel_access}
      %mul3A_756 = arith.constant 8 : i32
      %mul3A_757 = arith.muli %add3A_679, %mul3A_756 : i32
      %add3A_758 = arith.constant 3 : i32
      %add3A_759 = arith.addi %mul3A_757, %add3A_758 : i32
      %add3A_760 = arith.constant 0 : i32
      %add3A_761 = arith.addi %add3A_760, %add3A_759 : i32
      %broadcast_in_dim3A_762 = vector.broadcast %add3A_761 : i32 to vector<16xi32>
      %gather3A_763 = tpu.vector_load_idx %arg8[%broadcast_in_dim3A_762] : memref<768xf32, #tpu.memory_space<vmem>>[vector<16xi32>], vector<16xf32>,
      %add3A_764 = arith.constant 256 : i32
      %add3A_765 = arith.addi %add3A_764, %add3A_759 : i32
      %broadcast_in_dim3A_766 = vector.broadcast %add3A_765 : i32 to vector<16xi32>
      %gather3A_767 = tpu.vector_load_idx %arg8[%broadcast_in_dim3A_766] : memref<768xf32, #tpu.memory_space<vmem>>[vector<16xi32>], vector<16xf32>,
      %add3A_768 = arith.constant 512 : i32
      %add3A_769 = arith.addi %add3A_768, %add3A_759 : i32
      %broadcast_in_dim3A_770 = vector.broadcast %add3A_769 : i32 to vector<16xi32>
      %gather3A_771 = tpu.vector_load_idx %arg8[%broadcast_in_dim3A_770] : memref<768xf32, #tpu.memory_space<vmem>>[vector<16xi32>], vector<16xf32>,
      %parallel_loop3A_772 = arith.constant 0 : i32
      %parallel_loop3A_773 = arith.constant 64 : i32
      %parallel_loop3A_774 = arith.constant 1 : i32
      scf.for %parallel_loop3A_1474 = %parallel_loop3A_772 to %parallel_loop3A_773 step %parallel_loop3A_774  : i32 {
        %parallel_loop3A_1475 = arith.constant 16 : i32
        %parallel_loop3A_1476 = arith.muli %parallel_loop3A_1474, %parallel_loop3A_1475 : i32
        %parallel_loop3A_1477 = arith.constant 0 : i32
        %parallel_loop3A_1478 = arith.constant 9 : i32
        %parallel_loop3A_1479 = arith.index_cast %parallel_loop3A_1477 : i32 to index
        %parallel_loop3A_1480 = arith.index_cast %parallel_loop3A_1478 : i32 to index
        %parallel_loop3A_1481 = arith.index_cast %parallel_loop3A_1476 : i32 to index
        %parallel_loop3A_1482 = tpu.vector_load %arg9[%parallel_loop3A_1479, %parallel_loop3A_1480, %parallel_loop3A_1481] {strides = array<i32>} : memref<4x24x1024xf32, #tpu.memory_space<vmem>>, vector<16xf32>,
        %parallel_loop3A_1483 = arith.constant 0 : i32
        %parallel_loop3A_1484 = arith.constant 10 : i32
        %parallel_loop3A_1485 = arith.index_cast %parallel_loop3A_1483 : i32 to index
        %parallel_loop3A_1486 = arith.index_cast %parallel_loop3A_1484 : i32 to index
        %parallel_loop3A_1487 = arith.index_cast %parallel_loop3A_1476 : i32 to index
        %parallel_loop3A_1488 = tpu.vector_load %arg9[%parallel_loop3A_1485, %parallel_loop3A_1486, %parallel_loop3A_1487] {strides = array<i32>} : memref<4x24x1024xf32, #tpu.memory_space<vmem>>, vector<16xf32>,
        %parallel_loop3A_1489 = arith.constant 0 : i32
        %parallel_loop3A_1490 = arith.constant 11 : i32
        %parallel_loop3A_1491 = arith.index_cast %parallel_loop3A_1489 : i32 to index
        %parallel_loop3A_1492 = arith.index_cast %parallel_loop3A_1490 : i32 to index
        %parallel_loop3A_1493 = arith.index_cast %parallel_loop3A_1476 : i32 to index
        %parallel_loop3A_1494 = tpu.vector_load %arg9[%parallel_loop3A_1491, %parallel_loop3A_1492, %parallel_loop3A_1493] {strides = array<i32>} : memref<4x24x1024xf32, #tpu.memory_space<vmem>>, vector<16xf32>,
        %parallel_loop3A_1495 = arith.mulf %gather3A_763, %parallel_loop3A_1482 : vector<16xf32>
        %parallel_loop3A_1496 = arith.mulf %gather3A_767, %parallel_loop3A_1488 : vector<16xf32>
        %parallel_loop3A_1497 = arith.addf %parallel_loop3A_1495, %parallel_loop3A_1496 : vector<16xf32>
        %parallel_loop3A_1498 = arith.mulf %gather3A_771, %parallel_loop3A_1494 : vector<16xf32>
        %parallel_loop3A_1499 = arith.addf %parallel_loop3A_1497, %parallel_loop3A_1498 : vector<16xf32>
        %parallel_loop3A_1500 = arith.constant 0 : i32
        %parallel_loop3A_1501 = arith.constant 3 : i32
        %parallel_loop3A_1502 = arith.index_cast %parallel_loop3A_1500 : i32 to index
        %parallel_loop3A_1503 = arith.index_cast %parallel_loop3A_1501 : i32 to index
        %parallel_loop3A_1504 = arith.index_cast %parallel_loop3A_1476 : i32 to index
        %parallel_loop3A_1505 = tpu.vector_load %arg10[%parallel_loop3A_1502, %parallel_loop3A_1503, %parallel_loop3A_1504] {strides = array<i32>} : memref<2x8x1024xf32, #tpu.memory_space<vmem>>, vector<16xf32>,
        tpu.vector_store %arg10[%parallel_loop3A_1502, %parallel_loop3A_1503, %parallel_loop3A_1504], %parallel_loop3A_1499 {strides = array<i32>} : memref<2x8x1024xf32, #tpu.memory_space<vmem>>, vector<16xf32>,
      } {sc.loop_unroll_factor = 2 : i64, sc.parallel_access}
      %mul3A_775 = arith.constant 8 : i32
      %mul3A_776 = arith.muli %add3A_679, %mul3A_775 : i32
      %add3A_777 = arith.constant 4 : i32
      %add3A_778 = arith.addi %mul3A_776, %add3A_777 : i32
      %add3A_779 = arith.constant 0 : i32
      %add3A_780 = arith.addi %add3A_779, %add3A_778 : i32
      %broadcast_in_dim3A_781 = vector.broadcast %add3A_780 : i32 to vector<16xi32>
      %gather3A_782 = tpu.vector_load_idx %arg8[%broadcast_in_dim3A_781] : memref<768xf32, #tpu.memory_space<vmem>>[vector<16xi32>], vector<16xf32>,
      %add3A_783 = arith.constant 256 : i32
      %add3A_784 = arith.addi %add3A_783, %add3A_778 : i32
      %broadcast_in_dim3A_785 = vector.broadcast %add3A_784 : i32 to vector<16xi32>
      %gather3A_786 = tpu.vector_load_idx %arg8[%broadcast_in_dim3A_785] : memref<768xf32, #tpu.memory_space<vmem>>[vector<16xi32>], vector<16xf32>,
      %add3A_787 = arith.constant 512 : i32
      %add3A_788 = arith.addi %add3A_787, %add3A_778 : i32
      %broadcast_in_dim3A_789 = vector.broadcast %add3A_788 : i32 to vector<16xi32>
      %gather3A_790 = tpu.vector_load_idx %arg8[%broadcast_in_dim3A_789] : memref<768xf32, #tpu.memory_space<vmem>>[vector<16xi32>], vector<16xf32>,
      %parallel_loop3A_791 = arith.constant 0 : i32
      %parallel_loop3A_792 = arith.constant 64 : i32
      %parallel_loop3A_793 = arith.constant 1 : i32
      scf.for %parallel_loop3A_1474 = %parallel_loop3A_791 to %parallel_loop3A_792 step %parallel_loop3A_793  : i32 {
        %parallel_loop3A_1475 = arith.constant 16 : i32
        %parallel_loop3A_1476 = arith.muli %parallel_loop3A_1474, %parallel_loop3A_1475 : i32
        %parallel_loop3A_1477 = arith.constant 0 : i32
        %parallel_loop3A_1478 = arith.constant 12 : i32
        %parallel_loop3A_1479 = arith.index_cast %parallel_loop3A_1477 : i32 to index
        %parallel_loop3A_1480 = arith.index_cast %parallel_loop3A_1478 : i32 to index
        %parallel_loop3A_1481 = arith.index_cast %parallel_loop3A_1476 : i32 to index
        %parallel_loop3A_1482 = tpu.vector_load %arg9[%parallel_loop3A_1479, %parallel_loop3A_1480, %parallel_loop3A_1481] {strides = array<i32>} : memref<4x24x1024xf32, #tpu.memory_space<vmem>>, vector<16xf32>,
        %parallel_loop3A_1483 = arith.constant 0 : i32
        %parallel_loop3A_1484 = arith.constant 13 : i32
        %parallel_loop3A_1485 = arith.index_cast %parallel_loop3A_1483 : i32 to index
        %parallel_loop3A_1486 = arith.index_cast %parallel_loop3A_1484 : i32 to index
        %parallel_loop3A_1487 = arith.index_cast %parallel_loop3A_1476 : i32 to index
        %parallel_loop3A_1488 = tpu.vector_load %arg9[%parallel_loop3A_1485, %parallel_loop3A_1486, %parallel_loop3A_1487] {strides = array<i32>} : memref<4x24x1024xf32, #tpu.memory_space<vmem>>, vector<16xf32>,
        %parallel_loop3A_1489 = arith.constant 0 : i32
        %parallel_loop3A_1490 = arith.constant 14 : i32
        %parallel_loop3A_1491 = arith.index_cast %parallel_loop3A_1489 : i32 to index
        %parallel_loop3A_1492 = arith.index_cast %parallel_loop3A_1490 : i32 to index
        %parallel_loop3A_1493 = arith.index_cast %parallel_loop3A_1476 : i32 to index
        %parallel_loop3A_1494 = tpu.vector_load %arg9[%parallel_loop3A_1491, %parallel_loop3A_1492, %parallel_loop3A_1493] {strides = array<i32>} : memref<4x24x1024xf32, #tpu.memory_space<vmem>>, vector<16xf32>,
        %parallel_loop3A_1495 = arith.mulf %gather3A_782, %parallel_loop3A_1482 : vector<16xf32>
        %parallel_loop3A_1496 = arith.mulf %gather3A_786, %parallel_loop3A_1488 : vector<16xf32>
        %parallel_loop3A_1497 = arith.addf %parallel_loop3A_1495, %parallel_loop3A_1496 : vector<16xf32>
        %parallel_loop3A_1498 = arith.mulf %gather3A_790, %parallel_loop3A_1494 : vector<16xf32>
        %parallel_loop3A_1499 = arith.addf %parallel_loop3A_1497, %parallel_loop3A_1498 : vector<16xf32>
        %parallel_loop3A_1500 = arith.constant 0 : i32
        %parallel_loop3A_1501 = arith.constant 4 : i32
        %parallel_loop3A_1502 = arith.index_cast %parallel_loop3A_1500 : i32 to index
        %parallel_loop3A_1503 = arith.index_cast %parallel_loop3A_1501 : i32 to index
        %parallel_loop3A_1504 = arith.index_cast %parallel_loop3A_1476 : i32 to index
        %parallel_loop3A_1505 = tpu.vector_load %arg10[%parallel_loop3A_1502, %parallel_loop3A_1503, %parallel_loop3A_1504] {strides = array<i32>} : memref<2x8x1024xf32, #tpu.memory_space<vmem>>, vector<16xf32>,
        tpu.vector_store %arg10[%parallel_loop3A_1502, %parallel_loop3A_1503, %parallel_loop3A_1504], %parallel_loop3A_1499 {strides = array<i32>} : memref<2x8x1024xf32, #tpu.memory_space<vmem>>, vector<16xf32>,
      } {sc.loop_unroll_factor = 2 : i64, sc.parallel_access}
      %mul3A_794 = arith.constant 8 : i32
      %mul3A_795 = arith.muli %add3A_679, %mul3A_794 : i32
      %add3A_796 = arith.constant 5 : i32
      %add3A_797 = arith.addi %mul3A_795, %add3A_796 : i32
      %add3A_798 = arith.constant 0 : i32
      %add3A_799 = arith.addi %add3A_798, %add3A_797 : i32
      %broadcast_in_dim3A_800 = vector.broadcast %add3A_799 : i32 to vector<16xi32>
      %gather3A_801 = tpu.vector_load_idx %arg8[%broadcast_in_dim3A_800] : memref<768xf32, #tpu.memory_space<vmem>>[vector<16xi32>], vector<16xf32>,
      %add3A_802 = arith.constant 256 : i32
      %add3A_803 = arith.addi %add3A_802, %add3A_797 : i32
      %broadcast_in_dim3A_804 = vector.broadcast %add3A_803 : i32 to vector<16xi32>
      %gather3A_805 = tpu.vector_load_idx %arg8[%broadcast_in_dim3A_804] : memref<768xf32, #tpu.memory_space<vmem>>[vector<16xi32>], vector<16xf32>,
      %add3A_806 = arith.constant 512 : i32
      %add3A_807 = arith.addi %add3A_806, %add3A_797 : i32
      %broadcast_in_dim3A_808 = vector.broadcast %add3A_807 : i32 to vector<16xi32>
      %gather3A_809 = tpu.vector_load_idx %arg8[%broadcast_in_dim3A_808] : memref<768xf32, #tpu.memory_space<vmem>>[vector<16xi32>], vector<16xf32>,
      %parallel_loop3A_810 = arith.constant 0 : i32
      %parallel_loop3A_811 = arith.constant 64 : i32
      %parallel_loop3A_812 = arith.constant 1 : i32
      scf.for %parallel_loop3A_1474 = %parallel_loop3A_810 to %parallel_loop3A_811 step %parallel_loop3A_812  : i32 {
        %parallel_loop3A_1475 = arith.constant 16 : i32
        %parallel_loop3A_1476 = arith.muli %parallel_loop3A_1474, %parallel_loop3A_1475 : i32
        %parallel_loop3A_1477 = arith.constant 0 : i32
        %parallel_loop3A_1478 = arith.constant 15 : i32
        %parallel_loop3A_1479 = arith.index_cast %parallel_loop3A_1477 : i32 to index
        %parallel_loop3A_1480 = arith.index_cast %parallel_loop3A_1478 : i32 to index
        %parallel_loop3A_1481 = arith.index_cast %parallel_loop3A_1476 : i32 to index
        %parallel_loop3A_1482 = tpu.vector_load %arg9[%parallel_loop3A_1479, %parallel_loop3A_1480, %parallel_loop3A_1481] {strides = array<i32>} : memref<4x24x1024xf32, #tpu.memory_space<vmem>>, vector<16xf32>,
        %parallel_loop3A_1483 = arith.constant 0 : i32
        %parallel_loop3A_1484 = arith.constant 16 : i32
        %parallel_loop3A_1485 = arith.index_cast %parallel_loop3A_1483 : i32 to index
        %parallel_loop3A_1486 = arith.index_cast %parallel_loop3A_1484 : i32 to index
        %parallel_loop3A_1487 = arith.index_cast %parallel_loop3A_1476 : i32 to index
        %parallel_loop3A_1488 = tpu.vector_load %arg9[%parallel_loop3A_1485, %parallel_loop3A_1486, %parallel_loop3A_1487] {strides = array<i32>} : memref<4x24x1024xf32, #tpu.memory_space<vmem>>, vector<16xf32>,
        %parallel_loop3A_1489 = arith.constant 0 : i32
        %parallel_loop3A_1490 = arith.constant 17 : i32
        %parallel_loop3A_1491 = arith.index_cast %parallel_loop3A_1489 : i32 to index
        %parallel_loop3A_1492 = arith.index_cast %parallel_loop3A_1490 : i32 to index
        %parallel_loop3A_1493 = arith.index_cast %parallel_loop3A_1476 : i32 to index
        %parallel_loop3A_1494 = tpu.vector_load %arg9[%parallel_loop3A_1491, %parallel_loop3A_1492, %parallel_loop3A_1493] {strides = array<i32>} : memref<4x24x1024xf32, #tpu.memory_space<vmem>>, vector<16xf32>,
        %parallel_loop3A_1495 = arith.mulf %gather3A_801, %parallel_loop3A_1482 : vector<16xf32>
        %parallel_loop3A_1496 = arith.mulf %gather3A_805, %parallel_loop3A_1488 : vector<16xf32>
        %parallel_loop3A_1497 = arith.addf %parallel_loop3A_1495, %parallel_loop3A_1496 : vector<16xf32>
        %parallel_loop3A_1498 = arith.mulf %gather3A_809, %parallel_loop3A_1494 : vector<16xf32>
        %parallel_loop3A_1499 = arith.addf %parallel_loop3A_1497, %parallel_loop3A_1498 : vector<16xf32>
        %parallel_loop3A_1500 = arith.constant 0 : i32
        %parallel_loop3A_1501 = arith.constant 5 : i32
        %parallel_loop3A_1502 = arith.index_cast %parallel_loop3A_1500 : i32 to index
        %parallel_loop3A_1503 = arith.index_cast %parallel_loop3A_1501 : i32 to index
        %parallel_loop3A_1504 = arith.index_cast %parallel_loop3A_1476 : i32 to index
        %parallel_loop3A_1505 = tpu.vector_load %arg10[%parallel_loop3A_1502, %parallel_loop3A_1503, %parallel_loop3A_1504] {strides = array<i32>} : memref<2x8x1024xf32, #tpu.memory_space<vmem>>, vector<16xf32>,
        tpu.vector_store %arg10[%parallel_loop3A_1502, %parallel_loop3A_1503, %parallel_loop3A_1504], %parallel_loop3A_1499 {strides = array<i32>} : memref<2x8x1024xf32, #tpu.memory_space<vmem>>, vector<16xf32>,
      } {sc.loop_unroll_factor = 2 : i64, sc.parallel_access}
      %mul3A_813 = arith.constant 8 : i32
      %mul3A_814 = arith.muli %add3A_679, %mul3A_813 : i32
      %add3A_815 = arith.constant 6 : i32
      %add3A_816 = arith.addi %mul3A_814, %add3A_815 : i32
      %add3A_817 = arith.constant 0 : i32
      %add3A_818 = arith.addi %add3A_817, %add3A_816 : i32
      %broadcast_in_dim3A_819 = vector.broadcast %add3A_818 : i32 to vector<16xi32>
      %gather3A_820 = tpu.vector_load_idx %arg8[%broadcast_in_dim3A_819] : memref<768xf32, #tpu.memory_space<vmem>>[vector<16xi32>], vector<16xf32>,
      %add3A_821 = arith.constant 256 : i32
      %add3A_822 = arith.addi %add3A_821, %add3A_816 : i32
      %broadcast_in_dim3A_823 = vector.broadcast %add3A_822 : i32 to vector<16xi32>
      %gather3A_824 = tpu.vector_load_idx %arg8[%broadcast_in_dim3A_823] : memref<768xf32, #tpu.memory_space<vmem>>[vector<16xi32>], vector<16xf32>,
      %add3A_825 = arith.constant 512 : i32
      %add3A_826 = arith.addi %add3A_825, %add3A_816 : i32
      %broadcast_in_dim3A_827 = vector.broadcast %add3A_826 : i32 to vector<16xi32>
      %gather3A_828 = tpu.vector_load_idx %arg8[%broadcast_in_dim3A_827] : memref<768xf32, #tpu.memory_space<vmem>>[vector<16xi32>], vector<16xf32>,
      %parallel_loop3A_829 = arith.constant 0 : i32
      %parallel_loop3A_830 = arith.constant 64 : i32
      %parallel_loop3A_831 = arith.constant 1 : i32
      scf.for %parallel_loop3A_1474 = %parallel_loop3A_829 to %parallel_loop3A_830 step %parallel_loop3A_831  : i32 {
        %parallel_loop3A_1475 = arith.constant 16 : i32
        %parallel_loop3A_1476 = arith.muli %parallel_loop3A_1474, %parallel_loop3A_1475 : i32
        %parallel_loop3A_1477 = arith.constant 0 : i32
        %parallel_loop3A_1478 = arith.constant 18 : i32
        %parallel_loop3A_1479 = arith.index_cast %parallel_loop3A_1477 : i32 to index
        %parallel_loop3A_1480 = arith.index_cast %parallel_loop3A_1478 : i32 to index
        %parallel_loop3A_1481 = arith.index_cast %parallel_loop3A_1476 : i32 to index
        %parallel_loop3A_1482 = tpu.vector_load %arg9[%parallel_loop3A_1479, %parallel_loop3A_1480, %parallel_loop3A_1481] {strides = array<i32>} : memref<4x24x1024xf32, #tpu.memory_space<vmem>>, vector<16xf32>,
        %parallel_loop3A_1483 = arith.constant 0 : i32
        %parallel_loop3A_1484 = arith.constant 19 : i32
        %parallel_loop3A_1485 = arith.index_cast %parallel_loop3A_1483 : i32 to index
        %parallel_loop3A_1486 = arith.index_cast %parallel_loop3A_1484 : i32 to index
        %parallel_loop3A_1487 = arith.index_cast %parallel_loop3A_1476 : i32 to index
        %parallel_loop3A_1488 = tpu.vector_load %arg9[%parallel_loop3A_1485, %parallel_loop3A_1486, %parallel_loop3A_1487] {strides = array<i32>} : memref<4x24x1024xf32, #tpu.memory_space<vmem>>, vector<16xf32>,
        %parallel_loop3A_1489 = arith.constant 0 : i32
        %parallel_loop3A_1490 = arith.constant 20 : i32
        %parallel_loop3A_1491 = arith.index_cast %parallel_loop3A_1489 : i32 to index
        %parallel_loop3A_1492 = arith.index_cast %parallel_loop3A_1490 : i32 to index
        %parallel_loop3A_1493 = arith.index_cast %parallel_loop3A_1476 : i32 to index
        %parallel_loop3A_1494 = tpu.vector_load %arg9[%parallel_loop3A_1491, %parallel_loop3A_1492, %parallel_loop3A_1493] {strides = array<i32>} : memref<4x24x1024xf32, #tpu.memory_space<vmem>>, vector<16xf32>,
        %parallel_loop3A_1495 = arith.mulf %gather3A_820, %parallel_loop3A_1482 : vector<16xf32>
        %parallel_loop3A_1496 = arith.mulf %gather3A_824, %parallel_loop3A_1488 : vector<16xf32>
        %parallel_loop3A_1497 = arith.addf %parallel_loop3A_1495, %parallel_loop3A_1496 : vector<16xf32>
        %parallel_loop3A_1498 = arith.mulf %gather3A_828, %parallel_loop3A_1494 : vector<16xf32>
        %parallel_loop3A_1499 = arith.addf %parallel_loop3A_1497, %parallel_loop3A_1498 : vector<16xf32>
        %parallel_loop3A_1500 = arith.constant 0 : i32
        %parallel_loop3A_1501 = arith.constant 6 : i32
        %parallel_loop3A_1502 = arith.index_cast %parallel_loop3A_1500 : i32 to index
        %parallel_loop3A_1503 = arith.index_cast %parallel_loop3A_1501 : i32 to index
        %parallel_loop3A_1504 = arith.index_cast %parallel_loop3A_1476 : i32 to index
        %parallel_loop3A_1505 = tpu.vector_load %arg10[%parallel_loop3A_1502, %parallel_loop3A_1503, %parallel_loop3A_1504] {strides = array<i32>} : memref<2x8x1024xf32, #tpu.memory_space<vmem>>, vector<16xf32>,
        tpu.vector_store %arg10[%parallel_loop3A_1502, %parallel_loop3A_1503, %parallel_loop3A_1504], %parallel_loop3A_1499 {strides = array<i32>} : memref<2x8x1024xf32, #tpu.memory_space<vmem>>, vector<16xf32>,
      } {sc.loop_unroll_factor = 2 : i64, sc.parallel_access}
      %mul3A_832 = arith.constant 8 : i32
      %mul3A_833 = arith.muli %add3A_679, %mul3A_832 : i32
      %add3A_834 = arith.constant 7 : i32
      %add3A_835 = arith.addi %mul3A_833, %add3A_834 : i32
      %add3A_836 = arith.constant 0 : i32
      %add3A_837 = arith.addi %add3A_836, %add3A_835 : i32
      %broadcast_in_dim3A_838 = vector.broadcast %add3A_837 : i32 to vector<16xi32>
      %gather3A_839 = tpu.vector_load_idx %arg8[%broadcast_in_dim3A_838] : memref<768xf32, #tpu.memory_space<vmem>>[vector<16xi32>], vector<16xf32>,
      %add3A_840 = arith.constant 256 : i32
      %add3A_841 = arith.addi %add3A_840, %add3A_835 : i32
      %broadcast_in_dim3A_842 = vector.broadcast %add3A_841 : i32 to vector<16xi32>
      %gather3A_843 = tpu.vector_load_idx %arg8[%broadcast_in_dim3A_842] : memref<768xf32, #tpu.memory_space<vmem>>[vector<16xi32>], vector<16xf32>,
      %add3A_844 = arith.constant 512 : i32
      %add3A_845 = arith.addi %add3A_844, %add3A_835 : i32
      %broadcast_in_dim3A_846 = vector.broadcast %add3A_845 : i32 to vector<16xi32>
      %gather3A_847 = tpu.vector_load_idx %arg8[%broadcast_in_dim3A_846] : memref<768xf32, #tpu.memory_space<vmem>>[vector<16xi32>], vector<16xf32>,
      %parallel_loop3A_848 = arith.constant 0 : i32
      %parallel_loop3A_849 = arith.constant 64 : i32
      %parallel_loop3A_850 = arith.constant 1 : i32
      scf.for %parallel_loop3A_1474 = %parallel_loop3A_848 to %parallel_loop3A_849 step %parallel_loop3A_850  : i32 {
        %parallel_loop3A_1475 = arith.constant 16 : i32
        %parallel_loop3A_1476 = arith.muli %parallel_loop3A_1474, %parallel_loop3A_1475 : i32
        %parallel_loop3A_1477 = arith.constant 0 : i32
        %parallel_loop3A_1478 = arith.constant 21 : i32
        %parallel_loop3A_1479 = arith.index_cast %parallel_loop3A_1477 : i32 to index
        %parallel_loop3A_1480 = arith.index_cast %parallel_loop3A_1478 : i32 to index
        %parallel_loop3A_1481 = arith.index_cast %parallel_loop3A_1476 : i32 to index
        %parallel_loop3A_1482 = tpu.vector_load %arg9[%parallel_loop3A_1479, %parallel_loop3A_1480, %parallel_loop3A_1481] {strides = array<i32>} : memref<4x24x1024xf32, #tpu.memory_space<vmem>>, vector<16xf32>,
        %parallel_loop3A_1483 = arith.constant 0 : i32
        %parallel_loop3A_1484 = arith.constant 22 : i32
        %parallel_loop3A_1485 = arith.index_cast %parallel_loop3A_1483 : i32 to index
        %parallel_loop3A_1486 = arith.index_cast %parallel_loop3A_1484 : i32 to index
        %parallel_loop3A_1487 = arith.index_cast %parallel_loop3A_1476 : i32 to index
        %parallel_loop3A_1488 = tpu.vector_load %arg9[%parallel_loop3A_1485, %parallel_loop3A_1486, %parallel_loop3A_1487] {strides = array<i32>} : memref<4x24x1024xf32, #tpu.memory_space<vmem>>, vector<16xf32>,
        %parallel_loop3A_1489 = arith.constant 0 : i32
        %parallel_loop3A_1490 = arith.constant 23 : i32
        %parallel_loop3A_1491 = arith.index_cast %parallel_loop3A_1489 : i32 to index
        %parallel_loop3A_1492 = arith.index_cast %parallel_loop3A_1490 : i32 to index
        %parallel_loop3A_1493 = arith.index_cast %parallel_loop3A_1476 : i32 to index
        %parallel_loop3A_1494 = tpu.vector_load %arg9[%parallel_loop3A_1491, %parallel_loop3A_1492, %parallel_loop3A_1493] {strides = array<i32>} : memref<4x24x1024xf32, #tpu.memory_space<vmem>>, vector<16xf32>,
        %parallel_loop3A_1495 = arith.mulf %gather3A_839, %parallel_loop3A_1482 : vector<16xf32>
        %parallel_loop3A_1496 = arith.mulf %gather3A_843, %parallel_loop3A_1488 : vector<16xf32>
        %parallel_loop3A_1497 = arith.addf %parallel_loop3A_1495, %parallel_loop3A_1496 : vector<16xf32>
        %parallel_loop3A_1498 = arith.mulf %gather3A_847, %parallel_loop3A_1494 : vector<16xf32>
        %parallel_loop3A_1499 = arith.addf %parallel_loop3A_1497, %parallel_loop3A_1498 : vector<16xf32>
        %parallel_loop3A_1500 = arith.constant 0 : i32
        %parallel_loop3A_1501 = arith.constant 7 : i32
        %parallel_loop3A_1502 = arith.index_cast %parallel_loop3A_1500 : i32 to index
        %parallel_loop3A_1503 = arith.index_cast %parallel_loop3A_1501 : i32 to index
        %parallel_loop3A_1504 = arith.index_cast %parallel_loop3A_1476 : i32 to index
        %parallel_loop3A_1505 = tpu.vector_load %arg10[%parallel_loop3A_1502, %parallel_loop3A_1503, %parallel_loop3A_1504] {strides = array<i32>} : memref<2x8x1024xf32, #tpu.memory_space<vmem>>, vector<16xf32>,
        tpu.vector_store %arg10[%parallel_loop3A_1502, %parallel_loop3A_1503, %parallel_loop3A_1504], %parallel_loop3A_1499 {strides = array<i32>} : memref<2x8x1024xf32, #tpu.memory_space<vmem>>, vector<16xf32>,
      } {sc.loop_unroll_factor = 2 : i64, sc.parallel_access}
      %mul3A_851 = arith.constant 8 : i32
      %mul3A_852 = arith.muli %add3A_679, %mul3A_851 : i32
      %add3A_853 = arith.addi %mul3A_2, %mul3A_852 : i32
      %dma_start3A_854 = arith.constant 0 : i32
      %dma_start3A_855 = arith.constant 0 : i32
      %dma_start3A_856 = arith.constant 0 : i32
      %dma_start3A_857 = tpu.memref_slice %arg10[%dma_start3A_854, %dma_start3A_855, %dma_start3A_856] : memref<2x8x1024xf32, #tpu.memory_space<vmem>> -> memref<1x8x1024xf32, #tpu.memory_space<vmem>>
      %dma_start3A_858 = tpu.memref_squeeze %dma_start3A_857 : memref<1x8x1024xf32, #tpu.memory_space<vmem>> -> memref<8x1024xf32, #tpu.memory_space<vmem>>
      %dma_start3A_859 = arith.constant 0 : i32
      %dma_start3A_860 = tpu.memref_slice %arg5[%add3A_853, %dma_start3A_859] : memref<8192x1024xf32, #tpu.memory_space<hbm>> -> memref<8x1024xf32, #tpu.memory_space<hbm>>
      %dma_start3A_861 = arith.constant 0 : i32
      %dma_start3A_862 = tpu.memref_slice %arg5[%add3A_853, %dma_start3A_861] : memref<8192x1024xf32, #tpu.memory_space<hbm>> -> memref<8x1024xf32, #tpu.memory_space<hbm>>
      %dma_start3A_863 = arith.constant 0 : i32
      %dma_start3A_864 = arith.constant 0 : i32
      %dma_start3A_865 = tpu.memref_slice %arg10[%dma_start3A_854, %dma_start3A_863, %dma_start3A_864] : memref<2x8x1024xf32, #tpu.memory_space<vmem>> -> memref<1x8x1024xf32, #tpu.memory_space<vmem>>
      %dma_start3A_866 = tpu.memref_squeeze %dma_start3A_865 : memref<1x8x1024xf32, #tpu.memory_space<vmem>> -> memref<8x1024xf32, #tpu.memory_space<vmem>>
      tpu.enqueue_dma source(%dma_start3A_866 : memref<8x1024xf32, #tpu.memory_space<vmem>>) target(%dma_start3A_862 : memref<8x1024xf32, #tpu.memory_space<hbm>>) target_semaphore(%arg15 : memref<!tpu.dma_semaphore, #tpu.memory_space<semaphore_mem>>)
      %mul3A_867 = arith.constant 4 : i32
      %mul3A_868 = arith.muli %mul3A_867, %scan3A_675 : i32
      %add3A_869 = arith.constant 1 : i32
      %add3A_870 = arith.addi %mul3A_868, %add3A_869 : i32
      %add3A_871 = arith.constant 4 : i32
      %add3A_872 = arith.addi %add3A_870, %add3A_871 : i32
      %sub3A_873 = arith.constant 1 : i32
      %sub3A_874 = arith.subi %add3A_872, %sub3A_873 : i32
      %lt3A_875 = arith.constant 32 : i32
      %lt3A_876 = arith.cmpi slt, %sub3A_874, %lt3A_875 : i32
      %convert_element_type3A_877 = arith.extui %lt3A_876 : i1 to i32
      %cond3A_878 = arith.constant 0 : i32
      %cond3A_879 = arith.cmpi ne, %convert_element_type3A_877, %cond3A_878 : i32
      scf.if %cond3A_879 {
        %add3A_1474 = arith.constant 4 : i32
        %add3A_1475 = arith.addi %add3A_870, %add3A_1474 : i32
        %sub3A_1476 = arith.constant 1 : i32
        %sub3A_1477 = arith.subi %add3A_1475, %sub3A_1476 : i32
        %dma_start3A_1478 = arith.constant 0 : i32
        %dma_start3A_1479 = arith.constant 0 : i32
        %dma_start3A_1480 = arith.constant 0 : i32
        %dma_start3A_1481 = tpu.memref_slice %arg9[%dma_start3A_1478, %dma_start3A_1479, %dma_start3A_1480] : memref<4x24x1024xf32, #tpu.memory_space<vmem>> -> memref<1x24x1024xf32, #tpu.memory_space<vmem>>
        %dma_start3A_1482 = tpu.memref_squeeze %dma_start3A_1481 : memref<1x24x1024xf32, #tpu.memory_space<vmem>> -> memref<24x1024xf32, #tpu.memory_space<vmem>>
        %dma_start3A_1483 = arith.constant 0 : i32
        %dma_start3A_1484 = tpu.memref_slice %arg6[%sub3A_1477, %dma_start3A_1483] : memref<32x24xi32, #tpu.memory_space<vmem>> -> memref<1x24xi32, #tpu.memory_space<vmem>>
        %dma_start3A_1485 = tpu.memref_squeeze %dma_start3A_1484 : memref<1x24xi32, #tpu.memory_space<vmem>> -> memref<24xi32, #tpu.memory_space<vmem>>
        %dma_start3A_1486 = arith.constant 0 : i32
        %dma_start3A_1487 = arith.constant 0 : i32
        %dma_start3A_1488 = tpu.memref_slice %arg2[%dma_start3A_1486, %dma_start3A_1487] : memref<100000x1024xf32, #tpu.memory_space<hbm>> -> memref<100000x1024xf32, #tpu.memory_space<hbm>>
        tpu.enqueue_indirect_dma source(%dma_start3A_1488 : memref<100000x1024xf32, #tpu.memory_space<hbm>>) target(%dma_start3A_1482 : memref<24x1024xf32, #tpu.memory_space<vmem>>) offsets(%dma_start3A_1485 : memref<24xi32, #tpu.memory_space<vmem>>) semaphore(%arg11 : memref<!tpu.dma_semaphore, #tpu.memory_space<semaphore_mem>>)
      } else {
      }
      %dma_wait3A_880 = arith.constant 1 : i32
      %dma_wait3A_881 = arith.constant 0 : i32
      %dma_wait3A_882 = arith.constant 0 : i32
      %dma_wait3A_883 = tpu.memref_slice %arg9[%dma_wait3A_880, %dma_wait3A_881, %dma_wait3A_882] : memref<4x24x1024xf32, #tpu.memory_space<vmem>> -> memref<1x24x1024xf32, #tpu.memory_space<vmem>>
      %dma_wait3A_884 = tpu.memref_squeeze %dma_wait3A_883 : memref<1x24x1024xf32, #tpu.memory_space<vmem>> -> memref<24x1024xf32, #tpu.memory_space<vmem>>
      %dma_wait3A_885 = arith.constant 0 : i32
      %dma_wait3A_886 = tpu.memref_slice %arg6[%add3A_870, %dma_wait3A_885] : memref<32x24xi32, #tpu.memory_space<vmem>> -> memref<1x24xi32, #tpu.memory_space<vmem>>
      %dma_wait3A_887 = tpu.memref_squeeze %dma_wait3A_886 : memref<1x24xi32, #tpu.memory_space<vmem>> -> memref<24xi32, #tpu.memory_space<vmem>>
      %dma_wait3A_888 = arith.constant 0 : i32
      %dma_wait3A_889 = arith.constant 0 : i32
      %dma_wait3A_890 = tpu.memref_slice %arg2[%dma_wait3A_888, %dma_wait3A_889] : memref<100000x1024xf32, #tpu.memory_space<hbm>> -> memref<100000x1024xf32, #tpu.memory_space<hbm>>
      tpu.wait_indirect_dma semaphore(%arg12 : memref<!tpu.dma_semaphore, #tpu.memory_space<semaphore_mem>>) src(%dma_wait3A_890 : memref<100000x1024xf32, #tpu.memory_space<hbm>>) dst(%dma_wait3A_884 : memref<24x1024xf32, #tpu.memory_space<vmem>>)
      %gt3A_891 = arith.constant 0 : i32
      %gt3A_892 = arith.cmpi sgt, %scan3A_675, %gt3A_891 : i32
      %convert_element_type3A_893 = arith.extui %gt3A_892 : i1 to i32
      %cond3A_894 = arith.constant 0 : i32
      %cond3A_895 = arith.cmpi ne, %convert_element_type3A_893, %cond3A_894 : i32
      scf.if %cond3A_895 {
        %dma_wait3A_1474 = arith.constant 1 : i32
        %dma_wait3A_1475 = arith.constant 0 : i32
        %dma_wait3A_1476 = arith.constant 0 : i32
        %dma_wait3A_1477 = tpu.memref_slice %arg10[%dma_wait3A_1474, %dma_wait3A_1475, %dma_wait3A_1476] : memref<2x8x1024xf32, #tpu.memory_space<vmem>> -> memref<1x8x1024xf32, #tpu.memory_space<vmem>>
        %dma_wait3A_1478 = tpu.memref_squeeze %dma_wait3A_1477 : memref<1x8x1024xf32, #tpu.memory_space<vmem>> -> memref<8x1024xf32, #tpu.memory_space<vmem>>
        %dma_wait3A_1479 = arith.constant 0 : i32
        %dma_wait3A_1480 = tpu.memref_slice %arg5[%mul3A_2, %dma_wait3A_1479] : memref<8192x1024xf32, #tpu.memory_space<hbm>> -> memref<8x1024xf32, #tpu.memory_space<hbm>>
        %dma_wait3A_1481 = arith.constant 0 : i32
        %dma_wait3A_1482 = tpu.memref_slice %arg5[%mul3A_2, %dma_wait3A_1481] : memref<8192x1024xf32, #tpu.memory_space<hbm>> -> memref<8x1024xf32, #tpu.memory_space<hbm>>
        %dma_wait3A_1483 = arith.constant 0 : i32
        %dma_wait3A_1484 = arith.constant 0 : i32
        %dma_wait3A_1485 = tpu.memref_slice %arg10[%dma_wait3A_1474, %dma_wait3A_1483, %dma_wait3A_1484] : memref<2x8x1024xf32, #tpu.memory_space<vmem>> -> memref<1x8x1024xf32, #tpu.memory_space<vmem>>
        %dma_wait3A_1486 = tpu.memref_squeeze %dma_wait3A_1485 : memref<1x8x1024xf32, #tpu.memory_space<vmem>> -> memref<8x1024xf32, #tpu.memory_space<vmem>>
        tpu.wait_dma2 semaphore(%arg16 : memref<!tpu.dma_semaphore, #tpu.memory_space<semaphore_mem>>) src(%dma_wait3A_1486 : memref<8x1024xf32, #tpu.memory_space<vmem>>) dst(%dma_wait3A_1482 : memref<8x1024xf32, #tpu.memory_space<hbm>>)
      } else {
      }
      %mul3A_896 = arith.constant 8 : i32
      %mul3A_897 = arith.muli %add3A_870, %mul3A_896 : i32
      %add3A_898 = arith.constant 0 : i32
      %add3A_899 = arith.addi %mul3A_897, %add3A_898 : i32
      %add3A_900 = arith.constant 0 : i32
      %add3A_901 = arith.addi %add3A_900, %add3A_899 : i32
      %broadcast_in_dim3A_902 = vector.broadcast %add3A_901 : i32 to vector<16xi32>
      %gather3A_903 = tpu.vector_load_idx %arg8[%broadcast_in_dim3A_902] : memref<768xf32, #tpu.memory_space<vmem>>[vector<16xi32>], vector<16xf32>,
      %add3A_904 = arith.constant 256 : i32
      %add3A_905 = arith.addi %add3A_904, %add3A_899 : i32
      %broadcast_in_dim3A_906 = vector.broadcast %add3A_905 : i32 to vector<16xi32>
      %gather3A_907 = tpu.vector_load_idx %arg8[%broadcast_in_dim3A_906] : memref<768xf32, #tpu.memory_space<vmem>>[vector<16xi32>], vector<16xf32>,
      %add3A_908 = arith.constant 512 : i32
      %add3A_909 = arith.addi %add3A_908, %add3A_899 : i32
      %broadcast_in_dim3A_910 = vector.broadcast %add3A_909 : i32 to vector<16xi32>
      %gather3A_911 = tpu.vector_load_idx %arg8[%broadcast_in_dim3A_910] : memref<768xf32, #tpu.memory_space<vmem>>[vector<16xi32>], vector<16xf32>,
      %parallel_loop3A_912 = arith.constant 0 : i32
      %parallel_loop3A_913 = arith.constant 64 : i32
      %parallel_loop3A_914 = arith.constant 1 : i32
      scf.for %parallel_loop3A_1474 = %parallel_loop3A_912 to %parallel_loop3A_913 step %parallel_loop3A_914  : i32 {
        %parallel_loop3A_1475 = arith.constant 16 : i32
        %parallel_loop3A_1476 = arith.muli %parallel_loop3A_1474, %parallel_loop3A_1475 : i32
        %parallel_loop3A_1477 = arith.constant 1 : i32
        %parallel_loop3A_1478 = arith.constant 0 : i32
        %parallel_loop3A_1479 = arith.index_cast %parallel_loop3A_1477 : i32 to index
        %parallel_loop3A_1480 = arith.index_cast %parallel_loop3A_1478 : i32 to index
        %parallel_loop3A_1481 = arith.index_cast %parallel_loop3A_1476 : i32 to index
        %parallel_loop3A_1482 = tpu.vector_load %arg9[%parallel_loop3A_1479, %parallel_loop3A_1480, %parallel_loop3A_1481] {strides = array<i32>} : memref<4x24x1024xf32, #tpu.memory_space<vmem>>, vector<16xf32>,
        %parallel_loop3A_1483 = arith.constant 1 : i32
        %parallel_loop3A_1484 = arith.constant 1 : i32
        %parallel_loop3A_1485 = arith.index_cast %parallel_loop3A_1483 : i32 to index
        %parallel_loop3A_1486 = arith.index_cast %parallel_loop3A_1484 : i32 to index
        %parallel_loop3A_1487 = arith.index_cast %parallel_loop3A_1476 : i32 to index
        %parallel_loop3A_1488 = tpu.vector_load %arg9[%parallel_loop3A_1485, %parallel_loop3A_1486, %parallel_loop3A_1487] {strides = array<i32>} : memref<4x24x1024xf32, #tpu.memory_space<vmem>>, vector<16xf32>,
        %parallel_loop3A_1489 = arith.constant 1 : i32
        %parallel_loop3A_1490 = arith.constant 2 : i32
        %parallel_loop3A_1491 = arith.index_cast %parallel_loop3A_1489 : i32 to index
        %parallel_loop3A_1492 = arith.index_cast %parallel_loop3A_1490 : i32 to index
        %parallel_loop3A_1493 = arith.index_cast %parallel_loop3A_1476 : i32 to index
        %parallel_loop3A_1494 = tpu.vector_load %arg9[%parallel_loop3A_1491, %parallel_loop3A_1492, %parallel_loop3A_1493] {strides = array<i32>} : memref<4x24x1024xf32, #tpu.memory_space<vmem>>, vector<16xf32>,
        %parallel_loop3A_1495 = arith.mulf %gather3A_903, %parallel_loop3A_1482 : vector<16xf32>
        %parallel_loop3A_1496 = arith.mulf %gather3A_907, %parallel_loop3A_1488 : vector<16xf32>
        %parallel_loop3A_1497 = arith.addf %parallel_loop3A_1495, %parallel_loop3A_1496 : vector<16xf32>
        %parallel_loop3A_1498 = arith.mulf %gather3A_911, %parallel_loop3A_1494 : vector<16xf32>
        %parallel_loop3A_1499 = arith.addf %parallel_loop3A_1497, %parallel_loop3A_1498 : vector<16xf32>
        %parallel_loop3A_1500 = arith.constant 1 : i32
        %parallel_loop3A_1501 = arith.constant 0 : i32
        %parallel_loop3A_1502 = arith.index_cast %parallel_loop3A_1500 : i32 to index
        %parallel_loop3A_1503 = arith.index_cast %parallel_loop3A_1501 : i32 to index
        %parallel_loop3A_1504 = arith.index_cast %parallel_loop3A_1476 : i32 to index
        %parallel_loop3A_1505 = tpu.vector_load %arg10[%parallel_loop3A_1502, %parallel_loop3A_1503, %parallel_loop3A_1504] {strides = array<i32>} : memref<2x8x1024xf32, #tpu.memory_space<vmem>>, vector<16xf32>,
        tpu.vector_store %arg10[%parallel_loop3A_1502, %parallel_loop3A_1503, %parallel_loop3A_1504], %parallel_loop3A_1499 {strides = array<i32>} : memref<2x8x1024xf32, #tpu.memory_space<vmem>>, vector<16xf32>,
      } {sc.loop_unroll_factor = 2 : i64, sc.parallel_access}
      %mul3A_915 = arith.constant 8 : i32
      %mul3A_916 = arith.muli %add3A_870, %mul3A_915 : i32
      %add3A_917 = arith.constant 1 : i32
      %add3A_918 = arith.addi %mul3A_916, %add3A_917 : i32
      %add3A_919 = arith.constant 0 : i32
      %add3A_920 = arith.addi %add3A_919, %add3A_918 : i32
      %broadcast_in_dim3A_921 = vector.broadcast %add3A_920 : i32 to vector<16xi32>
      %gather3A_922 = tpu.vector_load_idx %arg8[%broadcast_in_dim3A_921] : memref<768xf32, #tpu.memory_space<vmem>>[vector<16xi32>], vector<16xf32>,
      %add3A_923 = arith.constant 256 : i32
      %add3A_924 = arith.addi %add3A_923, %add3A_918 : i32
      %broadcast_in_dim3A_925 = vector.broadcast %add3A_924 : i32 to vector<16xi32>
      %gather3A_926 = tpu.vector_load_idx %arg8[%broadcast_in_dim3A_925] : memref<768xf32, #tpu.memory_space<vmem>>[vector<16xi32>], vector<16xf32>,
      %add3A_927 = arith.constant 512 : i32
      %add3A_928 = arith.addi %add3A_927, %add3A_918 : i32
      %broadcast_in_dim3A_929 = vector.broadcast %add3A_928 : i32 to vector<16xi32>
      %gather3A_930 = tpu.vector_load_idx %arg8[%broadcast_in_dim3A_929] : memref<768xf32, #tpu.memory_space<vmem>>[vector<16xi32>], vector<16xf32>,
      %parallel_loop3A_931 = arith.constant 0 : i32
      %parallel_loop3A_932 = arith.constant 64 : i32
      %parallel_loop3A_933 = arith.constant 1 : i32
      scf.for %parallel_loop3A_1474 = %parallel_loop3A_931 to %parallel_loop3A_932 step %parallel_loop3A_933  : i32 {
        %parallel_loop3A_1475 = arith.constant 16 : i32
        %parallel_loop3A_1476 = arith.muli %parallel_loop3A_1474, %parallel_loop3A_1475 : i32
        %parallel_loop3A_1477 = arith.constant 1 : i32
        %parallel_loop3A_1478 = arith.constant 3 : i32
        %parallel_loop3A_1479 = arith.index_cast %parallel_loop3A_1477 : i32 to index
        %parallel_loop3A_1480 = arith.index_cast %parallel_loop3A_1478 : i32 to index
        %parallel_loop3A_1481 = arith.index_cast %parallel_loop3A_1476 : i32 to index
        %parallel_loop3A_1482 = tpu.vector_load %arg9[%parallel_loop3A_1479, %parallel_loop3A_1480, %parallel_loop3A_1481] {strides = array<i32>} : memref<4x24x1024xf32, #tpu.memory_space<vmem>>, vector<16xf32>,
        %parallel_loop3A_1483 = arith.constant 1 : i32
        %parallel_loop3A_1484 = arith.constant 4 : i32
        %parallel_loop3A_1485 = arith.index_cast %parallel_loop3A_1483 : i32 to index
        %parallel_loop3A_1486 = arith.index_cast %parallel_loop3A_1484 : i32 to index
        %parallel_loop3A_1487 = arith.index_cast %parallel_loop3A_1476 : i32 to index
        %parallel_loop3A_1488 = tpu.vector_load %arg9[%parallel_loop3A_1485, %parallel_loop3A_1486, %parallel_loop3A_1487] {strides = array<i32>} : memref<4x24x1024xf32, #tpu.memory_space<vmem>>, vector<16xf32>,
        %parallel_loop3A_1489 = arith.constant 1 : i32
        %parallel_loop3A_1490 = arith.constant 5 : i32
        %parallel_loop3A_1491 = arith.index_cast %parallel_loop3A_1489 : i32 to index
        %parallel_loop3A_1492 = arith.index_cast %parallel_loop3A_1490 : i32 to index
        %parallel_loop3A_1493 = arith.index_cast %parallel_loop3A_1476 : i32 to index
        %parallel_loop3A_1494 = tpu.vector_load %arg9[%parallel_loop3A_1491, %parallel_loop3A_1492, %parallel_loop3A_1493] {strides = array<i32>} : memref<4x24x1024xf32, #tpu.memory_space<vmem>>, vector<16xf32>,
        %parallel_loop3A_1495 = arith.mulf %gather3A_922, %parallel_loop3A_1482 : vector<16xf32>
        %parallel_loop3A_1496 = arith.mulf %gather3A_926, %parallel_loop3A_1488 : vector<16xf32>
        %parallel_loop3A_1497 = arith.addf %parallel_loop3A_1495, %parallel_loop3A_1496 : vector<16xf32>
        %parallel_loop3A_1498 = arith.mulf %gather3A_930, %parallel_loop3A_1494 : vector<16xf32>
        %parallel_loop3A_1499 = arith.addf %parallel_loop3A_1497, %parallel_loop3A_1498 : vector<16xf32>
        %parallel_loop3A_1500 = arith.constant 1 : i32
        %parallel_loop3A_1501 = arith.constant 1 : i32
        %parallel_loop3A_1502 = arith.index_cast %parallel_loop3A_1500 : i32 to index
        %parallel_loop3A_1503 = arith.index_cast %parallel_loop3A_1501 : i32 to index
        %parallel_loop3A_1504 = arith.index_cast %parallel_loop3A_1476 : i32 to index
        %parallel_loop3A_1505 = tpu.vector_load %arg10[%parallel_loop3A_1502, %parallel_loop3A_1503, %parallel_loop3A_1504] {strides = array<i32>} : memref<2x8x1024xf32, #tpu.memory_space<vmem>>, vector<16xf32>,
        tpu.vector_store %arg10[%parallel_loop3A_1502, %parallel_loop3A_1503, %parallel_loop3A_1504], %parallel_loop3A_1499 {strides = array<i32>} : memref<2x8x1024xf32, #tpu.memory_space<vmem>>, vector<16xf32>,
      } {sc.loop_unroll_factor = 2 : i64, sc.parallel_access}
      %mul3A_934 = arith.constant 8 : i32
      %mul3A_935 = arith.muli %add3A_870, %mul3A_934 : i32
      %add3A_936 = arith.constant 2 : i32
      %add3A_937 = arith.addi %mul3A_935, %add3A_936 : i32
      %add3A_938 = arith.constant 0 : i32
      %add3A_939 = arith.addi %add3A_938, %add3A_937 : i32
      %broadcast_in_dim3A_940 = vector.broadcast %add3A_939 : i32 to vector<16xi32>
      %gather3A_941 = tpu.vector_load_idx %arg8[%broadcast_in_dim3A_940] : memref<768xf32, #tpu.memory_space<vmem>>[vector<16xi32>], vector<16xf32>,
      %add3A_942 = arith.constant 256 : i32
      %add3A_943 = arith.addi %add3A_942, %add3A_937 : i32
      %broadcast_in_dim3A_944 = vector.broadcast %add3A_943 : i32 to vector<16xi32>
      %gather3A_945 = tpu.vector_load_idx %arg8[%broadcast_in_dim3A_944] : memref<768xf32, #tpu.memory_space<vmem>>[vector<16xi32>], vector<16xf32>,
      %add3A_946 = arith.constant 512 : i32
      %add3A_947 = arith.addi %add3A_946, %add3A_937 : i32
      %broadcast_in_dim3A_948 = vector.broadcast %add3A_947 : i32 to vector<16xi32>
      %gather3A_949 = tpu.vector_load_idx %arg8[%broadcast_in_dim3A_948] : memref<768xf32, #tpu.memory_space<vmem>>[vector<16xi32>], vector<16xf32>,
      %parallel_loop3A_950 = arith.constant 0 : i32
      %parallel_loop3A_951 = arith.constant 64 : i32
      %parallel_loop3A_952 = arith.constant 1 : i32
      scf.for %parallel_loop3A_1474 = %parallel_loop3A_950 to %parallel_loop3A_951 step %parallel_loop3A_952  : i32 {
        %parallel_loop3A_1475 = arith.constant 16 : i32
        %parallel_loop3A_1476 = arith.muli %parallel_loop3A_1474, %parallel_loop3A_1475 : i32
        %parallel_loop3A_1477 = arith.constant 1 : i32
        %parallel_loop3A_1478 = arith.constant 6 : i32
        %parallel_loop3A_1479 = arith.index_cast %parallel_loop3A_1477 : i32 to index
        %parallel_loop3A_1480 = arith.index_cast %parallel_loop3A_1478 : i32 to index
        %parallel_loop3A_1481 = arith.index_cast %parallel_loop3A_1476 : i32 to index
        %parallel_loop3A_1482 = tpu.vector_load %arg9[%parallel_loop3A_1479, %parallel_loop3A_1480, %parallel_loop3A_1481] {strides = array<i32>} : memref<4x24x1024xf32, #tpu.memory_space<vmem>>, vector<16xf32>,
        %parallel_loop3A_1483 = arith.constant 1 : i32
        %parallel_loop3A_1484 = arith.constant 7 : i32
        %parallel_loop3A_1485 = arith.index_cast %parallel_loop3A_1483 : i32 to index
        %parallel_loop3A_1486 = arith.index_cast %parallel_loop3A_1484 : i32 to index
        %parallel_loop3A_1487 = arith.index_cast %parallel_loop3A_1476 : i32 to index
        %parallel_loop3A_1488 = tpu.vector_load %arg9[%parallel_loop3A_1485, %parallel_loop3A_1486, %parallel_loop3A_1487] {strides = array<i32>} : memref<4x24x1024xf32, #tpu.memory_space<vmem>>, vector<16xf32>,
        %parallel_loop3A_1489 = arith.constant 1 : i32
        %parallel_loop3A_1490 = arith.constant 8 : i32
        %parallel_loop3A_1491 = arith.index_cast %parallel_loop3A_1489 : i32 to index
        %parallel_loop3A_1492 = arith.index_cast %parallel_loop3A_1490 : i32 to index
        %parallel_loop3A_1493 = arith.index_cast %parallel_loop3A_1476 : i32 to index
        %parallel_loop3A_1494 = tpu.vector_load %arg9[%parallel_loop3A_1491, %parallel_loop3A_1492, %parallel_loop3A_1493] {strides = array<i32>} : memref<4x24x1024xf32, #tpu.memory_space<vmem>>, vector<16xf32>,
        %parallel_loop3A_1495 = arith.mulf %gather3A_941, %parallel_loop3A_1482 : vector<16xf32>
        %parallel_loop3A_1496 = arith.mulf %gather3A_945, %parallel_loop3A_1488 : vector<16xf32>
        %parallel_loop3A_1497 = arith.addf %parallel_loop3A_1495, %parallel_loop3A_1496 : vector<16xf32>
        %parallel_loop3A_1498 = arith.mulf %gather3A_949, %parallel_loop3A_1494 : vector<16xf32>
        %parallel_loop3A_1499 = arith.addf %parallel_loop3A_1497, %parallel_loop3A_1498 : vector<16xf32>
        %parallel_loop3A_1500 = arith.constant 1 : i32
        %parallel_loop3A_1501 = arith.constant 2 : i32
        %parallel_loop3A_1502 = arith.index_cast %parallel_loop3A_1500 : i32 to index
        %parallel_loop3A_1503 = arith.index_cast %parallel_loop3A_1501 : i32 to index
        %parallel_loop3A_1504 = arith.index_cast %parallel_loop3A_1476 : i32 to index
        %parallel_loop3A_1505 = tpu.vector_load %arg10[%parallel_loop3A_1502, %parallel_loop3A_1503, %parallel_loop3A_1504] {strides = array<i32>} : memref<2x8x1024xf32, #tpu.memory_space<vmem>>, vector<16xf32>,
        tpu.vector_store %arg10[%parallel_loop3A_1502, %parallel_loop3A_1503, %parallel_loop3A_1504], %parallel_loop3A_1499 {strides = array<i32>} : memref<2x8x1024xf32, #tpu.memory_space<vmem>>, vector<16xf32>,
      } {sc.loop_unroll_factor = 2 : i64, sc.parallel_access}
      %mul3A_953 = arith.constant 8 : i32
      %mul3A_954 = arith.muli %add3A_870, %mul3A_953 : i32
      %add3A_955 = arith.constant 3 : i32
      %add3A_956 = arith.addi %mul3A_954, %add3A_955 : i32
      %add3A_957 = arith.constant 0 : i32
      %add3A_958 = arith.addi %add3A_957, %add3A_956 : i32
      %broadcast_in_dim3A_959 = vector.broadcast %add3A_958 : i32 to vector<16xi32>
      %gather3A_960 = tpu.vector_load_idx %arg8[%broadcast_in_dim3A_959] : memref<768xf32, #tpu.memory_space<vmem>>[vector<16xi32>], vector<16xf32>,
      %add3A_961 = arith.constant 256 : i32
      %add3A_962 = arith.addi %add3A_961, %add3A_956 : i32
      %broadcast_in_dim3A_963 = vector.broadcast %add3A_962 : i32 to vector<16xi32>
      %gather3A_964 = tpu.vector_load_idx %arg8[%broadcast_in_dim3A_963] : memref<768xf32, #tpu.memory_space<vmem>>[vector<16xi32>], vector<16xf32>,
      %add3A_965 = arith.constant 512 : i32
      %add3A_966 = arith.addi %add3A_965, %add3A_956 : i32
      %broadcast_in_dim3A_967 = vector.broadcast %add3A_966 : i32 to vector<16xi32>
      %gather3A_968 = tpu.vector_load_idx %arg8[%broadcast_in_dim3A_967] : memref<768xf32, #tpu.memory_space<vmem>>[vector<16xi32>], vector<16xf32>,
      %parallel_loop3A_969 = arith.constant 0 : i32
      %parallel_loop3A_970 = arith.constant 64 : i32
      %parallel_loop3A_971 = arith.constant 1 : i32
      scf.for %parallel_loop3A_1474 = %parallel_loop3A_969 to %parallel_loop3A_970 step %parallel_loop3A_971  : i32 {
        %parallel_loop3A_1475 = arith.constant 16 : i32
        %parallel_loop3A_1476 = arith.muli %parallel_loop3A_1474, %parallel_loop3A_1475 : i32
        %parallel_loop3A_1477 = arith.constant 1 : i32
        %parallel_loop3A_1478 = arith.constant 9 : i32
        %parallel_loop3A_1479 = arith.index_cast %parallel_loop3A_1477 : i32 to index
        %parallel_loop3A_1480 = arith.index_cast %parallel_loop3A_1478 : i32 to index
        %parallel_loop3A_1481 = arith.index_cast %parallel_loop3A_1476 : i32 to index
        %parallel_loop3A_1482 = tpu.vector_load %arg9[%parallel_loop3A_1479, %parallel_loop3A_1480, %parallel_loop3A_1481] {strides = array<i32>} : memref<4x24x1024xf32, #tpu.memory_space<vmem>>, vector<16xf32>,
        %parallel_loop3A_1483 = arith.constant 1 : i32
        %parallel_loop3A_1484 = arith.constant 10 : i32
        %parallel_loop3A_1485 = arith.index_cast %parallel_loop3A_1483 : i32 to index
        %parallel_loop3A_1486 = arith.index_cast %parallel_loop3A_1484 : i32 to index
        %parallel_loop3A_1487 = arith.index_cast %parallel_loop3A_1476 : i32 to index
        %parallel_loop3A_1488 = tpu.vector_load %arg9[%parallel_loop3A_1485, %parallel_loop3A_1486, %parallel_loop3A_1487] {strides = array<i32>} : memref<4x24x1024xf32, #tpu.memory_space<vmem>>, vector<16xf32>,
        %parallel_loop3A_1489 = arith.constant 1 : i32
        %parallel_loop3A_1490 = arith.constant 11 : i32
        %parallel_loop3A_1491 = arith.index_cast %parallel_loop3A_1489 : i32 to index
        %parallel_loop3A_1492 = arith.index_cast %parallel_loop3A_1490 : i32 to index
        %parallel_loop3A_1493 = arith.index_cast %parallel_loop3A_1476 : i32 to index
        %parallel_loop3A_1494 = tpu.vector_load %arg9[%parallel_loop3A_1491, %parallel_loop3A_1492, %parallel_loop3A_1493] {strides = array<i32>} : memref<4x24x1024xf32, #tpu.memory_space<vmem>>, vector<16xf32>,
        %parallel_loop3A_1495 = arith.mulf %gather3A_960, %parallel_loop3A_1482 : vector<16xf32>
        %parallel_loop3A_1496 = arith.mulf %gather3A_964, %parallel_loop3A_1488 : vector<16xf32>
        %parallel_loop3A_1497 = arith.addf %parallel_loop3A_1495, %parallel_loop3A_1496 : vector<16xf32>
        %parallel_loop3A_1498 = arith.mulf %gather3A_968, %parallel_loop3A_1494 : vector<16xf32>
        %parallel_loop3A_1499 = arith.addf %parallel_loop3A_1497, %parallel_loop3A_1498 : vector<16xf32>
        %parallel_loop3A_1500 = arith.constant 1 : i32
        %parallel_loop3A_1501 = arith.constant 3 : i32
        %parallel_loop3A_1502 = arith.index_cast %parallel_loop3A_1500 : i32 to index
        %parallel_loop3A_1503 = arith.index_cast %parallel_loop3A_1501 : i32 to index
        %parallel_loop3A_1504 = arith.index_cast %parallel_loop3A_1476 : i32 to index
        %parallel_loop3A_1505 = tpu.vector_load %arg10[%parallel_loop3A_1502, %parallel_loop3A_1503, %parallel_loop3A_1504] {strides = array<i32>} : memref<2x8x1024xf32, #tpu.memory_space<vmem>>, vector<16xf32>,
        tpu.vector_store %arg10[%parallel_loop3A_1502, %parallel_loop3A_1503, %parallel_loop3A_1504], %parallel_loop3A_1499 {strides = array<i32>} : memref<2x8x1024xf32, #tpu.memory_space<vmem>>, vector<16xf32>,
      } {sc.loop_unroll_factor = 2 : i64, sc.parallel_access}
      %mul3A_972 = arith.constant 8 : i32
      %mul3A_973 = arith.muli %add3A_870, %mul3A_972 : i32
      %add3A_974 = arith.constant 4 : i32
      %add3A_975 = arith.addi %mul3A_973, %add3A_974 : i32
      %add3A_976 = arith.constant 0 : i32
      %add3A_977 = arith.addi %add3A_976, %add3A_975 : i32
      %broadcast_in_dim3A_978 = vector.broadcast %add3A_977 : i32 to vector<16xi32>
      %gather3A_979 = tpu.vector_load_idx %arg8[%broadcast_in_dim3A_978] : memref<768xf32, #tpu.memory_space<vmem>>[vector<16xi32>], vector<16xf32>,
      %add3A_980 = arith.constant 256 : i32
      %add3A_981 = arith.addi %add3A_980, %add3A_975 : i32
      %broadcast_in_dim3A_982 = vector.broadcast %add3A_981 : i32 to vector<16xi32>
      %gather3A_983 = tpu.vector_load_idx %arg8[%broadcast_in_dim3A_982] : memref<768xf32, #tpu.memory_space<vmem>>[vector<16xi32>], vector<16xf32>,
      %add3A_984 = arith.constant 512 : i32
      %add3A_985 = arith.addi %add3A_984, %add3A_975 : i32
      %broadcast_in_dim3A_986 = vector.broadcast %add3A_985 : i32 to vector<16xi32>
      %gather3A_987 = tpu.vector_load_idx %arg8[%broadcast_in_dim3A_986] : memref<768xf32, #tpu.memory_space<vmem>>[vector<16xi32>], vector<16xf32>,
      %parallel_loop3A_988 = arith.constant 0 : i32
      %parallel_loop3A_989 = arith.constant 64 : i32
      %parallel_loop3A_990 = arith.constant 1 : i32
      scf.for %parallel_loop3A_1474 = %parallel_loop3A_988 to %parallel_loop3A_989 step %parallel_loop3A_990  : i32 {
        %parallel_loop3A_1475 = arith.constant 16 : i32
        %parallel_loop3A_1476 = arith.muli %parallel_loop3A_1474, %parallel_loop3A_1475 : i32
        %parallel_loop3A_1477 = arith.constant 1 : i32
        %parallel_loop3A_1478 = arith.constant 12 : i32
        %parallel_loop3A_1479 = arith.index_cast %parallel_loop3A_1477 : i32 to index
        %parallel_loop3A_1480 = arith.index_cast %parallel_loop3A_1478 : i32 to index
        %parallel_loop3A_1481 = arith.index_cast %parallel_loop3A_1476 : i32 to index
        %parallel_loop3A_1482 = tpu.vector_load %arg9[%parallel_loop3A_1479, %parallel_loop3A_1480, %parallel_loop3A_1481] {strides = array<i32>} : memref<4x24x1024xf32, #tpu.memory_space<vmem>>, vector<16xf32>,
        %parallel_loop3A_1483 = arith.constant 1 : i32
        %parallel_loop3A_1484 = arith.constant 13 : i32
        %parallel_loop3A_1485 = arith.index_cast %parallel_loop3A_1483 : i32 to index
        %parallel_loop3A_1486 = arith.index_cast %parallel_loop3A_1484 : i32 to index
        %parallel_loop3A_1487 = arith.index_cast %parallel_loop3A_1476 : i32 to index
        %parallel_loop3A_1488 = tpu.vector_load %arg9[%parallel_loop3A_1485, %parallel_loop3A_1486, %parallel_loop3A_1487] {strides = array<i32>} : memref<4x24x1024xf32, #tpu.memory_space<vmem>>, vector<16xf32>,
        %parallel_loop3A_1489 = arith.constant 1 : i32
        %parallel_loop3A_1490 = arith.constant 14 : i32
        %parallel_loop3A_1491 = arith.index_cast %parallel_loop3A_1489 : i32 to index
        %parallel_loop3A_1492 = arith.index_cast %parallel_loop3A_1490 : i32 to index
        %parallel_loop3A_1493 = arith.index_cast %parallel_loop3A_1476 : i32 to index
        %parallel_loop3A_1494 = tpu.vector_load %arg9[%parallel_loop3A_1491, %parallel_loop3A_1492, %parallel_loop3A_1493] {strides = array<i32>} : memref<4x24x1024xf32, #tpu.memory_space<vmem>>, vector<16xf32>,
        %parallel_loop3A_1495 = arith.mulf %gather3A_979, %parallel_loop3A_1482 : vector<16xf32>
        %parallel_loop3A_1496 = arith.mulf %gather3A_983, %parallel_loop3A_1488 : vector<16xf32>
        %parallel_loop3A_1497 = arith.addf %parallel_loop3A_1495, %parallel_loop3A_1496 : vector<16xf32>
        %parallel_loop3A_1498 = arith.mulf %gather3A_987, %parallel_loop3A_1494 : vector<16xf32>
        %parallel_loop3A_1499 = arith.addf %parallel_loop3A_1497, %parallel_loop3A_1498 : vector<16xf32>
        %parallel_loop3A_1500 = arith.constant 1 : i32
        %parallel_loop3A_1501 = arith.constant 4 : i32
        %parallel_loop3A_1502 = arith.index_cast %parallel_loop3A_1500 : i32 to index
        %parallel_loop3A_1503 = arith.index_cast %parallel_loop3A_1501 : i32 to index
        %parallel_loop3A_1504 = arith.index_cast %parallel_loop3A_1476 : i32 to index
        %parallel_loop3A_1505 = tpu.vector_load %arg10[%parallel_loop3A_1502, %parallel_loop3A_1503, %parallel_loop3A_1504] {strides = array<i32>} : memref<2x8x1024xf32, #tpu.memory_space<vmem>>, vector<16xf32>,
        tpu.vector_store %arg10[%parallel_loop3A_1502, %parallel_loop3A_1503, %parallel_loop3A_1504], %parallel_loop3A_1499 {strides = array<i32>} : memref<2x8x1024xf32, #tpu.memory_space<vmem>>, vector<16xf32>,
      } {sc.loop_unroll_factor = 2 : i64, sc.parallel_access}
      %mul3A_991 = arith.constant 8 : i32
      %mul3A_992 = arith.muli %add3A_870, %mul3A_991 : i32
      %add3A_993 = arith.constant 5 : i32
      %add3A_994 = arith.addi %mul3A_992, %add3A_993 : i32
      %add3A_995 = arith.constant 0 : i32
      %add3A_996 = arith.addi %add3A_995, %add3A_994 : i32
      %broadcast_in_dim3A_997 = vector.broadcast %add3A_996 : i32 to vector<16xi32>
      %gather3A_998 = tpu.vector_load_idx %arg8[%broadcast_in_dim3A_997] : memref<768xf32, #tpu.memory_space<vmem>>[vector<16xi32>], vector<16xf32>,
      %add3A_999 = arith.constant 256 : i32
      %add3A_1000 = arith.addi %add3A_999, %add3A_994 : i32
      %broadcast_in_dim3A_1001 = vector.broadcast %add3A_1000 : i32 to vector<16xi32>
      %gather3A_1002 = tpu.vector_load_idx %arg8[%broadcast_in_dim3A_1001] : memref<768xf32, #tpu.memory_space<vmem>>[vector<16xi32>], vector<16xf32>,
      %add3A_1003 = arith.constant 512 : i32
      %add3A_1004 = arith.addi %add3A_1003, %add3A_994 : i32
      %broadcast_in_dim3A_1005 = vector.broadcast %add3A_1004 : i32 to vector<16xi32>
      %gather3A_1006 = tpu.vector_load_idx %arg8[%broadcast_in_dim3A_1005] : memref<768xf32, #tpu.memory_space<vmem>>[vector<16xi32>], vector<16xf32>,
      %parallel_loop3A_1007 = arith.constant 0 : i32
      %parallel_loop3A_1008 = arith.constant 64 : i32
      %parallel_loop3A_1009 = arith.constant 1 : i32
      scf.for %parallel_loop3A_1474 = %parallel_loop3A_1007 to %parallel_loop3A_1008 step %parallel_loop3A_1009  : i32 {
        %parallel_loop3A_1475 = arith.constant 16 : i32
        %parallel_loop3A_1476 = arith.muli %parallel_loop3A_1474, %parallel_loop3A_1475 : i32
        %parallel_loop3A_1477 = arith.constant 1 : i32
        %parallel_loop3A_1478 = arith.constant 15 : i32
        %parallel_loop3A_1479 = arith.index_cast %parallel_loop3A_1477 : i32 to index
        %parallel_loop3A_1480 = arith.index_cast %parallel_loop3A_1478 : i32 to index
        %parallel_loop3A_1481 = arith.index_cast %parallel_loop3A_1476 : i32 to index
        %parallel_loop3A_1482 = tpu.vector_load %arg9[%parallel_loop3A_1479, %parallel_loop3A_1480, %parallel_loop3A_1481] {strides = array<i32>} : memref<4x24x1024xf32, #tpu.memory_space<vmem>>, vector<16xf32>,
        %parallel_loop3A_1483 = arith.constant 1 : i32
        %parallel_loop3A_1484 = arith.constant 16 : i32
        %parallel_loop3A_1485 = arith.index_cast %parallel_loop3A_1483 : i32 to index
        %parallel_loop3A_1486 = arith.index_cast %parallel_loop3A_1484 : i32 to index
        %parallel_loop3A_1487 = arith.index_cast %parallel_loop3A_1476 : i32 to index
        %parallel_loop3A_1488 = tpu.vector_load %arg9[%parallel_loop3A_1485, %parallel_loop3A_1486, %parallel_loop3A_1487] {strides = array<i32>} : memref<4x24x1024xf32, #tpu.memory_space<vmem>>, vector<16xf32>,
        %parallel_loop3A_1489 = arith.constant 1 : i32
        %parallel_loop3A_1490 = arith.constant 17 : i32
        %parallel_loop3A_1491 = arith.index_cast %parallel_loop3A_1489 : i32 to index
        %parallel_loop3A_1492 = arith.index_cast %parallel_loop3A_1490 : i32 to index
        %parallel_loop3A_1493 = arith.index_cast %parallel_loop3A_1476 : i32 to index
        %parallel_loop3A_1494 = tpu.vector_load %arg9[%parallel_loop3A_1491, %parallel_loop3A_1492, %parallel_loop3A_1493] {strides = array<i32>} : memref<4x24x1024xf32, #tpu.memory_space<vmem>>, vector<16xf32>,
        %parallel_loop3A_1495 = arith.mulf %gather3A_998, %parallel_loop3A_1482 : vector<16xf32>
        %parallel_loop3A_1496 = arith.mulf %gather3A_1002, %parallel_loop3A_1488 : vector<16xf32>
        %parallel_loop3A_1497 = arith.addf %parallel_loop3A_1495, %parallel_loop3A_1496 : vector<16xf32>
        %parallel_loop3A_1498 = arith.mulf %gather3A_1006, %parallel_loop3A_1494 : vector<16xf32>
        %parallel_loop3A_1499 = arith.addf %parallel_loop3A_1497, %parallel_loop3A_1498 : vector<16xf32>
        %parallel_loop3A_1500 = arith.constant 1 : i32
        %parallel_loop3A_1501 = arith.constant 5 : i32
        %parallel_loop3A_1502 = arith.index_cast %parallel_loop3A_1500 : i32 to index
        %parallel_loop3A_1503 = arith.index_cast %parallel_loop3A_1501 : i32 to index
        %parallel_loop3A_1504 = arith.index_cast %parallel_loop3A_1476 : i32 to index
        %parallel_loop3A_1505 = tpu.vector_load %arg10[%parallel_loop3A_1502, %parallel_loop3A_1503, %parallel_loop3A_1504] {strides = array<i32>} : memref<2x8x1024xf32, #tpu.memory_space<vmem>>, vector<16xf32>,
        tpu.vector_store %arg10[%parallel_loop3A_1502, %parallel_loop3A_1503, %parallel_loop3A_1504], %parallel_loop3A_1499 {strides = array<i32>} : memref<2x8x1024xf32, #tpu.memory_space<vmem>>, vector<16xf32>,
      } {sc.loop_unroll_factor = 2 : i64, sc.parallel_access}
      %mul3A_1010 = arith.constant 8 : i32
      %mul3A_1011 = arith.muli %add3A_870, %mul3A_1010 : i32
      %add3A_1012 = arith.constant 6 : i32
      %add3A_1013 = arith.addi %mul3A_1011, %add3A_1012 : i32
      %add3A_1014 = arith.constant 0 : i32
      %add3A_1015 = arith.addi %add3A_1014, %add3A_1013 : i32
      %broadcast_in_dim3A_1016 = vector.broadcast %add3A_1015 : i32 to vector<16xi32>
      %gather3A_1017 = tpu.vector_load_idx %arg8[%broadcast_in_dim3A_1016] : memref<768xf32, #tpu.memory_space<vmem>>[vector<16xi32>], vector<16xf32>,
      %add3A_1018 = arith.constant 256 : i32
      %add3A_1019 = arith.addi %add3A_1018, %add3A_1013 : i32
      %broadcast_in_dim3A_1020 = vector.broadcast %add3A_1019 : i32 to vector<16xi32>
      %gather3A_1021 = tpu.vector_load_idx %arg8[%broadcast_in_dim3A_1020] : memref<768xf32, #tpu.memory_space<vmem>>[vector<16xi32>], vector<16xf32>,
      %add3A_1022 = arith.constant 512 : i32
      %add3A_1023 = arith.addi %add3A_1022, %add3A_1013 : i32
      %broadcast_in_dim3A_1024 = vector.broadcast %add3A_1023 : i32 to vector<16xi32>
      %gather3A_1025 = tpu.vector_load_idx %arg8[%broadcast_in_dim3A_1024] : memref<768xf32, #tpu.memory_space<vmem>>[vector<16xi32>], vector<16xf32>,
      %parallel_loop3A_1026 = arith.constant 0 : i32
      %parallel_loop3A_1027 = arith.constant 64 : i32
      %parallel_loop3A_1028 = arith.constant 1 : i32
      scf.for %parallel_loop3A_1474 = %parallel_loop3A_1026 to %parallel_loop3A_1027 step %parallel_loop3A_1028  : i32 {
        %parallel_loop3A_1475 = arith.constant 16 : i32
        %parallel_loop3A_1476 = arith.muli %parallel_loop3A_1474, %parallel_loop3A_1475 : i32
        %parallel_loop3A_1477 = arith.constant 1 : i32
        %parallel_loop3A_1478 = arith.constant 18 : i32
        %parallel_loop3A_1479 = arith.index_cast %parallel_loop3A_1477 : i32 to index
        %parallel_loop3A_1480 = arith.index_cast %parallel_loop3A_1478 : i32 to index
        %parallel_loop3A_1481 = arith.index_cast %parallel_loop3A_1476 : i32 to index
        %parallel_loop3A_1482 = tpu.vector_load %arg9[%parallel_loop3A_1479, %parallel_loop3A_1480, %parallel_loop3A_1481] {strides = array<i32>} : memref<4x24x1024xf32, #tpu.memory_space<vmem>>, vector<16xf32>,
        %parallel_loop3A_1483 = arith.constant 1 : i32
        %parallel_loop3A_1484 = arith.constant 19 : i32
        %parallel_loop3A_1485 = arith.index_cast %parallel_loop3A_1483 : i32 to index
        %parallel_loop3A_1486 = arith.index_cast %parallel_loop3A_1484 : i32 to index
        %parallel_loop3A_1487 = arith.index_cast %parallel_loop3A_1476 : i32 to index
        %parallel_loop3A_1488 = tpu.vector_load %arg9[%parallel_loop3A_1485, %parallel_loop3A_1486, %parallel_loop3A_1487] {strides = array<i32>} : memref<4x24x1024xf32, #tpu.memory_space<vmem>>, vector<16xf32>,
        %parallel_loop3A_1489 = arith.constant 1 : i32
        %parallel_loop3A_1490 = arith.constant 20 : i32
        %parallel_loop3A_1491 = arith.index_cast %parallel_loop3A_1489 : i32 to index
        %parallel_loop3A_1492 = arith.index_cast %parallel_loop3A_1490 : i32 to index
        %parallel_loop3A_1493 = arith.index_cast %parallel_loop3A_1476 : i32 to index
        %parallel_loop3A_1494 = tpu.vector_load %arg9[%parallel_loop3A_1491, %parallel_loop3A_1492, %parallel_loop3A_1493] {strides = array<i32>} : memref<4x24x1024xf32, #tpu.memory_space<vmem>>, vector<16xf32>,
        %parallel_loop3A_1495 = arith.mulf %gather3A_1017, %parallel_loop3A_1482 : vector<16xf32>
        %parallel_loop3A_1496 = arith.mulf %gather3A_1021, %parallel_loop3A_1488 : vector<16xf32>
        %parallel_loop3A_1497 = arith.addf %parallel_loop3A_1495, %parallel_loop3A_1496 : vector<16xf32>
        %parallel_loop3A_1498 = arith.mulf %gather3A_1025, %parallel_loop3A_1494 : vector<16xf32>
        %parallel_loop3A_1499 = arith.addf %parallel_loop3A_1497, %parallel_loop3A_1498 : vector<16xf32>
        %parallel_loop3A_1500 = arith.constant 1 : i32
        %parallel_loop3A_1501 = arith.constant 6 : i32
        %parallel_loop3A_1502 = arith.index_cast %parallel_loop3A_1500 : i32 to index
        %parallel_loop3A_1503 = arith.index_cast %parallel_loop3A_1501 : i32 to index
        %parallel_loop3A_1504 = arith.index_cast %parallel_loop3A_1476 : i32 to index
        %parallel_loop3A_1505 = tpu.vector_load %arg10[%parallel_loop3A_1502, %parallel_loop3A_1503, %parallel_loop3A_1504] {strides = array<i32>} : memref<2x8x1024xf32, #tpu.memory_space<vmem>>, vector<16xf32>,
        tpu.vector_store %arg10[%parallel_loop3A_1502, %parallel_loop3A_1503, %parallel_loop3A_1504], %parallel_loop3A_1499 {strides = array<i32>} : memref<2x8x1024xf32, #tpu.memory_space<vmem>>, vector<16xf32>,
      } {sc.loop_unroll_factor = 2 : i64, sc.parallel_access}
      %mul3A_1029 = arith.constant 8 : i32
      %mul3A_1030 = arith.muli %add3A_870, %mul3A_1029 : i32
      %add3A_1031 = arith.constant 7 : i32
      %add3A_1032 = arith.addi %mul3A_1030, %add3A_1031 : i32
      %add3A_1033 = arith.constant 0 : i32
      %add3A_1034 = arith.addi %add3A_1033, %add3A_1032 : i32
      %broadcast_in_dim3A_1035 = vector.broadcast %add3A_1034 : i32 to vector<16xi32>
      %gather3A_1036 = tpu.vector_load_idx %arg8[%broadcast_in_dim3A_1035] : memref<768xf32, #tpu.memory_space<vmem>>[vector<16xi32>], vector<16xf32>,
      %add3A_1037 = arith.constant 256 : i32
      %add3A_1038 = arith.addi %add3A_1037, %add3A_1032 : i32
      %broadcast_in_dim3A_1039 = vector.broadcast %add3A_1038 : i32 to vector<16xi32>
      %gather3A_1040 = tpu.vector_load_idx %arg8[%broadcast_in_dim3A_1039] : memref<768xf32, #tpu.memory_space<vmem>>[vector<16xi32>], vector<16xf32>,
      %add3A_1041 = arith.constant 512 : i32
      %add3A_1042 = arith.addi %add3A_1041, %add3A_1032 : i32
      %broadcast_in_dim3A_1043 = vector.broadcast %add3A_1042 : i32 to vector<16xi32>
      %gather3A_1044 = tpu.vector_load_idx %arg8[%broadcast_in_dim3A_1043] : memref<768xf32, #tpu.memory_space<vmem>>[vector<16xi32>], vector<16xf32>,
      %parallel_loop3A_1045 = arith.constant 0 : i32
      %parallel_loop3A_1046 = arith.constant 64 : i32
      %parallel_loop3A_1047 = arith.constant 1 : i32
      scf.for %parallel_loop3A_1474 = %parallel_loop3A_1045 to %parallel_loop3A_1046 step %parallel_loop3A_1047  : i32 {
        %parallel_loop3A_1475 = arith.constant 16 : i32
        %parallel_loop3A_1476 = arith.muli %parallel_loop3A_1474, %parallel_loop3A_1475 : i32
        %parallel_loop3A_1477 = arith.constant 1 : i32
        %parallel_loop3A_1478 = arith.constant 21 : i32
        %parallel_loop3A_1479 = arith.index_cast %parallel_loop3A_1477 : i32 to index
        %parallel_loop3A_1480 = arith.index_cast %parallel_loop3A_1478 : i32 to index
        %parallel_loop3A_1481 = arith.index_cast %parallel_loop3A_1476 : i32 to index
        %parallel_loop3A_1482 = tpu.vector_load %arg9[%parallel_loop3A_1479, %parallel_loop3A_1480, %parallel_loop3A_1481] {strides = array<i32>} : memref<4x24x1024xf32, #tpu.memory_space<vmem>>, vector<16xf32>,
        %parallel_loop3A_1483 = arith.constant 1 : i32
        %parallel_loop3A_1484 = arith.constant 22 : i32
        %parallel_loop3A_1485 = arith.index_cast %parallel_loop3A_1483 : i32 to index
        %parallel_loop3A_1486 = arith.index_cast %parallel_loop3A_1484 : i32 to index
        %parallel_loop3A_1487 = arith.index_cast %parallel_loop3A_1476 : i32 to index
        %parallel_loop3A_1488 = tpu.vector_load %arg9[%parallel_loop3A_1485, %parallel_loop3A_1486, %parallel_loop3A_1487] {strides = array<i32>} : memref<4x24x1024xf32, #tpu.memory_space<vmem>>, vector<16xf32>,
        %parallel_loop3A_1489 = arith.constant 1 : i32
        %parallel_loop3A_1490 = arith.constant 23 : i32
        %parallel_loop3A_1491 = arith.index_cast %parallel_loop3A_1489 : i32 to index
        %parallel_loop3A_1492 = arith.index_cast %parallel_loop3A_1490 : i32 to index
        %parallel_loop3A_1493 = arith.index_cast %parallel_loop3A_1476 : i32 to index
        %parallel_loop3A_1494 = tpu.vector_load %arg9[%parallel_loop3A_1491, %parallel_loop3A_1492, %parallel_loop3A_1493] {strides = array<i32>} : memref<4x24x1024xf32, #tpu.memory_space<vmem>>, vector<16xf32>,
        %parallel_loop3A_1495 = arith.mulf %gather3A_1036, %parallel_loop3A_1482 : vector<16xf32>
        %parallel_loop3A_1496 = arith.mulf %gather3A_1040, %parallel_loop3A_1488 : vector<16xf32>
        %parallel_loop3A_1497 = arith.addf %parallel_loop3A_1495, %parallel_loop3A_1496 : vector<16xf32>
        %parallel_loop3A_1498 = arith.mulf %gather3A_1044, %parallel_loop3A_1494 : vector<16xf32>
        %parallel_loop3A_1499 = arith.addf %parallel_loop3A_1497, %parallel_loop3A_1498 : vector<16xf32>
        %parallel_loop3A_1500 = arith.constant 1 : i32
        %parallel_loop3A_1501 = arith.constant 7 : i32
        %parallel_loop3A_1502 = arith.index_cast %parallel_loop3A_1500 : i32 to index
        %parallel_loop3A_1503 = arith.index_cast %parallel_loop3A_1501 : i32 to index
        %parallel_loop3A_1504 = arith.index_cast %parallel_loop3A_1476 : i32 to index
        %parallel_loop3A_1505 = tpu.vector_load %arg10[%parallel_loop3A_1502, %parallel_loop3A_1503, %parallel_loop3A_1504] {strides = array<i32>} : memref<2x8x1024xf32, #tpu.memory_space<vmem>>, vector<16xf32>,
        tpu.vector_store %arg10[%parallel_loop3A_1502, %parallel_loop3A_1503, %parallel_loop3A_1504], %parallel_loop3A_1499 {strides = array<i32>} : memref<2x8x1024xf32, #tpu.memory_space<vmem>>, vector<16xf32>,
      } {sc.loop_unroll_factor = 2 : i64, sc.parallel_access}
      %mul3A_1048 = arith.constant 8 : i32
      %mul3A_1049 = arith.muli %add3A_870, %mul3A_1048 : i32
      %add3A_1050 = arith.addi %mul3A_2, %mul3A_1049 : i32
      %dma_start3A_1051 = arith.constant 1 : i32
      %dma_start3A_1052 = arith.constant 0 : i32
      %dma_start3A_1053 = arith.constant 0 : i32
      %dma_start3A_1054 = tpu.memref_slice %arg10[%dma_start3A_1051, %dma_start3A_1052, %dma_start3A_1053] : memref<2x8x1024xf32, #tpu.memory_space<vmem>> -> memref<1x8x1024xf32, #tpu.memory_space<vmem>>
      %dma_start3A_1055 = tpu.memref_squeeze %dma_start3A_1054 : memref<1x8x1024xf32, #tpu.memory_space<vmem>> -> memref<8x1024xf32, #tpu.memory_space<vmem>>
      %dma_start3A_1056 = arith.constant 0 : i32
      %dma_start3A_1057 = tpu.memref_slice %arg5[%add3A_1050, %dma_start3A_1056] : memref<8192x1024xf32, #tpu.memory_space<hbm>> -> memref<8x1024xf32, #tpu.memory_space<hbm>>
      %dma_start3A_1058 = arith.constant 0 : i32
      %dma_start3A_1059 = tpu.memref_slice %arg5[%add3A_1050, %dma_start3A_1058] : memref<8192x1024xf32, #tpu.memory_space<hbm>> -> memref<8x1024xf32, #tpu.memory_space<hbm>>
      %dma_start3A_1060 = arith.constant 0 : i32
      %dma_start3A_1061 = arith.constant 0 : i32
      %dma_start3A_1062 = tpu.memref_slice %arg10[%dma_start3A_1051, %dma_start3A_1060, %dma_start3A_1061] : memref<2x8x1024xf32, #tpu.memory_space<vmem>> -> memref<1x8x1024xf32, #tpu.memory_space<vmem>>
      %dma_start3A_1063 = tpu.memref_squeeze %dma_start3A_1062 : memref<1x8x1024xf32, #tpu.memory_space<vmem>> -> memref<8x1024xf32, #tpu.memory_space<vmem>>
      tpu.enqueue_dma source(%dma_start3A_1063 : memref<8x1024xf32, #tpu.memory_space<vmem>>) target(%dma_start3A_1059 : memref<8x1024xf32, #tpu.memory_space<hbm>>) target_semaphore(%arg16 : memref<!tpu.dma_semaphore, #tpu.memory_space<semaphore_mem>>)
      %mul3A_1064 = arith.constant 4 : i32
      %mul3A_1065 = arith.muli %mul3A_1064, %scan3A_675 : i32
      %add3A_1066 = arith.constant 2 : i32
      %add3A_1067 = arith.addi %mul3A_1065, %add3A_1066 : i32
      %add3A_1068 = arith.constant 4 : i32
      %add3A_1069 = arith.addi %add3A_1067, %add3A_1068 : i32
      %sub3A_1070 = arith.constant 1 : i32
      %sub3A_1071 = arith.subi %add3A_1069, %sub3A_1070 : i32
      %lt3A_1072 = arith.constant 32 : i32
      %lt3A_1073 = arith.cmpi slt, %sub3A_1071, %lt3A_1072 : i32
      %convert_element_type3A_1074 = arith.extui %lt3A_1073 : i1 to i32
      %cond3A_1075 = arith.constant 0 : i32
      %cond3A_1076 = arith.cmpi ne, %convert_element_type3A_1074, %cond3A_1075 : i32
      scf.if %cond3A_1076 {
        %add3A_1474 = arith.constant 4 : i32
        %add3A_1475 = arith.addi %add3A_1067, %add3A_1474 : i32
        %sub3A_1476 = arith.constant 1 : i32
        %sub3A_1477 = arith.subi %add3A_1475, %sub3A_1476 : i32
        %dma_start3A_1478 = arith.constant 1 : i32
        %dma_start3A_1479 = arith.constant 0 : i32
        %dma_start3A_1480 = arith.constant 0 : i32
        %dma_start3A_1481 = tpu.memref_slice %arg9[%dma_start3A_1478, %dma_start3A_1479, %dma_start3A_1480] : memref<4x24x1024xf32, #tpu.memory_space<vmem>> -> memref<1x24x1024xf32, #tpu.memory_space<vmem>>
        %dma_start3A_1482 = tpu.memref_squeeze %dma_start3A_1481 : memref<1x24x1024xf32, #tpu.memory_space<vmem>> -> memref<24x1024xf32, #tpu.memory_space<vmem>>
        %dma_start3A_1483 = arith.constant 0 : i32
        %dma_start3A_1484 = tpu.memref_slice %arg6[%sub3A_1477, %dma_start3A_1483] : memref<32x24xi32, #tpu.memory_space<vmem>> -> memref<1x24xi32, #tpu.memory_space<vmem>>
        %dma_start3A_1485 = tpu.memref_squeeze %dma_start3A_1484 : memref<1x24xi32, #tpu.memory_space<vmem>> -> memref<24xi32, #tpu.memory_space<vmem>>
        %dma_start3A_1486 = arith.constant 0 : i32
        %dma_start3A_1487 = arith.constant 0 : i32
        %dma_start3A_1488 = tpu.memref_slice %arg2[%dma_start3A_1486, %dma_start3A_1487] : memref<100000x1024xf32, #tpu.memory_space<hbm>> -> memref<100000x1024xf32, #tpu.memory_space<hbm>>
        tpu.enqueue_indirect_dma source(%dma_start3A_1488 : memref<100000x1024xf32, #tpu.memory_space<hbm>>) target(%dma_start3A_1482 : memref<24x1024xf32, #tpu.memory_space<vmem>>) offsets(%dma_start3A_1485 : memref<24xi32, #tpu.memory_space<vmem>>) semaphore(%arg12 : memref<!tpu.dma_semaphore, #tpu.memory_space<semaphore_mem>>)
      } else {
      }
      %dma_wait3A_1077 = arith.constant 2 : i32
      %dma_wait3A_1078 = arith.constant 0 : i32
      %dma_wait3A_1079 = arith.constant 0 : i32
      %dma_wait3A_1080 = tpu.memref_slice %arg9[%dma_wait3A_1077, %dma_wait3A_1078, %dma_wait3A_1079] : memref<4x24x1024xf32, #tpu.memory_space<vmem>> -> memref<1x24x1024xf32, #tpu.memory_space<vmem>>
      %dma_wait3A_1081 = tpu.memref_squeeze %dma_wait3A_1080 : memref<1x24x1024xf32, #tpu.memory_space<vmem>> -> memref<24x1024xf32, #tpu.memory_space<vmem>>
      %dma_wait3A_1082 = arith.constant 0 : i32
      %dma_wait3A_1083 = tpu.memref_slice %arg6[%add3A_1067, %dma_wait3A_1082] : memref<32x24xi32, #tpu.memory_space<vmem>> -> memref<1x24xi32, #tpu.memory_space<vmem>>
      %dma_wait3A_1084 = tpu.memref_squeeze %dma_wait3A_1083 : memref<1x24xi32, #tpu.memory_space<vmem>> -> memref<24xi32, #tpu.memory_space<vmem>>
      %dma_wait3A_1085 = arith.constant 0 : i32
      %dma_wait3A_1086 = arith.constant 0 : i32
      %dma_wait3A_1087 = tpu.memref_slice %arg2[%dma_wait3A_1085, %dma_wait3A_1086] : memref<100000x1024xf32, #tpu.memory_space<hbm>> -> memref<100000x1024xf32, #tpu.memory_space<hbm>>
      tpu.wait_indirect_dma semaphore(%arg13 : memref<!tpu.dma_semaphore, #tpu.memory_space<semaphore_mem>>) src(%dma_wait3A_1087 : memref<100000x1024xf32, #tpu.memory_space<hbm>>) dst(%dma_wait3A_1081 : memref<24x1024xf32, #tpu.memory_space<vmem>>)
      %dma_wait3A_1088 = arith.constant 0 : i32
      %dma_wait3A_1089 = arith.constant 0 : i32
      %dma_wait3A_1090 = arith.constant 0 : i32
      %dma_wait3A_1091 = tpu.memref_slice %arg10[%dma_wait3A_1088, %dma_wait3A_1089, %dma_wait3A_1090] : memref<2x8x1024xf32, #tpu.memory_space<vmem>> -> memref<1x8x1024xf32, #tpu.memory_space<vmem>>
      %dma_wait3A_1092 = tpu.memref_squeeze %dma_wait3A_1091 : memref<1x8x1024xf32, #tpu.memory_space<vmem>> -> memref<8x1024xf32, #tpu.memory_space<vmem>>
      %dma_wait3A_1093 = arith.constant 0 : i32
      %dma_wait3A_1094 = tpu.memref_slice %arg5[%mul3A_2, %dma_wait3A_1093] : memref<8192x1024xf32, #tpu.memory_space<hbm>> -> memref<8x1024xf32, #tpu.memory_space<hbm>>
      %dma_wait3A_1095 = arith.constant 0 : i32
      %dma_wait3A_1096 = tpu.memref_slice %arg5[%mul3A_2, %dma_wait3A_1095] : memref<8192x1024xf32, #tpu.memory_space<hbm>> -> memref<8x1024xf32, #tpu.memory_space<hbm>>
      %dma_wait3A_1097 = arith.constant 0 : i32
      %dma_wait3A_1098 = arith.constant 0 : i32
      %dma_wait3A_1099 = tpu.memref_slice %arg10[%dma_wait3A_1088, %dma_wait3A_1097, %dma_wait3A_1098] : memref<2x8x1024xf32, #tpu.memory_space<vmem>> -> memref<1x8x1024xf32, #tpu.memory_space<vmem>>
      %dma_wait3A_1100 = tpu.memref_squeeze %dma_wait3A_1099 : memref<1x8x1024xf32, #tpu.memory_space<vmem>> -> memref<8x1024xf32, #tpu.memory_space<vmem>>
      tpu.wait_dma2 semaphore(%arg15 : memref<!tpu.dma_semaphore, #tpu.memory_space<semaphore_mem>>) src(%dma_wait3A_1100 : memref<8x1024xf32, #tpu.memory_space<vmem>>) dst(%dma_wait3A_1096 : memref<8x1024xf32, #tpu.memory_space<hbm>>)
      %mul3A_1101 = arith.constant 8 : i32
      %mul3A_1102 = arith.muli %add3A_1067, %mul3A_1101 : i32
      %add3A_1103 = arith.constant 0 : i32
      %add3A_1104 = arith.addi %mul3A_1102, %add3A_1103 : i32
      %add3A_1105 = arith.constant 0 : i32
      %add3A_1106 = arith.addi %add3A_1105, %add3A_1104 : i32
      %broadcast_in_dim3A_1107 = vector.broadcast %add3A_1106 : i32 to vector<16xi32>
      %gather3A_1108 = tpu.vector_load_idx %arg8[%broadcast_in_dim3A_1107] : memref<768xf32, #tpu.memory_space<vmem>>[vector<16xi32>], vector<16xf32>,
      %add3A_1109 = arith.constant 256 : i32
      %add3A_1110 = arith.addi %add3A_1109, %add3A_1104 : i32
      %broadcast_in_dim3A_1111 = vector.broadcast %add3A_1110 : i32 to vector<16xi32>
      %gather3A_1112 = tpu.vector_load_idx %arg8[%broadcast_in_dim3A_1111] : memref<768xf32, #tpu.memory_space<vmem>>[vector<16xi32>], vector<16xf32>,
      %add3A_1113 = arith.constant 512 : i32
      %add3A_1114 = arith.addi %add3A_1113, %add3A_1104 : i32
      %broadcast_in_dim3A_1115 = vector.broadcast %add3A_1114 : i32 to vector<16xi32>
      %gather3A_1116 = tpu.vector_load_idx %arg8[%broadcast_in_dim3A_1115] : memref<768xf32, #tpu.memory_space<vmem>>[vector<16xi32>], vector<16xf32>,
      %parallel_loop3A_1117 = arith.constant 0 : i32
      %parallel_loop3A_1118 = arith.constant 64 : i32
      %parallel_loop3A_1119 = arith.constant 1 : i32
      scf.for %parallel_loop3A_1474 = %parallel_loop3A_1117 to %parallel_loop3A_1118 step %parallel_loop3A_1119  : i32 {
        %parallel_loop3A_1475 = arith.constant 16 : i32
        %parallel_loop3A_1476 = arith.muli %parallel_loop3A_1474, %parallel_loop3A_1475 : i32
        %parallel_loop3A_1477 = arith.constant 2 : i32
        %parallel_loop3A_1478 = arith.constant 0 : i32
        %parallel_loop3A_1479 = arith.index_cast %parallel_loop3A_1477 : i32 to index
        %parallel_loop3A_1480 = arith.index_cast %parallel_loop3A_1478 : i32 to index
        %parallel_loop3A_1481 = arith.index_cast %parallel_loop3A_1476 : i32 to index
        %parallel_loop3A_1482 = tpu.vector_load %arg9[%parallel_loop3A_1479, %parallel_loop3A_1480, %parallel_loop3A_1481] {strides = array<i32>} : memref<4x24x1024xf32, #tpu.memory_space<vmem>>, vector<16xf32>,
        %parallel_loop3A_1483 = arith.constant 2 : i32
        %parallel_loop3A_1484 = arith.constant 1 : i32
        %parallel_loop3A_1485 = arith.index_cast %parallel_loop3A_1483 : i32 to index
        %parallel_loop3A_1486 = arith.index_cast %parallel_loop3A_1484 : i32 to index
        %parallel_loop3A_1487 = arith.index_cast %parallel_loop3A_1476 : i32 to index
        %parallel_loop3A_1488 = tpu.vector_load %arg9[%parallel_loop3A_1485, %parallel_loop3A_1486, %parallel_loop3A_1487] {strides = array<i32>} : memref<4x24x1024xf32, #tpu.memory_space<vmem>>, vector<16xf32>,
        %parallel_loop3A_1489 = arith.constant 2 : i32
        %parallel_loop3A_1490 = arith.constant 2 : i32
        %parallel_loop3A_1491 = arith.index_cast %parallel_loop3A_1489 : i32 to index
        %parallel_loop3A_1492 = arith.index_cast %parallel_loop3A_1490 : i32 to index
        %parallel_loop3A_1493 = arith.index_cast %parallel_loop3A_1476 : i32 to index
        %parallel_loop3A_1494 = tpu.vector_load %arg9[%parallel_loop3A_1491, %parallel_loop3A_1492, %parallel_loop3A_1493] {strides = array<i32>} : memref<4x24x1024xf32, #tpu.memory_space<vmem>>, vector<16xf32>,
        %parallel_loop3A_1495 = arith.mulf %gather3A_1108, %parallel_loop3A_1482 : vector<16xf32>
        %parallel_loop3A_1496 = arith.mulf %gather3A_1112, %parallel_loop3A_1488 : vector<16xf32>
        %parallel_loop3A_1497 = arith.addf %parallel_loop3A_1495, %parallel_loop3A_1496 : vector<16xf32>
        %parallel_loop3A_1498 = arith.mulf %gather3A_1116, %parallel_loop3A_1494 : vector<16xf32>
        %parallel_loop3A_1499 = arith.addf %parallel_loop3A_1497, %parallel_loop3A_1498 : vector<16xf32>
        %parallel_loop3A_1500 = arith.constant 0 : i32
        %parallel_loop3A_1501 = arith.constant 0 : i32
        %parallel_loop3A_1502 = arith.index_cast %parallel_loop3A_1500 : i32 to index
        %parallel_loop3A_1503 = arith.index_cast %parallel_loop3A_1501 : i32 to index
        %parallel_loop3A_1504 = arith.index_cast %parallel_loop3A_1476 : i32 to index
        %parallel_loop3A_1505 = tpu.vector_load %arg10[%parallel_loop3A_1502, %parallel_loop3A_1503, %parallel_loop3A_1504] {strides = array<i32>} : memref<2x8x1024xf32, #tpu.memory_space<vmem>>, vector<16xf32>,
        tpu.vector_store %arg10[%parallel_loop3A_1502, %parallel_loop3A_1503, %parallel_loop3A_1504], %parallel_loop3A_1499 {strides = array<i32>} : memref<2x8x1024xf32, #tpu.memory_space<vmem>>, vector<16xf32>,
      } {sc.loop_unroll_factor = 2 : i64, sc.parallel_access}
      %mul3A_1120 = arith.constant 8 : i32
      %mul3A_1121 = arith.muli %add3A_1067, %mul3A_1120 : i32
      %add3A_1122 = arith.constant 1 : i32
      %add3A_1123 = arith.addi %mul3A_1121, %add3A_1122 : i32
      %add3A_1124 = arith.constant 0 : i32
      %add3A_1125 = arith.addi %add3A_1124, %add3A_1123 : i32
      %broadcast_in_dim3A_1126 = vector.broadcast %add3A_1125 : i32 to vector<16xi32>
      %gather3A_1127 = tpu.vector_load_idx %arg8[%broadcast_in_dim3A_1126] : memref<768xf32, #tpu.memory_space<vmem>>[vector<16xi32>], vector<16xf32>,
      %add3A_1128 = arith.constant 256 : i32
      %add3A_1129 = arith.addi %add3A_1128, %add3A_1123 : i32
      %broadcast_in_dim3A_1130 = vector.broadcast %add3A_1129 : i32 to vector<16xi32>
      %gather3A_1131 = tpu.vector_load_idx %arg8[%broadcast_in_dim3A_1130] : memref<768xf32, #tpu.memory_space<vmem>>[vector<16xi32>], vector<16xf32>,
      %add3A_1132 = arith.constant 512 : i32
      %add3A_1133 = arith.addi %add3A_1132, %add3A_1123 : i32
      %broadcast_in_dim3A_1134 = vector.broadcast %add3A_1133 : i32 to vector<16xi32>
      %gather3A_1135 = tpu.vector_load_idx %arg8[%broadcast_in_dim3A_1134] : memref<768xf32, #tpu.memory_space<vmem>>[vector<16xi32>], vector<16xf32>,
      %parallel_loop3A_1136 = arith.constant 0 : i32
      %parallel_loop3A_1137 = arith.constant 64 : i32
      %parallel_loop3A_1138 = arith.constant 1 : i32
      scf.for %parallel_loop3A_1474 = %parallel_loop3A_1136 to %parallel_loop3A_1137 step %parallel_loop3A_1138  : i32 {
        %parallel_loop3A_1475 = arith.constant 16 : i32
        %parallel_loop3A_1476 = arith.muli %parallel_loop3A_1474, %parallel_loop3A_1475 : i32
        %parallel_loop3A_1477 = arith.constant 2 : i32
        %parallel_loop3A_1478 = arith.constant 3 : i32
        %parallel_loop3A_1479 = arith.index_cast %parallel_loop3A_1477 : i32 to index
        %parallel_loop3A_1480 = arith.index_cast %parallel_loop3A_1478 : i32 to index
        %parallel_loop3A_1481 = arith.index_cast %parallel_loop3A_1476 : i32 to index
        %parallel_loop3A_1482 = tpu.vector_load %arg9[%parallel_loop3A_1479, %parallel_loop3A_1480, %parallel_loop3A_1481] {strides = array<i32>} : memref<4x24x1024xf32, #tpu.memory_space<vmem>>, vector<16xf32>,
        %parallel_loop3A_1483 = arith.constant 2 : i32
        %parallel_loop3A_1484 = arith.constant 4 : i32
        %parallel_loop3A_1485 = arith.index_cast %parallel_loop3A_1483 : i32 to index
        %parallel_loop3A_1486 = arith.index_cast %parallel_loop3A_1484 : i32 to index
        %parallel_loop3A_1487 = arith.index_cast %parallel_loop3A_1476 : i32 to index
        %parallel_loop3A_1488 = tpu.vector_load %arg9[%parallel_loop3A_1485, %parallel_loop3A_1486, %parallel_loop3A_1487] {strides = array<i32>} : memref<4x24x1024xf32, #tpu.memory_space<vmem>>, vector<16xf32>,
        %parallel_loop3A_1489 = arith.constant 2 : i32
        %parallel_loop3A_1490 = arith.constant 5 : i32
        %parallel_loop3A_1491 = arith.index_cast %parallel_loop3A_1489 : i32 to index
        %parallel_loop3A_1492 = arith.index_cast %parallel_loop3A_1490 : i32 to index
        %parallel_loop3A_1493 = arith.index_cast %parallel_loop3A_1476 : i32 to index
        %parallel_loop3A_1494 = tpu.vector_load %arg9[%parallel_loop3A_1491, %parallel_loop3A_1492, %parallel_loop3A_1493] {strides = array<i32>} : memref<4x24x1024xf32, #tpu.memory_space<vmem>>, vector<16xf32>,
        %parallel_loop3A_1495 = arith.mulf %gather3A_1127, %parallel_loop3A_1482 : vector<16xf32>
        %parallel_loop3A_1496 = arith.mulf %gather3A_1131, %parallel_loop3A_1488 : vector<16xf32>
        %parallel_loop3A_1497 = arith.addf %parallel_loop3A_1495, %parallel_loop3A_1496 : vector<16xf32>
        %parallel_loop3A_1498 = arith.mulf %gather3A_1135, %parallel_loop3A_1494 : vector<16xf32>
        %parallel_loop3A_1499 = arith.addf %parallel_loop3A_1497, %parallel_loop3A_1498 : vector<16xf32>
        %parallel_loop3A_1500 = arith.constant 0 : i32
        %parallel_loop3A_1501 = arith.constant 1 : i32
        %parallel_loop3A_1502 = arith.index_cast %parallel_loop3A_1500 : i32 to index
        %parallel_loop3A_1503 = arith.index_cast %parallel_loop3A_1501 : i32 to index
        %parallel_loop3A_1504 = arith.index_cast %parallel_loop3A_1476 : i32 to index
        %parallel_loop3A_1505 = tpu.vector_load %arg10[%parallel_loop3A_1502, %parallel_loop3A_1503, %parallel_loop3A_1504] {strides = array<i32>} : memref<2x8x1024xf32, #tpu.memory_space<vmem>>, vector<16xf32>,
        tpu.vector_store %arg10[%parallel_loop3A_1502, %parallel_loop3A_1503, %parallel_loop3A_1504], %parallel_loop3A_1499 {strides = array<i32>} : memref<2x8x1024xf32, #tpu.memory_space<vmem>>, vector<16xf32>,
      } {sc.loop_unroll_factor = 2 : i64, sc.parallel_access}
      %mul3A_1139 = arith.constant 8 : i32
      %mul3A_1140 = arith.muli %add3A_1067, %mul3A_1139 : i32
      %add3A_1141 = arith.constant 2 : i32
      %add3A_1142 = arith.addi %mul3A_1140, %add3A_1141 : i32
      %add3A_1143 = arith.constant 0 : i32
      %add3A_1144 = arith.addi %add3A_1143, %add3A_1142 : i32
      %broadcast_in_dim3A_1145 = vector.broadcast %add3A_1144 : i32 to vector<16xi32>
      %gather3A_1146 = tpu.vector_load_idx %arg8[%broadcast_in_dim3A_1145] : memref<768xf32, #tpu.memory_space<vmem>>[vector<16xi32>], vector<16xf32>,
      %add3A_1147 = arith.constant 256 : i32
      %add3A_1148 = arith.addi %add3A_1147, %add3A_1142 : i32
      %broadcast_in_dim3A_1149 = vector.broadcast %add3A_1148 : i32 to vector<16xi32>
      %gather3A_1150 = tpu.vector_load_idx %arg8[%broadcast_in_dim3A_1149] : memref<768xf32, #tpu.memory_space<vmem>>[vector<16xi32>], vector<16xf32>,
      %add3A_1151 = arith.constant 512 : i32
      %add3A_1152 = arith.addi %add3A_1151, %add3A_1142 : i32
      %broadcast_in_dim3A_1153 = vector.broadcast %add3A_1152 : i32 to vector<16xi32>
      %gather3A_1154 = tpu.vector_load_idx %arg8[%broadcast_in_dim3A_1153] : memref<768xf32, #tpu.memory_space<vmem>>[vector<16xi32>], vector<16xf32>,
      %parallel_loop3A_1155 = arith.constant 0 : i32
      %parallel_loop3A_1156 = arith.constant 64 : i32
      %parallel_loop3A_1157 = arith.constant 1 : i32
      scf.for %parallel_loop3A_1474 = %parallel_loop3A_1155 to %parallel_loop3A_1156 step %parallel_loop3A_1157  : i32 {
        %parallel_loop3A_1475 = arith.constant 16 : i32
        %parallel_loop3A_1476 = arith.muli %parallel_loop3A_1474, %parallel_loop3A_1475 : i32
        %parallel_loop3A_1477 = arith.constant 2 : i32
        %parallel_loop3A_1478 = arith.constant 6 : i32
        %parallel_loop3A_1479 = arith.index_cast %parallel_loop3A_1477 : i32 to index
        %parallel_loop3A_1480 = arith.index_cast %parallel_loop3A_1478 : i32 to index
        %parallel_loop3A_1481 = arith.index_cast %parallel_loop3A_1476 : i32 to index
        %parallel_loop3A_1482 = tpu.vector_load %arg9[%parallel_loop3A_1479, %parallel_loop3A_1480, %parallel_loop3A_1481] {strides = array<i32>} : memref<4x24x1024xf32, #tpu.memory_space<vmem>>, vector<16xf32>,
        %parallel_loop3A_1483 = arith.constant 2 : i32
        %parallel_loop3A_1484 = arith.constant 7 : i32
        %parallel_loop3A_1485 = arith.index_cast %parallel_loop3A_1483 : i32 to index
        %parallel_loop3A_1486 = arith.index_cast %parallel_loop3A_1484 : i32 to index
        %parallel_loop3A_1487 = arith.index_cast %parallel_loop3A_1476 : i32 to index
        %parallel_loop3A_1488 = tpu.vector_load %arg9[%parallel_loop3A_1485, %parallel_loop3A_1486, %parallel_loop3A_1487] {strides = array<i32>} : memref<4x24x1024xf32, #tpu.memory_space<vmem>>, vector<16xf32>,
        %parallel_loop3A_1489 = arith.constant 2 : i32
        %parallel_loop3A_1490 = arith.constant 8 : i32
        %parallel_loop3A_1491 = arith.index_cast %parallel_loop3A_1489 : i32 to index
        %parallel_loop3A_1492 = arith.index_cast %parallel_loop3A_1490 : i32 to index
        %parallel_loop3A_1493 = arith.index_cast %parallel_loop3A_1476 : i32 to index
        %parallel_loop3A_1494 = tpu.vector_load %arg9[%parallel_loop3A_1491, %parallel_loop3A_1492, %parallel_loop3A_1493] {strides = array<i32>} : memref<4x24x1024xf32, #tpu.memory_space<vmem>>, vector<16xf32>,
        %parallel_loop3A_1495 = arith.mulf %gather3A_1146, %parallel_loop3A_1482 : vector<16xf32>
        %parallel_loop3A_1496 = arith.mulf %gather3A_1150, %parallel_loop3A_1488 : vector<16xf32>
        %parallel_loop3A_1497 = arith.addf %parallel_loop3A_1495, %parallel_loop3A_1496 : vector<16xf32>
        %parallel_loop3A_1498 = arith.mulf %gather3A_1154, %parallel_loop3A_1494 : vector<16xf32>
        %parallel_loop3A_1499 = arith.addf %parallel_loop3A_1497, %parallel_loop3A_1498 : vector<16xf32>
        %parallel_loop3A_1500 = arith.constant 0 : i32
        %parallel_loop3A_1501 = arith.constant 2 : i32
        %parallel_loop3A_1502 = arith.index_cast %parallel_loop3A_1500 : i32 to index
        %parallel_loop3A_1503 = arith.index_cast %parallel_loop3A_1501 : i32 to index
        %parallel_loop3A_1504 = arith.index_cast %parallel_loop3A_1476 : i32 to index
        %parallel_loop3A_1505 = tpu.vector_load %arg10[%parallel_loop3A_1502, %parallel_loop3A_1503, %parallel_loop3A_1504] {strides = array<i32>} : memref<2x8x1024xf32, #tpu.memory_space<vmem>>, vector<16xf32>,
        tpu.vector_store %arg10[%parallel_loop3A_1502, %parallel_loop3A_1503, %parallel_loop3A_1504], %parallel_loop3A_1499 {strides = array<i32>} : memref<2x8x1024xf32, #tpu.memory_space<vmem>>, vector<16xf32>,
      } {sc.loop_unroll_factor = 2 : i64, sc.parallel_access}
      %mul3A_1158 = arith.constant 8 : i32
      %mul3A_1159 = arith.muli %add3A_1067, %mul3A_1158 : i32
      %add3A_1160 = arith.constant 3 : i32
      %add3A_1161 = arith.addi %mul3A_1159, %add3A_1160 : i32
      %add3A_1162 = arith.constant 0 : i32
      %add3A_1163 = arith.addi %add3A_1162, %add3A_1161 : i32
      %broadcast_in_dim3A_1164 = vector.broadcast %add3A_1163 : i32 to vector<16xi32>
      %gather3A_1165 = tpu.vector_load_idx %arg8[%broadcast_in_dim3A_1164] : memref<768xf32, #tpu.memory_space<vmem>>[vector<16xi32>], vector<16xf32>,
      %add3A_1166 = arith.constant 256 : i32
      %add3A_1167 = arith.addi %add3A_1166, %add3A_1161 : i32
      %broadcast_in_dim3A_1168 = vector.broadcast %add3A_1167 : i32 to vector<16xi32>
      %gather3A_1169 = tpu.vector_load_idx %arg8[%broadcast_in_dim3A_1168] : memref<768xf32, #tpu.memory_space<vmem>>[vector<16xi32>], vector<16xf32>,
      %add3A_1170 = arith.constant 512 : i32
      %add3A_1171 = arith.addi %add3A_1170, %add3A_1161 : i32
      %broadcast_in_dim3A_1172 = vector.broadcast %add3A_1171 : i32 to vector<16xi32>
      %gather3A_1173 = tpu.vector_load_idx %arg8[%broadcast_in_dim3A_1172] : memref<768xf32, #tpu.memory_space<vmem>>[vector<16xi32>], vector<16xf32>,
      %parallel_loop3A_1174 = arith.constant 0 : i32
      %parallel_loop3A_1175 = arith.constant 64 : i32
      %parallel_loop3A_1176 = arith.constant 1 : i32
      scf.for %parallel_loop3A_1474 = %parallel_loop3A_1174 to %parallel_loop3A_1175 step %parallel_loop3A_1176  : i32 {
        %parallel_loop3A_1475 = arith.constant 16 : i32
        %parallel_loop3A_1476 = arith.muli %parallel_loop3A_1474, %parallel_loop3A_1475 : i32
        %parallel_loop3A_1477 = arith.constant 2 : i32
        %parallel_loop3A_1478 = arith.constant 9 : i32
        %parallel_loop3A_1479 = arith.index_cast %parallel_loop3A_1477 : i32 to index
        %parallel_loop3A_1480 = arith.index_cast %parallel_loop3A_1478 : i32 to index
        %parallel_loop3A_1481 = arith.index_cast %parallel_loop3A_1476 : i32 to index
        %parallel_loop3A_1482 = tpu.vector_load %arg9[%parallel_loop3A_1479, %parallel_loop3A_1480, %parallel_loop3A_1481] {strides = array<i32>} : memref<4x24x1024xf32, #tpu.memory_space<vmem>>, vector<16xf32>,
        %parallel_loop3A_1483 = arith.constant 2 : i32
        %parallel_loop3A_1484 = arith.constant 10 : i32
        %parallel_loop3A_1485 = arith.index_cast %parallel_loop3A_1483 : i32 to index
        %parallel_loop3A_1486 = arith.index_cast %parallel_loop3A_1484 : i32 to index
        %parallel_loop3A_1487 = arith.index_cast %parallel_loop3A_1476 : i32 to index
        %parallel_loop3A_1488 = tpu.vector_load %arg9[%parallel_loop3A_1485, %parallel_loop3A_1486, %parallel_loop3A_1487] {strides = array<i32>} : memref<4x24x1024xf32, #tpu.memory_space<vmem>>, vector<16xf32>,
        %parallel_loop3A_1489 = arith.constant 2 : i32
        %parallel_loop3A_1490 = arith.constant 11 : i32
        %parallel_loop3A_1491 = arith.index_cast %parallel_loop3A_1489 : i32 to index
        %parallel_loop3A_1492 = arith.index_cast %parallel_loop3A_1490 : i32 to index
        %parallel_loop3A_1493 = arith.index_cast %parallel_loop3A_1476 : i32 to index
        %parallel_loop3A_1494 = tpu.vector_load %arg9[%parallel_loop3A_1491, %parallel_loop3A_1492, %parallel_loop3A_1493] {strides = array<i32>} : memref<4x24x1024xf32, #tpu.memory_space<vmem>>, vector<16xf32>,
        %parallel_loop3A_1495 = arith.mulf %gather3A_1165, %parallel_loop3A_1482 : vector<16xf32>
        %parallel_loop3A_1496 = arith.mulf %gather3A_1169, %parallel_loop3A_1488 : vector<16xf32>
        %parallel_loop3A_1497 = arith.addf %parallel_loop3A_1495, %parallel_loop3A_1496 : vector<16xf32>
        %parallel_loop3A_1498 = arith.mulf %gather3A_1173, %parallel_loop3A_1494 : vector<16xf32>
        %parallel_loop3A_1499 = arith.addf %parallel_loop3A_1497, %parallel_loop3A_1498 : vector<16xf32>
        %parallel_loop3A_1500 = arith.constant 0 : i32
        %parallel_loop3A_1501 = arith.constant 3 : i32
        %parallel_loop3A_1502 = arith.index_cast %parallel_loop3A_1500 : i32 to index
        %parallel_loop3A_1503 = arith.index_cast %parallel_loop3A_1501 : i32 to index
        %parallel_loop3A_1504 = arith.index_cast %parallel_loop3A_1476 : i32 to index
        %parallel_loop3A_1505 = tpu.vector_load %arg10[%parallel_loop3A_1502, %parallel_loop3A_1503, %parallel_loop3A_1504] {strides = array<i32>} : memref<2x8x1024xf32, #tpu.memory_space<vmem>>, vector<16xf32>,
        tpu.vector_store %arg10[%parallel_loop3A_1502, %parallel_loop3A_1503, %parallel_loop3A_1504], %parallel_loop3A_1499 {strides = array<i32>} : memref<2x8x1024xf32, #tpu.memory_space<vmem>>, vector<16xf32>,
      } {sc.loop_unroll_factor = 2 : i64, sc.parallel_access}
      %mul3A_1177 = arith.constant 8 : i32
      %mul3A_1178 = arith.muli %add3A_1067, %mul3A_1177 : i32
      %add3A_1179 = arith.constant 4 : i32
      %add3A_1180 = arith.addi %mul3A_1178, %add3A_1179 : i32
      %add3A_1181 = arith.constant 0 : i32
      %add3A_1182 = arith.addi %add3A_1181, %add3A_1180 : i32
      %broadcast_in_dim3A_1183 = vector.broadcast %add3A_1182 : i32 to vector<16xi32>
      %gather3A_1184 = tpu.vector_load_idx %arg8[%broadcast_in_dim3A_1183] : memref<768xf32, #tpu.memory_space<vmem>>[vector<16xi32>], vector<16xf32>,
      %add3A_1185 = arith.constant 256 : i32
      %add3A_1186 = arith.addi %add3A_1185, %add3A_1180 : i32
      %broadcast_in_dim3A_1187 = vector.broadcast %add3A_1186 : i32 to vector<16xi32>
      %gather3A_1188 = tpu.vector_load_idx %arg8[%broadcast_in_dim3A_1187] : memref<768xf32, #tpu.memory_space<vmem>>[vector<16xi32>], vector<16xf32>,
      %add3A_1189 = arith.constant 512 : i32
      %add3A_1190 = arith.addi %add3A_1189, %add3A_1180 : i32
      %broadcast_in_dim3A_1191 = vector.broadcast %add3A_1190 : i32 to vector<16xi32>
      %gather3A_1192 = tpu.vector_load_idx %arg8[%broadcast_in_dim3A_1191] : memref<768xf32, #tpu.memory_space<vmem>>[vector<16xi32>], vector<16xf32>,
      %parallel_loop3A_1193 = arith.constant 0 : i32
      %parallel_loop3A_1194 = arith.constant 64 : i32
      %parallel_loop3A_1195 = arith.constant 1 : i32
      scf.for %parallel_loop3A_1474 = %parallel_loop3A_1193 to %parallel_loop3A_1194 step %parallel_loop3A_1195  : i32 {
        %parallel_loop3A_1475 = arith.constant 16 : i32
        %parallel_loop3A_1476 = arith.muli %parallel_loop3A_1474, %parallel_loop3A_1475 : i32
        %parallel_loop3A_1477 = arith.constant 2 : i32
        %parallel_loop3A_1478 = arith.constant 12 : i32
        %parallel_loop3A_1479 = arith.index_cast %parallel_loop3A_1477 : i32 to index
        %parallel_loop3A_1480 = arith.index_cast %parallel_loop3A_1478 : i32 to index
        %parallel_loop3A_1481 = arith.index_cast %parallel_loop3A_1476 : i32 to index
        %parallel_loop3A_1482 = tpu.vector_load %arg9[%parallel_loop3A_1479, %parallel_loop3A_1480, %parallel_loop3A_1481] {strides = array<i32>} : memref<4x24x1024xf32, #tpu.memory_space<vmem>>, vector<16xf32>,
        %parallel_loop3A_1483 = arith.constant 2 : i32
        %parallel_loop3A_1484 = arith.constant 13 : i32
        %parallel_loop3A_1485 = arith.index_cast %parallel_loop3A_1483 : i32 to index
        %parallel_loop3A_1486 = arith.index_cast %parallel_loop3A_1484 : i32 to index
        %parallel_loop3A_1487 = arith.index_cast %parallel_loop3A_1476 : i32 to index
        %parallel_loop3A_1488 = tpu.vector_load %arg9[%parallel_loop3A_1485, %parallel_loop3A_1486, %parallel_loop3A_1487] {strides = array<i32>} : memref<4x24x1024xf32, #tpu.memory_space<vmem>>, vector<16xf32>,
        %parallel_loop3A_1489 = arith.constant 2 : i32
        %parallel_loop3A_1490 = arith.constant 14 : i32
        %parallel_loop3A_1491 = arith.index_cast %parallel_loop3A_1489 : i32 to index
        %parallel_loop3A_1492 = arith.index_cast %parallel_loop3A_1490 : i32 to index
        %parallel_loop3A_1493 = arith.index_cast %parallel_loop3A_1476 : i32 to index
        %parallel_loop3A_1494 = tpu.vector_load %arg9[%parallel_loop3A_1491, %parallel_loop3A_1492, %parallel_loop3A_1493] {strides = array<i32>} : memref<4x24x1024xf32, #tpu.memory_space<vmem>>, vector<16xf32>,
        %parallel_loop3A_1495 = arith.mulf %gather3A_1184, %parallel_loop3A_1482 : vector<16xf32>
        %parallel_loop3A_1496 = arith.mulf %gather3A_1188, %parallel_loop3A_1488 : vector<16xf32>
        %parallel_loop3A_1497 = arith.addf %parallel_loop3A_1495, %parallel_loop3A_1496 : vector<16xf32>
        %parallel_loop3A_1498 = arith.mulf %gather3A_1192, %parallel_loop3A_1494 : vector<16xf32>
        %parallel_loop3A_1499 = arith.addf %parallel_loop3A_1497, %parallel_loop3A_1498 : vector<16xf32>
        %parallel_loop3A_1500 = arith.constant 0 : i32
        %parallel_loop3A_1501 = arith.constant 4 : i32
        %parallel_loop3A_1502 = arith.index_cast %parallel_loop3A_1500 : i32 to index
        %parallel_loop3A_1503 = arith.index_cast %parallel_loop3A_1501 : i32 to index
        %parallel_loop3A_1504 = arith.index_cast %parallel_loop3A_1476 : i32 to index
        %parallel_loop3A_1505 = tpu.vector_load %arg10[%parallel_loop3A_1502, %parallel_loop3A_1503, %parallel_loop3A_1504] {strides = array<i32>} : memref<2x8x1024xf32, #tpu.memory_space<vmem>>, vector<16xf32>,
        tpu.vector_store %arg10[%parallel_loop3A_1502, %parallel_loop3A_1503, %parallel_loop3A_1504], %parallel_loop3A_1499 {strides = array<i32>} : memref<2x8x1024xf32, #tpu.memory_space<vmem>>, vector<16xf32>,
      } {sc.loop_unroll_factor = 2 : i64, sc.parallel_access}
      %mul3A_1196 = arith.constant 8 : i32
      %mul3A_1197 = arith.muli %add3A_1067, %mul3A_1196 : i32
      %add3A_1198 = arith.constant 5 : i32
      %add3A_1199 = arith.addi %mul3A_1197, %add3A_1198 : i32
      %add3A_1200 = arith.constant 0 : i32
      %add3A_1201 = arith.addi %add3A_1200, %add3A_1199 : i32
      %broadcast_in_dim3A_1202 = vector.broadcast %add3A_1201 : i32 to vector<16xi32>
      %gather3A_1203 = tpu.vector_load_idx %arg8[%broadcast_in_dim3A_1202] : memref<768xf32, #tpu.memory_space<vmem>>[vector<16xi32>], vector<16xf32>,
      %add3A_1204 = arith.constant 256 : i32
      %add3A_1205 = arith.addi %add3A_1204, %add3A_1199 : i32
      %broadcast_in_dim3A_1206 = vector.broadcast %add3A_1205 : i32 to vector<16xi32>
      %gather3A_1207 = tpu.vector_load_idx %arg8[%broadcast_in_dim3A_1206] : memref<768xf32, #tpu.memory_space<vmem>>[vector<16xi32>], vector<16xf32>,
      %add3A_1208 = arith.constant 512 : i32
      %add3A_1209 = arith.addi %add3A_1208, %add3A_1199 : i32
      %broadcast_in_dim3A_1210 = vector.broadcast %add3A_1209 : i32 to vector<16xi32>
      %gather3A_1211 = tpu.vector_load_idx %arg8[%broadcast_in_dim3A_1210] : memref<768xf32, #tpu.memory_space<vmem>>[vector<16xi32>], vector<16xf32>,
      %parallel_loop3A_1212 = arith.constant 0 : i32
      %parallel_loop3A_1213 = arith.constant 64 : i32
      %parallel_loop3A_1214 = arith.constant 1 : i32
      scf.for %parallel_loop3A_1474 = %parallel_loop3A_1212 to %parallel_loop3A_1213 step %parallel_loop3A_1214  : i32 {
        %parallel_loop3A_1475 = arith.constant 16 : i32
        %parallel_loop3A_1476 = arith.muli %parallel_loop3A_1474, %parallel_loop3A_1475 : i32
        %parallel_loop3A_1477 = arith.constant 2 : i32
        %parallel_loop3A_1478 = arith.constant 15 : i32
        %parallel_loop3A_1479 = arith.index_cast %parallel_loop3A_1477 : i32 to index
        %parallel_loop3A_1480 = arith.index_cast %parallel_loop3A_1478 : i32 to index
        %parallel_loop3A_1481 = arith.index_cast %parallel_loop3A_1476 : i32 to index
        %parallel_loop3A_1482 = tpu.vector_load %arg9[%parallel_loop3A_1479, %parallel_loop3A_1480, %parallel_loop3A_1481] {strides = array<i32>} : memref<4x24x1024xf32, #tpu.memory_space<vmem>>, vector<16xf32>,
        %parallel_loop3A_1483 = arith.constant 2 : i32
        %parallel_loop3A_1484 = arith.constant 16 : i32
        %parallel_loop3A_1485 = arith.index_cast %parallel_loop3A_1483 : i32 to index
        %parallel_loop3A_1486 = arith.index_cast %parallel_loop3A_1484 : i32 to index
        %parallel_loop3A_1487 = arith.index_cast %parallel_loop3A_1476 : i32 to index
        %parallel_loop3A_1488 = tpu.vector_load %arg9[%parallel_loop3A_1485, %parallel_loop3A_1486, %parallel_loop3A_1487] {strides = array<i32>} : memref<4x24x1024xf32, #tpu.memory_space<vmem>>, vector<16xf32>,
        %parallel_loop3A_1489 = arith.constant 2 : i32
        %parallel_loop3A_1490 = arith.constant 17 : i32
        %parallel_loop3A_1491 = arith.index_cast %parallel_loop3A_1489 : i32 to index
        %parallel_loop3A_1492 = arith.index_cast %parallel_loop3A_1490 : i32 to index
        %parallel_loop3A_1493 = arith.index_cast %parallel_loop3A_1476 : i32 to index
        %parallel_loop3A_1494 = tpu.vector_load %arg9[%parallel_loop3A_1491, %parallel_loop3A_1492, %parallel_loop3A_1493] {strides = array<i32>} : memref<4x24x1024xf32, #tpu.memory_space<vmem>>, vector<16xf32>,
        %parallel_loop3A_1495 = arith.mulf %gather3A_1203, %parallel_loop3A_1482 : vector<16xf32>
        %parallel_loop3A_1496 = arith.mulf %gather3A_1207, %parallel_loop3A_1488 : vector<16xf32>
        %parallel_loop3A_1497 = arith.addf %parallel_loop3A_1495, %parallel_loop3A_1496 : vector<16xf32>
        %parallel_loop3A_1498 = arith.mulf %gather3A_1211, %parallel_loop3A_1494 : vector<16xf32>
        %parallel_loop3A_1499 = arith.addf %parallel_loop3A_1497, %parallel_loop3A_1498 : vector<16xf32>
        %parallel_loop3A_1500 = arith.constant 0 : i32
        %parallel_loop3A_1501 = arith.constant 5 : i32
        %parallel_loop3A_1502 = arith.index_cast %parallel_loop3A_1500 : i32 to index
        %parallel_loop3A_1503 = arith.index_cast %parallel_loop3A_1501 : i32 to index
        %parallel_loop3A_1504 = arith.index_cast %parallel_loop3A_1476 : i32 to index
        %parallel_loop3A_1505 = tpu.vector_load %arg10[%parallel_loop3A_1502, %parallel_loop3A_1503, %parallel_loop3A_1504] {strides = array<i32>} : memref<2x8x1024xf32, #tpu.memory_space<vmem>>, vector<16xf32>,
        tpu.vector_store %arg10[%parallel_loop3A_1502, %parallel_loop3A_1503, %parallel_loop3A_1504], %parallel_loop3A_1499 {strides = array<i32>} : memref<2x8x1024xf32, #tpu.memory_space<vmem>>, vector<16xf32>,
      } {sc.loop_unroll_factor = 2 : i64, sc.parallel_access}
      %mul3A_1215 = arith.constant 8 : i32
      %mul3A_1216 = arith.muli %add3A_1067, %mul3A_1215 : i32
      %add3A_1217 = arith.constant 6 : i32
      %add3A_1218 = arith.addi %mul3A_1216, %add3A_1217 : i32
      %add3A_1219 = arith.constant 0 : i32
      %add3A_1220 = arith.addi %add3A_1219, %add3A_1218 : i32
      %broadcast_in_dim3A_1221 = vector.broadcast %add3A_1220 : i32 to vector<16xi32>
      %gather3A_1222 = tpu.vector_load_idx %arg8[%broadcast_in_dim3A_1221] : memref<768xf32, #tpu.memory_space<vmem>>[vector<16xi32>], vector<16xf32>,
      %add3A_1223 = arith.constant 256 : i32
      %add3A_1224 = arith.addi %add3A_1223, %add3A_1218 : i32
      %broadcast_in_dim3A_1225 = vector.broadcast %add3A_1224 : i32 to vector<16xi32>
      %gather3A_1226 = tpu.vector_load_idx %arg8[%broadcast_in_dim3A_1225] : memref<768xf32, #tpu.memory_space<vmem>>[vector<16xi32>], vector<16xf32>,
      %add3A_1227 = arith.constant 512 : i32
      %add3A_1228 = arith.addi %add3A_1227, %add3A_1218 : i32
      %broadcast_in_dim3A_1229 = vector.broadcast %add3A_1228 : i32 to vector<16xi32>
      %gather3A_1230 = tpu.vector_load_idx %arg8[%broadcast_in_dim3A_1229] : memref<768xf32, #tpu.memory_space<vmem>>[vector<16xi32>], vector<16xf32>,
      %parallel_loop3A_1231 = arith.constant 0 : i32
      %parallel_loop3A_1232 = arith.constant 64 : i32
      %parallel_loop3A_1233 = arith.constant 1 : i32
      scf.for %parallel_loop3A_1474 = %parallel_loop3A_1231 to %parallel_loop3A_1232 step %parallel_loop3A_1233  : i32 {
        %parallel_loop3A_1475 = arith.constant 16 : i32
        %parallel_loop3A_1476 = arith.muli %parallel_loop3A_1474, %parallel_loop3A_1475 : i32
        %parallel_loop3A_1477 = arith.constant 2 : i32
        %parallel_loop3A_1478 = arith.constant 18 : i32
        %parallel_loop3A_1479 = arith.index_cast %parallel_loop3A_1477 : i32 to index
        %parallel_loop3A_1480 = arith.index_cast %parallel_loop3A_1478 : i32 to index
        %parallel_loop3A_1481 = arith.index_cast %parallel_loop3A_1476 : i32 to index
        %parallel_loop3A_1482 = tpu.vector_load %arg9[%parallel_loop3A_1479, %parallel_loop3A_1480, %parallel_loop3A_1481] {strides = array<i32>} : memref<4x24x1024xf32, #tpu.memory_space<vmem>>, vector<16xf32>,
        %parallel_loop3A_1483 = arith.constant 2 : i32
        %parallel_loop3A_1484 = arith.constant 19 : i32
        %parallel_loop3A_1485 = arith.index_cast %parallel_loop3A_1483 : i32 to index
        %parallel_loop3A_1486 = arith.index_cast %parallel_loop3A_1484 : i32 to index
        %parallel_loop3A_1487 = arith.index_cast %parallel_loop3A_1476 : i32 to index
        %parallel_loop3A_1488 = tpu.vector_load %arg9[%parallel_loop3A_1485, %parallel_loop3A_1486, %parallel_loop3A_1487] {strides = array<i32>} : memref<4x24x1024xf32, #tpu.memory_space<vmem>>, vector<16xf32>,
        %parallel_loop3A_1489 = arith.constant 2 : i32
        %parallel_loop3A_1490 = arith.constant 20 : i32
        %parallel_loop3A_1491 = arith.index_cast %parallel_loop3A_1489 : i32 to index
        %parallel_loop3A_1492 = arith.index_cast %parallel_loop3A_1490 : i32 to index
        %parallel_loop3A_1493 = arith.index_cast %parallel_loop3A_1476 : i32 to index
        %parallel_loop3A_1494 = tpu.vector_load %arg9[%parallel_loop3A_1491, %parallel_loop3A_1492, %parallel_loop3A_1493] {strides = array<i32>} : memref<4x24x1024xf32, #tpu.memory_space<vmem>>, vector<16xf32>,
        %parallel_loop3A_1495 = arith.mulf %gather3A_1222, %parallel_loop3A_1482 : vector<16xf32>
        %parallel_loop3A_1496 = arith.mulf %gather3A_1226, %parallel_loop3A_1488 : vector<16xf32>
        %parallel_loop3A_1497 = arith.addf %parallel_loop3A_1495, %parallel_loop3A_1496 : vector<16xf32>
        %parallel_loop3A_1498 = arith.mulf %gather3A_1230, %parallel_loop3A_1494 : vector<16xf32>
        %parallel_loop3A_1499 = arith.addf %parallel_loop3A_1497, %parallel_loop3A_1498 : vector<16xf32>
        %parallel_loop3A_1500 = arith.constant 0 : i32
        %parallel_loop3A_1501 = arith.constant 6 : i32
        %parallel_loop3A_1502 = arith.index_cast %parallel_loop3A_1500 : i32 to index
        %parallel_loop3A_1503 = arith.index_cast %parallel_loop3A_1501 : i32 to index
        %parallel_loop3A_1504 = arith.index_cast %parallel_loop3A_1476 : i32 to index
        %parallel_loop3A_1505 = tpu.vector_load %arg10[%parallel_loop3A_1502, %parallel_loop3A_1503, %parallel_loop3A_1504] {strides = array<i32>} : memref<2x8x1024xf32, #tpu.memory_space<vmem>>, vector<16xf32>,
        tpu.vector_store %arg10[%parallel_loop3A_1502, %parallel_loop3A_1503, %parallel_loop3A_1504], %parallel_loop3A_1499 {strides = array<i32>} : memref<2x8x1024xf32, #tpu.memory_space<vmem>>, vector<16xf32>,
      } {sc.loop_unroll_factor = 2 : i64, sc.parallel_access}
      %mul3A_1234 = arith.constant 8 : i32
      %mul3A_1235 = arith.muli %add3A_1067, %mul3A_1234 : i32
      %add3A_1236 = arith.constant 7 : i32
      %add3A_1237 = arith.addi %mul3A_1235, %add3A_1236 : i32
      %add3A_1238 = arith.constant 0 : i32
      %add3A_1239 = arith.addi %add3A_1238, %add3A_1237 : i32
      %broadcast_in_dim3A_1240 = vector.broadcast %add3A_1239 : i32 to vector<16xi32>
      %gather3A_1241 = tpu.vector_load_idx %arg8[%broadcast_in_dim3A_1240] : memref<768xf32, #tpu.memory_space<vmem>>[vector<16xi32>], vector<16xf32>,
      %add3A_1242 = arith.constant 256 : i32
      %add3A_1243 = arith.addi %add3A_1242, %add3A_1237 : i32
      %broadcast_in_dim3A_1244 = vector.broadcast %add3A_1243 : i32 to vector<16xi32>
      %gather3A_1245 = tpu.vector_load_idx %arg8[%broadcast_in_dim3A_1244] : memref<768xf32, #tpu.memory_space<vmem>>[vector<16xi32>], vector<16xf32>,
      %add3A_1246 = arith.constant 512 : i32
      %add3A_1247 = arith.addi %add3A_1246, %add3A_1237 : i32
      %broadcast_in_dim3A_1248 = vector.broadcast %add3A_1247 : i32 to vector<16xi32>
      %gather3A_1249 = tpu.vector_load_idx %arg8[%broadcast_in_dim3A_1248] : memref<768xf32, #tpu.memory_space<vmem>>[vector<16xi32>], vector<16xf32>,
      %parallel_loop3A_1250 = arith.constant 0 : i32
      %parallel_loop3A_1251 = arith.constant 64 : i32
      %parallel_loop3A_1252 = arith.constant 1 : i32
      scf.for %parallel_loop3A_1474 = %parallel_loop3A_1250 to %parallel_loop3A_1251 step %parallel_loop3A_1252  : i32 {
        %parallel_loop3A_1475 = arith.constant 16 : i32
        %parallel_loop3A_1476 = arith.muli %parallel_loop3A_1474, %parallel_loop3A_1475 : i32
        %parallel_loop3A_1477 = arith.constant 2 : i32
        %parallel_loop3A_1478 = arith.constant 21 : i32
        %parallel_loop3A_1479 = arith.index_cast %parallel_loop3A_1477 : i32 to index
        %parallel_loop3A_1480 = arith.index_cast %parallel_loop3A_1478 : i32 to index
        %parallel_loop3A_1481 = arith.index_cast %parallel_loop3A_1476 : i32 to index
        %parallel_loop3A_1482 = tpu.vector_load %arg9[%parallel_loop3A_1479, %parallel_loop3A_1480, %parallel_loop3A_1481] {strides = array<i32>} : memref<4x24x1024xf32, #tpu.memory_space<vmem>>, vector<16xf32>,
        %parallel_loop3A_1483 = arith.constant 2 : i32
        %parallel_loop3A_1484 = arith.constant 22 : i32
        %parallel_loop3A_1485 = arith.index_cast %parallel_loop3A_1483 : i32 to index
        %parallel_loop3A_1486 = arith.index_cast %parallel_loop3A_1484 : i32 to index
        %parallel_loop3A_1487 = arith.index_cast %parallel_loop3A_1476 : i32 to index
        %parallel_loop3A_1488 = tpu.vector_load %arg9[%parallel_loop3A_1485, %parallel_loop3A_1486, %parallel_loop3A_1487] {strides = array<i32>} : memref<4x24x1024xf32, #tpu.memory_space<vmem>>, vector<16xf32>,
        %parallel_loop3A_1489 = arith.constant 2 : i32
        %parallel_loop3A_1490 = arith.constant 23 : i32
        %parallel_loop3A_1491 = arith.index_cast %parallel_loop3A_1489 : i32 to index
        %parallel_loop3A_1492 = arith.index_cast %parallel_loop3A_1490 : i32 to index
        %parallel_loop3A_1493 = arith.index_cast %parallel_loop3A_1476 : i32 to index
        %parallel_loop3A_1494 = tpu.vector_load %arg9[%parallel_loop3A_1491, %parallel_loop3A_1492, %parallel_loop3A_1493] {strides = array<i32>} : memref<4x24x1024xf32, #tpu.memory_space<vmem>>, vector<16xf32>,
        %parallel_loop3A_1495 = arith.mulf %gather3A_1241, %parallel_loop3A_1482 : vector<16xf32>
        %parallel_loop3A_1496 = arith.mulf %gather3A_1245, %parallel_loop3A_1488 : vector<16xf32>
        %parallel_loop3A_1497 = arith.addf %parallel_loop3A_1495, %parallel_loop3A_1496 : vector<16xf32>
        %parallel_loop3A_1498 = arith.mulf %gather3A_1249, %parallel_loop3A_1494 : vector<16xf32>
        %parallel_loop3A_1499 = arith.addf %parallel_loop3A_1497, %parallel_loop3A_1498 : vector<16xf32>
        %parallel_loop3A_1500 = arith.constant 0 : i32
        %parallel_loop3A_1501 = arith.constant 7 : i32
        %parallel_loop3A_1502 = arith.index_cast %parallel_loop3A_1500 : i32 to index
        %parallel_loop3A_1503 = arith.index_cast %parallel_loop3A_1501 : i32 to index
        %parallel_loop3A_1504 = arith.index_cast %parallel_loop3A_1476 : i32 to index
        %parallel_loop3A_1505 = tpu.vector_load %arg10[%parallel_loop3A_1502, %parallel_loop3A_1503, %parallel_loop3A_1504] {strides = array<i32>} : memref<2x8x1024xf32, #tpu.memory_space<vmem>>, vector<16xf32>,
        tpu.vector_store %arg10[%parallel_loop3A_1502, %parallel_loop3A_1503, %parallel_loop3A_1504], %parallel_loop3A_1499 {strides = array<i32>} : memref<2x8x1024xf32, #tpu.memory_space<vmem>>, vector<16xf32>,
      } {sc.loop_unroll_factor = 2 : i64, sc.parallel_access}
      %mul3A_1253 = arith.constant 8 : i32
      %mul3A_1254 = arith.muli %add3A_1067, %mul3A_1253 : i32
      %add3A_1255 = arith.addi %mul3A_2, %mul3A_1254 : i32
      %dma_start3A_1256 = arith.constant 0 : i32
      %dma_start3A_1257 = arith.constant 0 : i32
      %dma_start3A_1258 = arith.constant 0 : i32
      %dma_start3A_1259 = tpu.memref_slice %arg10[%dma_start3A_1256, %dma_start3A_1257, %dma_start3A_1258] : memref<2x8x1024xf32, #tpu.memory_space<vmem>> -> memref<1x8x1024xf32, #tpu.memory_space<vmem>>
      %dma_start3A_1260 = tpu.memref_squeeze %dma_start3A_1259 : memref<1x8x1024xf32, #tpu.memory_space<vmem>> -> memref<8x1024xf32, #tpu.memory_space<vmem>>
      %dma_start3A_1261 = arith.constant 0 : i32
      %dma_start3A_1262 = tpu.memref_slice %arg5[%add3A_1255, %dma_start3A_1261] : memref<8192x1024xf32, #tpu.memory_space<hbm>> -> memref<8x1024xf32, #tpu.memory_space<hbm>>
      %dma_start3A_1263 = arith.constant 0 : i32
      %dma_start3A_1264 = tpu.memref_slice %arg5[%add3A_1255, %dma_start3A_1263] : memref<8192x1024xf32, #tpu.memory_space<hbm>> -> memref<8x1024xf32, #tpu.memory_space<hbm>>
      %dma_start3A_1265 = arith.constant 0 : i32
      %dma_start3A_1266 = arith.constant 0 : i32
      %dma_start3A_1267 = tpu.memref_slice %arg10[%dma_start3A_1256, %dma_start3A_1265, %dma_start3A_1266] : memref<2x8x1024xf32, #tpu.memory_space<vmem>> -> memref<1x8x1024xf32, #tpu.memory_space<vmem>>
      %dma_start3A_1268 = tpu.memref_squeeze %dma_start3A_1267 : memref<1x8x1024xf32, #tpu.memory_space<vmem>> -> memref<8x1024xf32, #tpu.memory_space<vmem>>
      tpu.enqueue_dma source(%dma_start3A_1268 : memref<8x1024xf32, #tpu.memory_space<vmem>>) target(%dma_start3A_1264 : memref<8x1024xf32, #tpu.memory_space<hbm>>) target_semaphore(%arg15 : memref<!tpu.dma_semaphore, #tpu.memory_space<semaphore_mem>>)
      %mul3A_1269 = arith.constant 4 : i32
      %mul3A_1270 = arith.muli %mul3A_1269, %scan3A_675 : i32
      %add3A_1271 = arith.constant 3 : i32
      %add3A_1272 = arith.addi %mul3A_1270, %add3A_1271 : i32
      %add3A_1273 = arith.constant 4 : i32
      %add3A_1274 = arith.addi %add3A_1272, %add3A_1273 : i32
      %sub3A_1275 = arith.constant 1 : i32
      %sub3A_1276 = arith.subi %add3A_1274, %sub3A_1275 : i32
      %lt3A_1277 = arith.constant 32 : i32
      %lt3A_1278 = arith.cmpi slt, %sub3A_1276, %lt3A_1277 : i32
      %convert_element_type3A_1279 = arith.extui %lt3A_1278 : i1 to i32
      %cond3A_1280 = arith.constant 0 : i32
      %cond3A_1281 = arith.cmpi ne, %convert_element_type3A_1279, %cond3A_1280 : i32
      scf.if %cond3A_1281 {
        %add3A_1474 = arith.constant 4 : i32
        %add3A_1475 = arith.addi %add3A_1272, %add3A_1474 : i32
        %sub3A_1476 = arith.constant 1 : i32
        %sub3A_1477 = arith.subi %add3A_1475, %sub3A_1476 : i32
        %dma_start3A_1478 = arith.constant 2 : i32
        %dma_start3A_1479 = arith.constant 0 : i32
        %dma_start3A_1480 = arith.constant 0 : i32
        %dma_start3A_1481 = tpu.memref_slice %arg9[%dma_start3A_1478, %dma_start3A_1479, %dma_start3A_1480] : memref<4x24x1024xf32, #tpu.memory_space<vmem>> -> memref<1x24x1024xf32, #tpu.memory_space<vmem>>
        %dma_start3A_1482 = tpu.memref_squeeze %dma_start3A_1481 : memref<1x24x1024xf32, #tpu.memory_space<vmem>> -> memref<24x1024xf32, #tpu.memory_space<vmem>>
        %dma_start3A_1483 = arith.constant 0 : i32
        %dma_start3A_1484 = tpu.memref_slice %arg6[%sub3A_1477, %dma_start3A_1483] : memref<32x24xi32, #tpu.memory_space<vmem>> -> memref<1x24xi32, #tpu.memory_space<vmem>>
        %dma_start3A_1485 = tpu.memref_squeeze %dma_start3A_1484 : memref<1x24xi32, #tpu.memory_space<vmem>> -> memref<24xi32, #tpu.memory_space<vmem>>
        %dma_start3A_1486 = arith.constant 0 : i32
        %dma_start3A_1487 = arith.constant 0 : i32
        %dma_start3A_1488 = tpu.memref_slice %arg2[%dma_start3A_1486, %dma_start3A_1487] : memref<100000x1024xf32, #tpu.memory_space<hbm>> -> memref<100000x1024xf32, #tpu.memory_space<hbm>>
        tpu.enqueue_indirect_dma source(%dma_start3A_1488 : memref<100000x1024xf32, #tpu.memory_space<hbm>>) target(%dma_start3A_1482 : memref<24x1024xf32, #tpu.memory_space<vmem>>) offsets(%dma_start3A_1485 : memref<24xi32, #tpu.memory_space<vmem>>) semaphore(%arg13 : memref<!tpu.dma_semaphore, #tpu.memory_space<semaphore_mem>>)
      } else {
      }
      %dma_wait3A_1282 = arith.constant 3 : i32
      %dma_wait3A_1283 = arith.constant 0 : i32
      %dma_wait3A_1284 = arith.constant 0 : i32
      %dma_wait3A_1285 = tpu.memref_slice %arg9[%dma_wait3A_1282, %dma_wait3A_1283, %dma_wait3A_1284] : memref<4x24x1024xf32, #tpu.memory_space<vmem>> -> memref<1x24x1024xf32, #tpu.memory_space<vmem>>
      %dma_wait3A_1286 = tpu.memref_squeeze %dma_wait3A_1285 : memref<1x24x1024xf32, #tpu.memory_space<vmem>> -> memref<24x1024xf32, #tpu.memory_space<vmem>>
      %dma_wait3A_1287 = arith.constant 0 : i32
      %dma_wait3A_1288 = tpu.memref_slice %arg6[%add3A_1272, %dma_wait3A_1287] : memref<32x24xi32, #tpu.memory_space<vmem>> -> memref<1x24xi32, #tpu.memory_space<vmem>>
      %dma_wait3A_1289 = tpu.memref_squeeze %dma_wait3A_1288 : memref<1x24xi32, #tpu.memory_space<vmem>> -> memref<24xi32, #tpu.memory_space<vmem>>
      %dma_wait3A_1290 = arith.constant 0 : i32
      %dma_wait3A_1291 = arith.constant 0 : i32
      %dma_wait3A_1292 = tpu.memref_slice %arg2[%dma_wait3A_1290, %dma_wait3A_1291] : memref<100000x1024xf32, #tpu.memory_space<hbm>> -> memref<100000x1024xf32, #tpu.memory_space<hbm>>
      tpu.wait_indirect_dma semaphore(%arg14 : memref<!tpu.dma_semaphore, #tpu.memory_space<semaphore_mem>>) src(%dma_wait3A_1292 : memref<100000x1024xf32, #tpu.memory_space<hbm>>) dst(%dma_wait3A_1286 : memref<24x1024xf32, #tpu.memory_space<vmem>>)
      %dma_wait3A_1293 = arith.constant 1 : i32
      %dma_wait3A_1294 = arith.constant 0 : i32
      %dma_wait3A_1295 = arith.constant 0 : i32
      %dma_wait3A_1296 = tpu.memref_slice %arg10[%dma_wait3A_1293, %dma_wait3A_1294, %dma_wait3A_1295] : memref<2x8x1024xf32, #tpu.memory_space<vmem>> -> memref<1x8x1024xf32, #tpu.memory_space<vmem>>
      %dma_wait3A_1297 = tpu.memref_squeeze %dma_wait3A_1296 : memref<1x8x1024xf32, #tpu.memory_space<vmem>> -> memref<8x1024xf32, #tpu.memory_space<vmem>>
      %dma_wait3A_1298 = arith.constant 0 : i32
      %dma_wait3A_1299 = tpu.memref_slice %arg5[%mul3A_2, %dma_wait3A_1298] : memref<8192x1024xf32, #tpu.memory_space<hbm>> -> memref<8x1024xf32, #tpu.memory_space<hbm>>
      %dma_wait3A_1300 = arith.constant 0 : i32
      %dma_wait3A_1301 = tpu.memref_slice %arg5[%mul3A_2, %dma_wait3A_1300] : memref<8192x1024xf32, #tpu.memory_space<hbm>> -> memref<8x1024xf32, #tpu.memory_space<hbm>>
      %dma_wait3A_1302 = arith.constant 0 : i32
      %dma_wait3A_1303 = arith.constant 0 : i32
      %dma_wait3A_1304 = tpu.memref_slice %arg10[%dma_wait3A_1293, %dma_wait3A_1302, %dma_wait3A_1303] : memref<2x8x1024xf32, #tpu.memory_space<vmem>> -> memref<1x8x1024xf32, #tpu.memory_space<vmem>>
      %dma_wait3A_1305 = tpu.memref_squeeze %dma_wait3A_1304 : memref<1x8x1024xf32, #tpu.memory_space<vmem>> -> memref<8x1024xf32, #tpu.memory_space<vmem>>
      tpu.wait_dma2 semaphore(%arg16 : memref<!tpu.dma_semaphore, #tpu.memory_space<semaphore_mem>>) src(%dma_wait3A_1305 : memref<8x1024xf32, #tpu.memory_space<vmem>>) dst(%dma_wait3A_1301 : memref<8x1024xf32, #tpu.memory_space<hbm>>)
      %mul3A_1306 = arith.constant 8 : i32
      %mul3A_1307 = arith.muli %add3A_1272, %mul3A_1306 : i32
      %add3A_1308 = arith.constant 0 : i32
      %add3A_1309 = arith.addi %mul3A_1307, %add3A_1308 : i32
      %add3A_1310 = arith.constant 0 : i32
      %add3A_1311 = arith.addi %add3A_1310, %add3A_1309 : i32
      %broadcast_in_dim3A_1312 = vector.broadcast %add3A_1311 : i32 to vector<16xi32>
      %gather3A_1313 = tpu.vector_load_idx %arg8[%broadcast_in_dim3A_1312] : memref<768xf32, #tpu.memory_space<vmem>>[vector<16xi32>], vector<16xf32>,
      %add3A_1314 = arith.constant 256 : i32
      %add3A_1315 = arith.addi %add3A_1314, %add3A_1309 : i32
      %broadcast_in_dim3A_1316 = vector.broadcast %add3A_1315 : i32 to vector<16xi32>
      %gather3A_1317 = tpu.vector_load_idx %arg8[%broadcast_in_dim3A_1316] : memref<768xf32, #tpu.memory_space<vmem>>[vector<16xi32>], vector<16xf32>,
      %add3A_1318 = arith.constant 512 : i32
      %add3A_1319 = arith.addi %add3A_1318, %add3A_1309 : i32
      %broadcast_in_dim3A_1320 = vector.broadcast %add3A_1319 : i32 to vector<16xi32>
      %gather3A_1321 = tpu.vector_load_idx %arg8[%broadcast_in_dim3A_1320] : memref<768xf32, #tpu.memory_space<vmem>>[vector<16xi32>], vector<16xf32>,
      %parallel_loop3A_1322 = arith.constant 0 : i32
      %parallel_loop3A_1323 = arith.constant 64 : i32
      %parallel_loop3A_1324 = arith.constant 1 : i32
      scf.for %parallel_loop3A_1474 = %parallel_loop3A_1322 to %parallel_loop3A_1323 step %parallel_loop3A_1324  : i32 {
        %parallel_loop3A_1475 = arith.constant 16 : i32
        %parallel_loop3A_1476 = arith.muli %parallel_loop3A_1474, %parallel_loop3A_1475 : i32
        %parallel_loop3A_1477 = arith.constant 3 : i32
        %parallel_loop3A_1478 = arith.constant 0 : i32
        %parallel_loop3A_1479 = arith.index_cast %parallel_loop3A_1477 : i32 to index
        %parallel_loop3A_1480 = arith.index_cast %parallel_loop3A_1478 : i32 to index
        %parallel_loop3A_1481 = arith.index_cast %parallel_loop3A_1476 : i32 to index
        %parallel_loop3A_1482 = tpu.vector_load %arg9[%parallel_loop3A_1479, %parallel_loop3A_1480, %parallel_loop3A_1481] {strides = array<i32>} : memref<4x24x1024xf32, #tpu.memory_space<vmem>>, vector<16xf32>,
        %parallel_loop3A_1483 = arith.constant 3 : i32
        %parallel_loop3A_1484 = arith.constant 1 : i32
        %parallel_loop3A_1485 = arith.index_cast %parallel_loop3A_1483 : i32 to index
        %parallel_loop3A_1486 = arith.index_cast %parallel_loop3A_1484 : i32 to index
        %parallel_loop3A_1487 = arith.index_cast %parallel_loop3A_1476 : i32 to index
        %parallel_loop3A_1488 = tpu.vector_load %arg9[%parallel_loop3A_1485, %parallel_loop3A_1486, %parallel_loop3A_1487] {strides = array<i32>} : memref<4x24x1024xf32, #tpu.memory_space<vmem>>, vector<16xf32>,
        %parallel_loop3A_1489 = arith.constant 3 : i32
        %parallel_loop3A_1490 = arith.constant 2 : i32
        %parallel_loop3A_1491 = arith.index_cast %parallel_loop3A_1489 : i32 to index
        %parallel_loop3A_1492 = arith.index_cast %parallel_loop3A_1490 : i32 to index
        %parallel_loop3A_1493 = arith.index_cast %parallel_loop3A_1476 : i32 to index
        %parallel_loop3A_1494 = tpu.vector_load %arg9[%parallel_loop3A_1491, %parallel_loop3A_1492, %parallel_loop3A_1493] {strides = array<i32>} : memref<4x24x1024xf32, #tpu.memory_space<vmem>>, vector<16xf32>,
        %parallel_loop3A_1495 = arith.mulf %gather3A_1313, %parallel_loop3A_1482 : vector<16xf32>
        %parallel_loop3A_1496 = arith.mulf %gather3A_1317, %parallel_loop3A_1488 : vector<16xf32>
        %parallel_loop3A_1497 = arith.addf %parallel_loop3A_1495, %parallel_loop3A_1496 : vector<16xf32>
        %parallel_loop3A_1498 = arith.mulf %gather3A_1321, %parallel_loop3A_1494 : vector<16xf32>
        %parallel_loop3A_1499 = arith.addf %parallel_loop3A_1497, %parallel_loop3A_1498 : vector<16xf32>
        %parallel_loop3A_1500 = arith.constant 1 : i32
        %parallel_loop3A_1501 = arith.constant 0 : i32
        %parallel_loop3A_1502 = arith.index_cast %parallel_loop3A_1500 : i32 to index
        %parallel_loop3A_1503 = arith.index_cast %parallel_loop3A_1501 : i32 to index
        %parallel_loop3A_1504 = arith.index_cast %parallel_loop3A_1476 : i32 to index
        %parallel_loop3A_1505 = tpu.vector_load %arg10[%parallel_loop3A_1502, %parallel_loop3A_1503, %parallel_loop3A_1504] {strides = array<i32>} : memref<2x8x1024xf32, #tpu.memory_space<vmem>>, vector<16xf32>,
        tpu.vector_store %arg10[%parallel_loop3A_1502, %parallel_loop3A_1503, %parallel_loop3A_1504], %parallel_loop3A_1499 {strides = array<i32>} : memref<2x8x1024xf32, #tpu.memory_space<vmem>>, vector<16xf32>,
      } {sc.loop_unroll_factor = 2 : i64, sc.parallel_access}
      %mul3A_1325 = arith.constant 8 : i32
      %mul3A_1326 = arith.muli %add3A_1272, %mul3A_1325 : i32
      %add3A_1327 = arith.constant 1 : i32
      %add3A_1328 = arith.addi %mul3A_1326, %add3A_1327 : i32
      %add3A_1329 = arith.constant 0 : i32
      %add3A_1330 = arith.addi %add3A_1329, %add3A_1328 : i32
      %broadcast_in_dim3A_1331 = vector.broadcast %add3A_1330 : i32 to vector<16xi32>
      %gather3A_1332 = tpu.vector_load_idx %arg8[%broadcast_in_dim3A_1331] : memref<768xf32, #tpu.memory_space<vmem>>[vector<16xi32>], vector<16xf32>,
      %add3A_1333 = arith.constant 256 : i32
      %add3A_1334 = arith.addi %add3A_1333, %add3A_1328 : i32
      %broadcast_in_dim3A_1335 = vector.broadcast %add3A_1334 : i32 to vector<16xi32>
      %gather3A_1336 = tpu.vector_load_idx %arg8[%broadcast_in_dim3A_1335] : memref<768xf32, #tpu.memory_space<vmem>>[vector<16xi32>], vector<16xf32>,
      %add3A_1337 = arith.constant 512 : i32
      %add3A_1338 = arith.addi %add3A_1337, %add3A_1328 : i32
      %broadcast_in_dim3A_1339 = vector.broadcast %add3A_1338 : i32 to vector<16xi32>
      %gather3A_1340 = tpu.vector_load_idx %arg8[%broadcast_in_dim3A_1339] : memref<768xf32, #tpu.memory_space<vmem>>[vector<16xi32>], vector<16xf32>,
      %parallel_loop3A_1341 = arith.constant 0 : i32
      %parallel_loop3A_1342 = arith.constant 64 : i32
      %parallel_loop3A_1343 = arith.constant 1 : i32
      scf.for %parallel_loop3A_1474 = %parallel_loop3A_1341 to %parallel_loop3A_1342 step %parallel_loop3A_1343  : i32 {
        %parallel_loop3A_1475 = arith.constant 16 : i32
        %parallel_loop3A_1476 = arith.muli %parallel_loop3A_1474, %parallel_loop3A_1475 : i32
        %parallel_loop3A_1477 = arith.constant 3 : i32
        %parallel_loop3A_1478 = arith.constant 3 : i32
        %parallel_loop3A_1479 = arith.index_cast %parallel_loop3A_1477 : i32 to index
        %parallel_loop3A_1480 = arith.index_cast %parallel_loop3A_1478 : i32 to index
        %parallel_loop3A_1481 = arith.index_cast %parallel_loop3A_1476 : i32 to index
        %parallel_loop3A_1482 = tpu.vector_load %arg9[%parallel_loop3A_1479, %parallel_loop3A_1480, %parallel_loop3A_1481] {strides = array<i32>} : memref<4x24x1024xf32, #tpu.memory_space<vmem>>, vector<16xf32>,
        %parallel_loop3A_1483 = arith.constant 3 : i32
        %parallel_loop3A_1484 = arith.constant 4 : i32
        %parallel_loop3A_1485 = arith.index_cast %parallel_loop3A_1483 : i32 to index
        %parallel_loop3A_1486 = arith.index_cast %parallel_loop3A_1484 : i32 to index
        %parallel_loop3A_1487 = arith.index_cast %parallel_loop3A_1476 : i32 to index
        %parallel_loop3A_1488 = tpu.vector_load %arg9[%parallel_loop3A_1485, %parallel_loop3A_1486, %parallel_loop3A_1487] {strides = array<i32>} : memref<4x24x1024xf32, #tpu.memory_space<vmem>>, vector<16xf32>,
        %parallel_loop3A_1489 = arith.constant 3 : i32
        %parallel_loop3A_1490 = arith.constant 5 : i32
        %parallel_loop3A_1491 = arith.index_cast %parallel_loop3A_1489 : i32 to index
        %parallel_loop3A_1492 = arith.index_cast %parallel_loop3A_1490 : i32 to index
        %parallel_loop3A_1493 = arith.index_cast %parallel_loop3A_1476 : i32 to index
        %parallel_loop3A_1494 = tpu.vector_load %arg9[%parallel_loop3A_1491, %parallel_loop3A_1492, %parallel_loop3A_1493] {strides = array<i32>} : memref<4x24x1024xf32, #tpu.memory_space<vmem>>, vector<16xf32>,
        %parallel_loop3A_1495 = arith.mulf %gather3A_1332, %parallel_loop3A_1482 : vector<16xf32>
        %parallel_loop3A_1496 = arith.mulf %gather3A_1336, %parallel_loop3A_1488 : vector<16xf32>
        %parallel_loop3A_1497 = arith.addf %parallel_loop3A_1495, %parallel_loop3A_1496 : vector<16xf32>
        %parallel_loop3A_1498 = arith.mulf %gather3A_1340, %parallel_loop3A_1494 : vector<16xf32>
        %parallel_loop3A_1499 = arith.addf %parallel_loop3A_1497, %parallel_loop3A_1498 : vector<16xf32>
        %parallel_loop3A_1500 = arith.constant 1 : i32
        %parallel_loop3A_1501 = arith.constant 1 : i32
        %parallel_loop3A_1502 = arith.index_cast %parallel_loop3A_1500 : i32 to index
        %parallel_loop3A_1503 = arith.index_cast %parallel_loop3A_1501 : i32 to index
        %parallel_loop3A_1504 = arith.index_cast %parallel_loop3A_1476 : i32 to index
        %parallel_loop3A_1505 = tpu.vector_load %arg10[%parallel_loop3A_1502, %parallel_loop3A_1503, %parallel_loop3A_1504] {strides = array<i32>} : memref<2x8x1024xf32, #tpu.memory_space<vmem>>, vector<16xf32>,
        tpu.vector_store %arg10[%parallel_loop3A_1502, %parallel_loop3A_1503, %parallel_loop3A_1504], %parallel_loop3A_1499 {strides = array<i32>} : memref<2x8x1024xf32, #tpu.memory_space<vmem>>, vector<16xf32>,
      } {sc.loop_unroll_factor = 2 : i64, sc.parallel_access}
      %mul3A_1344 = arith.constant 8 : i32
      %mul3A_1345 = arith.muli %add3A_1272, %mul3A_1344 : i32
      %add3A_1346 = arith.constant 2 : i32
      %add3A_1347 = arith.addi %mul3A_1345, %add3A_1346 : i32
      %add3A_1348 = arith.constant 0 : i32
      %add3A_1349 = arith.addi %add3A_1348, %add3A_1347 : i32
      %broadcast_in_dim3A_1350 = vector.broadcast %add3A_1349 : i32 to vector<16xi32>
      %gather3A_1351 = tpu.vector_load_idx %arg8[%broadcast_in_dim3A_1350] : memref<768xf32, #tpu.memory_space<vmem>>[vector<16xi32>], vector<16xf32>,
      %add3A_1352 = arith.constant 256 : i32
      %add3A_1353 = arith.addi %add3A_1352, %add3A_1347 : i32
      %broadcast_in_dim3A_1354 = vector.broadcast %add3A_1353 : i32 to vector<16xi32>
      %gather3A_1355 = tpu.vector_load_idx %arg8[%broadcast_in_dim3A_1354] : memref<768xf32, #tpu.memory_space<vmem>>[vector<16xi32>], vector<16xf32>,
      %add3A_1356 = arith.constant 512 : i32
      %add3A_1357 = arith.addi %add3A_1356, %add3A_1347 : i32
      %broadcast_in_dim3A_1358 = vector.broadcast %add3A_1357 : i32 to vector<16xi32>
      %gather3A_1359 = tpu.vector_load_idx %arg8[%broadcast_in_dim3A_1358] : memref<768xf32, #tpu.memory_space<vmem>>[vector<16xi32>], vector<16xf32>,
      %parallel_loop3A_1360 = arith.constant 0 : i32
      %parallel_loop3A_1361 = arith.constant 64 : i32
      %parallel_loop3A_1362 = arith.constant 1 : i32
      scf.for %parallel_loop3A_1474 = %parallel_loop3A_1360 to %parallel_loop3A_1361 step %parallel_loop3A_1362  : i32 {
        %parallel_loop3A_1475 = arith.constant 16 : i32
        %parallel_loop3A_1476 = arith.muli %parallel_loop3A_1474, %parallel_loop3A_1475 : i32
        %parallel_loop3A_1477 = arith.constant 3 : i32
        %parallel_loop3A_1478 = arith.constant 6 : i32
        %parallel_loop3A_1479 = arith.index_cast %parallel_loop3A_1477 : i32 to index
        %parallel_loop3A_1480 = arith.index_cast %parallel_loop3A_1478 : i32 to index
        %parallel_loop3A_1481 = arith.index_cast %parallel_loop3A_1476 : i32 to index
        %parallel_loop3A_1482 = tpu.vector_load %arg9[%parallel_loop3A_1479, %parallel_loop3A_1480, %parallel_loop3A_1481] {strides = array<i32>} : memref<4x24x1024xf32, #tpu.memory_space<vmem>>, vector<16xf32>,
        %parallel_loop3A_1483 = arith.constant 3 : i32
        %parallel_loop3A_1484 = arith.constant 7 : i32
        %parallel_loop3A_1485 = arith.index_cast %parallel_loop3A_1483 : i32 to index
        %parallel_loop3A_1486 = arith.index_cast %parallel_loop3A_1484 : i32 to index
        %parallel_loop3A_1487 = arith.index_cast %parallel_loop3A_1476 : i32 to index
        %parallel_loop3A_1488 = tpu.vector_load %arg9[%parallel_loop3A_1485, %parallel_loop3A_1486, %parallel_loop3A_1487] {strides = array<i32>} : memref<4x24x1024xf32, #tpu.memory_space<vmem>>, vector<16xf32>,
        %parallel_loop3A_1489 = arith.constant 3 : i32
        %parallel_loop3A_1490 = arith.constant 8 : i32
        %parallel_loop3A_1491 = arith.index_cast %parallel_loop3A_1489 : i32 to index
        %parallel_loop3A_1492 = arith.index_cast %parallel_loop3A_1490 : i32 to index
        %parallel_loop3A_1493 = arith.index_cast %parallel_loop3A_1476 : i32 to index
        %parallel_loop3A_1494 = tpu.vector_load %arg9[%parallel_loop3A_1491, %parallel_loop3A_1492, %parallel_loop3A_1493] {strides = array<i32>} : memref<4x24x1024xf32, #tpu.memory_space<vmem>>, vector<16xf32>,
        %parallel_loop3A_1495 = arith.mulf %gather3A_1351, %parallel_loop3A_1482 : vector<16xf32>
        %parallel_loop3A_1496 = arith.mulf %gather3A_1355, %parallel_loop3A_1488 : vector<16xf32>
        %parallel_loop3A_1497 = arith.addf %parallel_loop3A_1495, %parallel_loop3A_1496 : vector<16xf32>
        %parallel_loop3A_1498 = arith.mulf %gather3A_1359, %parallel_loop3A_1494 : vector<16xf32>
        %parallel_loop3A_1499 = arith.addf %parallel_loop3A_1497, %parallel_loop3A_1498 : vector<16xf32>
        %parallel_loop3A_1500 = arith.constant 1 : i32
        %parallel_loop3A_1501 = arith.constant 2 : i32
        %parallel_loop3A_1502 = arith.index_cast %parallel_loop3A_1500 : i32 to index
        %parallel_loop3A_1503 = arith.index_cast %parallel_loop3A_1501 : i32 to index
        %parallel_loop3A_1504 = arith.index_cast %parallel_loop3A_1476 : i32 to index
        %parallel_loop3A_1505 = tpu.vector_load %arg10[%parallel_loop3A_1502, %parallel_loop3A_1503, %parallel_loop3A_1504] {strides = array<i32>} : memref<2x8x1024xf32, #tpu.memory_space<vmem>>, vector<16xf32>,
        tpu.vector_store %arg10[%parallel_loop3A_1502, %parallel_loop3A_1503, %parallel_loop3A_1504], %parallel_loop3A_1499 {strides = array<i32>} : memref<2x8x1024xf32, #tpu.memory_space<vmem>>, vector<16xf32>,
      } {sc.loop_unroll_factor = 2 : i64, sc.parallel_access}
      %mul3A_1363 = arith.constant 8 : i32
      %mul3A_1364 = arith.muli %add3A_1272, %mul3A_1363 : i32
      %add3A_1365 = arith.constant 3 : i32
      %add3A_1366 = arith.addi %mul3A_1364, %add3A_1365 : i32
      %add3A_1367 = arith.constant 0 : i32
      %add3A_1368 = arith.addi %add3A_1367, %add3A_1366 : i32
      %broadcast_in_dim3A_1369 = vector.broadcast %add3A_1368 : i32 to vector<16xi32>
      %gather3A_1370 = tpu.vector_load_idx %arg8[%broadcast_in_dim3A_1369] : memref<768xf32, #tpu.memory_space<vmem>>[vector<16xi32>], vector<16xf32>,
      %add3A_1371 = arith.constant 256 : i32
      %add3A_1372 = arith.addi %add3A_1371, %add3A_1366 : i32
      %broadcast_in_dim3A_1373 = vector.broadcast %add3A_1372 : i32 to vector<16xi32>
      %gather3A_1374 = tpu.vector_load_idx %arg8[%broadcast_in_dim3A_1373] : memref<768xf32, #tpu.memory_space<vmem>>[vector<16xi32>], vector<16xf32>,
      %add3A_1375 = arith.constant 512 : i32
      %add3A_1376 = arith.addi %add3A_1375, %add3A_1366 : i32
      %broadcast_in_dim3A_1377 = vector.broadcast %add3A_1376 : i32 to vector<16xi32>
      %gather3A_1378 = tpu.vector_load_idx %arg8[%broadcast_in_dim3A_1377] : memref<768xf32, #tpu.memory_space<vmem>>[vector<16xi32>], vector<16xf32>,
      %parallel_loop3A_1379 = arith.constant 0 : i32
      %parallel_loop3A_1380 = arith.constant 64 : i32
      %parallel_loop3A_1381 = arith.constant 1 : i32
      scf.for %parallel_loop3A_1474 = %parallel_loop3A_1379 to %parallel_loop3A_1380 step %parallel_loop3A_1381  : i32 {
        %parallel_loop3A_1475 = arith.constant 16 : i32
        %parallel_loop3A_1476 = arith.muli %parallel_loop3A_1474, %parallel_loop3A_1475 : i32
        %parallel_loop3A_1477 = arith.constant 3 : i32
        %parallel_loop3A_1478 = arith.constant 9 : i32
        %parallel_loop3A_1479 = arith.index_cast %parallel_loop3A_1477 : i32 to index
        %parallel_loop3A_1480 = arith.index_cast %parallel_loop3A_1478 : i32 to index
        %parallel_loop3A_1481 = arith.index_cast %parallel_loop3A_1476 : i32 to index
        %parallel_loop3A_1482 = tpu.vector_load %arg9[%parallel_loop3A_1479, %parallel_loop3A_1480, %parallel_loop3A_1481] {strides = array<i32>} : memref<4x24x1024xf32, #tpu.memory_space<vmem>>, vector<16xf32>,
        %parallel_loop3A_1483 = arith.constant 3 : i32
        %parallel_loop3A_1484 = arith.constant 10 : i32
        %parallel_loop3A_1485 = arith.index_cast %parallel_loop3A_1483 : i32 to index
        %parallel_loop3A_1486 = arith.index_cast %parallel_loop3A_1484 : i32 to index
        %parallel_loop3A_1487 = arith.index_cast %parallel_loop3A_1476 : i32 to index
        %parallel_loop3A_1488 = tpu.vector_load %arg9[%parallel_loop3A_1485, %parallel_loop3A_1486, %parallel_loop3A_1487] {strides = array<i32>} : memref<4x24x1024xf32, #tpu.memory_space<vmem>>, vector<16xf32>,
        %parallel_loop3A_1489 = arith.constant 3 : i32
        %parallel_loop3A_1490 = arith.constant 11 : i32
        %parallel_loop3A_1491 = arith.index_cast %parallel_loop3A_1489 : i32 to index
        %parallel_loop3A_1492 = arith.index_cast %parallel_loop3A_1490 : i32 to index
        %parallel_loop3A_1493 = arith.index_cast %parallel_loop3A_1476 : i32 to index
        %parallel_loop3A_1494 = tpu.vector_load %arg9[%parallel_loop3A_1491, %parallel_loop3A_1492, %parallel_loop3A_1493] {strides = array<i32>} : memref<4x24x1024xf32, #tpu.memory_space<vmem>>, vector<16xf32>,
        %parallel_loop3A_1495 = arith.mulf %gather3A_1370, %parallel_loop3A_1482 : vector<16xf32>
        %parallel_loop3A_1496 = arith.mulf %gather3A_1374, %parallel_loop3A_1488 : vector<16xf32>
        %parallel_loop3A_1497 = arith.addf %parallel_loop3A_1495, %parallel_loop3A_1496 : vector<16xf32>
        %parallel_loop3A_1498 = arith.mulf %gather3A_1378, %parallel_loop3A_1494 : vector<16xf32>
        %parallel_loop3A_1499 = arith.addf %parallel_loop3A_1497, %parallel_loop3A_1498 : vector<16xf32>
        %parallel_loop3A_1500 = arith.constant 1 : i32
        %parallel_loop3A_1501 = arith.constant 3 : i32
        %parallel_loop3A_1502 = arith.index_cast %parallel_loop3A_1500 : i32 to index
        %parallel_loop3A_1503 = arith.index_cast %parallel_loop3A_1501 : i32 to index
        %parallel_loop3A_1504 = arith.index_cast %parallel_loop3A_1476 : i32 to index
        %parallel_loop3A_1505 = tpu.vector_load %arg10[%parallel_loop3A_1502, %parallel_loop3A_1503, %parallel_loop3A_1504] {strides = array<i32>} : memref<2x8x1024xf32, #tpu.memory_space<vmem>>, vector<16xf32>,
        tpu.vector_store %arg10[%parallel_loop3A_1502, %parallel_loop3A_1503, %parallel_loop3A_1504], %parallel_loop3A_1499 {strides = array<i32>} : memref<2x8x1024xf32, #tpu.memory_space<vmem>>, vector<16xf32>,
      } {sc.loop_unroll_factor = 2 : i64, sc.parallel_access}
      %mul3A_1382 = arith.constant 8 : i32
      %mul3A_1383 = arith.muli %add3A_1272, %mul3A_1382 : i32
      %add3A_1384 = arith.constant 4 : i32
      %add3A_1385 = arith.addi %mul3A_1383, %add3A_1384 : i32
      %add3A_1386 = arith.constant 0 : i32
      %add3A_1387 = arith.addi %add3A_1386, %add3A_1385 : i32
      %broadcast_in_dim3A_1388 = vector.broadcast %add3A_1387 : i32 to vector<16xi32>
      %gather3A_1389 = tpu.vector_load_idx %arg8[%broadcast_in_dim3A_1388] : memref<768xf32, #tpu.memory_space<vmem>>[vector<16xi32>], vector<16xf32>,
      %add3A_1390 = arith.constant 256 : i32
      %add3A_1391 = arith.addi %add3A_1390, %add3A_1385 : i32
      %broadcast_in_dim3A_1392 = vector.broadcast %add3A_1391 : i32 to vector<16xi32>
      %gather3A_1393 = tpu.vector_load_idx %arg8[%broadcast_in_dim3A_1392] : memref<768xf32, #tpu.memory_space<vmem>>[vector<16xi32>], vector<16xf32>,
      %add3A_1394 = arith.constant 512 : i32
      %add3A_1395 = arith.addi %add3A_1394, %add3A_1385 : i32
      %broadcast_in_dim3A_1396 = vector.broadcast %add3A_1395 : i32 to vector<16xi32>
      %gather3A_1397 = tpu.vector_load_idx %arg8[%broadcast_in_dim3A_1396] : memref<768xf32, #tpu.memory_space<vmem>>[vector<16xi32>], vector<16xf32>,
      %parallel_loop3A_1398 = arith.constant 0 : i32
      %parallel_loop3A_1399 = arith.constant 64 : i32
      %parallel_loop3A_1400 = arith.constant 1 : i32
      scf.for %parallel_loop3A_1474 = %parallel_loop3A_1398 to %parallel_loop3A_1399 step %parallel_loop3A_1400  : i32 {
        %parallel_loop3A_1475 = arith.constant 16 : i32
        %parallel_loop3A_1476 = arith.muli %parallel_loop3A_1474, %parallel_loop3A_1475 : i32
        %parallel_loop3A_1477 = arith.constant 3 : i32
        %parallel_loop3A_1478 = arith.constant 12 : i32
        %parallel_loop3A_1479 = arith.index_cast %parallel_loop3A_1477 : i32 to index
        %parallel_loop3A_1480 = arith.index_cast %parallel_loop3A_1478 : i32 to index
        %parallel_loop3A_1481 = arith.index_cast %parallel_loop3A_1476 : i32 to index
        %parallel_loop3A_1482 = tpu.vector_load %arg9[%parallel_loop3A_1479, %parallel_loop3A_1480, %parallel_loop3A_1481] {strides = array<i32>} : memref<4x24x1024xf32, #tpu.memory_space<vmem>>, vector<16xf32>,
        %parallel_loop3A_1483 = arith.constant 3 : i32
        %parallel_loop3A_1484 = arith.constant 13 : i32
        %parallel_loop3A_1485 = arith.index_cast %parallel_loop3A_1483 : i32 to index
        %parallel_loop3A_1486 = arith.index_cast %parallel_loop3A_1484 : i32 to index
        %parallel_loop3A_1487 = arith.index_cast %parallel_loop3A_1476 : i32 to index
        %parallel_loop3A_1488 = tpu.vector_load %arg9[%parallel_loop3A_1485, %parallel_loop3A_1486, %parallel_loop3A_1487] {strides = array<i32>} : memref<4x24x1024xf32, #tpu.memory_space<vmem>>, vector<16xf32>,
        %parallel_loop3A_1489 = arith.constant 3 : i32
        %parallel_loop3A_1490 = arith.constant 14 : i32
        %parallel_loop3A_1491 = arith.index_cast %parallel_loop3A_1489 : i32 to index
        %parallel_loop3A_1492 = arith.index_cast %parallel_loop3A_1490 : i32 to index
        %parallel_loop3A_1493 = arith.index_cast %parallel_loop3A_1476 : i32 to index
        %parallel_loop3A_1494 = tpu.vector_load %arg9[%parallel_loop3A_1491, %parallel_loop3A_1492, %parallel_loop3A_1493] {strides = array<i32>} : memref<4x24x1024xf32, #tpu.memory_space<vmem>>, vector<16xf32>,
        %parallel_loop3A_1495 = arith.mulf %gather3A_1389, %parallel_loop3A_1482 : vector<16xf32>
        %parallel_loop3A_1496 = arith.mulf %gather3A_1393, %parallel_loop3A_1488 : vector<16xf32>
        %parallel_loop3A_1497 = arith.addf %parallel_loop3A_1495, %parallel_loop3A_1496 : vector<16xf32>
        %parallel_loop3A_1498 = arith.mulf %gather3A_1397, %parallel_loop3A_1494 : vector<16xf32>
        %parallel_loop3A_1499 = arith.addf %parallel_loop3A_1497, %parallel_loop3A_1498 : vector<16xf32>
        %parallel_loop3A_1500 = arith.constant 1 : i32
        %parallel_loop3A_1501 = arith.constant 4 : i32
        %parallel_loop3A_1502 = arith.index_cast %parallel_loop3A_1500 : i32 to index
        %parallel_loop3A_1503 = arith.index_cast %parallel_loop3A_1501 : i32 to index
        %parallel_loop3A_1504 = arith.index_cast %parallel_loop3A_1476 : i32 to index
        %parallel_loop3A_1505 = tpu.vector_load %arg10[%parallel_loop3A_1502, %parallel_loop3A_1503, %parallel_loop3A_1504] {strides = array<i32>} : memref<2x8x1024xf32, #tpu.memory_space<vmem>>, vector<16xf32>,
        tpu.vector_store %arg10[%parallel_loop3A_1502, %parallel_loop3A_1503, %parallel_loop3A_1504], %parallel_loop3A_1499 {strides = array<i32>} : memref<2x8x1024xf32, #tpu.memory_space<vmem>>, vector<16xf32>,
      } {sc.loop_unroll_factor = 2 : i64, sc.parallel_access}
      %mul3A_1401 = arith.constant 8 : i32
      %mul3A_1402 = arith.muli %add3A_1272, %mul3A_1401 : i32
      %add3A_1403 = arith.constant 5 : i32
      %add3A_1404 = arith.addi %mul3A_1402, %add3A_1403 : i32
      %add3A_1405 = arith.constant 0 : i32
      %add3A_1406 = arith.addi %add3A_1405, %add3A_1404 : i32
      %broadcast_in_dim3A_1407 = vector.broadcast %add3A_1406 : i32 to vector<16xi32>
      %gather3A_1408 = tpu.vector_load_idx %arg8[%broadcast_in_dim3A_1407] : memref<768xf32, #tpu.memory_space<vmem>>[vector<16xi32>], vector<16xf32>,
      %add3A_1409 = arith.constant 256 : i32
      %add3A_1410 = arith.addi %add3A_1409, %add3A_1404 : i32
      %broadcast_in_dim3A_1411 = vector.broadcast %add3A_1410 : i32 to vector<16xi32>
      %gather3A_1412 = tpu.vector_load_idx %arg8[%broadcast_in_dim3A_1411] : memref<768xf32, #tpu.memory_space<vmem>>[vector<16xi32>], vector<16xf32>,
      %add3A_1413 = arith.constant 512 : i32
      %add3A_1414 = arith.addi %add3A_1413, %add3A_1404 : i32
      %broadcast_in_dim3A_1415 = vector.broadcast %add3A_1414 : i32 to vector<16xi32>
      %gather3A_1416 = tpu.vector_load_idx %arg8[%broadcast_in_dim3A_1415] : memref<768xf32, #tpu.memory_space<vmem>>[vector<16xi32>], vector<16xf32>,
      %parallel_loop3A_1417 = arith.constant 0 : i32
      %parallel_loop3A_1418 = arith.constant 64 : i32
      %parallel_loop3A_1419 = arith.constant 1 : i32
      scf.for %parallel_loop3A_1474 = %parallel_loop3A_1417 to %parallel_loop3A_1418 step %parallel_loop3A_1419  : i32 {
        %parallel_loop3A_1475 = arith.constant 16 : i32
        %parallel_loop3A_1476 = arith.muli %parallel_loop3A_1474, %parallel_loop3A_1475 : i32
        %parallel_loop3A_1477 = arith.constant 3 : i32
        %parallel_loop3A_1478 = arith.constant 15 : i32
        %parallel_loop3A_1479 = arith.index_cast %parallel_loop3A_1477 : i32 to index
        %parallel_loop3A_1480 = arith.index_cast %parallel_loop3A_1478 : i32 to index
        %parallel_loop3A_1481 = arith.index_cast %parallel_loop3A_1476 : i32 to index
        %parallel_loop3A_1482 = tpu.vector_load %arg9[%parallel_loop3A_1479, %parallel_loop3A_1480, %parallel_loop3A_1481] {strides = array<i32>} : memref<4x24x1024xf32, #tpu.memory_space<vmem>>, vector<16xf32>,
        %parallel_loop3A_1483 = arith.constant 3 : i32
        %parallel_loop3A_1484 = arith.constant 16 : i32
        %parallel_loop3A_1485 = arith.index_cast %parallel_loop3A_1483 : i32 to index
        %parallel_loop3A_1486 = arith.index_cast %parallel_loop3A_1484 : i32 to index
        %parallel_loop3A_1487 = arith.index_cast %parallel_loop3A_1476 : i32 to index
        %parallel_loop3A_1488 = tpu.vector_load %arg9[%parallel_loop3A_1485, %parallel_loop3A_1486, %parallel_loop3A_1487] {strides = array<i32>} : memref<4x24x1024xf32, #tpu.memory_space<vmem>>, vector<16xf32>,
        %parallel_loop3A_1489 = arith.constant 3 : i32
        %parallel_loop3A_1490 = arith.constant 17 : i32
        %parallel_loop3A_1491 = arith.index_cast %parallel_loop3A_1489 : i32 to index
        %parallel_loop3A_1492 = arith.index_cast %parallel_loop3A_1490 : i32 to index
        %parallel_loop3A_1493 = arith.index_cast %parallel_loop3A_1476 : i32 to index
        %parallel_loop3A_1494 = tpu.vector_load %arg9[%parallel_loop3A_1491, %parallel_loop3A_1492, %parallel_loop3A_1493] {strides = array<i32>} : memref<4x24x1024xf32, #tpu.memory_space<vmem>>, vector<16xf32>,
        %parallel_loop3A_1495 = arith.mulf %gather3A_1408, %parallel_loop3A_1482 : vector<16xf32>
        %parallel_loop3A_1496 = arith.mulf %gather3A_1412, %parallel_loop3A_1488 : vector<16xf32>
        %parallel_loop3A_1497 = arith.addf %parallel_loop3A_1495, %parallel_loop3A_1496 : vector<16xf32>
        %parallel_loop3A_1498 = arith.mulf %gather3A_1416, %parallel_loop3A_1494 : vector<16xf32>
        %parallel_loop3A_1499 = arith.addf %parallel_loop3A_1497, %parallel_loop3A_1498 : vector<16xf32>
        %parallel_loop3A_1500 = arith.constant 1 : i32
        %parallel_loop3A_1501 = arith.constant 5 : i32
        %parallel_loop3A_1502 = arith.index_cast %parallel_loop3A_1500 : i32 to index
        %parallel_loop3A_1503 = arith.index_cast %parallel_loop3A_1501 : i32 to index
        %parallel_loop3A_1504 = arith.index_cast %parallel_loop3A_1476 : i32 to index
        %parallel_loop3A_1505 = tpu.vector_load %arg10[%parallel_loop3A_1502, %parallel_loop3A_1503, %parallel_loop3A_1504] {strides = array<i32>} : memref<2x8x1024xf32, #tpu.memory_space<vmem>>, vector<16xf32>,
        tpu.vector_store %arg10[%parallel_loop3A_1502, %parallel_loop3A_1503, %parallel_loop3A_1504], %parallel_loop3A_1499 {strides = array<i32>} : memref<2x8x1024xf32, #tpu.memory_space<vmem>>, vector<16xf32>,
      } {sc.loop_unroll_factor = 2 : i64, sc.parallel_access}
      %mul3A_1420 = arith.constant 8 : i32
      %mul3A_1421 = arith.muli %add3A_1272, %mul3A_1420 : i32
      %add3A_1422 = arith.constant 6 : i32
      %add3A_1423 = arith.addi %mul3A_1421, %add3A_1422 : i32
      %add3A_1424 = arith.constant 0 : i32
      %add3A_1425 = arith.addi %add3A_1424, %add3A_1423 : i32
      %broadcast_in_dim3A_1426 = vector.broadcast %add3A_1425 : i32 to vector<16xi32>
      %gather3A_1427 = tpu.vector_load_idx %arg8[%broadcast_in_dim3A_1426] : memref<768xf32, #tpu.memory_space<vmem>>[vector<16xi32>], vector<16xf32>,
      %add3A_1428 = arith.constant 256 : i32
      %add3A_1429 = arith.addi %add3A_1428, %add3A_1423 : i32
      %broadcast_in_dim3A_1430 = vector.broadcast %add3A_1429 : i32 to vector<16xi32>
      %gather3A_1431 = tpu.vector_load_idx %arg8[%broadcast_in_dim3A_1430] : memref<768xf32, #tpu.memory_space<vmem>>[vector<16xi32>], vector<16xf32>,
      %add3A_1432 = arith.constant 512 : i32
      %add3A_1433 = arith.addi %add3A_1432, %add3A_1423 : i32
      %broadcast_in_dim3A_1434 = vector.broadcast %add3A_1433 : i32 to vector<16xi32>
      %gather3A_1435 = tpu.vector_load_idx %arg8[%broadcast_in_dim3A_1434] : memref<768xf32, #tpu.memory_space<vmem>>[vector<16xi32>], vector<16xf32>,
      %parallel_loop3A_1436 = arith.constant 0 : i32
      %parallel_loop3A_1437 = arith.constant 64 : i32
      %parallel_loop3A_1438 = arith.constant 1 : i32
      scf.for %parallel_loop3A_1474 = %parallel_loop3A_1436 to %parallel_loop3A_1437 step %parallel_loop3A_1438  : i32 {
        %parallel_loop3A_1475 = arith.constant 16 : i32
        %parallel_loop3A_1476 = arith.muli %parallel_loop3A_1474, %parallel_loop3A_1475 : i32
        %parallel_loop3A_1477 = arith.constant 3 : i32
        %parallel_loop3A_1478 = arith.constant 18 : i32
        %parallel_loop3A_1479 = arith.index_cast %parallel_loop3A_1477 : i32 to index
        %parallel_loop3A_1480 = arith.index_cast %parallel_loop3A_1478 : i32 to index
        %parallel_loop3A_1481 = arith.index_cast %parallel_loop3A_1476 : i32 to index
        %parallel_loop3A_1482 = tpu.vector_load %arg9[%parallel_loop3A_1479, %parallel_loop3A_1480, %parallel_loop3A_1481] {strides = array<i32>} : memref<4x24x1024xf32, #tpu.memory_space<vmem>>, vector<16xf32>,
        %parallel_loop3A_1483 = arith.constant 3 : i32
        %parallel_loop3A_1484 = arith.constant 19 : i32
        %parallel_loop3A_1485 = arith.index_cast %parallel_loop3A_1483 : i32 to index
        %parallel_loop3A_1486 = arith.index_cast %parallel_loop3A_1484 : i32 to index
        %parallel_loop3A_1487 = arith.index_cast %parallel_loop3A_1476 : i32 to index
        %parallel_loop3A_1488 = tpu.vector_load %arg9[%parallel_loop3A_1485, %parallel_loop3A_1486, %parallel_loop3A_1487] {strides = array<i32>} : memref<4x24x1024xf32, #tpu.memory_space<vmem>>, vector<16xf32>,
        %parallel_loop3A_1489 = arith.constant 3 : i32
        %parallel_loop3A_1490 = arith.constant 20 : i32
        %parallel_loop3A_1491 = arith.index_cast %parallel_loop3A_1489 : i32 to index
        %parallel_loop3A_1492 = arith.index_cast %parallel_loop3A_1490 : i32 to index
        %parallel_loop3A_1493 = arith.index_cast %parallel_loop3A_1476 : i32 to index
        %parallel_loop3A_1494 = tpu.vector_load %arg9[%parallel_loop3A_1491, %parallel_loop3A_1492, %parallel_loop3A_1493] {strides = array<i32>} : memref<4x24x1024xf32, #tpu.memory_space<vmem>>, vector<16xf32>,
        %parallel_loop3A_1495 = arith.mulf %gather3A_1427, %parallel_loop3A_1482 : vector<16xf32>
        %parallel_loop3A_1496 = arith.mulf %gather3A_1431, %parallel_loop3A_1488 : vector<16xf32>
        %parallel_loop3A_1497 = arith.addf %parallel_loop3A_1495, %parallel_loop3A_1496 : vector<16xf32>
        %parallel_loop3A_1498 = arith.mulf %gather3A_1435, %parallel_loop3A_1494 : vector<16xf32>
        %parallel_loop3A_1499 = arith.addf %parallel_loop3A_1497, %parallel_loop3A_1498 : vector<16xf32>
        %parallel_loop3A_1500 = arith.constant 1 : i32
        %parallel_loop3A_1501 = arith.constant 6 : i32
        %parallel_loop3A_1502 = arith.index_cast %parallel_loop3A_1500 : i32 to index
        %parallel_loop3A_1503 = arith.index_cast %parallel_loop3A_1501 : i32 to index
        %parallel_loop3A_1504 = arith.index_cast %parallel_loop3A_1476 : i32 to index
        %parallel_loop3A_1505 = tpu.vector_load %arg10[%parallel_loop3A_1502, %parallel_loop3A_1503, %parallel_loop3A_1504] {strides = array<i32>} : memref<2x8x1024xf32, #tpu.memory_space<vmem>>, vector<16xf32>,
        tpu.vector_store %arg10[%parallel_loop3A_1502, %parallel_loop3A_1503, %parallel_loop3A_1504], %parallel_loop3A_1499 {strides = array<i32>} : memref<2x8x1024xf32, #tpu.memory_space<vmem>>, vector<16xf32>,
      } {sc.loop_unroll_factor = 2 : i64, sc.parallel_access}
      %mul3A_1439 = arith.constant 8 : i32
      %mul3A_1440 = arith.muli %add3A_1272, %mul3A_1439 : i32
      %add3A_1441 = arith.constant 7 : i32
      %add3A_1442 = arith.addi %mul3A_1440, %add3A_1441 : i32
      %add3A_1443 = arith.constant 0 : i32
      %add3A_1444 = arith.addi %add3A_1443, %add3A_1442 : i32
      %broadcast_in_dim3A_1445 = vector.broadcast %add3A_1444 : i32 to vector<16xi32>
      %gather3A_1446 = tpu.vector_load_idx %arg8[%broadcast_in_dim3A_1445] : memref<768xf32, #tpu.memory_space<vmem>>[vector<16xi32>], vector<16xf32>,
      %add3A_1447 = arith.constant 256 : i32
      %add3A_1448 = arith.addi %add3A_1447, %add3A_1442 : i32
      %broadcast_in_dim3A_1449 = vector.broadcast %add3A_1448 : i32 to vector<16xi32>
      %gather3A_1450 = tpu.vector_load_idx %arg8[%broadcast_in_dim3A_1449] : memref<768xf32, #tpu.memory_space<vmem>>[vector<16xi32>], vector<16xf32>,
      %add3A_1451 = arith.constant 512 : i32
      %add3A_1452 = arith.addi %add3A_1451, %add3A_1442 : i32
      %broadcast_in_dim3A_1453 = vector.broadcast %add3A_1452 : i32 to vector<16xi32>
      %gather3A_1454 = tpu.vector_load_idx %arg8[%broadcast_in_dim3A_1453] : memref<768xf32, #tpu.memory_space<vmem>>[vector<16xi32>], vector<16xf32>,
      %parallel_loop3A_1455 = arith.constant 0 : i32
      %parallel_loop3A_1456 = arith.constant 64 : i32
      %parallel_loop3A_1457 = arith.constant 1 : i32
      scf.for %parallel_loop3A_1474 = %parallel_loop3A_1455 to %parallel_loop3A_1456 step %parallel_loop3A_1457  : i32 {
        %parallel_loop3A_1475 = arith.constant 16 : i32
        %parallel_loop3A_1476 = arith.muli %parallel_loop3A_1474, %parallel_loop3A_1475 : i32
        %parallel_loop3A_1477 = arith.constant 3 : i32
        %parallel_loop3A_1478 = arith.constant 21 : i32
        %parallel_loop3A_1479 = arith.index_cast %parallel_loop3A_1477 : i32 to index
        %parallel_loop3A_1480 = arith.index_cast %parallel_loop3A_1478 : i32 to index
        %parallel_loop3A_1481 = arith.index_cast %parallel_loop3A_1476 : i32 to index
        %parallel_loop3A_1482 = tpu.vector_load %arg9[%parallel_loop3A_1479, %parallel_loop3A_1480, %parallel_loop3A_1481] {strides = array<i32>} : memref<4x24x1024xf32, #tpu.memory_space<vmem>>, vector<16xf32>,
        %parallel_loop3A_1483 = arith.constant 3 : i32
        %parallel_loop3A_1484 = arith.constant 22 : i32
        %parallel_loop3A_1485 = arith.index_cast %parallel_loop3A_1483 : i32 to index
        %parallel_loop3A_1486 = arith.index_cast %parallel_loop3A_1484 : i32 to index
        %parallel_loop3A_1487 = arith.index_cast %parallel_loop3A_1476 : i32 to index
        %parallel_loop3A_1488 = tpu.vector_load %arg9[%parallel_loop3A_1485, %parallel_loop3A_1486, %parallel_loop3A_1487] {strides = array<i32>} : memref<4x24x1024xf32, #tpu.memory_space<vmem>>, vector<16xf32>,
        %parallel_loop3A_1489 = arith.constant 3 : i32
        %parallel_loop3A_1490 = arith.constant 23 : i32
        %parallel_loop3A_1491 = arith.index_cast %parallel_loop3A_1489 : i32 to index
        %parallel_loop3A_1492 = arith.index_cast %parallel_loop3A_1490 : i32 to index
        %parallel_loop3A_1493 = arith.index_cast %parallel_loop3A_1476 : i32 to index
        %parallel_loop3A_1494 = tpu.vector_load %arg9[%parallel_loop3A_1491, %parallel_loop3A_1492, %parallel_loop3A_1493] {strides = array<i32>} : memref<4x24x1024xf32, #tpu.memory_space<vmem>>, vector<16xf32>,
        %parallel_loop3A_1495 = arith.mulf %gather3A_1446, %parallel_loop3A_1482 : vector<16xf32>
        %parallel_loop3A_1496 = arith.mulf %gather3A_1450, %parallel_loop3A_1488 : vector<16xf32>
        %parallel_loop3A_1497 = arith.addf %parallel_loop3A_1495, %parallel_loop3A_1496 : vector<16xf32>
        %parallel_loop3A_1498 = arith.mulf %gather3A_1454, %parallel_loop3A_1494 : vector<16xf32>
        %parallel_loop3A_1499 = arith.addf %parallel_loop3A_1497, %parallel_loop3A_1498 : vector<16xf32>
        %parallel_loop3A_1500 = arith.constant 1 : i32
        %parallel_loop3A_1501 = arith.constant 7 : i32
        %parallel_loop3A_1502 = arith.index_cast %parallel_loop3A_1500 : i32 to index
        %parallel_loop3A_1503 = arith.index_cast %parallel_loop3A_1501 : i32 to index
        %parallel_loop3A_1504 = arith.index_cast %parallel_loop3A_1476 : i32 to index
        %parallel_loop3A_1505 = tpu.vector_load %arg10[%parallel_loop3A_1502, %parallel_loop3A_1503, %parallel_loop3A_1504] {strides = array<i32>} : memref<2x8x1024xf32, #tpu.memory_space<vmem>>, vector<16xf32>,
        tpu.vector_store %arg10[%parallel_loop3A_1502, %parallel_loop3A_1503, %parallel_loop3A_1504], %parallel_loop3A_1499 {strides = array<i32>} : memref<2x8x1024xf32, #tpu.memory_space<vmem>>, vector<16xf32>,
      } {sc.loop_unroll_factor = 2 : i64, sc.parallel_access}
      %mul3A_1458 = arith.constant 8 : i32
      %mul3A_1459 = arith.muli %add3A_1272, %mul3A_1458 : i32
      %add3A_1460 = arith.addi %mul3A_2, %mul3A_1459 : i32
      %dma_start3A_1461 = arith.constant 1 : i32
      %dma_start3A_1462 = arith.constant 0 : i32
      %dma_start3A_1463 = arith.constant 0 : i32
      %dma_start3A_1464 = tpu.memref_slice %arg10[%dma_start3A_1461, %dma_start3A_1462, %dma_start3A_1463] : memref<2x8x1024xf32, #tpu.memory_space<vmem>> -> memref<1x8x1024xf32, #tpu.memory_space<vmem>>
      %dma_start3A_1465 = tpu.memref_squeeze %dma_start3A_1464 : memref<1x8x1024xf32, #tpu.memory_space<vmem>> -> memref<8x1024xf32, #tpu.memory_space<vmem>>
      %dma_start3A_1466 = arith.constant 0 : i32
      %dma_start3A_1467 = tpu.memref_slice %arg5[%add3A_1460, %dma_start3A_1466] : memref<8192x1024xf32, #tpu.memory_space<hbm>> -> memref<8x1024xf32, #tpu.memory_space<hbm>>
      %dma_start3A_1468 = arith.constant 0 : i32
      %dma_start3A_1469 = tpu.memref_slice %arg5[%add3A_1460, %dma_start3A_1468] : memref<8192x1024xf32, #tpu.memory_space<hbm>> -> memref<8x1024xf32, #tpu.memory_space<hbm>>
      %dma_start3A_1470 = arith.constant 0 : i32
      %dma_start3A_1471 = arith.constant 0 : i32
      %dma_start3A_1472 = tpu.memref_slice %arg10[%dma_start3A_1461, %dma_start3A_1470, %dma_start3A_1471] : memref<2x8x1024xf32, #tpu.memory_space<vmem>> -> memref<1x8x1024xf32, #tpu.memory_space<vmem>>
      %dma_start3A_1473 = tpu.memref_squeeze %dma_start3A_1472 : memref<1x8x1024xf32, #tpu.memory_space<vmem>> -> memref<8x1024xf32, #tpu.memory_space<vmem>>
      tpu.enqueue_dma source(%dma_start3A_1473 : memref<8x1024xf32, #tpu.memory_space<vmem>>) target(%dma_start3A_1469 : memref<8x1024xf32, #tpu.memory_space<hbm>>) target_semaphore(%arg16 : memref<!tpu.dma_semaphore, #tpu.memory_space<semaphore_mem>>)
    }
    %scan3A_649 = arith.constant 8 : i32
    %dma_wait3A = arith.constant 0 : i32
    %dma_wait3A_650 = arith.constant 0 : i32
    %dma_wait3A_651 = arith.constant 0 : i32
    %dma_wait3A_652 = tpu.memref_slice %arg10[%dma_wait3A, %dma_wait3A_650, %dma_wait3A_651] : memref<2x8x1024xf32, #tpu.memory_space<vmem>> -> memref<1x8x1024xf32, #tpu.memory_space<vmem>>
    %dma_wait3A_653 = tpu.memref_squeeze %dma_wait3A_652 : memref<1x8x1024xf32, #tpu.memory_space<vmem>> -> memref<8x1024xf32, #tpu.memory_space<vmem>>
    %dma_wait3A_654 = arith.constant 0 : i32
    %dma_wait3A_655 = tpu.memref_slice %arg5[%mul3A_2, %dma_wait3A_654] : memref<8192x1024xf32, #tpu.memory_space<hbm>> -> memref<8x1024xf32, #tpu.memory_space<hbm>>
    %dma_wait3A_656 = arith.constant 0 : i32
    %dma_wait3A_657 = tpu.memref_slice %arg5[%mul3A_2, %dma_wait3A_656] : memref<8192x1024xf32, #tpu.memory_space<hbm>> -> memref<8x1024xf32, #tpu.memory_space<hbm>>
    %dma_wait3A_658 = arith.constant 0 : i32
    %dma_wait3A_659 = arith.constant 0 : i32
    %dma_wait3A_660 = tpu.memref_slice %arg10[%dma_wait3A, %dma_wait3A_658, %dma_wait3A_659] : memref<2x8x1024xf32, #tpu.memory_space<vmem>> -> memref<1x8x1024xf32, #tpu.memory_space<vmem>>
    %dma_wait3A_661 = tpu.memref_squeeze %dma_wait3A_660 : memref<1x8x1024xf32, #tpu.memory_space<vmem>> -> memref<8x1024xf32, #tpu.memory_space<vmem>>
    tpu.wait_dma2 semaphore(%arg15 : memref<!tpu.dma_semaphore, #tpu.memory_space<semaphore_mem>>) src(%dma_wait3A_661 : memref<8x1024xf32, #tpu.memory_space<vmem>>) dst(%dma_wait3A_657 : memref<8x1024xf32, #tpu.memory_space<hbm>>)
    %dma_wait3A_662 = arith.constant 1 : i32
    %dma_wait3A_663 = arith.constant 0 : i32
    %dma_wait3A_664 = arith.constant 0 : i32
    %dma_wait3A_665 = tpu.memref_slice %arg10[%dma_wait3A_662, %dma_wait3A_663, %dma_wait3A_664] : memref<2x8x1024xf32, #tpu.memory_space<vmem>> -> memref<1x8x1024xf32, #tpu.memory_space<vmem>>
    %dma_wait3A_666 = tpu.memref_squeeze %dma_wait3A_665 : memref<1x8x1024xf32, #tpu.memory_space<vmem>> -> memref<8x1024xf32, #tpu.memory_space<vmem>>
    %dma_wait3A_667 = arith.constant 0 : i32
    %dma_wait3A_668 = tpu.memref_slice %arg5[%mul3A_2, %dma_wait3A_667] : memref<8192x1024xf32, #tpu.memory_space<hbm>> -> memref<8x1024xf32, #tpu.memory_space<hbm>>
    %dma_wait3A_669 = arith.constant 0 : i32
    %dma_wait3A_670 = tpu.memref_slice %arg5[%mul3A_2, %dma_wait3A_669] : memref<8192x1024xf32, #tpu.memory_space<hbm>> -> memref<8x1024xf32, #tpu.memory_space<hbm>>
    %dma_wait3A_671 = arith.constant 0 : i32
    %dma_wait3A_672 = arith.constant 0 : i32
    %dma_wait3A_673 = tpu.memref_slice %arg10[%dma_wait3A_662, %dma_wait3A_671, %dma_wait3A_672] : memref<2x8x1024xf32, #tpu.memory_space<vmem>> -> memref<1x8x1024xf32, #tpu.memory_space<vmem>>
    %dma_wait3A_674 = tpu.memref_squeeze %dma_wait3A_673 : memref<1x8x1024xf32, #tpu.memory_space<vmem>> -> memref<8x1024xf32, #tpu.memory_space<vmem>>
    tpu.wait_dma2 semaphore(%arg16 : memref<!tpu.dma_semaphore, #tpu.memory_space<semaphore_mem>>) src(%dma_wait3A_674 : memref<8x1024xf32, #tpu.memory_space<vmem>>) dst(%dma_wait3A_670 : memref<8x1024xf32, #tpu.memory_space<hbm>>)
    return
  }
}

</mosaic_0001>

<sc_bundles>
// kernel: kernel.3.cloned.1.call-start
scs
__scs_entry_jumppad:
0x0: {  	(pc) =	sbr.rel $0x88, $3  }
0x1: {  	(tag) =	ssettag $0x0;
	lr =	simm.s32 $0x1  }
0x2: {  	[smem:$0x3F9E] =	sst lr;
	_ =	strace $0xD0000000  }
0x3: {  	_ = 	snop  }
0x4: {  	_ = 	snop  }
0x5: {  	_ = 	snop  }
0x6: {  	_ = 	snop  }
0x7: {  	_ = 	snop  }
__scs_overlays_trampoline_lowered:
0x8: {  	[smem:$0x3FAD] =	sst s0  }
0x9: {  	[smem:$0x3FAE] =	sst s1  }
0xa: {  	[smem:$0x3FAF] =	sst s2  }
0xb: {  	[smem:$0x3FB0] =	sst s3  }
0xc: {  	[smem:$0x3FB1] =	sst s4  }
0xd: {  	[smem:$0x3FB2] =	sst s5  }
0xe: {  	[smem:$0x3FB3] =	sst s6  }
0xf: {  	[smem:$0x3FB4] =	sst s7  }
0x10: {  	[smem:$0x3FB5] =	sst s8  }
0x11: {  	[smem:$0x3FB6] =	sst s9;
	s0 =	simm.s32 @!p0 $0x0  }
0x12: {  	s1 =	sld [smem:$0x3F9C];
	s0 =	simm.s32 @p0 $0x1  }
0x13: {  	[smem:$0x3FB7] =	sst s0;
	s0 =	simm.s32 @!p1 $0x0  }
0x14: {  	s2 =	sld [smem:$0x3F9B];
	s0 =	simm.s32 @p1 $0x1  }
0x15: {  	[smem:$0x3FB8] =	sst s0;
	s0 =	simm.s32 @!p2 $0x0  }
0x16: {  	s3 =	sld [smem:$0x3FDB];
	s0 =	simm.s32 @p2 $0x1  }
0x17: {  	s4 =	simm.s32 $0x1BF5;
	[smem:$0x3FBA] =	sst s0  }
0x18: {  	s0 =	sld [smem:$0x3F9D];
	_ =	swait.ge [sflag:s4], $0x0  }
0x19: {  	s7 =	sld [smem:$0x3F9E]  }
0x1a: {  	s8 =	sadd.s32 $0xFFFFE003, lr  }
0x1b: {  	s9 =	sadd.s32 $0xFFFFFEF7, lr;
	s5 =	simm.s32 $0xFFFFFFFF;
	p2 =	slt.u32 s8, $0xFFFFF086  }
0x1c: {  	p1 =	slt.u32 s9, $0xF7A;
	s5 =	simm.s32 @!p2 $0x0  }
0x1d: {  	s5 =	simm.s32 @p1 $0x1;
	p0 =	seq.s32 s7, s2  }
0x1e: {  	s7 =	smul.u32 @!p0 $0xF7A, s2;
	p2 =	seq.s32 @!p0 s5, $0x0  }
0x1f: {  	s9 =	smul.u32 $0xF7A, s1;
	s8 =	simm.s32 @!p0 $0x1BF5;
	p2 =	por !p2, p0  }
0x20: {  	[sflag:s8] =	ssyncset.s32 @!p0 $0xFFFFF086;
	s6 =	sadd.s32 @!p0 s3, s7;
	s7 =	simm.s32 @!p0 $0x108  }
0x21: {  	s3 =	sadd.s32 s3, s9;
	s6 =	sadd.s32 @!p0 $0x88, s6;
	s7 =	simm.s32 @p2 $0x1082  }
0x22: {  	[simem:s7], [sflag:s8] =	dma.local @!p0 [hbm:s6], $0xF7A  }
0x23: {  	s9 =	sor.u32 $0xD0000000, s2;
	s6 =	simm.s32 $0x108;
	_ =	swait.ge @!p0 [sflag:s8], $0x0  }
0x24: {  	s3 =	sadd.s32 $0x88, s3;
	s6 =	simm.s32 @!p1 $0x1082;
	[sflag:s4] =	ssyncset.s32 $0xFFFFF086  }
0x25: {  	[simem:s6], [sflag:s4] =	dma.local [hbm:s3], $0xF7A  }
0x26: {  	[smem:$0x3F9E] =	sst s1;
	(tag) =	ssettag s2;
	_ =	strace s9  }
0x27: {  	s1 =	sld [smem:$0x3FAE]  }
0x28: {  	s2 =	sld [smem:$0x3FAF]  }
0x29: {  	s4 =	sld [smem:$0x3FB1]  }
0x2a: {  	p0 =	seq.s32 s5, $0x0;
	s5 =	sld [smem:$0x3FB2]  }
0x2b: {  	s6 =	sld [smem:$0x3FB3]  }
0x2c: {  	s7 =	sld [smem:$0x3FB4]  }
0x2d: {  	s3 =	simm.s32 $0x108;
	s8 =	sld [smem:$0x3FB5]  }
0x2e: {  	s3 =	simm.s32 @!p0 $0x1082;
	s9 =	sld [smem:$0x3FB6]  }
0x2f: {  	lr =	sadd.s32 s0, s3;
	s0 =	sld [smem:$0x3FAD]  }
0x30: {  	s3 =	sld [smem:$0x3FB0]  }
0x31: {  	[smem:$0x3FB9] =	sst s10  }
0x32: {  	s10 =	sld [smem:$0x3FB7];
	_ =	sdelay $0x3  }
0x33: {  	p0 =	seq.s32 s10, $0x1;
	s10 =	sld [smem:$0x3FB9];
	_ =	sdelay $0x3  }
0x34: {  	[smem:$0x3FB9] =	sst s10  }
0x35: {  	s10 =	sld [smem:$0x3FB8];
	_ =	sdelay $0x3  }
0x36: {  	p1 =	seq.s32 s10, $0x1;
	s10 =	sld [smem:$0x3FB9];
	_ =	sdelay $0x3  }
0x37: {  	[smem:$0x3FB9] =	sst s10  }
0x38: {  	s10 =	sld [smem:$0x3FBA]  }
0x39: {  	_ = 	snop;
	(pc) =	sbr.ind lr, $3  }
0x3a: {  	_ = 	snop  }
0x3b: {  	_ = 	snop  }
0x3c: {  	p2 =	seq.s32 s10, $0x1;
	s10 =	sld [smem:$0x3FB9]  }
0x3d: {  	_ =	shalt  }
0x3e: {  	_ =	shalt  }
0x3f: {  	_ =	shalt  }
0x40: {  	_ =	shalt  }
0x41: {  	_ =	shalt  }
0x42: {  	_ =	shalt  }
0x43: {  	_ =	shalt  }
0x44: {  	_ =	shalt  }
0x45: {  	_ =	shalt  }
0x46: {  	_ =	shalt  }
0x47: {  	_ =	shalt  }
0x48: {  	_ =	shalt  }
0x49: {  	_ =	shalt  }
0x4a: {  	_ =	shalt  }
0x4b: {  	_ =	shalt  }
0x4c: {  	_ =	shalt  }
0x4d: {  	_ =	shalt  }
0x4e: {  	_ =	shalt  }
0x4f: {  	_ =	shalt  }
0x50: {  	_ =	shalt  }
0x51: {  	_ =	shalt  }
0x52: {  	_ =	shalt  }
0x53: {  	_ =	shalt  }
0x54: {  	_ =	shalt  }
0x55: {  	_ =	shalt  }
0x56: {  	_ =	shalt  }
0x57: {  	_ =	shalt  }
0x58: {  	_ =	shalt  }
0x59: {  	_ =	shalt  }
0x5a: {  	_ =	shalt  }
0x5b: {  	_ =	shalt  }
0x5c: {  	_ =	shalt  }
0x5d: {  	_ =	shalt  }
0x5e: {  	_ =	shalt  }
0x5f: {  	_ =	shalt  }
0x60: {  	_ =	shalt  }
0x61: {  	_ =	shalt  }
0x62: {  	_ =	shalt  }
0x63: {  	_ =	shalt  }
0x64: {  	_ =	shalt  }
0x65: {  	_ =	shalt  }
0x66: {  	_ =	shalt  }
0x67: {  	_ =	shalt  }
0x68: {  	_ =	shalt  }
0x69: {  	_ =	shalt  }
0x6a: {  	_ =	shalt  }
0x6b: {  	_ =	shalt  }
0x6c: {  	_ =	shalt  }
0x6d: {  	_ =	shalt  }
0x6e: {  	_ =	shalt  }
0x6f: {  	_ =	shalt  }
0x70: {  	_ =	shalt  }
0x71: {  	_ =	shalt  }
0x72: {  	_ =	shalt  }
0x73: {  	_ =	shalt  }
0x74: {  	_ =	shalt  }
0x75: {  	_ =	shalt  }
0x76: {  	_ =	shalt  }
0x77: {  	_ =	shalt  }
0x78: {  	_ =	shalt  }
0x79: {  	_ =	shalt  }
0x7a: {  	_ =	shalt  }
0x7b: {  	_ =	shalt  }
0x7c: {  	_ =	shalt  }
0x7d: {  	_ =	shalt  }
0x7e: {  	_ =	shalt  }
0x7f: {  	_ =	shalt  }
0x80: {  	_ =	shalt  }
0x81: {  	_ =	shalt  }
0x82: {  	_ =	shalt  }
0x83: {  	_ =	shalt  }
0x84: {  	_ =	shalt  }
0x85: {  	_ =	shalt  }
0x86: {  	_ =	shalt  }
0x87: {  	_ =	shalt  }
.Lfunc_end0:
.L_simem_size_0:
called_computation_lowered:
.L_overlay_start_0:
0x88: {  	s2 =	sld [smem:$0x3FD9]  }
0x89: {  	s3 =	sld [smem:$0x3FFE];
	_ =	sdelay $0x1  }
0x8a: {  	s1 =	srdreg.scid  }
0x8b: {  	s0 =	sand.u32 $0x1, s1  }
0x8c: {  	s17 =	sshll.u32 s0, $0xA;
	s2 =	sadd.s32 s3, s2  }
0x8d: {  	s2 =	sadd.s32 s2, s17  }
0x8e: {  	[smem:$0x3FC5] =	sst s2  }
0x8f: {  	_ = 	snop  }
0x90: {  	s2 =	sld [smem:$0x3FC9]  }
0x91: {  	s18 =	sld [smem:$0x3FD0];
	(tm) =	ssettm $0x1  }
0x92: {  	s4 =	sld [smem:$0x3FFB];
	_ =	sdelay $0x3  }
0x93: {  	_ =	strace s4  }
0x94: {  	s4 =	sld [smem:$0x3FFC];
	_ =	sdelay $0x3  }
0x95: {  	_ =	strace s4  }
0x96: {  	s4 =	sld [smem:$0x3FFD];
	_ =	sdelay $0x3  }
0x97: {  	_ =	strace s4  }
0x98: {  	_ =	strace $0x8FFFFFFF  }
0x99: {  	s19 =	sld [smem:$0x3FDB];
	_ =	sdelay $0x1  }
0x9a: {  	s5 =	simm.s32 $_scs_section_size  }
0x9b: {  	s6 =	simm.s32 $_size__tile_overlayer_lowered;
	s7 =	simm.s32 $_tile_overlayer_lowered  }
0x9c: {  	s22 =	simm.s32 $0x1BFF;
	s21 =	sshll.u32 s7, $0x1;
	s4 =	sadd.s32 s5, s19  }
0x9d: {  	s8 =	simm.s32 $0x0;
	s20 =	sshll.u32 s6, $0x1;
	s6 =	sadd.s32 s21, s4  }
0x9e: {  	[timem:s8], [sflag:s22] =	dma.local [hbm:s6], s20  }
0x9f: {  	_ =	swait.ge [sflag:s22], s20  }
0xa0: {  	s5 =	ssub.s32 $0x0, s20;
	[sflag:s22] =	ssyncset.done $0x0  }
0xa1: {  	[sflag:s22] =	ssyncadd.s32 s5;
	_ =	sdelay $0x1  }
0xa2: {  	s23 =	simm.s32 $0x1B8B  }
0xa3: {  	_ =	swait.ge [sflag:s23], $0x1  }
0xa4: {  	[sflag:s23] =	ssyncset.done $0x0  }
0xa5: {  	s25 =	simm.s32 $0x1B8E;
	s24 =	sld [smem:$0x3FFE];
	[sflag:s23] =	ssyncadd.s32 $0xFFFFFFFF  }
0xa6: {  	s26 =	simm.s32 $execute0_lowered;
	[smem:$0x3FD2] =	sst s25  }
0xa7: {  	s6 =	sshll.u32 s26, $0x1;
	_ =	strace $0x80000046;
	[dreg:$0x1] =	wrdreg $0xFFFFFFFF  }
0xa8: {  	s28 =	simm.s32 $_size_execute0_lowered;
	s4 =	sadd.s32 s4, s6;
	[dreg:$0x0] =	wrdreg $0x0  }
0xa9: {  	s6 =	sshll.u32 s28, $0x1;
	[dreg:$0x2] =	wrdreg s4  }
0xaa: {  	[dreg:$0x3] =	wrdreg s6  }
0xab: {  	[dreg:$0x4] =	wrdreg $0xC0  }
0xac: {  	_ =	task [dreg:s8], $0x5FFFF  }
0xad: {  	[dreg:$0x1] =	wrdreg $0xFFFFFFFF  }
0xae: {  	[dreg:$0x0] =	wrdreg $0x60  }
0xaf: {  	[dreg:$0x2] =	wrdreg s2  }
0xb0: {  	[dreg:$0x3] =	wrdreg s24  }
0xb1: {  	[dreg:$0x4] =	wrdreg s18  }
0xb2: {  	[dreg:$0x5] =	wrdreg $0x9  }
0xb3: {  	_ =	task.clear_ibuf [dreg:s8], $0x6FFFF;
	_ =	strace $0x90000046  }
0xb4: {  	s29 =	simm.s32 $0x9;
	_ =	strace $0x80000048  }
0xb5: {  	_ =	swait.ge [sflag:s29], $0x1  }
0xb6: {  	[sflag:s29] =	ssyncadd.s32 $0xFFFFFFFF  }
0xb7: {  	_ =	strace $0x90000048  }
0xb8: {  	_ =	sfence  }
0xb9: {  	s30 =	sld [smem:$0x0];
	_ =	sdelay $0x2  }
0xba: {  	s31 =	sshll.u32 s1, $0xD;
	s1 =	sshrl.u32 s1, $0x2  }
0xbb: {  	s3 =	sand.u32 $0x4000, s31;
	s1 =	sadd.s32 s1, s30  }
0xbc: {  	s0 =	sor.u32 s3, s0;
	s1 =	sshll.u32 s1, $0x11  }
0xbd: {  	s0 =	sor.u32 s1, s0  }
0xbe: {  	s0 =	sadd.s32 $0x8F2B, s0  }
0xbf: {  	[sflag:s0] =	ssyncadd.remote.s32 $0x1  }
0xc0: {  	_ =	sfence.sel $0xFFFF  }
0xc1: {  	[dreg:$0x0] =	wrdreg $0xFFFFFFFF;
	(pc) =	sbr.abs _section_cstart, $3  }
0xc2: {  	[dreg:$0x1] =	wrdreg $0xFFFFFFFF  }
0xc3: {  	_ =	task.clear_ibuf [dreg:s8], $0x2FFFF;
	_ =	strace $0x9FFFFFFF  }
0xc4: {  	(tm) =	ssettm $0x7FFFFFFF  }
0xc5: {  	_ =	shalt  }
tec
execute0_lowered:
.L_overlay_start_1:
0x0: {  	(tag) =	ssettag $0x1  }
0x1: {  	v3 =	vlaneseq.u32  }
0x2: {  	vm0 =	vmmov $0xffff;
	v0 =	vmul.u32 $0x3, v3  }
0x3: {  	v2 =	vshrl.u32 v3, $0x3;
	v1 =	vand.u32 $0x7, v3;
	v3 =	vor.u32 $0x8, v3  }
0x4: {  	v2 =	vmul.u32 $0x8, v2;
	v4 =	vadd.s32 $0x1, v0;
	v7 =	vadd.s32 $0x31, v0  }
0x5: {  	v8 =	vadd.s32 $0x32, v0;
	v9 =	vadd.s32 $0x60, v0;
	v10 =	vadd.s32 $0x61, v0  }
0x6: {  	v11 =	vadd.s32 $0x62, v0;
	v12 =	vadd.s32 $0x90, v0;
	v13 =	vadd.s32 $0x91, v0  }
0x7: {  	s1 =	rddreg [dreg:$0x0];
	v14 =	vadd.s32 $0x92, v0;
	v15 =	vor.u32 $0xC0, v0;
	v16 =	vadd.s32 $0xC1, v0  }
0x8: {  	s0 =	rddreg [dreg:$0x1];
	v17 =	vadd.s32 $0xC2, v0;
	v18 =	vadd.s32 $0xF0, v0;
	v19 =	vadd.s32 $0xF1, v0  }
0x9: {  	s3 =	rddreg [dreg:$0x2];
	s2 =	srdreg.scid;
	v20 =	vadd.s32 $0xF2, v0;
	v21 =	vadd.s32 $0x120, v0;
	v22 =	vadd.s32 $0x121, v0  }
0xa: {  	s5 =	stileid.u32;
	s4 =	simm.s32 $0x0;
	s15 =	simm.s32 $0x1300;
	v23 =	vadd.s32 $0x122, v0;
	v24 =	vadd.s32 $0x150, v0;
	v25 =	vadd.s32 $0x151, v0  }
0xb: {  	s18 =	simm.s32 $0x6;
	s20 =	simm.s32 $0x1B600;
	s21 =	simm.s32 $0x5;
	v26 =	vadd.s32 $0x152, v0;
	v27 =	vor.u32 $0x180, v0;
	v28 =	vadd.s32 $0x181, v0  }
0xc: {  	s22 =	simm.s32 $0x4;
	s2 =	sand.u32 $0x1, s2;
	s5 =	sshll.u32 s5, $0x1;
	v29 =	vadd.s32 $0x182, v0;
	v30 =	vadd.s32 $0x1B0, v0;
	v31 =	vadd.s32 $0x1B1, v0  }
0xd: {  	[smem:$0x7FF] =	sst s4;
	s9 =	sadd.s32 $0x300, s1;
	s5 =	sor.u32 s2, s5;
	v32 =	vadd.s32 $0x1B2, v0;
	v33 =	vadd.s32 $0x1E0, v0;
	v34 =	vadd.s32 $0x1E1, v0  }
0xe: {  	s2 =	ssub.s32 $0x2, s2;
	_ =	strace $0x80000047;
	s6 =	sshll.u32 s5, $0x9;
	v35 =	vadd.s32 $0x1E2, v0;
	v36 =	vadd.s32 $0x210, v0;
	v37 =	vadd.s32 $0x211, v0  }
0xf: {  	s7 =	smul.u32 $0x60, s5;
	s8 =	sshrl.u32 s2, $0x1;
	v38 =	vadd.s32 $0x212, v0;
	v39 =	vor.u32 $0x240, v0;
	v40 =	vadd.s32 $0x241, v0;
	s6 =	sadd.s32 s6, s0  }
0x10: {  	s5 =	sshll.u32 s5, $0x8;
	v41 =	vadd.s32 $0x242, v0;
	v42 =	vadd.s32 $0x270, v0;
	v43 =	vadd.s32 $0x271, v0;
	s2 =	ssub.s32 s2, s8;
	s6 =	sadd.s32 $0x400, s6  }
0x11: {  	v44 =	vadd.s32 $0x272, v0;
	v45 =	vadd.s32 $0x2A0, v0;
	[tilespmem:$0x1FFD0] =	vst v4;
	v4 =	vadd.s32 $0x2, v0;
	s0 =	sadd.s32 s7, s0;
	s31 =	smax.u32 s2, $0x1;
	[dreg:$0x4] =	wrdreg s6  }
0x12: {  	v46 =	vadd.s32 $0x2A1, v0;
	v47 =	vadd.s32 $0x2A2, v0;
	s8 =	sadd.s32 $0x200, s1;
	[tilespmem:$0x1FFE0] =	vst v4;
	v4 =	vadd.s32 $0x30, v0;
	s0 =	sadd.s32 $0x4400, s0;
	[dreg:$0x6] =	wrdreg s31  }
0x13: {  	v48 =	vadd.s32 $0x2D0, v0;
	v49 =	vadd.s32 $0x2D1, v0;
	v50 =	vadd.s32 $0x2D2, v0;
	s7 =	sadd.s32 $0x100, s1;
	s2 =	simm.s32 $0x0;
	[tilespmem:$0x1FFF0] =	vst v4;
	[dreg:$0x5] =	wrdreg s0  }
.LBB2_1:
0x14: {  	[dreg:$0x7] =	wrdreg s2  }
0x15: {  	s0 =	rddreg [dreg:$0x4];
	s2 =	simm.s32 $0x7  }
0x16: {  	[tilespmem:s4], [sflag:$0x7] =	stream.linear.gather [hbm4b:s0+s4], $0x1000, $0x38;
	[tilespmem:$0x1D600] =	vst v63  }
0x17: {  	_ =	swait.ge [sflag:s2], $0x1000  }
0x18: {  	[sflag:s2] =	ssyncset.done $0x0  }
0x19: {  	[sflag:s2] =	ssyncadd.s32 $0xFFFFF000  }
0x1a: {  	v51 =	vld [tilespmem:$0x0];
	_ =	sdelay $0x4  }
0x1b: {  	v52 =	vshll.u32 v51, $0x3  }
0x1c: {  	v51 =	vand.u32 $0x7, v51;
	v52 =	vand.u32 $0xFFFFFFC0, v52  }
0x1d: {  	v51 =	vor.u32 v51, v52  }
0x1e: {  	v52 =	vperm.xlane v51, v1;
	_ =	sdelay $0x1  }
0x1f: {  	v52 =	vadd.s32 v2, v52;
	_ =	sdelay $0x3  }
0x20: {  	s29 =	simm.s32 $0x1600  }
0x21: {  	[tilespmem:s29], [sflag:$0x1] =	stream.indirect_vreg.gather [hbm4b:s1+s4], $0x80, v52, vm0, $0xb8;
	[tilespmem:$0x1D600] =	vst v63  }
0x22: {  	s30 =	simm.s32 $0x1E00;
	v51 =	vperm.xlane v51, v3  }
0x23: {  	[tilespmem:s30], [sflag:$0x1] =	stream.indirect_vreg.gather [hbm4b:s7+s4], $0x80, v52, vm0, $0xb8;
	[tilespmem:$0x1D600] =	vst v63  }
0x24: {  	s31 =	simm.s32 $0x2600;
	v51 =	vadd.s32 v2, v51  }
0x25: {  	[tilespmem:s31], [sflag:$0x1] =	stream.indirect_vreg.gather [hbm4b:s8+s4], $0x80, v52, vm0, $0xb8;
	[tilespmem:$0x1D600] =	vst v63  }
0x26: {  	s6 =	simm.s32 $0x2E00  }
0x27: {  	[tilespmem:s6], [sflag:$0x1] =	stream.indirect_vreg.gather [hbm4b:s9+s4], $0x80, v52, vm0, $0xb8;
	[tilespmem:$0x1D600] =	vst v63  }
0x28: {  	s10 =	simm.s32 $0x3600  }
0x29: {  	[tilespmem:s10], [sflag:$0x1] =	stream.indirect_vreg.gather [hbm4b:s1+s4], $0x80, v51, vm0, $0xb8;
	[tilespmem:$0x1D600] =	vst v63  }
0x2a: {  	s11 =	simm.s32 $0x3E00  }
0x2b: {  	[tilespmem:s11], [sflag:$0x1] =	stream.indirect_vreg.gather [hbm4b:s7+s4], $0x80, v51, vm0, $0xb8;
	[tilespmem:$0x1D600] =	vst v63  }
0x2c: {  	s12 =	simm.s32 $0x4600  }
0x2d: {  	[tilespmem:s12], [sflag:$0x1] =	stream.indirect_vreg.gather [hbm4b:s8+s4], $0x80, v51, vm0, $0xb8;
	[tilespmem:$0x1D600] =	vst v63  }
0x2e: {  	s13 =	simm.s32 $0x4E00  }
0x2f: {  	[tilespmem:s13], [sflag:$0x1] =	stream.indirect_vreg.gather [hbm4b:s9+s4], $0x80, v51, vm0, $0xb8;
	[tilespmem:$0x1D600] =	vst v63  }
0x30: {  	v51 =	vld.msk [tilespmem:$0x10], $0xff;
	_ =	sdelay $0x4  }
0x31: {  	v57 =	vshll.u32 v51, $0x3  }
0x32: {  	v51 =	vand.u32 $0x7, v51;
	v52 =	vand.u32 $0xFFFFFFC0, v57  }
0x33: {  	v51 =	vor.u32 v51, v52  }
0x34: {  	v51 =	vperm.xlane v51, v1;
	_ =	sdelay $0x1  }
0x35: {  	v51 =	vadd.s32 v2, v51;
	_ =	sdelay $0x3  }
0x36: {  	s14 =	simm.s32 $0x5600  }
0x37: {  	[tilespmem:s14], [sflag:$0x1] =	stream.indirect_vreg.gather [hbm4b:s1+s4], $0x80, v51, vm0, $0xb8;
	[tilespmem:$0x1D600] =	vst v63  }
0x38: {  	s16 =	simm.s32 $0x5E00  }
0x39: {  	[tilespmem:s16], [sflag:$0x1] =	stream.indirect_vreg.gather [hbm4b:s7+s4], $0x80, v51, vm0, $0xb8;
	[tilespmem:$0x1D600] =	vst v63  }
0x3a: {  	s17 =	simm.s32 $0x6600  }
0x3b: {  	[tilespmem:s17], [sflag:$0x1] =	stream.indirect_vreg.gather [hbm4b:s8+s4], $0x80, v51, vm0, $0xb8;
	[tilespmem:$0x1D600] =	vst v63  }
0x3c: {  	s19 =	simm.s32 $0x6E00  }
0x3d: {  	[tilespmem:s19], [sflag:$0x1] =	stream.indirect_vreg.gather [hbm4b:s9+s4], $0x80, v51, vm0, $0xb8;
	[tilespmem:$0x1D600] =	vst v63  }
0x3e: {  	v51 =	vld [tilespmem:$0x80];
	_ =	sdelay $0x4  }
0x3f: {  	v58 =	vshll.u32 v51, $0x3  }
0x40: {  	v51 =	vand.u32 $0x7, v51;
	v52 =	vand.u32 $0xFFFFFFC0, v58  }
0x41: {  	v51 =	vor.u32 v51, v52  }
0x42: {  	v52 =	vperm.xlane v51, v1;
	_ =	sdelay $0x1  }
0x43: {  	v52 =	vadd.s32 v2, v52;
	_ =	sdelay $0x3  }
0x44: {  	s23 =	simm.s32 $0x7600  }
0x45: {  	[tilespmem:s23], [sflag:$0x2] =	stream.indirect_vreg.gather [hbm4b:s1+s4], $0x80, v52, vm0, $0xb8;
	[tilespmem:$0x1D600] =	vst v63  }
0x46: {  	s24 =	simm.s32 $0x7E00;
	v51 =	vperm.xlane v51, v3  }
0x47: {  	[tilespmem:s24], [sflag:$0x2] =	stream.indirect_vreg.gather [hbm4b:s7+s4], $0x80, v52, vm0, $0xb8;
	[tilespmem:$0x1D600] =	vst v63  }
0x48: {  	s25 =	simm.s32 $0x8600;
	v51 =	vadd.s32 v2, v51  }
0x49: {  	[tilespmem:s25], [sflag:$0x2] =	stream.indirect_vreg.gather [hbm4b:s8+s4], $0x80, v52, vm0, $0xb8;
	[tilespmem:$0x1D600] =	vst v63  }
0x4a: {  	s26 =	simm.s32 $0x8E00  }
0x4b: {  	[tilespmem:s26], [sflag:$0x2] =	stream.indirect_vreg.gather [hbm4b:s9+s4], $0x80, v52, vm0, $0xb8;
	[tilespmem:$0x1D600] =	vst v63  }
0x4c: {  	s28 =	simm.s32 $0x9600  }
0x4d: {  	[tilespmem:s28], [sflag:$0x2] =	stream.indirect_vreg.gather [hbm4b:s1+s4], $0x80, v51, vm0, $0xb8;
	[tilespmem:$0x1D600] =	vst v63  }
0x4e: {  	s29 =	simm.s32 $0x9E00  }
0x4f: {  	[tilespmem:s29], [sflag:$0x2] =	stream.indirect_vreg.gather [hbm4b:s7+s4], $0x80, v51, vm0, $0xb8;
	[tilespmem:$0x1D600] =	vst v63  }
0x50: {  	s30 =	simm.s32 $0xA600  }
0x51: {  	[tilespmem:s30], [sflag:$0x2] =	stream.indirect_vreg.gather [hbm4b:s8+s4], $0x80, v51, vm0, $0xb8;
	[tilespmem:$0x1D600] =	vst v63  }
0x52: {  	s31 =	simm.s32 $0xAE00  }
0x53: {  	[tilespmem:s31], [sflag:$0x2] =	stream.indirect_vreg.gather [hbm4b:s9+s4], $0x80, v51, vm0, $0xb8;
	[tilespmem:$0x1D600] =	vst v63  }
0x54: {  	v51 =	vld.msk [tilespmem:$0x90], $0xff;
	_ =	sdelay $0x4  }
0x55: {  	v59 =	vshll.u32 v51, $0x3  }
0x56: {  	v51 =	vand.u32 $0x7, v51;
	v52 =	vand.u32 $0xFFFFFFC0, v59  }
0x57: {  	v51 =	vor.u32 v51, v52  }
0x58: {  	v51 =	vperm.xlane v51, v1;
	_ =	sdelay $0x1  }
0x59: {  	v51 =	vadd.s32 v2, v51;
	_ =	sdelay $0x3  }
0x5a: {  	s6 =	simm.s32 $0xB600  }
0x5b: {  	[tilespmem:s6], [sflag:$0x2] =	stream.indirect_vreg.gather [hbm4b:s1+s4], $0x80, v51, vm0, $0xb8;
	[tilespmem:$0x1D600] =	vst v63  }
0x5c: {  	s10 =	simm.s32 $0xBE00  }
0x5d: {  	[tilespmem:s10], [sflag:$0x2] =	stream.indirect_vreg.gather [hbm4b:s7+s4], $0x80, v51, vm0, $0xb8;
	[tilespmem:$0x1D600] =	vst v63  }
0x5e: {  	s11 =	simm.s32 $0xC600  }
0x5f: {  	[tilespmem:s11], [sflag:$0x2] =	stream.indirect_vreg.gather [hbm4b:s8+s4], $0x80, v51, vm0, $0xb8;
	[tilespmem:$0x1D600] =	vst v63  }
0x60: {  	s12 =	simm.s32 $0xCE00  }
0x61: {  	[tilespmem:s12], [sflag:$0x2] =	stream.indirect_vreg.gather [hbm4b:s9+s4], $0x80, v51, vm0, $0xb8;
	[tilespmem:$0x1D600] =	vst v63  }
0x62: {  	v51 =	vld [tilespmem:$0x100];
	_ =	sdelay $0x4  }
0x63: {  	v60 =	vshll.u32 v51, $0x3  }
0x64: {  	v51 =	vand.u32 $0x7, v51;
	v52 =	vand.u32 $0xFFFFFFC0, v60  }
0x65: {  	v51 =	vor.u32 v51, v52  }
0x66: {  	v52 =	vperm.xlane v51, v1;
	_ =	sdelay $0x1  }
0x67: {  	v52 =	vadd.s32 v2, v52;
	_ =	sdelay $0x3  }
0x68: {  	s13 =	simm.s32 $0xD600  }
0x69: {  	[tilespmem:s13], [sflag:$0x3] =	stream.indirect_vreg.gather [hbm4b:s1+s4], $0x80, v52, vm0, $0xb8;
	[tilespmem:$0x1D600] =	vst v63  }
0x6a: {  	s14 =	simm.s32 $0xDE00;
	v51 =	vperm.xlane v51, v3  }
0x6b: {  	[tilespmem:s14], [sflag:$0x3] =	stream.indirect_vreg.gather [hbm4b:s7+s4], $0x80, v52, vm0, $0xb8;
	[tilespmem:$0x1D600] =	vst v63  }
0x6c: {  	s16 =	simm.s32 $0xE600;
	v51 =	vadd.s32 v2, v51  }
0x6d: {  	[tilespmem:s16], [sflag:$0x3] =	stream.indirect_vreg.gather [hbm4b:s8+s4], $0x80, v52, vm0, $0xb8;
	[tilespmem:$0x1D600] =	vst v63  }
0x6e: {  	s17 =	simm.s32 $0xEE00  }
0x6f: {  	[tilespmem:s17], [sflag:$0x3] =	stream.indirect_vreg.gather [hbm4b:s9+s4], $0x80, v52, vm0, $0xb8;
	[tilespmem:$0x1D600] =	vst v63  }
0x70: {  	s19 =	simm.s32 $0xF600  }
0x71: {  	[tilespmem:s19], [sflag:$0x3] =	stream.indirect_vreg.gather [hbm4b:s1+s4], $0x80, v51, vm0, $0xb8;
	[tilespmem:$0x1D600] =	vst v63  }
0x72: {  	s23 =	simm.s32 $0xFE00  }
0x73: {  	[tilespmem:s23], [sflag:$0x3] =	stream.indirect_vreg.gather [hbm4b:s7+s4], $0x80, v51, vm0, $0xb8;
	[tilespmem:$0x1D600] =	vst v63  }
0x74: {  	s24 =	simm.s32 $0x10600  }
0x75: {  	[tilespmem:s24], [sflag:$0x3] =	stream.indirect_vreg.gather [hbm4b:s8+s4], $0x80, v51, vm0, $0xb8;
	[tilespmem:$0x1D600] =	vst v63  }
0x76: {  	s25 =	simm.s32 $0x10E00  }
0x77: {  	[tilespmem:s25], [sflag:$0x3] =	stream.indirect_vreg.gather [hbm4b:s9+s4], $0x80, v51, vm0, $0xb8;
	[tilespmem:$0x1D600] =	vst v63  }
0x78: {  	v51 =	vld.msk [tilespmem:$0x110], $0xff;
	_ =	sdelay $0x4  }
0x79: {  	v61 =	vshll.u32 v51, $0x3  }
0x7a: {  	v51 =	vand.u32 $0x7, v51;
	v52 =	vand.u32 $0xFFFFFFC0, v61  }
0x7b: {  	v51 =	vor.u32 v51, v52  }
0x7c: {  	v51 =	vperm.xlane v51, v1;
	_ =	sdelay $0x1  }
0x7d: {  	v51 =	vadd.s32 v2, v51;
	_ =	sdelay $0x3  }
0x7e: {  	s26 =	simm.s32 $0x11600  }
0x7f: {  	[tilespmem:s26], [sflag:$0x3] =	stream.indirect_vreg.gather [hbm4b:s1+s4], $0x80, v51, vm0, $0xb8;
	[tilespmem:$0x1D600] =	vst v63  }
0x80: {  	s28 =	simm.s32 $0x11E00  }
0x81: {  	[tilespmem:s28], [sflag:$0x3] =	stream.indirect_vreg.gather [hbm4b:s7+s4], $0x80, v51, vm0, $0xb8;
	[tilespmem:$0x1D600] =	vst v63  }
0x82: {  	s29 =	simm.s32 $0x12600  }
0x83: {  	[tilespmem:s29], [sflag:$0x3] =	stream.indirect_vreg.gather [hbm4b:s8+s4], $0x80, v51, vm0, $0xb8;
	[tilespmem:$0x1D600] =	vst v63  }
0x84: {  	s30 =	simm.s32 $0x12E00  }
0x85: {  	[tilespmem:s30], [sflag:$0x3] =	stream.indirect_vreg.gather [hbm4b:s9+s4], $0x80, v51, vm0, $0xb8;
	[tilespmem:$0x1D600] =	vst v63  }
0x86: {  	s31 =	rddreg [dreg:$0x5];
	s6 =	simm.s32 $0x1000  }
0x87: {  	[tilespmem:s6], [sflag:$0x7] =	stream.linear.gather [hbm4b:s31+s4], $0x300, $0x38;
	[tilespmem:$0x1D600] =	vst v63  }
0x88: {  	_ =	swait.ge [sflag:s2], $0x300  }
0x89: {  	v4 =	vld [tilespmem:$0x1FFD0];
	_ =	sdelay $0x5  }
0x8a: {  	[sflag:s2] =	ssyncset.done $0x0  }
0x8b: {  	[sflag:s2] =	ssyncadd.s32 $0xFFFFFD00  }
0x8c: {  	v62 =	vld.idx.msk [tilespmem:v4+s6+$0x0], $0xffff  }
0x8d: {  	v4 =	vld [tilespmem:$0x1FFE0];
	_ =	sdelay $0x7  }
0x8e: {  	v63 =	vld.idx.msk [tilespmem:v4+s6+$0x0], $0xffff  }
0x8f: {  	v53 =	vld.idx.msk [tilespmem:v0+s6+$0x0], $0xffff;
	_ =	sdelay $0x3  }
0x90: {  	v54 =	vmax.f32 v62, v63  }
0x91: {  	v54 =	vmax.f32 v53, v54  }
0x92: {  	v53 =	vsub.f32 v53, v54  }
0x93: {  	v51 =	vsub.f32 v62, v54  }
0x94: {  	v53 =	vmul.f32 $1.442695020e+00, v53  }
0x95: {  	v52 =	vsub.f32 v63, v54;
	v51 =	vmul.f32 $1.442695020e+00, v51  }
0x96: {  	(erf) = vpow2.f32 v53  }
0x97: {  	v56 =	vmul.f32 $1.442695020e+00, v52;
	(erf) = vpow2.f32 v51;
	_ =	sdelay $0x1  }
0x98: {  	(erf) = vpow2.f32 v56;
	_ =	sdelay $0x5  }
0x99: {  	v57 =	vpop (erf)  }
0x9a: {  	v58 =	vpop (erf)  }
0x9b: {  	v59 =	vadd.f32 v58, v57  }
0x9c: {  	v60 =	vpop (erf)  }
0x9d: {  	v53 =	vadd.f32 v59, v60;
	_ =	sdelay $0x1  }
0x9e: {  	(erf) = vrcp.f32 v53;
	_ =	sdelay $0x8  }
0x9f: {  	v4 =	vld [tilespmem:$0x1FFF0];
	v53 =	vpop (erf)  }
0xa0: {  	v51 =	vmul.f32 v53, v57  }
0xa1: {  	v52 =	vmul.f32 v53, v58  }
0xa2: {  	v61 =	vmul.f32 v53, v60;
	[tilespmem:$0x1300] =	vst v51  }
0xa3: {  	[tilespmem:$0x1400] =	vst v52  }
0xa4: {  	[tilespmem:$0x1500] =	vst v61  }
0xa5: {  	v51 =	vld.idx.msk [tilespmem:v7+s6+$0x0], $0xffff  }
0xa6: {  	v52 =	vld.idx.msk [tilespmem:v8+s6+$0x0], $0xffff  }
0xa7: {  	v62 =	vld.idx.msk [tilespmem:v4+s6+$0x0], $0xffff;
	_ =	sdelay $0x3  }
0xa8: {  	v63 =	vmax.f32 v51, v52  }
0xa9: {  	v54 =	vmax.f32 v62, v63  }
0xaa: {  	v53 =	vsub.f32 v62, v54  }
0xab: {  	v51 =	vsub.f32 v51, v54  }
0xac: {  	v53 =	vmul.f32 $1.442695020e+00, v53  }
0xad: {  	v52 =	vsub.f32 v52, v54;
	v51 =	vmul.f32 $1.442695020e+00, v51  }
0xae: {  	(erf) = vpow2.f32 v53  }
0xaf: {  	v56 =	vmul.f32 $1.442695020e+00, v52;
	(erf) = vpow2.f32 v51;
	_ =	sdelay $0x1  }
0xb0: {  	(erf) = vpow2.f32 v56;
	_ =	sdelay $0x5  }
0xb1: {  	v57 =	vpop (erf)  }
0xb2: {  	v58 =	vpop (erf)  }
0xb3: {  	v59 =	vadd.f32 v58, v57  }
0xb4: {  	v60 =	vpop (erf)  }
0xb5: {  	v53 =	vadd.f32 v59, v60;
	_ =	sdelay $0x1  }
0xb6: {  	(erf) = vrcp.f32 v53;
	_ =	sdelay $0x8  }
0xb7: {  	v53 =	vpop (erf)  }
0xb8: {  	v51 =	vmul.f32 v53, v57  }
0xb9: {  	v52 =	vmul.f32 v53, v58  }
0xba: {  	v61 =	vmul.f32 v53, v60;
	[tilespmem:$0x1310] =	vst v51  }
0xbb: {  	[tilespmem:$0x1410] =	vst v52  }
0xbc: {  	[tilespmem:$0x1510] =	vst v61  }
0xbd: {  	v51 =	vld.idx.msk [tilespmem:v10+s6+$0x0], $0xffff  }
0xbe: {  	v52 =	vld.idx.msk [tilespmem:v11+s6+$0x0], $0xffff  }
0xbf: {  	v62 =	vld.idx.msk [tilespmem:v9+s6+$0x0], $0xffff;
	_ =	sdelay $0x3  }
0xc0: {  	v63 =	vmax.f32 v51, v52  }
0xc1: {  	v54 =	vmax.f32 v62, v63  }
0xc2: {  	v53 =	vsub.f32 v62, v54  }
0xc3: {  	v51 =	vsub.f32 v51, v54  }
0xc4: {  	v53 =	vmul.f32 $1.442695020e+00, v53  }
0xc5: {  	v52 =	vsub.f32 v52, v54;
	v51 =	vmul.f32 $1.442695020e+00, v51  }
0xc6: {  	(erf) = vpow2.f32 v53  }
0xc7: {  	v56 =	vmul.f32 $1.442695020e+00, v52;
	(erf) = vpow2.f32 v51;
	_ =	sdelay $0x1  }
0xc8: {  	(erf) = vpow2.f32 v56;
	_ =	sdelay $0x5  }
0xc9: {  	v57 =	vpop (erf)  }
0xca: {  	v58 =	vpop (erf)  }
0xcb: {  	v59 =	vadd.f32 v58, v57  }
0xcc: {  	v60 =	vpop (erf)  }
0xcd: {  	v53 =	vadd.f32 v59, v60;
	_ =	sdelay $0x1  }
0xce: {  	(erf) = vrcp.f32 v53;
	_ =	sdelay $0x8  }
0xcf: {  	v53 =	vpop (erf)  }
0xd0: {  	v51 =	vmul.f32 v53, v57  }
0xd1: {  	v52 =	vmul.f32 v53, v58  }
0xd2: {  	v61 =	vmul.f32 v53, v60;
	[tilespmem:$0x1320] =	vst v51  }
0xd3: {  	[tilespmem:$0x1420] =	vst v52  }
0xd4: {  	[tilespmem:$0x1520] =	vst v61  }
0xd5: {  	v51 =	vld.idx.msk [tilespmem:v13+s6+$0x0], $0xffff  }
0xd6: {  	v52 =	vld.idx.msk [tilespmem:v14+s6+$0x0], $0xffff  }
0xd7: {  	v62 =	vld.idx.msk [tilespmem:v12+s6+$0x0], $0xffff;
	_ =	sdelay $0x3  }
0xd8: {  	v63 =	vmax.f32 v51, v52  }
0xd9: {  	v54 =	vmax.f32 v62, v63  }
0xda: {  	v53 =	vsub.f32 v62, v54  }
0xdb: {  	v51 =	vsub.f32 v51, v54  }
0xdc: {  	v53 =	vmul.f32 $1.442695020e+00, v53  }
0xdd: {  	v52 =	vsub.f32 v52, v54;
	v51 =	vmul.f32 $1.442695020e+00, v51  }
0xde: {  	(erf) = vpow2.f32 v53  }
0xdf: {  	v56 =	vmul.f32 $1.442695020e+00, v52;
	(erf) = vpow2.f32 v51;
	_ =	sdelay $0x1  }
0xe0: {  	(erf) = vpow2.f32 v56;
	_ =	sdelay $0x5  }
0xe1: {  	v57 =	vpop (erf)  }
0xe2: {  	v58 =	vpop (erf)  }
0xe3: {  	v59 =	vadd.f32 v58, v57  }
0xe4: {  	v60 =	vpop (erf)  }
0xe5: {  	v53 =	vadd.f32 v59, v60;
	_ =	sdelay $0x1  }
0xe6: {  	(erf) = vrcp.f32 v53;
	_ =	sdelay $0x8  }
0xe7: {  	v53 =	vpop (erf)  }
0xe8: {  	v51 =	vmul.f32 v53, v57  }
0xe9: {  	v52 =	vmul.f32 v53, v58  }
0xea: {  	v61 =	vmul.f32 v53, v60;
	[tilespmem:$0x1330] =	vst v51  }
0xeb: {  	[tilespmem:$0x1430] =	vst v52  }
0xec: {  	[tilespmem:$0x1530] =	vst v61  }
0xed: {  	v51 =	vld.idx.msk [tilespmem:v16+s6+$0x0], $0xffff  }
0xee: {  	v52 =	vld.idx.msk [tilespmem:v17+s6+$0x0], $0xffff  }
0xef: {  	v62 =	vld.idx.msk [tilespmem:v15+s6+$0x0], $0xffff;
	_ =	sdelay $0x3  }
0xf0: {  	v63 =	vmax.f32 v51, v52  }
0xf1: {  	v54 =	vmax.f32 v62, v63  }
0xf2: {  	v53 =	vsub.f32 v62, v54  }
0xf3: {  	v51 =	vsub.f32 v51, v54  }
0xf4: {  	v53 =	vmul.f32 $1.442695020e+00, v53  }
0xf5: {  	v52 =	vsub.f32 v52, v54;
	v51 =	vmul.f32 $1.442695020e+00, v51  }
0xf6: {  	(erf) = vpow2.f32 v53  }
0xf7: {  	v56 =	vmul.f32 $1.442695020e+00, v52;
	(erf) = vpow2.f32 v51;
	_ =	sdelay $0x1  }
0xf8: {  	(erf) = vpow2.f32 v56;
	_ =	sdelay $0x5  }
0xf9: {  	v57 =	vpop (erf)  }
0xfa: {  	v58 =	vpop (erf)  }
0xfb: {  	v59 =	vadd.f32 v58, v57  }
0xfc: {  	v60 =	vpop (erf)  }
0xfd: {  	v53 =	vadd.f32 v59, v60;
	_ =	sdelay $0x1  }
0xfe: {  	(erf) = vrcp.f32 v53;
	_ =	sdelay $0x8  }
0xff: {  	v53 =	vpop (erf)  }
0x100: {  	v51 =	vmul.f32 v53, v57  }
0x101: {  	v52 =	vmul.f32 v53, v58  }
0x102: {  	v61 =	vmul.f32 v53, v60;
	[tilespmem:$0x1340] =	vst v51  }
0x103: {  	[tilespmem:$0x1440] =	vst v52  }
0x104: {  	[tilespmem:$0x1540] =	vst v61  }
0x105: {  	v51 =	vld.idx.msk [tilespmem:v19+s6+$0x0], $0xffff  }
0x106: {  	v52 =	vld.idx.msk [tilespmem:v20+s6+$0x0], $0xffff  }
0x107: {  	v62 =	vld.idx.msk [tilespmem:v18+s6+$0x0], $0xffff;
	_ =	sdelay $0x3  }
0x108: {  	v63 =	vmax.f32 v51, v52  }
0x109: {  	v54 =	vmax.f32 v62, v63  }
0x10a: {  	v53 =	vsub.f32 v62, v54  }
0x10b: {  	v51 =	vsub.f32 v51, v54  }
0x10c: {  	v53 =	vmul.f32 $1.442695020e+00, v53  }
0x10d: {  	v52 =	vsub.f32 v52, v54;
	v51 =	vmul.f32 $1.442695020e+00, v51  }
0x10e: {  	(erf) = vpow2.f32 v53  }
0x10f: {  	v56 =	vmul.f32 $1.442695020e+00, v52;
	(erf) = vpow2.f32 v51;
	_ =	sdelay $0x1  }
0x110: {  	(erf) = vpow2.f32 v56;
	_ =	sdelay $0x5  }
0x111: {  	v57 =	vpop (erf)  }
0x112: {  	v58 =	vpop (erf)  }
0x113: {  	v59 =	vadd.f32 v58, v57  }
0x114: {  	v60 =	vpop (erf)  }
0x115: {  	v53 =	vadd.f32 v59, v60;
	_ =	sdelay $0x1  }
0x116: {  	(erf) = vrcp.f32 v53;
	_ =	sdelay $0x8  }
0x117: {  	v53 =	vpop (erf)  }
0x118: {  	v51 =	vmul.f32 v53, v57  }
0x119: {  	v52 =	vmul.f32 v53, v58  }
0x11a: {  	v61 =	vmul.f32 v53, v60;
	[tilespmem:$0x1350] =	vst v51  }
0x11b: {  	[tilespmem:$0x1450] =	vst v52  }
0x11c: {  	[tilespmem:$0x1550] =	vst v61  }
0x11d: {  	v51 =	vld.idx.msk [tilespmem:v22+s6+$0x0], $0xffff  }
0x11e: {  	v52 =	vld.idx.msk [tilespmem:v23+s6+$0x0], $0xffff  }
0x11f: {  	v62 =	vld.idx.msk [tilespmem:v21+s6+$0x0], $0xffff;
	_ =	sdelay $0x3  }
0x120: {  	v63 =	vmax.f32 v51, v52  }
0x121: {  	v54 =	vmax.f32 v62, v63  }
0x122: {  	v53 =	vsub.f32 v62, v54  }
0x123: {  	v51 =	vsub.f32 v51, v54  }
0x124: {  	v53 =	vmul.f32 $1.442695020e+00, v53  }
0x125: {  	v52 =	vsub.f32 v52, v54;
	v51 =	vmul.f32 $1.442695020e+00, v51  }
0x126: {  	(erf) = vpow2.f32 v53  }
0x127: {  	v56 =	vmul.f32 $1.442695020e+00, v52;
	(erf) = vpow2.f32 v51;
	_ =	sdelay $0x1  }
0x128: {  	(erf) = vpow2.f32 v56;
	_ =	sdelay $0x5  }
0x129: {  	v57 =	vpop (erf)  }
0x12a: {  	v58 =	vpop (erf)  }
0x12b: {  	v59 =	vadd.f32 v58, v57  }
0x12c: {  	v60 =	vpop (erf)  }
0x12d: {  	v53 =	vadd.f32 v59, v60;
	_ =	sdelay $0x1  }
0x12e: {  	(erf) = vrcp.f32 v53;
	_ =	sdelay $0x8  }
0x12f: {  	v53 =	vpop (erf)  }
0x130: {  	v51 =	vmul.f32 v53, v57  }
0x131: {  	v52 =	vmul.f32 v53, v58  }
0x132: {  	v61 =	vmul.f32 v53, v60;
	[tilespmem:$0x1360] =	vst v51  }
0x133: {  	[tilespmem:$0x1460] =	vst v52  }
0x134: {  	[tilespmem:$0x1560] =	vst v61  }
0x135: {  	v51 =	vld.idx.msk [tilespmem:v25+s6+$0x0], $0xffff  }
0x136: {  	v52 =	vld.idx.msk [tilespmem:v26+s6+$0x0], $0xffff  }
0x137: {  	v62 =	vld.idx.msk [tilespmem:v24+s6+$0x0], $0xffff;
	_ =	sdelay $0x3  }
0x138: {  	v63 =	vmax.f32 v51, v52  }
0x139: {  	v54 =	vmax.f32 v62, v63  }
0x13a: {  	v53 =	vsub.f32 v62, v54  }
0x13b: {  	v51 =	vsub.f32 v51, v54  }
0x13c: {  	v53 =	vmul.f32 $1.442695020e+00, v53  }
0x13d: {  	v52 =	vsub.f32 v52, v54;
	v51 =	vmul.f32 $1.442695020e+00, v51  }
0x13e: {  	(erf) = vpow2.f32 v53  }
0x13f: {  	v56 =	vmul.f32 $1.442695020e+00, v52;
	(erf) = vpow2.f32 v51;
	_ =	sdelay $0x1  }
0x140: {  	(erf) = vpow2.f32 v56;
	_ =	sdelay $0x5  }
0x141: {  	v57 =	vpop (erf)  }
0x142: {  	v58 =	vpop (erf)  }
0x143: {  	v59 =	vadd.f32 v58, v57  }
0x144: {  	v60 =	vpop (erf)  }
0x145: {  	v53 =	vadd.f32 v59, v60;
	_ =	sdelay $0x1  }
0x146: {  	(erf) = vrcp.f32 v53;
	_ =	sdelay $0x8  }
0x147: {  	v53 =	vpop (erf)  }
0x148: {  	v51 =	vmul.f32 v53, v57  }
0x149: {  	v52 =	vmul.f32 v53, v58  }
0x14a: {  	v61 =	vmul.f32 v53, v60;
	[tilespmem:$0x1370] =	vst v51  }
0x14b: {  	[tilespmem:$0x1470] =	vst v52  }
0x14c: {  	[tilespmem:$0x1570] =	vst v61  }
0x14d: {  	v51 =	vld.idx.msk [tilespmem:v28+s6+$0x0], $0xffff  }
0x14e: {  	v52 =	vld.idx.msk [tilespmem:v29+s6+$0x0], $0xffff  }
0x14f: {  	v62 =	vld.idx.msk [tilespmem:v27+s6+$0x0], $0xffff;
	_ =	sdelay $0x3  }
0x150: {  	v63 =	vmax.f32 v51, v52  }
0x151: {  	v54 =	vmax.f32 v62, v63  }
0x152: {  	v53 =	vsub.f32 v62, v54  }
0x153: {  	v51 =	vsub.f32 v51, v54  }
0x154: {  	v53 =	vmul.f32 $1.442695020e+00, v53  }
0x155: {  	v52 =	vsub.f32 v52, v54;
	v51 =	vmul.f32 $1.442695020e+00, v51  }
0x156: {  	(erf) = vpow2.f32 v53  }
0x157: {  	v56 =	vmul.f32 $1.442695020e+00, v52;
	(erf) = vpow2.f32 v51;
	_ =	sdelay $0x1  }
0x158: {  	(erf) = vpow2.f32 v56;
	_ =	sdelay $0x5  }
0x159: {  	v57 =	vpop (erf)  }
0x15a: {  	v58 =	vpop (erf)  }
0x15b: {  	v59 =	vadd.f32 v58, v57  }
0x15c: {  	v60 =	vpop (erf)  }
0x15d: {  	v53 =	vadd.f32 v59, v60;
	_ =	sdelay $0x1  }
0x15e: {  	(erf) = vrcp.f32 v53;
	_ =	sdelay $0x8  }
0x15f: {  	v53 =	vpop (erf)  }
0x160: {  	v51 =	vmul.f32 v53, v57  }
0x161: {  	v52 =	vmul.f32 v53, v58  }
0x162: {  	v61 =	vmul.f32 v53, v60;
	[tilespmem:$0x1380] =	vst v51  }
0x163: {  	[tilespmem:$0x1480] =	vst v52  }
0x164: {  	[tilespmem:$0x1580] =	vst v61  }
0x165: {  	v51 =	vld.idx.msk [tilespmem:v31+s6+$0x0], $0xffff  }
0x166: {  	v52 =	vld.idx.msk [tilespmem:v32+s6+$0x0], $0xffff  }
0x167: {  	v62 =	vld.idx.msk [tilespmem:v30+s6+$0x0], $0xffff;
	_ =	sdelay $0x3  }
0x168: {  	v63 =	vmax.f32 v51, v52  }
0x169: {  	v54 =	vmax.f32 v62, v63  }
0x16a: {  	v53 =	vsub.f32 v62, v54  }
0x16b: {  	v51 =	vsub.f32 v51, v54  }
0x16c: {  	v53 =	vmul.f32 $1.442695020e+00, v53  }
0x16d: {  	v52 =	vsub.f32 v52, v54;
	v51 =	vmul.f32 $1.442695020e+00, v51  }
0x16e: {  	(erf) = vpow2.f32 v53  }
0x16f: {  	v56 =	vmul.f32 $1.442695020e+00, v52;
	(erf) = vpow2.f32 v51;
	_ =	sdelay $0x1  }
0x170: {  	(erf) = vpow2.f32 v56;
	_ =	sdelay $0x5  }
0x171: {  	v57 =	vpop (erf)  }
0x172: {  	v58 =	vpop (erf)  }
0x173: {  	v59 =	vadd.f32 v58, v57  }
0x174: {  	v60 =	vpop (erf)  }
0x175: {  	v53 =	vadd.f32 v59, v60;
	_ =	sdelay $0x1  }
0x176: {  	(erf) = vrcp.f32 v53;
	_ =	sdelay $0x8  }
0x177: {  	v53 =	vpop (erf)  }
0x178: {  	v51 =	vmul.f32 v53, v57  }
0x179: {  	v52 =	vmul.f32 v53, v58  }
0x17a: {  	v61 =	vmul.f32 v53, v60;
	[tilespmem:$0x1390] =	vst v51  }
0x17b: {  	[tilespmem:$0x1490] =	vst v52  }
0x17c: {  	[tilespmem:$0x1590] =	vst v61  }
0x17d: {  	v51 =	vld.idx.msk [tilespmem:v34+s6+$0x0], $0xffff  }
0x17e: {  	v52 =	vld.idx.msk [tilespmem:v35+s6+$0x0], $0xffff  }
0x17f: {  	v62 =	vld.idx.msk [tilespmem:v33+s6+$0x0], $0xffff;
	_ =	sdelay $0x3  }
0x180: {  	v63 =	vmax.f32 v51, v52  }
0x181: {  	v54 =	vmax.f32 v62, v63  }
0x182: {  	v53 =	vsub.f32 v62, v54  }
0x183: {  	v51 =	vsub.f32 v51, v54  }
0x184: {  	v53 =	vmul.f32 $1.442695020e+00, v53  }
0x185: {  	v52 =	vsub.f32 v52, v54;
	v51 =	vmul.f32 $1.442695020e+00, v51  }
0x186: {  	(erf) = vpow2.f32 v53  }
0x187: {  	v56 =	vmul.f32 $1.442695020e+00, v52;
	(erf) = vpow2.f32 v51;
	_ =	sdelay $0x1  }
0x188: {  	(erf) = vpow2.f32 v56;
	_ =	sdelay $0x5  }
0x189: {  	v57 =	vpop (erf)  }
0x18a: {  	v58 =	vpop (erf)  }
0x18b: {  	v59 =	vadd.f32 v58, v57  }
0x18c: {  	v60 =	vpop (erf)  }
0x18d: {  	v53 =	vadd.f32 v59, v60;
	_ =	sdelay $0x1  }
0x18e: {  	(erf) = vrcp.f32 v53;
	_ =	sdelay $0x8  }
0x18f: {  	v53 =	vpop (erf)  }
0x190: {  	v51 =	vmul.f32 v53, v57  }
0x191: {  	v52 =	vmul.f32 v53, v58  }
0x192: {  	v61 =	vmul.f32 v53, v60;
	[tilespmem:$0x13A0] =	vst v51  }
0x193: {  	[tilespmem:$0x14A0] =	vst v52  }
0x194: {  	[tilespmem:$0x15A0] =	vst v61  }
0x195: {  	v51 =	vld.idx.msk [tilespmem:v37+s6+$0x0], $0xffff  }
0x196: {  	v52 =	vld.idx.msk [tilespmem:v38+s6+$0x0], $0xffff  }
0x197: {  	v62 =	vld.idx.msk [tilespmem:v36+s6+$0x0], $0xffff;
	_ =	sdelay $0x3  }
0x198: {  	v63 =	vmax.f32 v51, v52  }
0x199: {  	v54 =	vmax.f32 v62, v63  }
0x19a: {  	v53 =	vsub.f32 v62, v54  }
0x19b: {  	v51 =	vsub.f32 v51, v54  }
0x19c: {  	v53 =	vmul.f32 $1.442695020e+00, v53  }
0x19d: {  	v52 =	vsub.f32 v52, v54;
	v51 =	vmul.f32 $1.442695020e+00, v51  }
0x19e: {  	(erf) = vpow2.f32 v53  }
0x19f: {  	v56 =	vmul.f32 $1.442695020e+00, v52;
	(erf) = vpow2.f32 v51;
	_ =	sdelay $0x1  }
0x1a0: {  	(erf) = vpow2.f32 v56;
	_ =	sdelay $0x5  }
0x1a1: {  	v57 =	vpop (erf)  }
0x1a2: {  	v58 =	vpop (erf)  }
0x1a3: {  	v59 =	vadd.f32 v58, v57  }
0x1a4: {  	v60 =	vpop (erf)  }
0x1a5: {  	v53 =	vadd.f32 v59, v60;
	_ =	sdelay $0x1  }
0x1a6: {  	(erf) = vrcp.f32 v53;
	_ =	sdelay $0x8  }
0x1a7: {  	v53 =	vpop (erf)  }
0x1a8: {  	v51 =	vmul.f32 v53, v57  }
0x1a9: {  	v52 =	vmul.f32 v53, v58  }
0x1aa: {  	v61 =	vmul.f32 v53, v60;
	[tilespmem:$0x13B0] =	vst v51  }
0x1ab: {  	[tilespmem:$0x14B0] =	vst v52  }
0x1ac: {  	[tilespmem:$0x15B0] =	vst v61  }
0x1ad: {  	v51 =	vld.idx.msk [tilespmem:v40+s6+$0x0], $0xffff  }
0x1ae: {  	v52 =	vld.idx.msk [tilespmem:v41+s6+$0x0], $0xffff  }
0x1af: {  	v62 =	vld.idx.msk [tilespmem:v39+s6+$0x0], $0xffff;
	_ =	sdelay $0x3  }
0x1b0: {  	v63 =	vmax.f32 v51, v52  }
0x1b1: {  	v54 =	vmax.f32 v62, v63  }
0x1b2: {  	v53 =	vsub.f32 v62, v54  }
0x1b3: {  	v51 =	vsub.f32 v51, v54  }
0x1b4: {  	v53 =	vmul.f32 $1.442695020e+00, v53  }
0x1b5: {  	v52 =	vsub.f32 v52, v54;
	v51 =	vmul.f32 $1.442695020e+00, v51  }
0x1b6: {  	(erf) = vpow2.f32 v53  }
0x1b7: {  	v56 =	vmul.f32 $1.442695020e+00, v52;
	(erf) = vpow2.f32 v51;
	_ =	sdelay $0x1  }
0x1b8: {  	(erf) = vpow2.f32 v56;
	_ =	sdelay $0x5  }
0x1b9: {  	v57 =	vpop (erf)  }
0x1ba: {  	v58 =	vpop (erf)  }
0x1bb: {  	v59 =	vadd.f32 v58, v57  }
0x1bc: {  	v60 =	vpop (erf)  }
0x1bd: {  	v53 =	vadd.f32 v59, v60;
	_ =	sdelay $0x1  }
0x1be: {  	(erf) = vrcp.f32 v53;
	_ =	sdelay $0x8  }
0x1bf: {  	v53 =	vpop (erf)  }
0x1c0: {  	v51 =	vmul.f32 v53, v57  }
0x1c1: {  	v52 =	vmul.f32 v53, v58  }
0x1c2: {  	v61 =	vmul.f32 v53, v60;
	[tilespmem:$0x13C0] =	vst v51  }
0x1c3: {  	[tilespmem:$0x14C0] =	vst v52  }
0x1c4: {  	[tilespmem:$0x15C0] =	vst v61  }
0x1c5: {  	v51 =	vld.idx.msk [tilespmem:v43+s6+$0x0], $0xffff  }
0x1c6: {  	v52 =	vld.idx.msk [tilespmem:v44+s6+$0x0], $0xffff  }
0x1c7: {  	v62 =	vld.idx.msk [tilespmem:v42+s6+$0x0], $0xffff;
	_ =	sdelay $0x3  }
0x1c8: {  	v63 =	vmax.f32 v51, v52  }
0x1c9: {  	v54 =	vmax.f32 v62, v63  }
0x1ca: {  	v53 =	vsub.f32 v62, v54  }
0x1cb: {  	v51 =	vsub.f32 v51, v54  }
0x1cc: {  	v53 =	vmul.f32 $1.442695020e+00, v53  }
0x1cd: {  	v52 =	vsub.f32 v52, v54;
	v51 =	vmul.f32 $1.442695020e+00, v51  }
0x1ce: {  	(erf) = vpow2.f32 v53  }
0x1cf: {  	v56 =	vmul.f32 $1.442695020e+00, v52;
	(erf) = vpow2.f32 v51;
	_ =	sdelay $0x1  }
0x1d0: {  	(erf) = vpow2.f32 v56;
	_ =	sdelay $0x5  }
0x1d1: {  	v57 =	vpop (erf)  }
0x1d2: {  	v58 =	vpop (erf)  }
0x1d3: {  	v59 =	vadd.f32 v58, v57  }
0x1d4: {  	v60 =	vpop (erf)  }
0x1d5: {  	v53 =	vadd.f32 v59, v60;
	_ =	sdelay $0x1  }
0x1d6: {  	(erf) = vrcp.f32 v53;
	_ =	sdelay $0x8  }
0x1d7: {  	v53 =	vpop (erf)  }
0x1d8: {  	v51 =	vmul.f32 v53, v57  }
0x1d9: {  	v52 =	vmul.f32 v53, v58  }
0x1da: {  	v61 =	vmul.f32 v53, v60;
	[tilespmem:$0x13D0] =	vst v51  }
0x1db: {  	[tilespmem:$0x14D0] =	vst v52  }
0x1dc: {  	[tilespmem:$0x15D0] =	vst v61  }
0x1dd: {  	v51 =	vld.idx.msk [tilespmem:v46+s6+$0x0], $0xffff  }
0x1de: {  	v52 =	vld.idx.msk [tilespmem:v47+s6+$0x0], $0xffff  }
0x1df: {  	v62 =	vld.idx.msk [tilespmem:v45+s6+$0x0], $0xffff;
	_ =	sdelay $0x3  }
0x1e0: {  	v63 =	vmax.f32 v51, v52  }
0x1e1: {  	v54 =	vmax.f32 v62, v63  }
0x1e2: {  	v53 =	vsub.f32 v62, v54  }
0x1e3: {  	v51 =	vsub.f32 v51, v54  }
0x1e4: {  	v53 =	vmul.f32 $1.442695020e+00, v53  }
0x1e5: {  	v52 =	vsub.f32 v52, v54;
	v51 =	vmul.f32 $1.442695020e+00, v51  }
0x1e6: {  	(erf) = vpow2.f32 v53  }
0x1e7: {  	v57 =	vmul.f32 $1.442695020e+00, v52;
	(erf) = vpow2.f32 v51;
	_ =	sdelay $0x1  }
0x1e8: {  	(erf) = vpow2.f32 v57;
	_ =	sdelay $0x5  }
0x1e9: {  	v58 =	vpop (erf)  }
0x1ea: {  	v59 =	vpop (erf)  }
0x1eb: {  	v60 =	vadd.f32 v59, v58  }
0x1ec: {  	v61 =	vpop (erf)  }
0x1ed: {  	v53 =	vadd.f32 v60, v61;
	_ =	sdelay $0x1  }
0x1ee: {  	(erf) = vrcp.f32 v53;
	_ =	sdelay $0x8  }
0x1ef: {  	v53 =	vpop (erf)  }
0x1f0: {  	v51 =	vmul.f32 v53, v58  }
0x1f1: {  	v52 =	vmul.f32 v53, v59  }
0x1f2: {  	v62 =	vmul.f32 v53, v61;
	[tilespmem:$0x13E0] =	vst v51  }
0x1f3: {  	[tilespmem:$0x14E0] =	vst v52  }
0x1f4: {  	[tilespmem:$0x15E0] =	vst v62  }
0x1f5: {  	v51 =	vld.idx.msk [tilespmem:v49+s6+$0x0], $0xffff  }
0x1f6: {  	v52 =	vld.idx.msk [tilespmem:v50+s6+$0x0], $0xffff  }
0x1f7: {  	v63 =	vld.idx.msk [tilespmem:v48+s6+$0x0], $0xffff;
	_ =	sdelay $0x3  }
0x1f8: {  	v57 =	vmax.f32 v51, v52  }
0x1f9: {  	v54 =	vmax.f32 v63, v57  }
0x1fa: {  	v53 =	vsub.f32 v63, v54  }
0x1fb: {  	v51 =	vsub.f32 v51, v54  }
0x1fc: {  	v53 =	vmul.f32 $1.442695020e+00, v53  }
0x1fd: {  	v52 =	vsub.f32 v52, v54;
	v51 =	vmul.f32 $1.442695020e+00, v51  }
0x1fe: {  	(erf) = vpow2.f32 v53  }
0x1ff: {  	v58 =	vmul.f32 $1.442695020e+00, v52;
	(erf) = vpow2.f32 v51;
	_ =	sdelay $0x1  }
0x200: {  	(erf) = vpow2.f32 v58;
	_ =	sdelay $0x5  }
0x201: {  	v59 =	vpop (erf)  }
0x202: {  	v60 =	vpop (erf)  }
0x203: {  	v61 =	vadd.f32 v60, v59  }
0x204: {  	v62 =	vpop (erf)  }
0x205: {  	v53 =	vadd.f32 v61, v62;
	_ =	sdelay $0x1  }
0x206: {  	(erf) = vrcp.f32 v53;
	_ =	sdelay $0x8  }
0x207: {  	v53 =	vpop (erf)  }
0x208: {  	v51 =	vmul.f32 v53, v59  }
0x209: {  	v52 =	vmul.f32 v53, v60  }
0x20a: {  	v63 =	vmul.f32 v53, v62;
	[tilespmem:$0x13F0] =	vst v51  }
0x20b: {  	[tilespmem:$0x14F0] =	vst v52  }
0x20c: {  	s23 =	simm.s32 $0x0;
	[tilespmem:$0x15F0] =	vst v63  }
.LBB2_2:
0x20d: {  	s24 =	sshllo.u32 s23, $0x2  }
0x20e: {  	s0 =	sshll.u32 s24, $0x7  }
0x20f: {  	s0 =	sand.u32 $0x3FFFFF80, s0  }
0x210: {  	v51 =	vld [tilespmem:s0+$0x0];
	_ =	sdelay $0x4  }
0x211: {  	v52 =	vshll.u32 v51, $0x3  }
0x212: {  	v51 =	vand.u32 $0x7, v51;
	v52 =	vand.u32 $0xFFFFFFC0, v52  }
0x213: {  	v51 =	vor.u32 v51, v52  }
0x214: {  	v52 =	vperm.xlane v51, v1;
	_ =	sdelay $0x1  }
0x215: {  	v52 =	vadd.s32 v2, v52;
	_ =	sdelay $0x3  }
0x216: {  	s2 =	simm.s32 $0x13600  }
0x217: {  	[tilespmem:s2], [sflag:$0x4] =	stream.indirect_vreg.gather [hbm4b:s1+s4], $0x80, v52, vm0, $0xb8;
	[tilespmem:$0x1D600] =	vst v63  }
0x218: {  	s25 =	simm.s32 $0x13E00;
	v51 =	vperm.xlane v51, v3  }
0x219: {  	[tilespmem:s25], [sflag:$0x4] =	stream.indirect_vreg.gather [hbm4b:s7+s4], $0x80, v52, vm0, $0xb8;
	[tilespmem:$0x1D600] =	vst v63  }
0x21a: {  	s26 =	simm.s32 $0x14600;
	v51 =	vadd.s32 v2, v51  }
0x21b: {  	[tilespmem:s26], [sflag:$0x4] =	stream.indirect_vreg.gather [hbm4b:s8+s4], $0x80, v52, vm0, $0xb8;
	[tilespmem:$0x1D600] =	vst v63  }
0x21c: {  	s29 =	simm.s32 $0x14E00  }
0x21d: {  	[tilespmem:s29], [sflag:$0x4] =	stream.indirect_vreg.gather [hbm4b:s9+s4], $0x80, v52, vm0, $0xb8;
	[tilespmem:$0x1D600] =	vst v63  }
0x21e: {  	s30 =	simm.s32 $0x15600  }
0x21f: {  	[tilespmem:s30], [sflag:$0x4] =	stream.indirect_vreg.gather [hbm4b:s1+s4], $0x80, v51, vm0, $0xb8;
	[tilespmem:$0x1D600] =	vst v63  }
0x220: {  	s31 =	simm.s32 $0x15E00  }
0x221: {  	[tilespmem:s31], [sflag:$0x4] =	stream.indirect_vreg.gather [hbm4b:s7+s4], $0x80, v51, vm0, $0xb8;
	[tilespmem:$0x1D600] =	vst v63  }
0x222: {  	s6 =	simm.s32 $0x16600  }
0x223: {  	[tilespmem:s6], [sflag:$0x4] =	stream.indirect_vreg.gather [hbm4b:s8+s4], $0x80, v51, vm0, $0xb8;
	[tilespmem:$0x1D600] =	vst v63  }
0x224: {  	s10 =	simm.s32 $0x16E00;
	s0 =	sor.u32 $0x10, s0  }
0x225: {  	[tilespmem:s10], [sflag:$0x4] =	stream.indirect_vreg.gather [hbm4b:s9+s4], $0x80, v51, vm0, $0xb8;
	[tilespmem:$0x1D600] =	vst v63  }
0x226: {  	v51 =	vld.msk [tilespmem:s0+$0x0], $0xff;
	_ =	sdelay $0x4  }
0x227: {  	v61 =	vshll.u32 v51, $0x3  }
0x228: {  	v51 =	vand.u32 $0x7, v51;
	v52 =	vand.u32 $0xFFFFFFC0, v61  }
0x229: {  	v51 =	vor.u32 v51, v52  }
0x22a: {  	v51 =	vperm.xlane v51, v1;
	_ =	sdelay $0x1  }
0x22b: {  	v51 =	vadd.s32 v2, v51;
	_ =	sdelay $0x3  }
0x22c: {  	s11 =	simm.s32 $0x17600  }
0x22d: {  	[tilespmem:s11], [sflag:$0x4] =	stream.indirect_vreg.gather [hbm4b:s1+s4], $0x80, v51, vm0, $0xb8;
	[tilespmem:$0x1D600] =	vst v63  }
0x22e: {  	s12 =	simm.s32 $0x17E00  }
0x22f: {  	[tilespmem:s12], [sflag:$0x4] =	stream.indirect_vreg.gather [hbm4b:s7+s4], $0x80, v51, vm0, $0xb8;
	[tilespmem:$0x1D600] =	vst v63  }
0x230: {  	s13 =	simm.s32 $0x18600;
	s26 =	sshll.u32 s23, $0x5  }
0x231: {  	[tilespmem:s13], [sflag:$0x4] =	stream.indirect_vreg.gather [hbm4b:s8+s4], $0x80, v51, vm0, $0xb8;
	[tilespmem:$0x1D600] =	vst v63  }
0x232: {  	s14 =	simm.s32 $0x18E00;
	s17 =	simm.s32 $0x1;
	s16 =	sor.u32 $0x100, s26  }
0x233: {  	v62 =	vmov s26;
	[tilespmem:s14], [sflag:$0x4] =	stream.indirect_vreg.gather [hbm4b:s9+s4], $0x80, v51, vm0, $0xb8;
	[tilespmem:$0x1D600] =	vst v63  }
0x234: {  	s19 =	sor.u32 $0x200, s26;
	v63 =	vmov s16;
	v51 =	vbroadcast v62, $0x0;
	_ =	swait.ge [sflag:s17], $0x6000  }
0x235: {  	p0 =	seq.s32 s23, $0x0;
	v53 =	vmov s19;
	v52 =	vbroadcast v63, $0x0;
	[sflag:s17] =	ssyncset.done $0x0  }
0x236: {  	v54 =	vbroadcast v53, $0x0;
	s0 =	simm.s32 @!p0 $0x5;
	[sflag:s17] =	ssyncadd.s32 $0xFFFFA000  }
0x237: {  	_ =	swait.ge @!p0 [sflag:s0], $0x2000  }
0x238: {  	[sflag:s0] =	ssyncset.done @!p0 $0x0  }
0x239: {  	s25 =	simm.s32 $0x0;
	[sflag:s0] =	ssyncadd.s32 @!p0 $0xFFFFE000  }
0x23a: {  	s29 =	sand.u32 $0x60, s25;
	v51 =	vld.idx.msk [tilespmem:v51+s15+$0x0], $0xffff  }
0x23b: {  	s10 =	sor.u32 $0x10, s29;
	s0 =	sand.u32 $0x1C00, s25;
	v53 =	vld.idx.msk [tilespmem:v52+s15+$0x0], $0xffff  }
0x23c: {  	v52 =	vld.idx.msk [tilespmem:v54+s15+$0x0], $0xffff;
	s11 =	sadd.s32 $0x1600, s0;
	s6 =	sor.u32 s0, s10  }
0x23d: {  	v54 =	vld [tilespmem:s6+$0x1600];
	s10 =	sor.u32 s10, s11  }
0x23e: {  	s0 =	sor.u32 s29, s0;
	v55 =	vld [tilespmem:s10+$0x80]  }
0x23f: {  	v58 =	vld [tilespmem:s0+$0x1600]  }
0x240: {  	s30 =	simm.s32 $0x20;
	s11 =	sor.u32 s29, s11;
	v57 =	vld [tilespmem:s10+$0x100]  }
0x241: {  	s13 =	sand.u32 $0x60, s30;
	v56 =	vld [tilespmem:s11+$0x80];
	s10 =	simm.s32 $0x100  }
0x242: {  	s12 =	sor.u32 $0x10, s13;
	v60 =	vld [tilespmem:s11+$0x100];
	s16 =	sand.u32 $0x1C00, s10  }
0x243: {  	s31 =	sadd.s32 $0x1600, s16;
	s2 =	sor.u32 s16, s12;
	v59 =	vmul.f32 v54, v51;
	v61 =	vmul.f32 v55, v53  }
0x244: {  	s25 =	sor.u32 s12, s31;
	v54 =	vld [tilespmem:s2+$0x1600]  }
0x245: {  	s12 =	sor.u32 s13, s31;
	v55 =	vld [tilespmem:s25+$0x80];
	v63 =	vmul.f32 v57, v52;
	v62 =	vadd.f32 v61, v59  }
0x246: {  	v59 =	vmul.f32 v56, v53;
	v56 =	vld [tilespmem:s12+$0x80];
	v61 =	vmul.f32 v58, v51  }
0x247: {  	s11 =	simm.s32 $0x2;
	s28 =	sor.u32 s13, s16;
	s13 =	simm.s32 $0x40;
	v57 =	vld [tilespmem:s25+$0x100];
	v60 =	vmul.f32 v60, v52;
	v58 =	vadd.f32 v63, v62  }
.LBB2_3:
0x248: {  	s16 =	sand.u32 $0x60, s13;
	v62 =	vld [tilespmem:s28+$0x1600];
	s10 =	sadd.s32 $0x100, s10;
	v59 =	vadd.f32 v59, v61;
	s11 =	sadd.s32 $0x2, s11  }
0x249: {  	s25 =	sand.u32 $0x1C00, s10;
	s29 =	sor.u32 $0x10, s16;
	v63 =	vld [tilespmem:s12+$0x100];
	[tilespmem:s6+$0x19600] =	vst v58;
	p1 =	slt.u32 s11, $0x3E  }
.Ltmp0:
0x24a: {  	v58 =	vmul.f32 v54, v51;
	s6 =	sadd.s32 $0x1600, s25;
	s30 =	sor.u32 s25, s29;
	v61 =	vmul.f32 v55, v53;
	v60 =	vadd.f32 v60, v59;
	(pc) =	sbr.rel @p1 .LBB2_3-.Ltmp0, $4  }
0x24b: {  	s25 =	sor.u32 s16, s25;
	s12 =	sor.u32 s16, s6;
	v54 =	vld [tilespmem:s30+$0x1600];
	s16 =	sor.u32 s29, s6;
	v59 =	vmul.f32 v56, v53  }
0x24c: {  	s6 =	smov.u32 s2;
	s2 =	smov.u32 s30;
	v55 =	vld [tilespmem:s16+$0x80];
	v58 =	vadd.f32 v61, v58;
	v4 =	vmul.f32 v57, v52;
	[tilespmem:s0+$0x19600] =	vst v60;
	s0 =	smov.u32 s28  }
0x24d: {  	s28 =	smov.u32 s25;
	v56 =	vld [tilespmem:s12+$0x80];
	v61 =	vmul.f32 v62, v51  }
0x24e: {  	s13 =	sadd.s32 $0x20, s13;
	v57 =	vld [tilespmem:s16+$0x100];
	v60 =	vmul.f32 v63, v52;
	v58 =	vadd.f32 v4, v58  }
0x24f: {  	v4 =	vld [tilespmem:s28+$0x1600]  }
0x250: {  	v62 =	vld [tilespmem:s12+$0x100];
	v59 =	vadd.f32 v59, v61  }
0x251: {  	s10 =	sor.u32 $0x1, s26;
	s14 =	sor.u32 $0x101, s26;
	v54 =	vmul.f32 v54, v51;
	v55 =	vmul.f32 v55, v53  }
0x252: {  	s16 =	sor.u32 $0x201, s26;
	v61 =	vmov s10;
	v63 =	vmov s14;
	v59 =	vadd.f32 v60, v59  }
0x253: {  	v60 =	vmov s16;
	v53 =	vmul.f32 v56, v53;
	v54 =	vadd.f32 v55, v54  }
0x254: {  	v55 =	vmul.f32 v57, v52;
	v4 =	vmul.f32 v4, v51;
	v51 =	vand.u32 $0xFFFFFFE1, v61  }
0x255: {  	v56 =	vand.u32 $0xFFFFFFE1, v63;
	v52 =	vmul.f32 v62, v52;
	v51 =	vbroadcast v51, $0x0  }
0x256: {  	v61 =	vbroadcast v56, $0x0;
	v62 =	vand.u32 $0xFFFFFFE1, v60;
	v4 =	vadd.f32 v53, v4  }
0x257: {  	[tilespmem:s6+$0x19600] =	vst v58;
	v54 =	vadd.f32 v55, v54;
	v63 =	vbroadcast v62, $0x0  }
0x258: {  	[tilespmem:s0+$0x19600] =	vst v59;
	v4 =	vadd.f32 v52, v4  }
0x259: {  	[tilespmem:s2+$0x19600] =	vst v54  }
0x25a: {  	s17 =	simm.s32 $0x0;
	[tilespmem:s28+$0x19600] =	vst v4  }
0x25b: {  	s11 =	sand.u32 $0x1C00, s17;
	v52 =	vld.idx.msk [tilespmem:v51+s15+$0x0], $0xffff  }
0x25c: {  	s12 =	sand.u32 $0x60, s17;
	s19 =	sadd.s32 $0x1600, s11;
	v53 =	vld.idx.msk [tilespmem:v61+s15+$0x0], $0xffff  }
0x25d: {  	s25 =	sor.u32 s12, s19;
	v51 =	vld.idx.msk [tilespmem:v63+s15+$0x0], $0xffff  }
0x25e: {  	s16 =	sor.u32 $0x10, s12;
	v4 =	vld [tilespmem:s25+$0x180]  }
0x25f: {  	s10 =	sor.u32 s16, s19;
	v54 =	vld [tilespmem:s25+$0x200]  }
0x260: {  	s13 =	simm.s32 $0x100;
	v55 =	vld [tilespmem:s10+$0x180]  }
0x261: {  	s29 =	sand.u32 $0x1C00, s13;
	s14 =	simm.s32 $0x20;
	v56 =	vld [tilespmem:s10+$0x200]  }
0x262: {  	s17 =	sadd.s32 $0x1600, s29;
	s0 =	sand.u32 $0x60, s14;
	v57 =	vld [tilespmem:s10+$0x280]  }
0x263: {  	s19 =	sor.u32 s0, s17;
	v58 =	vld [tilespmem:s25+$0x280]  }
0x264: {  	s28 =	sor.u32 $0x10, s0;
	v60 =	vld [tilespmem:s19+$0x180]  }
0x265: {  	v59 =	vld [tilespmem:s19+$0x200];
	s10 =	sor.u32 s28, s17  }
0x266: {  	s25 =	simm.s32 $0x200;
	v62 =	vld [tilespmem:s10+$0x180];
	v54 =	vmul.f32 v54, v53;
	v4 =	vmul.f32 v4, v52  }
0x267: {  	s31 =	simm.s32 $0x40;
	s2 =	sand.u32 $0x1C00, s25;
	v63 =	vld [tilespmem:s10+$0x200];
	v61 =	vmul.f32 v55, v52  }
0x268: {  	s30 =	sand.u32 $0x60, s31;
	s13 =	sadd.s32 $0x1600, s2;
	v5 =	vmul.f32 v56, v53;
	v55 =	vld [tilespmem:s10+$0x280];
	v58 =	vmul.f32 v58, v51;
	v4 =	vadd.f32 v54, v4  }
0x269: {  	s10 =	sor.u32 s30, s13;
	v56 =	vld [tilespmem:s19+$0x280]  }
0x26a: {  	s6 =	sor.u32 $0x10, s30;
	s25 =	sadd.s32 $0x19600, s11;
	v57 =	vmul.f32 v57, v51;
	v5 =	vadd.f32 v5, v61;
	v54 =	vld [tilespmem:s10+$0x180];
	v4 =	vadd.f32 v58, v4  }
0x26b: {  	v59 =	vmul.f32 v59, v53;
	s13 =	sor.u32 s6, s13;
	s19 =	sor.u32 s12, s25;
	v62 =	vmul.f32 v62, v52;
	v58 =	vld [tilespmem:s10+$0x200]  }
0x26c: {  	s11 =	simm.s32 $0x4;
	s16 =	sor.u32 s16, s25;
	s12 =	simm.s32 $0x300;
	v63 =	vmul.f32 v63, v53;
	v61 =	vmul.f32 v60, v52;
	v60 =	vadd.f32 v57, v5;
	v57 =	vld [tilespmem:s13+$0x180];
	[tilespmem:s19+$0x80] =	vst v4  }
.LBB2_5:
0x26d: {  	s19 =	sand.u32 $0x1C00, s12  }
0x26e: {  	s11 =	sadd.s32 $0x2, s11;
	s31 =	sadd.s32 $0x20, s31;
	s25 =	smov.u32 s30  }
0x26f: {  	v4 =	vld [tilespmem:s13+$0x200];
	[tilespmem:s16+$0x80] =	vst v60;
	v5 =	vmov v55;
	s16 =	smov.u32 s28;
	s28 =	smov.u32 s6;
	p1 =	slt.u32 s11, $0x3E  }
.Ltmp1:
0x270: {  	v60 =	vadd.f32 v59, v61;
	s30 =	sand.u32 $0x60, s31;
	s14 =	sadd.s32 $0x1600, s19;
	v55 =	vld [tilespmem:s13+$0x280];
	v61 =	vmul.f32 v56, v51;
	v62 =	vadd.f32 v63, v62;
	(pc) =	sbr.rel @p1 .LBB2_5-.Ltmp1, $4  }
0x271: {  	v5 =	vmul.f32 v5, v51;
	v56 =	vld [tilespmem:s10+$0x280];
	s10 =	sor.u32 s30, s14;
	v63 =	vmov v54  }
0x272: {  	s17 =	sadd.s32 $0x19600, s29;
	s29 =	smov.u32 s2;
	s6 =	sor.u32 $0x10, s30;
	v54 =	vld [tilespmem:s10+$0x180];
	v59 =	vmul.f32 v58, v53;
	v6 =	vadd.f32 v61, v60  }
0x273: {  	s0 =	sor.u32 s0, s17;
	s2 =	smov.u32 s19;
	s13 =	sor.u32 s6, s14;
	v61 =	vmul.f32 v63, v52;
	v60 =	vadd.f32 v5, v62;
	v58 =	vld [tilespmem:s10+$0x200]  }
0x274: {  	s12 =	sadd.s32 $0x100, s12;
	s16 =	sor.u32 s16, s17;
	v62 =	vmul.f32 v57, v52;
	v57 =	vld [tilespmem:s13+$0x180];
	v63 =	vmul.f32 v4, v53;
	[tilespmem:s0+$0x80] =	vst v6;
	s0 =	smov.u32 s25  }
0x275: {  	v4 =	vld [tilespmem:s13+$0x200]  }
0x276: {  	v5 =	vadd.f32 v59, v61;
	v59 =	vld [tilespmem:s10+$0x280];
	s17 =	sor.u32 $0x102, s26;
	v6 =	vmul.f32 v56, v51  }
0x277: {  	v55 =	vmul.f32 v55, v51;
	v61 =	vld [tilespmem:s13+$0x280];
	v56 =	vadd.f32 v63, v62;
	v62 =	vmov s17  }
0x278: {  	s14 =	sor.u32 $0x2, s26;
	v58 =	vmul.f32 v58, v53;
	v5 =	vadd.f32 v6, v5;
	v6 =	vmul.f32 v54, v52  }
0x279: {  	v54 =	vadd.f32 v55, v56;
	v52 =	vmul.f32 v57, v52;
	v57 =	vmov s14  }
0x27a: {  	v55 =	vand.u32 $0xFFFFFFE2, v62;
	v4 =	vmul.f32 v4, v53;
	v53 =	vand.u32 $0xFFFFFFE2, v57  }
0x27b: {  	s19 =	sadd.s32 $0x19600, s29;
	v6 =	vadd.f32 v58, v6;
	v63 =	vmul.f32 v59, v51;
	v53 =	vbroadcast v53, $0x0  }
0x27c: {  	[tilespmem:s16+$0x80] =	vst v60;
	s11 =	sor.u32 $0x202, s26;
	s0 =	sor.u32 s0, s19;
	v55 =	vbroadcast v55, $0x0;
	v61 =	vmul.f32 v61, v51;
	v4 =	vadd.f32 v4, v52  }
0x27d: {  	s2 =	sadd.s32 $0x19600, s2;
	s10 =	simm.s32 $0x0;
	s25 =	sor.u32 s28, s19;
	[tilespmem:s0+$0x80] =	vst v5;
	v5 =	vadd.f32 v63, v6;
	v6 =	vmov s11  }
0x27e: {  	s12 =	sor.u32 s30, s2;
	s13 =	sand.u32 $0x3, s10;
	[tilespmem:s25+$0x80] =	vst v54;
	v6 =	vand.u32 $0xFFFFFFE2, v6;
	v4 =	vadd.f32 v61, v4  }
0x27f: {  	s16 =	sshll.u32 s13, $0x5;
	s14 =	sor.u32 s6, s2;
	[tilespmem:s12+$0x80] =	vst v5;
	v5 =	vbroadcast v6, $0x0  }
0x280: {  	s17 =	sadd.s32 $0x0, s16;
	[tilespmem:s14+$0x80] =	vst v4  }
0x281: {  	s2 =	sadd.s32 $0x10, s17;
	v52 =	vld.idx.msk [tilespmem:v53+s15+$0x0], $0xffff  }
0x282: {  	s19 =	sor.u32 $0x300, s2;
	v53 =	vld.idx.msk [tilespmem:v55+s15+$0x0], $0xffff  }
0x283: {  	s28 =	sand.u32 $0x60, s10;
	s2 =	sor.u32 $0x380, s2;
	s11 =	sand.u32 $0x1C00, s10;
	v4 =	vld [tilespmem:s19+$0x1600]  }
0x284: {  	s29 =	sor.u32 $0x10, s28;
	s13 =	simm.s32 $0x1;
	s12 =	sadd.s32 $0x3600, s11;
	v6 =	vld [tilespmem:s2+$0x1600]  }
0x285: {  	s6 =	sand.u32 $0x3, s13;
	s25 =	sor.u32 s29, s12;
	v51 =	vld.idx.msk [tilespmem:v5+s15+$0x0], $0xffff  }
0x286: {  	s0 =	sor.u32 $0x300, s17;
	s6 =	sshll.u32 s6, $0x5;
	s10 =	sor.u32 s10, s10;
	v5 =	vld [tilespmem:s25+$0x0]  }
0x287: {  	s16 =	sadd.s32 $0x100, s6;
	s6 =	simm.s32 $0x100;
	s14 =	sor.u32 $0x380, s10;
	v62 =	vld [tilespmem:s0+$0x1600]  }
0x288: {  	s30 =	sand.u32 $0x1C00, s6;
	v63 =	vld [tilespmem:s14+$0x1600]  }
0x289: {  	s13 =	sadd.s32 $0x3600, s30;
	s17 =	sor.u32 s28, s12;
	v4 =	vmul.f32 v4, v52;
	v6 =	vmul.f32 v6, v53  }
0x28a: {  	s10 =	simm.s32 $0x20;
	s19 =	sadd.s32 $0x10, s16;
	s0 =	sor.u32 $0x300, s16;
	v56 =	vld [tilespmem:s17+$0x0]  }
0x28b: {  	s11 =	sadd.s32 $0x19600, s11;
	v54 =	vld [tilespmem:s0+$0x1600];
	s0 =	sand.u32 $0x60, s10;
	s12 =	sor.u32 $0x380, s19;
	v4 =	vadd.f32 v6, v4;
	v5 =	vmul.f32 v5, v51  }
0x28c: {  	s2 =	simm.s32 $0x2;
	s31 =	sor.u32 $0x10, s0;
	v58 =	vld [tilespmem:s12+$0x1600];
	s25 =	sor.u32 $0x300, s19  }
0x28d: {  	s16 =	sor.u32 s6, s10;
	s12 =	simm.s32 $0x2;
	v55 =	vld [tilespmem:s25+$0x1600];
	s25 =	sor.u32 s31, s13;
	v57 =	vmul.f32 v62, v52;
	v60 =	vmul.f32 v63, v53;
	v59 =	vadd.f32 v5, v4  }
.LBB2_7:
0x28e: {  	s14 =	sand.u32 $0x3, s12;
	s16 =	sor.u32 $0x380, s16;
	s17 =	sor.u32 s29, s11  }
0x28f: {  	v4 =	vld [tilespmem:s25+$0x0];
	v5 =	vadd.f32 v60, v57;
	v6 =	vmul.f32 v56, v51;
	s19 =	smov.u32 s30;
	s29 =	smov.u32 s31;
	s2 =	sadd.s32 $0x2, s2  }
0x290: {  	s6 =	sadd.s32 $0x100, s6;
	s13 =	sor.u32 s0, s13;
	s14 =	sshll.u32 s14, $0x5;
	v60 =	vld [tilespmem:s16+$0x1600];
	v57 =	vmul.f32 v54, v52;
	[tilespmem:s17+$0x100] =	vst v59  }
0x291: {  	s11 =	sor.u32 s28, s11;
	p1 =	slt.u32 s2, $0x3E;
	s14 =	sadd.s32 s14, s6;
	v5 =	vadd.f32 v6, v5  }
.Ltmp2:
0x292: {  	v6 =	vmul.f32 v55, v52;
	s16 =	sor.u32 $0x300, s14;
	s14 =	sadd.s32 $0x10, s14;
	v56 =	vld [tilespmem:s13+$0x0];
	v58 =	vmul.f32 v58, v53;
	(pc) =	sbr.rel @p1 .LBB2_7-.Ltmp2, $4  }
0x293: {  	s10 =	sadd.s32 $0x20, s10;
	s28 =	smov.u32 s0;
	v54 =	vld [tilespmem:s16+$0x1600];
	s13 =	sor.u32 $0x300, s14;
	[tilespmem:s11+$0x100] =	vst v5  }
0x294: {  	s0 =	sand.u32 $0x60, s10;
	s30 =	sand.u32 $0x1C00, s6;
	s11 =	sor.u32 $0x380, s14;
	v55 =	vld [tilespmem:s13+$0x1600];
	v5 =	vadd.f32 v58, v6;
	v4 =	vmul.f32 v4, v51  }
0x295: {  	s31 =	sor.u32 $0x10, s0;
	s16 =	sor.u32 s6, s10;
	s13 =	sadd.s32 $0x3600, s30;
	v58 =	vld [tilespmem:s11+$0x1600];
	v60 =	vmul.f32 v60, v53  }
0x296: {  	s12 =	sadd.s32 $0x1, s12;
	s25 =	sor.u32 s31, s13;
	s11 =	sadd.s32 $0x19600, s19;
	v59 =	vadd.f32 v4, v5  }
0x297: {  	s2 =	sor.u32 $0x380, s16  }
0x298: {  	v4 =	vld [tilespmem:s2+$0x1600]  }
0x299: {  	v5 =	vld [tilespmem:s25+$0x0];
	s25 =	sor.u32 s0, s13  }
0x29a: {  	v6 =	vadd.f32 v60, v57;
	v56 =	vmul.f32 v56, v51;
	s6 =	sor.u32 $0x3, s26;
	s12 =	sor.u32 $0x203, s26;
	v57 =	vld [tilespmem:s25+$0x0]  }
0x29b: {  	v61 =	vmul.f32 v54, v52;
	v62 =	vmov s6;
	v60 =	vmov s12  }
0x29c: {  	v55 =	vmul.f32 v55, v52;
	v63 =	vand.u32 $0xFFFFFFE3, v62;
	v58 =	vmul.f32 v58, v53  }
0x29d: {  	v6 =	vadd.f32 v56, v6;
	v52 =	vbroadcast v63, $0x0;
	v4 =	vmul.f32 v4, v53  }
0x29e: {  	v5 =	vmul.f32 v5, v51;
	v53 =	vadd.f32 v58, v55;
	v55 =	vand.u32 $0xFFFFFFE3, v60  }
0x29f: {  	s10 =	sor.u32 $0x103, s26;
	s13 =	sor.u32 s29, s11;
	v55 =	vbroadcast v55, $0x0;
	v4 =	vadd.f32 v4, v61;
	v61 =	vmul.f32 v57, v51  }
0x2a0: {  	s14 =	sor.u32 s28, s11;
	[tilespmem:s13+$0x100] =	vst v59;
	s6 =	sadd.s32 $0x19600, s30;
	v58 =	vmov s10;
	v5 =	vadd.f32 v5, v53  }
0x2a1: {  	s16 =	sor.u32 s31, s6;
	[tilespmem:s14+$0x100] =	vst v6;
	v54 =	vand.u32 $0xFFFFFFE3, v58;
	v4 =	vadd.f32 v61, v4  }
0x2a2: {  	s19 =	simm.s32 $0x0;
	s17 =	sor.u32 s0, s6;
	v54 =	vbroadcast v54, $0x0;
	[tilespmem:s16+$0x100] =	vst v5  }
0x2a3: {  	s28 =	sand.u32 $0x60, s19;
	s10 =	sand.u32 $0x1C00, s19;
	[tilespmem:s17+$0x100] =	vst v4  }
0x2a4: {  	s29 =	sor.u32 $0x10, s28;
	s0 =	sadd.s32 $0x3680, s10;
	v53 =	vld.idx.msk [tilespmem:v52+s15+$0x0], $0xffff  }
0x2a5: {  	s25 =	sadd.s32 $0x3700, s10;
	s31 =	sor.u32 s29, s0;
	v52 =	vld.idx.msk [tilespmem:v55+s15+$0x0], $0xffff  }
0x2a6: {  	s11 =	sor.u32 s29, s25;
	v4 =	vld [tilespmem:s31+$0x0]  }
0x2a7: {  	v5 =	vld [tilespmem:s11+$0x0]  }
0x2a8: {  	s12 =	sadd.s32 $0x3780, s10;
	s0 =	sor.u32 s28, s0;
	v51 =	vld.idx.msk [tilespmem:v54+s15+$0x0], $0xffff  }
0x2a9: {  	s13 =	sor.u32 s29, s12;
	v6 =	vld [tilespmem:s0+$0x0]  }
0x2aa: {  	s14 =	simm.s32 $0x100;
	s2 =	sor.u32 s28, s25;
	s16 =	simm.s32 $0x20;
	v62 =	vld [tilespmem:s13+$0x0]  }
0x2ab: {  	s30 =	sand.u32 $0x60, s16;
	s11 =	sor.u32 s28, s12;
	s0 =	sand.u32 $0x1C00, s14;
	v63 =	vld [tilespmem:s2+$0x0]  }
0x2ac: {  	s2 =	sor.u32 $0x10, s30;
	s12 =	sadd.s32 $0x3680, s0;
	v58 =	vld [tilespmem:s11+$0x0]  }
0x2ad: {  	s17 =	sadd.s32 $0x3700, s0;
	s19 =	sor.u32 s2, s12;
	v4 =	vmul.f32 v4, v53;
	v5 =	vmul.f32 v5, v51  }
0x2ae: {  	s25 =	sor.u32 s2, s17;
	v54 =	vld [tilespmem:s19+$0x0]  }
0x2af: {  	s6 =	simm.s32 $0x2;
	s14 =	sadd.s32 $0x3780, s0;
	s12 =	sor.u32 s30, s12;
	v55 =	vld [tilespmem:s25+$0x0];
	v4 =	vadd.f32 v5, v4;
	v5 =	vmul.f32 v62, v52  }
0x2b0: {  	s10 =	sadd.s32 $0x19600, s10;
	s11 =	simm.s32 $0x200;
	s31 =	sor.u32 s2, s14;
	v56 =	vld [tilespmem:s12+$0x0];
	v59 =	vmul.f32 v6, v53  }
0x2b1: {  	s13 =	sor.u32 s30, s17;
	s16 =	sor.u32 s30, s14;
	v57 =	vld [tilespmem:s31+$0x0];
	s12 =	simm.s32 $0x40;
	v61 =	vmul.f32 v63, v51;
	v60 =	vmul.f32 v58, v52;
	v58 =	vadd.f32 v5, v4  }
.LBB2_9:
0x2b2: {  	s14 =	sand.u32 $0x60, s12;
	v4 =	vld [tilespmem:s13+$0x0];
	s13 =	sor.u32 s29, s10;
	s17 =	smov.u32 s0  }
0x2b3: {  	v5 =	vadd.f32 v61, v59;
	s0 =	sand.u32 $0x1C00, s11;
	s29 =	smov.u32 s2;
	s6 =	sadd.s32 $0x2, s6  }
0x2b4: {  	s19 =	sadd.s32 $0x3680, s0;
	s2 =	sor.u32 $0x10, s14;
	v6 =	vld [tilespmem:s16+$0x0];
	[tilespmem:s13+$0x180] =	vst v58;
	p1 =	slt.u32 s6, $0x3E  }
.Ltmp3:
0x2b5: {  	s16 =	sadd.s32 $0x3700, s0;
	v58 =	vmul.f32 v54, v53;
	s25 =	sor.u32 s2, s19;
	v61 =	vmul.f32 v55, v51;
	v5 =	vadd.f32 v60, v5;
	(pc) =	sbr.rel @p1 .LBB2_9-.Ltmp3, $4  }
0x2b6: {  	s19 =	sor.u32 s14, s19;
	s13 =	sor.u32 s14, s16;
	s16 =	sor.u32 s2, s16;
	v54 =	vld [tilespmem:s25+$0x0];
	v59 =	vmul.f32 v56, v53  }
0x2b7: {  	s10 =	sor.u32 s28, s10;
	s28 =	smov.u32 s30;
	s25 =	sadd.s32 $0x3780, s0;
	v55 =	vld [tilespmem:s16+$0x0];
	v58 =	vadd.f32 v61, v58;
	v62 =	vmul.f32 v57, v52  }
0x2b8: {  	s30 =	smov.u32 s14;
	s16 =	sor.u32 s14, s25;
	v56 =	vld [tilespmem:s19+$0x0];
	s19 =	sor.u32 s2, s25;
	v61 =	vmul.f32 v4, v51;
	[tilespmem:s10+$0x180] =	vst v5  }
0x2b9: {  	s11 =	sadd.s32 $0x100, s11;
	s12 =	sadd.s32 $0x20, s12;
	s10 =	sadd.s32 $0x19600, s17;
	v57 =	vld [tilespmem:s19+$0x0];
	v60 =	vmul.f32 v6, v52;
	v58 =	vadd.f32 v62, v58  }
0x2ba: {  	v4 =	vld [tilespmem:s13+$0x0]  }
0x2bb: {  	v5 =	vld [tilespmem:s16+$0x0]  }
0x2bc: {  	v6 =	vadd.f32 v61, v59;
	s6 =	sor.u32 $0x4, s26;
	s14 =	sor.u32 $0x104, s26;
	v54 =	vmul.f32 v54, v53;
	v55 =	vmul.f32 v55, v51  }
0x2bd: {  	v61 =	vmov s6;
	v62 =	vmov s14  }
0x2be: {  	v6 =	vadd.f32 v60, v6;
	v60 =	vmul.f32 v56, v53;
	v54 =	vadd.f32 v55, v54  }
0x2bf: {  	v55 =	vmul.f32 v57, v52;
	v4 =	vmul.f32 v4, v51;
	v51 =	vand.u32 $0xFFFFFFE4, v61  }
0x2c0: {  	v5 =	vmul.f32 v5, v52;
	v52 =	vand.u32 $0xFFFFFFE4, v62;
	v51 =	vbroadcast v51, $0x0  }
0x2c1: {  	s17 =	sor.u32 s29, s10;
	v52 =	vbroadcast v52, $0x0;
	v4 =	vadd.f32 v4, v60  }
0x2c2: {  	s16 =	sor.u32 $0x204, s26;
	s19 =	sor.u32 s28, s10;
	s0 =	sadd.s32 $0x19600, s0;
	[tilespmem:s17+$0x180] =	vst v58;
	v54 =	vadd.f32 v55, v54  }
0x2c3: {  	v63 =	vmov s16;
	s2 =	sor.u32 s2, s0;
	[tilespmem:s19+$0x180] =	vst v6;
	v4 =	vadd.f32 v5, v4  }
0x2c4: {  	s25 =	simm.s32 $0x0;
	s0 =	sor.u32 s30, s0;
	v60 =	vand.u32 $0xFFFFFFE4, v63;
	[tilespmem:s2+$0x180] =	vst v54  }
0x2c5: {  	s28 =	sand.u32 $0x60, s25;
	s10 =	sand.u32 $0x1C00, s25;
	v61 =	vbroadcast v60, $0x0;
	[tilespmem:s0+$0x180] =	vst v4  }
0x2c6: {  	s29 =	sor.u32 $0x10, s28;
	s31 =	sadd.s32 $0x3880, s10;
	v53 =	vld.idx.msk [tilespmem:v51+s15+$0x0], $0xffff  }
0x2c7: {  	s12 =	sor.u32 s29, s31;
	v51 =	vld.idx.msk [tilespmem:v52+s15+$0x0], $0xffff  }
0x2c8: {  	s2 =	sor.u32 s28, s31;
	s0 =	sadd.s32 $0x3800, s10;
	v5 =	vld [tilespmem:s12+$0x0]  }
0x2c9: {  	s11 =	sor.u32 s29, s0;
	v63 =	vld [tilespmem:s2+$0x0]  }
0x2ca: {  	v4 =	vld [tilespmem:s11+$0x0];
	s11 =	sadd.s32 $0x3900, s10  }
0x2cb: {  	v52 =	vld.idx.msk [tilespmem:v61+s15+$0x0], $0xffff;
	s13 =	sor.u32 s29, s11  }
0x2cc: {  	s14 =	simm.s32 $0x100;
	s16 =	simm.s32 $0x20;
	s0 =	sor.u32 s28, s0;
	v62 =	vld [tilespmem:s13+$0x0]  }
0x2cd: {  	s30 =	sand.u32 $0x60, s16;
	v6 =	vld [tilespmem:s0+$0x0];
	s0 =	sand.u32 $0x1C00, s14;
	s11 =	sor.u32 s28, s11  }
0x2ce: {  	s2 =	sor.u32 $0x10, s30;
	s12 =	sadd.s32 $0x3800, s0;
	v58 =	vld [tilespmem:s11+$0x0]  }
0x2cf: {  	s17 =	sadd.s32 $0x3880, s0;
	s19 =	sor.u32 s2, s12;
	v5 =	vmul.f32 v5, v51;
	v4 =	vmul.f32 v4, v53  }
0x2d0: {  	s25 =	sor.u32 s2, s17;
	v54 =	vld [tilespmem:s19+$0x0]  }
0x2d1: {  	s6 =	simm.s32 $0x2;
	s14 =	sadd.s32 $0x3900, s0;
	s12 =	sor.u32 s30, s12;
	v55 =	vld [tilespmem:s25+$0x0];
	v4 =	vadd.f32 v5, v4;
	v5 =	vmul.f32 v62, v52  }
0x2d2: {  	s10 =	sadd.s32 $0x19600, s10;
	s13 =	sor.u32 s30, s17;
	s31 =	sor.u32 s2, s14;
	v56 =	vld [tilespmem:s12+$0x0];
	v61 =	vmul.f32 v63, v51  }
0x2d3: {  	s16 =	sor.u32 s30, s14;
	s11 =	simm.s32 $0x200;
	v57 =	vld [tilespmem:s31+$0x0];
	s12 =	simm.s32 $0x40;
	v59 =	vmul.f32 v6, v53;
	v60 =	vmul.f32 v58, v52;
	v58 =	vadd.f32 v5, v4  }
.LBB2_11:
0x2d4: {  	s14 =	sand.u32 $0x60, s12;
	v4 =	vld [tilespmem:s13+$0x0];
	s13 =	sor.u32 s29, s10;
	s17 =	smov.u32 s0  }
0x2d5: {  	v5 =	vadd.f32 v61, v59;
	s0 =	sand.u32 $0x1C00, s11;
	s29 =	smov.u32 s2;
	s6 =	sadd.s32 $0x2, s6  }
0x2d6: {  	s19 =	sadd.s32 $0x3800, s0;
	s2 =	sor.u32 $0x10, s14;
	v6 =	vld [tilespmem:s16+$0x0];
	[tilespmem:s13+$0x200] =	vst v58;
	p1 =	slt.u32 s6, $0x3E  }
.Ltmp4:
0x2d7: {  	s16 =	sadd.s32 $0x3880, s0;
	v58 =	vmul.f32 v54, v53;
	s25 =	sor.u32 s2, s19;
	v61 =	vmul.f32 v55, v51;
	v5 =	vadd.f32 v60, v5;
	(pc) =	sbr.rel @p1 .LBB2_11-.Ltmp4, $4  }
0x2d8: {  	s19 =	sor.u32 s14, s19;
	s13 =	sor.u32 s14, s16;
	s16 =	sor.u32 s2, s16;
	v54 =	vld [tilespmem:s25+$0x0];
	v59 =	vmul.f32 v56, v53  }
0x2d9: {  	s10 =	sor.u32 s28, s10;
	s28 =	smov.u32 s30;
	s25 =	sadd.s32 $0x3900, s0;
	v55 =	vld [tilespmem:s16+$0x0];
	v58 =	vadd.f32 v61, v58;
	v62 =	vmul.f32 v57, v52  }
0x2da: {  	s30 =	smov.u32 s14;
	s16 =	sor.u32 s14, s25;
	v56 =	vld [tilespmem:s19+$0x0];
	s19 =	sor.u32 s2, s25;
	v61 =	vmul.f32 v4, v51;
	[tilespmem:s10+$0x200] =	vst v5  }
0x2db: {  	s11 =	sadd.s32 $0x100, s11;
	s12 =	sadd.s32 $0x20, s12;
	s10 =	sadd.s32 $0x19600, s17;
	v57 =	vld [tilespmem:s19+$0x0];
	v60 =	vmul.f32 v6, v52;
	v58 =	vadd.f32 v62, v58  }
0x2dc: {  	v4 =	vld [tilespmem:s13+$0x0]  }
0x2dd: {  	v5 =	vld [tilespmem:s16+$0x0];
	v6 =	vadd.f32 v61, v59  }
0x2de: {  	s6 =	sor.u32 $0x5, s26;
	v54 =	vmul.f32 v54, v53;
	v55 =	vmul.f32 v55, v51  }
0x2df: {  	s11 =	sor.u32 $0x105, s26;
	v59 =	vmov s6;
	v6 =	vadd.f32 v60, v6  }
0x2e0: {  	v60 =	vmov s11;
	v62 =	vmul.f32 v56, v53;
	v54 =	vadd.f32 v55, v54  }
0x2e1: {  	v63 =	vmul.f32 v57, v52;
	v4 =	vmul.f32 v4, v51;
	v51 =	vand.u32 $0xFFFFFFE5, v59  }
0x2e2: {  	v5 =	vmul.f32 v5, v52;
	v52 =	vand.u32 $0xFFFFFFE5, v60;
	v51 =	vbroadcast v51, $0x0  }
0x2e3: {  	s13 =	sor.u32 s29, s10;
	v52 =	vbroadcast v52, $0x0;
	v4 =	vadd.f32 v4, v62  }
0x2e4: {  	s14 =	sor.u32 s28, s10;
	s0 =	sadd.s32 $0x19600, s0;
	[tilespmem:s13+$0x200] =	vst v58;
	v54 =	vadd.f32 v63, v54  }
0x2e5: {  	s12 =	sor.u32 $0x205, s26;
	s2 =	sor.u32 s2, s0;
	[tilespmem:s14+$0x200] =	vst v6;
	v4 =	vadd.f32 v5, v4  }
0x2e6: {  	s16 =	simm.s32 $0x0;
	v61 =	vmov s12;
	s0 =	sor.u32 s30, s0;
	[tilespmem:s2+$0x200] =	vst v54  }
0x2e7: {  	s28 =	sand.u32 $0x60, s16;
	s11 =	sand.u32 $0x1C00, s16;
	v62 =	vand.u32 $0xFFFFFFE5, v61;
	[tilespmem:s0+$0x200] =	vst v4  }
0x2e8: {  	s29 =	sor.u32 $0x10, s28;
	s17 =	sadd.s32 $0x5600, s11;
	v63 =	vbroadcast v62, $0x0;
	v53 =	vld.idx.msk [tilespmem:v51+s15+$0x0], $0xffff  }
0x2e9: {  	s31 =	sadd.s32 $0x5680, s11;
	s25 =	sor.u32 s29, s17;
	v52 =	vld.idx.msk [tilespmem:v52+s15+$0x0], $0xffff  }
0x2ea: {  	s6 =	sor.u32 s29, s31;
	s0 =	sadd.s32 $0x3980, s11;
	v5 =	vld [tilespmem:s25+$0x0]  }
0x2eb: {  	s19 =	sor.u32 s29, s0;
	v56 =	vld [tilespmem:s6+$0x0]  }
0x2ec: {  	s12 =	sor.u32 s28, s17;
	v4 =	vld [tilespmem:s19+$0x0]  }
0x2ed: {  	v59 =	vld [tilespmem:s12+$0x0]  }
0x2ee: {  	s13 =	simm.s32 $0x100;
	s14 =	simm.s32 $0x20;
	s0 =	sor.u32 s28, s0;
	v51 =	vld.idx.msk [tilespmem:v63+s15+$0x0], $0xffff  }
0x2ef: {  	s10 =	sor.u32 s28, s31;
	s2 =	sand.u32 $0x1C00, s13;
	v6 =	vld [tilespmem:s0+$0x0];
	s0 =	sand.u32 $0x60, s14  }
0x2f0: {  	s12 =	sadd.s32 $0x3980, s2;
	v60 =	vld [tilespmem:s10+$0x0];
	s6 =	sor.u32 $0x10, s0  }
0x2f1: {  	s16 =	sadd.s32 $0x5600, s2;
	s17 =	sor.u32 s6, s12;
	v5 =	vmul.f32 v5, v52;
	v4 =	vmul.f32 v4, v53  }
0x2f2: {  	s14 =	sor.u32 s6, s16;
	v54 =	vld [tilespmem:s17+$0x0]  }
0x2f3: {  	s30 =	simm.s32 $0x40;
	s19 =	sadd.s32 $0x5680, s2;
	s12 =	sor.u32 s0, s12;
	v55 =	vld [tilespmem:s14+$0x0];
	v4 =	vadd.f32 v5, v4;
	v5 =	vmul.f32 v56, v51  }
0x2f4: {  	s11 =	sadd.s32 $0x19600, s11;
	s10 =	simm.s32 $0x2;
	s31 =	sor.u32 s6, s19;
	v57 =	vld [tilespmem:s12+$0x0];
	v61 =	vmul.f32 v59, v52  }
0x2f5: {  	s13 =	sor.u32 s0, s16;
	s25 =	sor.u32 s0, s19;
	s12 =	simm.s32 $0x200;
	v58 =	vmul.f32 v6, v53;
	v60 =	vmul.f32 v60, v51;
	v56 =	vld [tilespmem:s31+$0x0];
	v59 =	vadd.f32 v5, v4  }
.LBB2_13:
0x2f6: {  	s14 =	sand.u32 $0x60, s30;
	v4 =	vld [tilespmem:s13+$0x0];
	s13 =	sor.u32 s29, s11;
	s16 =	smov.u32 s2  }
0x2f7: {  	v5 =	vadd.f32 v61, v58;
	s2 =	sand.u32 $0x1C00, s12;
	s29 =	smov.u32 s6;
	s10 =	sadd.s32 $0x2, s10  }
0x2f8: {  	s17 =	sadd.s32 $0x3980, s2;
	s6 =	sor.u32 $0x10, s14;
	v6 =	vld [tilespmem:s25+$0x0];
	[tilespmem:s13+$0x280] =	vst v59;
	p1 =	slt.u32 s10, $0x3E  }
.Ltmp5:
0x2f9: {  	s19 =	sadd.s32 $0x5600, s2;
	v59 =	vmul.f32 v54, v53;
	s25 =	sor.u32 s6, s17;
	v61 =	vmul.f32 v55, v52;
	v5 =	vadd.f32 v60, v5;
	(pc) =	sbr.rel @p1 .LBB2_13-.Ltmp5, $4  }
0x2fa: {  	s17 =	sor.u32 s14, s17;
	s13 =	sor.u32 s14, s19;
	s19 =	sor.u32 s6, s19;
	v54 =	vld [tilespmem:s25+$0x0];
	v58 =	vmul.f32 v57, v53  }
0x2fb: {  	s11 =	sor.u32 s28, s11;
	s28 =	smov.u32 s0;
	s31 =	sadd.s32 $0x5680, s2;
	v55 =	vld [tilespmem:s19+$0x0];
	v59 =	vadd.f32 v61, v59;
	v62 =	vmul.f32 v56, v51  }
0x2fc: {  	s0 =	smov.u32 s14;
	s25 =	sor.u32 s14, s31;
	v57 =	vld [tilespmem:s17+$0x0];
	s17 =	sor.u32 s6, s31;
	v61 =	vmul.f32 v4, v52;
	[tilespmem:s11+$0x280] =	vst v5  }
0x2fd: {  	s12 =	sadd.s32 $0x100, s12;
	s30 =	sadd.s32 $0x20, s30;
	s11 =	sadd.s32 $0x19600, s16;
	v56 =	vld [tilespmem:s17+$0x0];
	v60 =	vmul.f32 v6, v51;
	v59 =	vadd.f32 v62, v59  }
0x2fe: {  	v4 =	vld [tilespmem:s13+$0x0];
	_ =	sdelay $0x1  }
0x2ff: {  	v5 =	vadd.f32 v61, v58;
	v6 =	vld [tilespmem:s25+$0x0];
	s10 =	sor.u32 $0x6, s26  }
0x300: {  	s30 =	sor.u32 $0x106, s26;
	v54 =	vmul.f32 v54, v53;
	v61 =	vmov s10;
	v55 =	vmul.f32 v55, v52  }
0x301: {  	v63 =	vmov s30;
	v5 =	vadd.f32 v60, v5;
	v62 =	vand.u32 $0xFFFFFFE6, v61  }
0x302: {  	v60 =	vmul.f32 v57, v53;
	v54 =	vadd.f32 v55, v54;
	v4 =	vmul.f32 v4, v52  }
0x303: {  	v56 =	vmul.f32 v56, v51;
	v55 =	vand.u32 $0xFFFFFFE6, v63;
	v52 =	vbroadcast v62, $0x0  }
0x304: {  	s31 =	sor.u32 s29, s11;
	s12 =	sor.u32 $0x206, s26;
	v6 =	vmul.f32 v6, v51;
	v58 =	vbroadcast v55, $0x0;
	v4 =	vadd.f32 v4, v60  }
0x305: {  	s13 =	sor.u32 s28, s11;
	s2 =	sadd.s32 $0x19600, s2;
	[tilespmem:s31+$0x280] =	vst v59;
	v61 =	vmov s12;
	v60 =	vadd.f32 v56, v54  }
0x306: {  	s6 =	sor.u32 s6, s2;
	[tilespmem:s13+$0x280] =	vst v5;
	v5 =	vand.u32 $0xFFFFFFE6, v61;
	v4 =	vadd.f32 v6, v4  }
0x307: {  	s0 =	sor.u32 s0, s2;
	s2 =	simm.s32 $0x0;
	v5 =	vbroadcast v5, $0x0;
	[tilespmem:s6+$0x280] =	vst v60  }
0x308: {  	s14 =	sand.u32 $0x1C00, s2;
	s6 =	sand.u32 $0x60, s2;
	[tilespmem:s0+$0x280] =	vst v4  }
0x309: {  	s16 =	sadd.s32 $0x5700, s14;
	s17 =	sor.u32 $0x10, s6;
	v52 =	vld.idx.msk [tilespmem:v52+s15+$0x0], $0xffff  }
0x30a: {  	s19 =	sadd.s32 $0x5780, s14;
	s25 =	sor.u32 s17, s16;
	v51 =	vld.idx.msk [tilespmem:v58+s15+$0x0], $0xffff  }
0x30b: {  	s28 =	sor.u32 s17, s19;
	v4 =	vld [tilespmem:s25+$0x0]  }
0x30c: {  	s14 =	sadd.s32 $0x5800, s14;
	v6 =	vld [tilespmem:s28+$0x0]  }
0x30d: {  	s0 =	sor.u32 s17, s14;
	v53 =	vld.idx.msk [tilespmem:v5+s15+$0x0], $0xffff  }
0x30e: {  	s10 =	sor.u32 s6, s16;
	v5 =	vld [tilespmem:s0+$0x0]  }
0x30f: {  	s30 =	simm.s32 $0x20;
	s29 =	sor.u32 s6, s19;
	v62 =	vld [tilespmem:s10+$0x0];
	s0 =	simm.s32 $0x100  }
0x310: {  	v63 =	vld [tilespmem:s29+$0x0];
	s10 =	sand.u32 $0x60, s30;
	s31 =	sand.u32 $0x1C00, s0  }
0x311: {  	s6 =	sor.u32 s6, s14;
	s17 =	sor.u32 $0x10, s10;
	s13 =	sadd.s32 $0x5700, s31;
	v4 =	vmul.f32 v4, v52;
	v6 =	vmul.f32 v6, v51  }
0x312: {  	s19 =	sand.u32 $0x3, s2;
	v58 =	vld [tilespmem:s6+$0x0];
	s25 =	sadd.s32 $0x5780, s31;
	s16 =	sor.u32 s17, s13  }
0x313: {  	s2 =	simm.s32 $0x2;
	s14 =	sshll.u32 s19, $0x5;
	s28 =	sor.u32 s17, s25;
	v54 =	vld [tilespmem:s16+$0x0];
	v5 =	vmul.f32 v5, v53;
	v4 =	vadd.f32 v6, v4  }
0x314: {  	s14 =	sadd.s32 $0x0, s14;
	s11 =	sadd.s32 $0x5800, s31;
	s12 =	sor.u32 s10, s13;
	v55 =	vld [tilespmem:s28+$0x0]  }
0x315: {  	s30 =	sadd.s32 $0x10, s14;
	s6 =	sor.u32 s10, s25;
	s29 =	sor.u32 s17, s11;
	v56 =	vld [tilespmem:s12+$0x0];
	v60 =	vmul.f32 v63, v51;
	v6 =	vmul.f32 v62, v52;
	v4 =	vadd.f32 v5, v4  }
0x316: {  	s13 =	sor.u32 s10, s11;
	s10 =	sor.u32 $0x300, s14;
	s31 =	sor.u32 $0x300, s30;
	v57 =	vld [tilespmem:s29+$0x0]  }
0x317: {  	s11 =	simm.s32 $0x200;
	s12 =	simm.s32 $0x40;
	v59 =	vmul.f32 v58, v53;
	v58 =	vld [tilespmem:s6+$0x0];
	s6 =	simm.s32 $0x1;
	v60 =	vadd.f32 v60, v6;
	[tilespmem:s31+$0x19600] =	vst v4  }
.LBB2_15:
0x318: {  	s14 =	sand.u32 $0x60, s12  }
0x319: {  	s16 =	sand.u32 $0x1C00, s11;
	s17 =	sand.u32 $0x3, s6;
	v4 =	vld [tilespmem:s13+$0x0];
	v5 =	vadd.f32 v59, v60;
	s2 =	sadd.s32 $0x2, s2  }
0x31a: {  	v6 =	vmul.f32 v54, v52;
	s13 =	sadd.s32 $0x5700, s16;
	s19 =	sor.u32 $0x10, s14;
	v55 =	vmul.f32 v55, v51;
	s25 =	sadd.s32 $0x5780, s16  }
0x31b: {  	p1 =	slt.u32 s2, $0x3E;
	s17 =	sshll.u32 s17, $0x5;
	s28 =	sor.u32 s19, s13;
	v60 =	vmul.f32 v56, v52;
	[tilespmem:s10+$0x19600] =	vst v5  }
.Ltmp6:
0x31c: {  	s10 =	sor.u32 s14, s13;
	s13 =	sor.u32 s19, s25;
	v54 =	vld [tilespmem:s28+$0x0];
	v5 =	vadd.f32 v55, v6;
	v6 =	vmul.f32 v57, v53;
	(pc) =	sbr.rel @p1 .LBB2_15-.Ltmp6, $4  }
0x31d: {  	s16 =	sadd.s32 $0x5800, s16;
	s25 =	sor.u32 s14, s25;
	s0 =	sadd.s32 s17, s0;
	v55 =	vld [tilespmem:s13+$0x0];
	v58 =	vmul.f32 v58, v51  }
0x31e: {  	s13 =	sor.u32 s14, s16;
	s14 =	sadd.s32 $0x10, s0;
	v56 =	vld [tilespmem:s10+$0x0];
	s10 =	sor.u32 s19, s16;
	v59 =	vmul.f32 v4, v53;
	v4 =	vadd.f32 v6, v5  }
0x31f: {  	s14 =	sor.u32 $0x300, s14;
	v57 =	vld [tilespmem:s10+$0x0];
	v60 =	vadd.f32 v58, v60;
	s10 =	sor.u32 $0x300, s0;
	s0 =	smov.u32 s11  }
0x320: {  	s12 =	sadd.s32 $0x20, s12;
	s6 =	sadd.s32 $0x1, s6;
	s11 =	sadd.s32 $0x100, s11;
	v58 =	vld [tilespmem:s25+$0x0];
	[tilespmem:s14+$0x19600] =	vst v4  }
0x321: {  	v4 =	vld [tilespmem:s13+$0x0]  }
0x322: {  	v5 =	vmul.f32 v54, v52;
	v54 =	vadd.f32 v59, v60;
	s2 =	sor.u32 $0x7, s26;
	s19 =	sor.u32 $0x107, s26  }
0x323: {  	s25 =	sor.u32 $0x207, s26;
	v6 =	vmul.f32 v55, v51;
	v60 =	vmov s2;
	v62 =	vmov s19  }
0x324: {  	v63 =	vmov s25;
	v52 =	vmul.f32 v56, v52;
	v61 =	vand.u32 $0xFFFFFFE7, v60  }
0x325: {  	s6 =	sand.u32 $0x3, s6;
	v5 =	vadd.f32 v6, v5;
	v6 =	vmul.f32 v57, v53;
	v51 =	vmul.f32 v58, v51  }
0x326: {  	s6 =	sshll.u32 s6, $0x5;
	v55 =	vand.u32 $0xFFFFFFE7, v62;
	v4 =	vmul.f32 v4, v53;
	v53 =	vbroadcast v61, $0x0  }
0x327: {  	s0 =	sadd.s32 s6, s0;
	v60 =	vand.u32 $0xFFFFFFE7, v63;
	v55 =	vbroadcast v55, $0x0;
	v51 =	vadd.f32 v51, v52  }
0x328: {  	s29 =	sadd.s32 $0x10, s0;
	v5 =	vadd.f32 v6, v5;
	v6 =	vbroadcast v60, $0x0  }
0x329: {  	[tilespmem:s10+$0x19600] =	vst v54;
	s2 =	sor.u32 $0x300, s29;
	v4 =	vadd.f32 v4, v51  }
0x32a: {  	s0 =	sor.u32 $0x300, s0;
	[tilespmem:s2+$0x19600] =	vst v5  }
0x32b: {  	s2 =	simm.s32 $0x0;
	[tilespmem:s0+$0x19600] =	vst v4  }
0x32c: {  	s30 =	sand.u32 $0x60, s2;
	s31 =	sand.u32 $0x1C00, s2;
	v52 =	vld.idx.msk [tilespmem:v53+s15+$0x0], $0xffff  }
0x32d: {  	s14 =	sadd.s32 $0x5880, s31;
	s11 =	sor.u32 $0x10, s30;
	v53 =	vld.idx.msk [tilespmem:v55+s15+$0x0], $0xffff  }
0x32e: {  	s12 =	sadd.s32 $0x5900, s31;
	s16 =	sor.u32 s11, s14;
	v51 =	vld.idx.msk [tilespmem:v6+s15+$0x0], $0xffff  }
0x32f: {  	s17 =	sor.u32 s11, s12;
	v4 =	vld [tilespmem:s16+$0x0]  }
0x330: {  	s6 =	sadd.s32 $0x5980, s31;
	s10 =	sor.u32 s30, s14;
	v5 =	vld [tilespmem:s17+$0x0]  }
0x331: {  	s19 =	sor.u32 s11, s6;
	v6 =	vld [tilespmem:s10+$0x0]  }
0x332: {  	s25 =	sor.u32 s30, s12;
	v61 =	vld [tilespmem:s19+$0x0]  }
0x333: {  	s11 =	simm.s32 $0x100;
	s12 =	simm.s32 $0x20;
	v62 =	vld [tilespmem:s25+$0x0]  }
0x334: {  	s0 =	sor.u32 s30, s6;
	s13 =	sand.u32 $0x60, s12;
	s29 =	sand.u32 $0x1C00, s11  }
0x335: {  	v63 =	vld [tilespmem:s0+$0x0];
	s14 =	sadd.s32 $0x5880, s29;
	s16 =	sor.u32 $0x10, s13  }
0x336: {  	s28 =	simm.s32 $0x40;
	s17 =	sadd.s32 $0x5900, s29;
	s19 =	sor.u32 s16, s14;
	v4 =	vmul.f32 v4, v52;
	v5 =	vmul.f32 v5, v53  }
0x337: {  	s30 =	sor.u32 s2, s2;
	s2 =	sand.u32 $0x3, s2;
	s31 =	sor.u32 s16, s17;
	v54 =	vld [tilespmem:s19+$0x0];
	v6 =	vmul.f32 v6, v52  }
0x338: {  	s6 =	simm.s32 $0x2;
	s25 =	sadd.s32 $0x5980, s29;
	s14 =	sor.u32 s13, s14;
	v55 =	vld [tilespmem:s31+$0x0];
	v58 =	vmul.f32 v62, v53;
	v4 =	vadd.f32 v5, v4;
	v5 =	vmul.f32 v61, v51  }
0x339: {  	s0 =	simm.s32 $0x10;
	s2 =	sshll.u32 s2, $0x5;
	s29 =	sor.u32 s16, s25;
	v56 =	vld [tilespmem:s14+$0x0]  }
0x33a: {  	s10 =	sor.u32 $0x380, s30;
	s2 =	sadd.s32 $0x10, s2;
	s30 =	sor.u32 s13, s17;
	v57 =	vld [tilespmem:s29+$0x0];
	v60 =	vmul.f32 v63, v51;
	v4 =	vadd.f32 v5, v4;
	v5 =	vadd.f32 v58, v6  }
0x33b: {  	s11 =	sor.u32 s12, s11;
	s13 =	sor.u32 s13, s25;
	s31 =	sor.u32 $0x380, s2;
	v59 =	vld [tilespmem:s30+$0x0]  }
0x33c: {  	s12 =	simm.s32 $0x200;
	s2 =	sor.u32 $0x380, s11;
	s11 =	simm.s32 $0x1;
	v58 =	vld [tilespmem:s13+$0x0];
	[tilespmem:s31+$0x19600] =	vst v4;
	v60 =	vadd.f32 v60, v5  }
.LBB2_17:
0x33d: {  	s13 =	sand.u32 $0x60, s28  }
0x33e: {  	s14 =	sand.u32 $0x1C00, s12;
	s16 =	sand.u32 $0x3, s11;
	v4 =	vmul.f32 v54, v52;
	v5 =	vmul.f32 v55, v53;
	[tilespmem:s10+$0x19600] =	vst v60;
	s6 =	sadd.s32 $0x2, s6  }
0x33f: {  	s0 =	sadd.s32 $0x100, s0;
	s10 =	sadd.s32 $0x5880, s14;
	s17 =	sor.u32 $0x10, s13;
	v6 =	vmul.f32 v56, v52  }
0x340: {  	s19 =	sadd.s32 $0x5900, s14;
	p1 =	slt.u32 s6, $0x3E;
	s25 =	sor.u32 s17, s10;
	v4 =	vadd.f32 v5, v4;
	v5 =	vmul.f32 v57, v51  }
0x341: {  	s16 =	sshll.u32 s16, $0x5;
	s14 =	sadd.s32 $0x5980, s14;
	v54 =	vld [tilespmem:s25+$0x0];
	s25 =	sor.u32 s17, s19;
	v57 =	vmul.f32 v59, v53  }
.Ltmp7:
0x342: {  	s10 =	sor.u32 s13, s10;
	s16 =	sadd.s32 s16, s0;
	v55 =	vld [tilespmem:s25+$0x0];
	v58 =	vmul.f32 v58, v51;
	v4 =	vadd.f32 v5, v4;
	(pc) =	sbr.rel @p1 .LBB2_17-.Ltmp7, $4  }
0x343: {  	s19 =	sor.u32 s13, s19;
	s16 =	sor.u32 $0x380, s16;
	v56 =	vld [tilespmem:s10+$0x0];
	s10 =	sor.u32 s17, s14;
	v5 =	vadd.f32 v57, v6  }
0x344: {  	s13 =	sor.u32 s13, s14;
	s14 =	sor.u32 s28, s12;
	v57 =	vld [tilespmem:s10+$0x0];
	[tilespmem:s16+$0x19600] =	vst v4;
	s10 =	smov.u32 s2  }
0x345: {  	s2 =	sor.u32 $0x380, s14;
	v59 =	vld [tilespmem:s19+$0x0];
	v60 =	vadd.f32 v58, v5  }
0x346: {  	s11 =	sadd.s32 $0x1, s11;
	s12 =	sadd.s32 $0x100, s12;
	s28 =	sadd.s32 $0x20, s28;
	v58 =	vld [tilespmem:s13+$0x0]  }
0x347: {  	_ =	sdelay $0x1  }
0x348: {  	v4 =	vmul.f32 v54, v52;
	v5 =	vmul.f32 v55, v53  }
0x349: {  	v6 =	vmul.f32 v56, v52;
	v62 =	vmul.f32 v59, v53  }
0x34a: {  	s6 =	sand.u32 $0x3, s11;
	v4 =	vadd.f32 v5, v4;
	v5 =	vmul.f32 v57, v51  }
0x34b: {  	s0 =	sadd.s32 $0x100, s0;
	p1 =	sne.s32 s23, $0x7;
	s6 =	sshll.u32 s6, $0x5;
	v63 =	vmul.f32 v58, v51;
	v6 =	vadd.f32 v62, v6  }
.Ltmp8:
0x34c: {  	s0 =	sadd.s32 s6, s0;
	v4 =	vadd.f32 v5, v4;
	(pc) =	sbr.rel @p1 .LBB2_20-.Ltmp8, $4  }
0x34d: {  	[tilespmem:s10+$0x19600] =	vst v60;
	s29 =	sadd.s32 s5, s26;
	s0 =	sor.u32 $0x380, s0;
	v5 =	vadd.f32 v63, v6  }
0x34e: {  	s30 =	sshll.u32 s29, $0x7;
	[tilespmem:s0+$0x19600] =	vst v4  }
0x34f: {  	s31 =	simm.s32 $0x19600;
	s0 =	sadd.s32 s3, s30;
	[tilespmem:s2+$0x19600] =	vst v5  }
0x350: {  	[hbm4b:s0+s4] =	stream.linear.scatter [tilespmem:s31], [sflag:$0x5], $0x2000, $0x38;
	[tilespmem:$0x1D600] =	vst v63  }
.Ltmp9:
0x351: {  	(pc) =	sbr.rel .LBB2_21-.Ltmp9, $4  }
0x352: {  	s0 =	simm.s32 $0x2  }
0x353: {  	_ =	swait.ge [sflag:s0], $0x6000  }
0x354: {  	[sflag:s0] =	ssyncset.done $0x0  }
0x355: {  	[sflag:s0] =	ssyncadd.s32 $0xFFFFA000  }
.LBB2_20:
0x356: {  	s0 =	sshll.u32 s23, $0x9  }
0x357: {  	s0 =	sand.u32 $0x3FFFFE00, s0  }
0x358: {  	v4 =	vld [tilespmem:s0+$0x200];
	_ =	sdelay $0x4  }
0x359: {  	v5 =	vshll.u32 v4, $0x3  }
0x35a: {  	v4 =	vand.u32 $0x7, v4;
	v5 =	vand.u32 $0xFFFFFFC0, v5  }
0x35b: {  	v4 =	vor.u32 v4, v5  }
0x35c: {  	v5 =	vperm.xlane v4, v1;
	_ =	sdelay $0x1  }
0x35d: {  	v5 =	vadd.s32 v2, v5;
	_ =	sdelay $0x3  }
0x35e: {  	s2 =	simm.s32 $0x1600  }
0x35f: {  	[tilespmem:s2], [sflag:$0x1] =	stream.indirect_vreg.gather [hbm4b:s1+s4], $0x80, v5, vm0, $0xb8;
	[tilespmem:$0x1D600] =	vst v63  }
0x360: {  	s11 =	simm.s32 $0x1E00;
	v4 =	vperm.xlane v4, v3  }
0x361: {  	[tilespmem:s11], [sflag:$0x1] =	stream.indirect_vreg.gather [hbm4b:s7+s4], $0x80, v5, vm0, $0xb8;
	[tilespmem:$0x1D600] =	vst v63  }
0x362: {  	s12 =	simm.s32 $0x2600;
	v4 =	vadd.s32 v2, v4  }
0x363: {  	[tilespmem:s12], [sflag:$0x1] =	stream.indirect_vreg.gather [hbm4b:s8+s4], $0x80, v5, vm0, $0xb8;
	[tilespmem:$0x1D600] =	vst v63  }
0x364: {  	s13 =	simm.s32 $0x2E00  }
0x365: {  	[tilespmem:s13], [sflag:$0x1] =	stream.indirect_vreg.gather [hbm4b:s9+s4], $0x80, v5, vm0, $0xb8;
	[tilespmem:$0x1D600] =	vst v63  }
0x366: {  	s14 =	simm.s32 $0x3600  }
0x367: {  	[tilespmem:s14], [sflag:$0x1] =	stream.indirect_vreg.gather [hbm4b:s1+s4], $0x80, v4, vm0, $0xb8;
	[tilespmem:$0x1D600] =	vst v63  }
0x368: {  	s16 =	simm.s32 $0x3E00  }
0x369: {  	[tilespmem:s16], [sflag:$0x1] =	stream.indirect_vreg.gather [hbm4b:s7+s4], $0x80, v4, vm0, $0xb8;
	[tilespmem:$0x1D600] =	vst v63  }
0x36a: {  	s17 =	simm.s32 $0x4600  }
0x36b: {  	[tilespmem:s17], [sflag:$0x1] =	stream.indirect_vreg.gather [hbm4b:s8+s4], $0x80, v4, vm0, $0xb8;
	[tilespmem:$0x1D600] =	vst v63  }
0x36c: {  	s19 =	simm.s32 $0x4E00  }
0x36d: {  	[tilespmem:s19], [sflag:$0x1] =	stream.indirect_vreg.gather [hbm4b:s9+s4], $0x80, v4, vm0, $0xb8;
	[tilespmem:$0x1D600] =	vst v63  }
0x36e: {  	v4 =	vld.msk [tilespmem:s0+$0x210], $0xff;
	_ =	sdelay $0x4  }
0x36f: {  	v5 =	vshll.u32 v4, $0x3  }
0x370: {  	v4 =	vand.u32 $0x7, v4;
	v5 =	vand.u32 $0xFFFFFFC0, v5  }
0x371: {  	v4 =	vor.u32 v4, v5  }
0x372: {  	v4 =	vperm.xlane v4, v1;
	_ =	sdelay $0x1  }
0x373: {  	v4 =	vadd.s32 v2, v4;
	_ =	sdelay $0x3  }
0x374: {  	s25 =	simm.s32 $0x5600  }
0x375: {  	[tilespmem:s25], [sflag:$0x1] =	stream.indirect_vreg.gather [hbm4b:s1+s4], $0x80, v4, vm0, $0xb8;
	[tilespmem:$0x1D600] =	vst v63  }
0x376: {  	s28 =	simm.s32 $0x5E00  }
0x377: {  	[tilespmem:s28], [sflag:$0x1] =	stream.indirect_vreg.gather [hbm4b:s7+s4], $0x80, v4, vm0, $0xb8;
	[tilespmem:$0x1D600] =	vst v63  }
0x378: {  	s29 =	simm.s32 $0x6600  }
0x379: {  	[tilespmem:s29], [sflag:$0x1] =	stream.indirect_vreg.gather [hbm4b:s8+s4], $0x80, v4, vm0, $0xb8;
	[tilespmem:$0x1D600] =	vst v63  }
.Ltmp10:
0x37a: {  	s30 =	simm.s32 $0x6E00;
	s31 =	simm.s32 $0x2;
	(pc) =	sbr.rel @p0 .LBB2_22-.Ltmp10, $4  }
0x37b: {  	[tilespmem:s30], [sflag:$0x1] =	stream.indirect_vreg.gather [hbm4b:s9+s4], $0x80, v4, vm0, $0xb8;
	[tilespmem:$0x1D600] =	vst v63  }
0x37c: {  	_ =	swait.ge [sflag:s31], $0x6000  }
0x37d: {  	[sflag:s31] =	ssyncset.done $0x0  }
0x37e: {  	[sflag:s31] =	ssyncadd.s32 $0xFFFFA000  }
.LBB2_21:
0x37f: {  	_ =	swait.ge [sflag:s18], $0x2000  }
0x380: {  	[sflag:s18] =	ssyncset.done $0x0  }
0x381: {  	[sflag:s18] =	ssyncadd.s32 $0xFFFFE000  }
.LBB2_22:
0x382: {  	s28 =	sor.u32 $0x8, s26  }
0x383: {  	s0 =	sor.u32 $0x108, s26;
	v4 =	vmov s28  }
0x384: {  	v5 =	vmov s0;
	v4 =	vand.u32 $0xFFFFFFE8, v4  }
0x385: {  	v5 =	vand.u32 $0xFFFFFFE8, v5;
	v4 =	vbroadcast v4, $0x0  }
0x386: {  	s10 =	sor.u32 $0x208, s26;
	s11 =	simm.s32 $0x0;
	v5 =	vbroadcast v5, $0x0  }
0x387: {  	v6 =	vmov s10;
	s29 =	sand.u32 $0x60, s11;
	s10 =	sand.u32 $0x1C00, s11  }
0x388: {  	s30 =	sor.u32 $0x10, s29;
	s11 =	sadd.s32 $0x7700, s10  }
0x389: {  	v6 =	vand.u32 $0xFFFFFFE8, v6;
	s13 =	sor.u32 s30, s11  }
0x38a: {  	v6 =	vbroadcast v6, $0x0;
	v56 =	vld [tilespmem:s13+$0x0]  }
0x38b: {  	s0 =	sadd.s32 $0x7600, s10;
	v53 =	vld.idx.msk [tilespmem:v4+s15+$0x0], $0xffff  }
0x38c: {  	s2 =	sadd.s32 $0x7680, s10;
	s6 =	sor.u32 s30, s0;
	v51 =	vld.idx.msk [tilespmem:v5+s15+$0x0], $0xffff  }
0x38d: {  	s12 =	sor.u32 s30, s2;
	v4 =	vld [tilespmem:s6+$0x0]  }
0x38e: {  	s2 =	sor.u32 s29, s2;
	v5 =	vld [tilespmem:s12+$0x0]  }
0x38f: {  	v57 =	vld [tilespmem:s2+$0x0]  }
0x390: {  	s14 =	simm.s32 $0x100;
	s16 =	simm.s32 $0x20;
	s0 =	sor.u32 s29, s0;
	v52 =	vld.idx.msk [tilespmem:v6+s15+$0x0], $0xffff  }
0x391: {  	s31 =	sand.u32 $0x60, s16;
	s11 =	sor.u32 s29, s11;
	v6 =	vld [tilespmem:s0+$0x0];
	s0 =	sand.u32 $0x1C00, s14  }
0x392: {  	s2 =	sor.u32 $0x10, s31;
	v58 =	vld [tilespmem:s11+$0x0];
	s12 =	sadd.s32 $0x7600, s0  }
0x393: {  	s17 =	sadd.s32 $0x7680, s0;
	s19 =	sor.u32 s2, s12;
	v4 =	vmul.f32 v4, v53;
	v5 =	vmul.f32 v5, v51  }
0x394: {  	s14 =	sadd.s32 $0x7700, s0;
	s13 =	sor.u32 s2, s17;
	v54 =	vld [tilespmem:s19+$0x0]  }
0x395: {  	s10 =	sadd.s32 $0x1B600, s10;
	s25 =	sor.u32 s2, s14;
	v55 =	vld [tilespmem:s13+$0x0];
	v4 =	vadd.f32 v5, v4;
	v5 =	vmul.f32 v56, v52  }
0x396: {  	s11 =	simm.s32 $0x200;
	s6 =	simm.s32 $0x2;
	s12 =	sor.u32 s31, s12;
	v61 =	vmul.f32 v57, v51;
	v57 =	vld [tilespmem:s25+$0x0]  }
0x397: {  	s16 =	sor.u32 s31, s14;
	s13 =	sor.u32 s31, s17;
	v59 =	vmul.f32 v6, v53;
	v60 =	vmul.f32 v58, v52;
	v56 =	vld [tilespmem:s12+$0x0];
	s12 =	simm.s32 $0x40;
	v58 =	vadd.f32 v5, v4  }
.LBB2_23:
0x398: {  	s14 =	sand.u32 $0x60, s12;
	v4 =	vld [tilespmem:s13+$0x0];
	s13 =	sor.u32 s30, s10;
	s17 =	smov.u32 s0  }
0x399: {  	v5 =	vadd.f32 v61, v59;
	s0 =	sand.u32 $0x1C00, s11;
	s30 =	smov.u32 s2;
	s6 =	sadd.s32 $0x2, s6  }
0x39a: {  	s19 =	sadd.s32 $0x7600, s0;
	s2 =	sor.u32 $0x10, s14;
	v6 =	vld [tilespmem:s16+$0x0];
	[tilespmem:s13+$0x0] =	vst v58;
	p0 =	slt.u32 s6, $0x3E  }
.Ltmp11:
0x39b: {  	s16 =	sadd.s32 $0x7680, s0;
	v58 =	vmul.f32 v54, v53;
	s25 =	sor.u32 s2, s19;
	v61 =	vmul.f32 v55, v51;
	v5 =	vadd.f32 v60, v5;
	(pc) =	sbr.rel @p0 .LBB2_23-.Ltmp11, $4  }
0x39c: {  	s19 =	sor.u32 s14, s19;
	s13 =	sor.u32 s14, s16;
	s16 =	sor.u32 s2, s16;
	v54 =	vld [tilespmem:s25+$0x0];
	v59 =	vmul.f32 v56, v53  }
0x39d: {  	s10 =	sor.u32 s29, s10;
	s29 =	smov.u32 s31;
	s25 =	sadd.s32 $0x7700, s0;
	v55 =	vld [tilespmem:s16+$0x0];
	v58 =	vadd.f32 v61, v58;
	v62 =	vmul.f32 v57, v52  }
0x39e: {  	s31 =	smov.u32 s14;
	s16 =	sor.u32 s14, s25;
	v56 =	vld [tilespmem:s19+$0x0];
	s19 =	sor.u32 s2, s25;
	v61 =	vmul.f32 v4, v51;
	[tilespmem:s10+$0x0] =	vst v5  }
0x39f: {  	s11 =	sadd.s32 $0x100, s11;
	s12 =	sadd.s32 $0x20, s12;
	s10 =	sadd.s32 $0x1B600, s17;
	v57 =	vld [tilespmem:s19+$0x0];
	v60 =	vmul.f32 v6, v52;
	v58 =	vadd.f32 v62, v58  }
0x3a0: {  	v4 =	vld [tilespmem:s13+$0x0]  }
0x3a1: {  	v5 =	vld [tilespmem:s16+$0x0]  }
0x3a2: {  	v6 =	vadd.f32 v61, v59;
	s6 =	sor.u32 $0x9, s26;
	s11 =	sor.u32 $0x109, s26;
	v54 =	vmul.f32 v54, v53;
	v55 =	vmul.f32 v55, v51  }
0x3a3: {  	v61 =	vmov s6;
	v62 =	vmov s11  }
0x3a4: {  	v6 =	vadd.f32 v60, v6;
	v60 =	vmul.f32 v56, v53;
	v54 =	vadd.f32 v55, v54  }
0x3a5: {  	v55 =	vmul.f32 v57, v52;
	v4 =	vmul.f32 v4, v51;
	v51 =	vand.u32 $0xFFFFFFE9, v61  }
0x3a6: {  	v5 =	vmul.f32 v5, v52;
	v52 =	vand.u32 $0xFFFFFFE9, v62;
	v51 =	vbroadcast v51, $0x0  }
0x3a7: {  	s13 =	sor.u32 s30, s10;
	v52 =	vbroadcast v52, $0x0;
	v4 =	vadd.f32 v4, v60  }
0x3a8: {  	s14 =	sor.u32 s29, s10;
	s0 =	sadd.s32 $0x1B600, s0;
	[tilespmem:s13+$0x0] =	vst v58;
	v54 =	vadd.f32 v55, v54  }
0x3a9: {  	s12 =	sor.u32 $0x209, s26;
	s2 =	sor.u32 s2, s0;
	[tilespmem:s14+$0x0] =	vst v6;
	v4 =	vadd.f32 v5, v4  }
0x3aa: {  	s16 =	simm.s32 $0x0;
	v63 =	vmov s12;
	s0 =	sor.u32 s31, s0;
	[tilespmem:s2+$0x0] =	vst v54  }
0x3ab: {  	s29 =	sand.u32 $0x60, s16;
	s10 =	sand.u32 $0x1C00, s16;
	v60 =	vand.u32 $0xFFFFFFE9, v63;
	[tilespmem:s0+$0x0] =	vst v4  }
0x3ac: {  	s30 =	sor.u32 $0x10, s29;
	s17 =	sadd.s32 $0x7800, s10;
	v61 =	vbroadcast v60, $0x0;
	v53 =	vld.idx.msk [tilespmem:v51+s15+$0x0], $0xffff  }
0x3ad: {  	s11 =	sadd.s32 $0x7880, s10;
	s25 =	sor.u32 s30, s17;
	v51 =	vld.idx.msk [tilespmem:v52+s15+$0x0], $0xffff  }
0x3ae: {  	s12 =	sor.u32 s30, s11;
	s0 =	sadd.s32 $0x7780, s10;
	v5 =	vld [tilespmem:s25+$0x0]  }
0x3af: {  	s19 =	sor.u32 s30, s0;
	v62 =	vld [tilespmem:s12+$0x0]  }
0x3b0: {  	s2 =	sor.u32 s29, s17;
	v4 =	vld [tilespmem:s19+$0x0]  }
0x3b1: {  	v63 =	vld [tilespmem:s2+$0x0]  }
0x3b2: {  	s13 =	simm.s32 $0x100;
	s14 =	simm.s32 $0x20;
	s0 =	sor.u32 s29, s0;
	v52 =	vld.idx.msk [tilespmem:v61+s15+$0x0], $0xffff  }
0x3b3: {  	s11 =	sor.u32 s29, s11;
	s31 =	sand.u32 $0x60, s14;
	v6 =	vld [tilespmem:s0+$0x0];
	s0 =	sand.u32 $0x1C00, s13  }
0x3b4: {  	s2 =	sor.u32 $0x10, s31;
	v58 =	vld [tilespmem:s11+$0x0];
	s12 =	sadd.s32 $0x7780, s0  }
0x3b5: {  	s16 =	sadd.s32 $0x7800, s0;
	s17 =	sor.u32 s2, s12;
	v5 =	vmul.f32 v5, v51;
	v4 =	vmul.f32 v4, v53  }
0x3b6: {  	s19 =	sor.u32 s2, s16;
	v54 =	vld [tilespmem:s17+$0x0]  }
0x3b7: {  	s6 =	simm.s32 $0x2;
	s14 =	sadd.s32 $0x7880, s0;
	s12 =	sor.u32 s31, s12;
	v55 =	vld [tilespmem:s19+$0x0];
	v4 =	vadd.f32 v5, v4;
	v5 =	vmul.f32 v62, v52  }
0x3b8: {  	s10 =	sadd.s32 $0x1B680, s10;
	s11 =	simm.s32 $0x200;
	s25 =	sor.u32 s2, s14;
	v56 =	vld [tilespmem:s12+$0x0];
	v61 =	vmul.f32 v63, v51  }
0x3b9: {  	s13 =	sor.u32 s31, s16;
	s16 =	sor.u32 s31, s14;
	v57 =	vld [tilespmem:s25+$0x0];
	s12 =	simm.s32 $0x40;
	v59 =	vmul.f32 v6, v53;
	v60 =	vmul.f32 v58, v52;
	v58 =	vadd.f32 v5, v4  }
.LBB2_25:
0x3ba: {  	s14 =	sand.u32 $0x60, s12;
	v4 =	vld [tilespmem:s13+$0x0];
	s13 =	sor.u32 s30, s10;
	s17 =	smov.u32 s0  }
0x3bb: {  	v5 =	vadd.f32 v61, v59;
	s0 =	sand.u32 $0x1C00, s11;
	s30 =	smov.u32 s2;
	s6 =	sadd.s32 $0x2, s6  }
0x3bc: {  	s19 =	sadd.s32 $0x7780, s0;
	s2 =	sor.u32 $0x10, s14;
	v6 =	vld [tilespmem:s16+$0x0];
	[tilespmem:s13+$0x0] =	vst v58;
	p0 =	slt.u32 s6, $0x3E  }
.Ltmp12:
0x3bd: {  	s16 =	sadd.s32 $0x7800, s0;
	v58 =	vmul.f32 v54, v53;
	s25 =	sor.u32 s2, s19;
	v61 =	vmul.f32 v55, v51;
	v5 =	vadd.f32 v60, v5;
	(pc) =	sbr.rel @p0 .LBB2_25-.Ltmp12, $4  }
0x3be: {  	s19 =	sor.u32 s14, s19;
	s13 =	sor.u32 s14, s16;
	s16 =	sor.u32 s2, s16;
	v54 =	vld [tilespmem:s25+$0x0];
	v59 =	vmul.f32 v56, v53  }
0x3bf: {  	s10 =	sor.u32 s29, s10;
	s29 =	smov.u32 s31;
	s25 =	sadd.s32 $0x7880, s0;
	v55 =	vld [tilespmem:s16+$0x0];
	v58 =	vadd.f32 v61, v58;
	v62 =	vmul.f32 v57, v52  }
0x3c0: {  	s31 =	smov.u32 s14;
	s16 =	sor.u32 s14, s25;
	v56 =	vld [tilespmem:s19+$0x0];
	s19 =	sor.u32 s2, s25;
	v61 =	vmul.f32 v4, v51;
	[tilespmem:s10+$0x0] =	vst v5  }
0x3c1: {  	s11 =	sadd.s32 $0x100, s11;
	s12 =	sadd.s32 $0x20, s12;
	s10 =	sadd.s32 $0x1B680, s17;
	v57 =	vld [tilespmem:s19+$0x0];
	v60 =	vmul.f32 v6, v52;
	v58 =	vadd.f32 v62, v58  }
0x3c2: {  	v4 =	vld [tilespmem:s13+$0x0]  }
0x3c3: {  	v5 =	vld [tilespmem:s16+$0x0]  }
0x3c4: {  	v6 =	vadd.f32 v61, v59;
	s6 =	sor.u32 $0xA, s26;
	s11 =	sor.u32 $0x10A, s26;
	v54 =	vmul.f32 v54, v53;
	v55 =	vmul.f32 v55, v51  }
0x3c5: {  	v61 =	vmov s6;
	v62 =	vmov s11  }
0x3c6: {  	v6 =	vadd.f32 v60, v6;
	v60 =	vmul.f32 v56, v53;
	v54 =	vadd.f32 v55, v54  }
0x3c7: {  	v55 =	vmul.f32 v57, v52;
	v4 =	vmul.f32 v4, v51;
	v51 =	vand.u32 $0xFFFFFFEA, v61  }
0x3c8: {  	v5 =	vmul.f32 v5, v52;
	v52 =	vand.u32 $0xFFFFFFEA, v62;
	v51 =	vbroadcast v51, $0x0  }
0x3c9: {  	s13 =	sor.u32 s30, s10;
	v52 =	vbroadcast v52, $0x0;
	v4 =	vadd.f32 v4, v60  }
0x3ca: {  	s14 =	sor.u32 s29, s10;
	s0 =	sadd.s32 $0x1B680, s0;
	[tilespmem:s13+$0x0] =	vst v58;
	v54 =	vadd.f32 v55, v54  }
0x3cb: {  	s12 =	sor.u32 $0x20A, s26;
	s2 =	sor.u32 s2, s0;
	[tilespmem:s14+$0x0] =	vst v6;
	v4 =	vadd.f32 v5, v4  }
0x3cc: {  	s16 =	simm.s32 $0x0;
	v63 =	vmov s12;
	s0 =	sor.u32 s31, s0;
	[tilespmem:s2+$0x0] =	vst v54  }
0x3cd: {  	s29 =	sand.u32 $0x60, s16;
	s10 =	sand.u32 $0x1C00, s16;
	v60 =	vand.u32 $0xFFFFFFEA, v63;
	[tilespmem:s0+$0x0] =	vst v4  }
0x3ce: {  	s30 =	sor.u32 $0x10, s29;
	s17 =	sadd.s32 $0x7980, s10;
	v61 =	vbroadcast v60, $0x0;
	v53 =	vld.idx.msk [tilespmem:v51+s15+$0x0], $0xffff  }
0x3cf: {  	s11 =	sadd.s32 $0x9600, s10;
	s25 =	sor.u32 s30, s17;
	v51 =	vld.idx.msk [tilespmem:v52+s15+$0x0], $0xffff  }
0x3d0: {  	s12 =	sor.u32 s30, s11;
	s0 =	sadd.s32 $0x7900, s10;
	v5 =	vld [tilespmem:s25+$0x0]  }
0x3d1: {  	s19 =	sor.u32 s30, s0;
	v62 =	vld [tilespmem:s12+$0x0]  }
0x3d2: {  	s2 =	sor.u32 s29, s17;
	v4 =	vld [tilespmem:s19+$0x0]  }
0x3d3: {  	v63 =	vld [tilespmem:s2+$0x0]  }
0x3d4: {  	s13 =	simm.s32 $0x100;
	s14 =	simm.s32 $0x20;
	s0 =	sor.u32 s29, s0;
	v52 =	vld.idx.msk [tilespmem:v61+s15+$0x0], $0xffff  }
0x3d5: {  	s11 =	sor.u32 s29, s11;
	s31 =	sand.u32 $0x60, s14;
	v6 =	vld [tilespmem:s0+$0x0];
	s0 =	sand.u32 $0x1C00, s13  }
0x3d6: {  	s2 =	sor.u32 $0x10, s31;
	v58 =	vld [tilespmem:s11+$0x0];
	s12 =	sadd.s32 $0x7900, s0  }
0x3d7: {  	s16 =	sadd.s32 $0x7980, s0;
	s17 =	sor.u32 s2, s12;
	v5 =	vmul.f32 v5, v51;
	v4 =	vmul.f32 v4, v53  }
0x3d8: {  	s19 =	sor.u32 s2, s16;
	v54 =	vld [tilespmem:s17+$0x0]  }
0x3d9: {  	s6 =	simm.s32 $0x2;
	s14 =	sadd.s32 $0x9600, s0;
	s12 =	sor.u32 s31, s12;
	v55 =	vld [tilespmem:s19+$0x0];
	v4 =	vadd.f32 v5, v4;
	v5 =	vmul.f32 v62, v52  }
0x3da: {  	s10 =	sadd.s32 $0x1B700, s10;
	s11 =	simm.s32 $0x200;
	s25 =	sor.u32 s2, s14;
	v56 =	vld [tilespmem:s12+$0x0];
	v61 =	vmul.f32 v63, v51  }
0x3db: {  	s13 =	sor.u32 s31, s16;
	s16 =	sor.u32 s31, s14;
	v57 =	vld [tilespmem:s25+$0x0];
	s12 =	simm.s32 $0x40;
	v59 =	vmul.f32 v6, v53;
	v60 =	vmul.f32 v58, v52;
	v58 =	vadd.f32 v5, v4  }
.LBB2_27:
0x3dc: {  	s14 =	sand.u32 $0x60, s12;
	v4 =	vld [tilespmem:s13+$0x0];
	s13 =	sor.u32 s30, s10;
	s17 =	smov.u32 s0  }
0x3dd: {  	v5 =	vadd.f32 v61, v59;
	s0 =	sand.u32 $0x1C00, s11;
	s30 =	smov.u32 s2;
	s6 =	sadd.s32 $0x2, s6  }
0x3de: {  	s19 =	sadd.s32 $0x7900, s0;
	s2 =	sor.u32 $0x10, s14;
	v6 =	vld [tilespmem:s16+$0x0];
	[tilespmem:s13+$0x0] =	vst v58;
	p0 =	slt.u32 s6, $0x3E  }
.Ltmp13:
0x3df: {  	s16 =	sadd.s32 $0x7980, s0;
	v58 =	vmul.f32 v54, v53;
	s25 =	sor.u32 s2, s19;
	v61 =	vmul.f32 v55, v51;
	v5 =	vadd.f32 v60, v5;
	(pc) =	sbr.rel @p0 .LBB2_27-.Ltmp13, $4  }
0x3e0: {  	s19 =	sor.u32 s14, s19;
	s13 =	sor.u32 s14, s16;
	s16 =	sor.u32 s2, s16;
	v54 =	vld [tilespmem:s25+$0x0];
	v59 =	vmul.f32 v56, v53  }
0x3e1: {  	s10 =	sor.u32 s29, s10;
	s29 =	smov.u32 s31;
	s25 =	sadd.s32 $0x9600, s0;
	v55 =	vld [tilespmem:s16+$0x0];
	v58 =	vadd.f32 v61, v58;
	v62 =	vmul.f32 v57, v52  }
0x3e2: {  	s31 =	smov.u32 s14;
	s16 =	sor.u32 s14, s25;
	v56 =	vld [tilespmem:s19+$0x0];
	s19 =	sor.u32 s2, s25;
	v61 =	vmul.f32 v4, v51;
	[tilespmem:s10+$0x0] =	vst v5  }
0x3e3: {  	s11 =	sadd.s32 $0x100, s11;
	s12 =	sadd.s32 $0x20, s12;
	s10 =	sadd.s32 $0x1B700, s17;
	v57 =	vld [tilespmem:s19+$0x0];
	v60 =	vmul.f32 v6, v52;
	v58 =	vadd.f32 v62, v58  }
0x3e4: {  	v4 =	vld [tilespmem:s13+$0x0]  }
0x3e5: {  	v5 =	vld [tilespmem:s16+$0x0]  }
0x3e6: {  	v6 =	vadd.f32 v61, v59;
	s6 =	sor.u32 $0xB, s26;
	s11 =	sor.u32 $0x10B, s26;
	v54 =	vmul.f32 v54, v53;
	v55 =	vmul.f32 v55, v51  }
0x3e7: {  	v61 =	vmov s6;
	v62 =	vmov s11  }
0x3e8: {  	v6 =	vadd.f32 v60, v6;
	v60 =	vmul.f32 v56, v53;
	v54 =	vadd.f32 v55, v54  }
0x3e9: {  	v55 =	vmul.f32 v57, v52;
	v4 =	vmul.f32 v4, v51;
	v51 =	vand.u32 $0xFFFFFFEB, v61  }
0x3ea: {  	v5 =	vmul.f32 v5, v52;
	v52 =	vand.u32 $0xFFFFFFEB, v62;
	v51 =	vbroadcast v51, $0x0  }
0x3eb: {  	s13 =	sor.u32 s30, s10;
	v52 =	vbroadcast v52, $0x0;
	v4 =	vadd.f32 v4, v60  }
0x3ec: {  	s14 =	sor.u32 s29, s10;
	s0 =	sadd.s32 $0x1B700, s0;
	[tilespmem:s13+$0x0] =	vst v58;
	v54 =	vadd.f32 v55, v54  }
0x3ed: {  	s12 =	sor.u32 $0x20B, s26;
	s2 =	sor.u32 s2, s0;
	[tilespmem:s14+$0x0] =	vst v6;
	v4 =	vadd.f32 v5, v4  }
0x3ee: {  	s16 =	simm.s32 $0x0;
	v63 =	vmov s12;
	s0 =	sor.u32 s31, s0;
	[tilespmem:s2+$0x0] =	vst v54  }
0x3ef: {  	s29 =	sand.u32 $0x60, s16;
	s10 =	sand.u32 $0x1C00, s16;
	v60 =	vand.u32 $0xFFFFFFEB, v63;
	[tilespmem:s0+$0x0] =	vst v4  }
0x3f0: {  	s30 =	sor.u32 $0x10, s29;
	s17 =	sadd.s32 $0x9700, s10;
	v61 =	vbroadcast v60, $0x0;
	v53 =	vld.idx.msk [tilespmem:v51+s15+$0x0], $0xffff  }
0x3f1: {  	s11 =	sadd.s32 $0x9780, s10;
	s25 =	sor.u32 s30, s17;
	v51 =	vld.idx.msk [tilespmem:v52+s15+$0x0], $0xffff  }
0x3f2: {  	s12 =	sor.u32 s30, s11;
	s0 =	sadd.s32 $0x9680, s10;
	v5 =	vld [tilespmem:s25+$0x0]  }
0x3f3: {  	s19 =	sor.u32 s30, s0;
	v62 =	vld [tilespmem:s12+$0x0]  }
0x3f4: {  	s2 =	sor.u32 s29, s17;
	v4 =	vld [tilespmem:s19+$0x0]  }
0x3f5: {  	v63 =	vld [tilespmem:s2+$0x0]  }
0x3f6: {  	s13 =	simm.s32 $0x100;
	s14 =	simm.s32 $0x20;
	s0 =	sor.u32 s29, s0;
	v52 =	vld.idx.msk [tilespmem:v61+s15+$0x0], $0xffff  }
0x3f7: {  	s11 =	sor.u32 s29, s11;
	s31 =	sand.u32 $0x60, s14;
	v6 =	vld [tilespmem:s0+$0x0];
	s0 =	sand.u32 $0x1C00, s13  }
0x3f8: {  	s2 =	sor.u32 $0x10, s31;
	v58 =	vld [tilespmem:s11+$0x0];
	s12 =	sadd.s32 $0x9680, s0  }
0x3f9: {  	s16 =	sadd.s32 $0x9700, s0;
	s17 =	sor.u32 s2, s12;
	v5 =	vmul.f32 v5, v51;
	v4 =	vmul.f32 v4, v53  }
0x3fa: {  	s19 =	sor.u32 s2, s16;
	v54 =	vld [tilespmem:s17+$0x0]  }
0x3fb: {  	s6 =	simm.s32 $0x2;
	s14 =	sadd.s32 $0x9780, s0;
	s12 =	sor.u32 s31, s12;
	v55 =	vld [tilespmem:s19+$0x0];
	v4 =	vadd.f32 v5, v4;
	v5 =	vmul.f32 v62, v52  }
0x3fc: {  	s10 =	sadd.s32 $0x1B780, s10;
	s11 =	simm.s32 $0x200;
	s25 =	sor.u32 s2, s14;
	v56 =	vld [tilespmem:s12+$0x0];
	v61 =	vmul.f32 v63, v51  }
0x3fd: {  	s13 =	sor.u32 s31, s16;
	s16 =	sor.u32 s31, s14;
	v57 =	vld [tilespmem:s25+$0x0];
	s12 =	simm.s32 $0x40;
	v59 =	vmul.f32 v6, v53;
	v60 =	vmul.f32 v58, v52;
	v58 =	vadd.f32 v5, v4  }
.LBB2_29:
0x3fe: {  	s14 =	sand.u32 $0x60, s12;
	v4 =	vld [tilespmem:s13+$0x0];
	s13 =	sor.u32 s30, s10;
	s17 =	smov.u32 s0  }
0x3ff: {  	v5 =	vadd.f32 v61, v59;
	s0 =	sand.u32 $0x1C00, s11;
	s30 =	smov.u32 s2;
	s6 =	sadd.s32 $0x2, s6  }
0x400: {  	s19 =	sadd.s32 $0x9680, s0;
	s2 =	sor.u32 $0x10, s14;
	v6 =	vld [tilespmem:s16+$0x0];
	[tilespmem:s13+$0x0] =	vst v58;
	p0 =	slt.u32 s6, $0x3E  }
.Ltmp14:
0x401: {  	s16 =	sadd.s32 $0x9700, s0;
	v58 =	vmul.f32 v54, v53;
	s25 =	sor.u32 s2, s19;
	v61 =	vmul.f32 v55, v51;
	v5 =	vadd.f32 v60, v5;
	(pc) =	sbr.rel @p0 .LBB2_29-.Ltmp14, $4  }
0x402: {  	s19 =	sor.u32 s14, s19;
	s13 =	sor.u32 s14, s16;
	s16 =	sor.u32 s2, s16;
	v54 =	vld [tilespmem:s25+$0x0];
	v59 =	vmul.f32 v56, v53  }
0x403: {  	s10 =	sor.u32 s29, s10;
	s29 =	smov.u32 s31;
	s25 =	sadd.s32 $0x9780, s0;
	v55 =	vld [tilespmem:s16+$0x0];
	v58 =	vadd.f32 v61, v58;
	v62 =	vmul.f32 v57, v52  }
0x404: {  	s31 =	smov.u32 s14;
	s16 =	sor.u32 s14, s25;
	v56 =	vld [tilespmem:s19+$0x0];
	s19 =	sor.u32 s2, s25;
	v61 =	vmul.f32 v4, v51;
	[tilespmem:s10+$0x0] =	vst v5  }
0x405: {  	s11 =	sadd.s32 $0x100, s11;
	s12 =	sadd.s32 $0x20, s12;
	s10 =	sadd.s32 $0x1B780, s17;
	v57 =	vld [tilespmem:s19+$0x0];
	v60 =	vmul.f32 v6, v52;
	v58 =	vadd.f32 v62, v58  }
0x406: {  	v4 =	vld [tilespmem:s13+$0x0]  }
0x407: {  	v5 =	vld [tilespmem:s16+$0x0]  }
0x408: {  	v6 =	vadd.f32 v61, v59;
	s6 =	sor.u32 $0xC, s26;
	s11 =	sor.u32 $0x10C, s26;
	v54 =	vmul.f32 v54, v53;
	v55 =	vmul.f32 v55, v51  }
0x409: {  	v61 =	vmov s6;
	v62 =	vmov s11  }
0x40a: {  	v6 =	vadd.f32 v60, v6;
	v60 =	vmul.f32 v56, v53;
	v54 =	vadd.f32 v55, v54  }
0x40b: {  	v55 =	vmul.f32 v57, v52;
	v4 =	vmul.f32 v4, v51;
	v51 =	vand.u32 $0xFFFFFFEC, v61  }
0x40c: {  	v5 =	vmul.f32 v5, v52;
	v52 =	vand.u32 $0xFFFFFFEC, v62;
	v51 =	vbroadcast v51, $0x0  }
0x40d: {  	s13 =	sor.u32 s30, s10;
	v52 =	vbroadcast v52, $0x0;
	v4 =	vadd.f32 v4, v60  }
0x40e: {  	s14 =	sor.u32 s29, s10;
	s0 =	sadd.s32 $0x1B780, s0;
	[tilespmem:s13+$0x0] =	vst v58;
	v54 =	vadd.f32 v55, v54  }
0x40f: {  	s12 =	sor.u32 $0x20C, s26;
	s2 =	sor.u32 s2, s0;
	[tilespmem:s14+$0x0] =	vst v6;
	v4 =	vadd.f32 v5, v4  }
0x410: {  	s16 =	simm.s32 $0x0;
	v63 =	vmov s12;
	s0 =	sor.u32 s31, s0;
	[tilespmem:s2+$0x0] =	vst v54  }
0x411: {  	s29 =	sand.u32 $0x60, s16;
	s10 =	sand.u32 $0x1C00, s16;
	v60 =	vand.u32 $0xFFFFFFEC, v63;
	[tilespmem:s0+$0x0] =	vst v4  }
0x412: {  	s30 =	sor.u32 $0x10, s29;
	s17 =	sadd.s32 $0x9880, s10;
	v61 =	vbroadcast v60, $0x0;
	v53 =	vld.idx.msk [tilespmem:v51+s15+$0x0], $0xffff  }
0x413: {  	s11 =	sadd.s32 $0x9900, s10;
	s25 =	sor.u32 s30, s17;
	v51 =	vld.idx.msk [tilespmem:v52+s15+$0x0], $0xffff  }
0x414: {  	s12 =	sor.u32 s30, s11;
	s0 =	sadd.s32 $0x9800, s10;
	v5 =	vld [tilespmem:s25+$0x0]  }
0x415: {  	s19 =	sor.u32 s30, s0;
	v62 =	vld [tilespmem:s12+$0x0]  }
0x416: {  	s2 =	sor.u32 s29, s17;
	v4 =	vld [tilespmem:s19+$0x0]  }
0x417: {  	v63 =	vld [tilespmem:s2+$0x0]  }
0x418: {  	s13 =	simm.s32 $0x100;
	s14 =	simm.s32 $0x20;
	s0 =	sor.u32 s29, s0;
	v52 =	vld.idx.msk [tilespmem:v61+s15+$0x0], $0xffff  }
0x419: {  	s11 =	sor.u32 s29, s11;
	s31 =	sand.u32 $0x60, s14;
	v6 =	vld [tilespmem:s0+$0x0];
	s0 =	sand.u32 $0x1C00, s13  }
0x41a: {  	s2 =	sor.u32 $0x10, s31;
	v58 =	vld [tilespmem:s11+$0x0];
	s12 =	sadd.s32 $0x9800, s0  }
0x41b: {  	s16 =	sadd.s32 $0x9880, s0;
	s17 =	sor.u32 s2, s12;
	v5 =	vmul.f32 v5, v51;
	v4 =	vmul.f32 v4, v53  }
0x41c: {  	s19 =	sor.u32 s2, s16;
	v54 =	vld [tilespmem:s17+$0x0]  }
0x41d: {  	s6 =	simm.s32 $0x2;
	s14 =	sadd.s32 $0x9900, s0;
	s12 =	sor.u32 s31, s12;
	v55 =	vld [tilespmem:s19+$0x0];
	v4 =	vadd.f32 v5, v4;
	v5 =	vmul.f32 v62, v52  }
0x41e: {  	s10 =	sadd.s32 $0x1B800, s10;
	s11 =	simm.s32 $0x200;
	s25 =	sor.u32 s2, s14;
	v56 =	vld [tilespmem:s12+$0x0];
	v61 =	vmul.f32 v63, v51  }
0x41f: {  	s13 =	sor.u32 s31, s16;
	s16 =	sor.u32 s31, s14;
	v57 =	vld [tilespmem:s25+$0x0];
	s12 =	simm.s32 $0x40;
	v59 =	vmul.f32 v6, v53;
	v60 =	vmul.f32 v58, v52;
	v58 =	vadd.f32 v5, v4  }
.LBB2_31:
0x420: {  	s14 =	sand.u32 $0x60, s12;
	v4 =	vld [tilespmem:s13+$0x0];
	s13 =	sor.u32 s30, s10;
	s17 =	smov.u32 s0  }
0x421: {  	v5 =	vadd.f32 v61, v59;
	s0 =	sand.u32 $0x1C00, s11;
	s30 =	smov.u32 s2;
	s6 =	sadd.s32 $0x2, s6  }
0x422: {  	s19 =	sadd.s32 $0x9800, s0;
	s2 =	sor.u32 $0x10, s14;
	v6 =	vld [tilespmem:s16+$0x0];
	[tilespmem:s13+$0x0] =	vst v58;
	p0 =	slt.u32 s6, $0x3E  }
.Ltmp15:
0x423: {  	s16 =	sadd.s32 $0x9880, s0;
	v58 =	vmul.f32 v54, v53;
	s25 =	sor.u32 s2, s19;
	v61 =	vmul.f32 v55, v51;
	v5 =	vadd.f32 v60, v5;
	(pc) =	sbr.rel @p0 .LBB2_31-.Ltmp15, $4  }
0x424: {  	s19 =	sor.u32 s14, s19;
	s13 =	sor.u32 s14, s16;
	s16 =	sor.u32 s2, s16;
	v54 =	vld [tilespmem:s25+$0x0];
	v59 =	vmul.f32 v56, v53  }
0x425: {  	s10 =	sor.u32 s29, s10;
	s29 =	smov.u32 s31;
	s25 =	sadd.s32 $0x9900, s0;
	v55 =	vld [tilespmem:s16+$0x0];
	v58 =	vadd.f32 v61, v58;
	v62 =	vmul.f32 v57, v52  }
0x426: {  	s31 =	smov.u32 s14;
	s16 =	sor.u32 s14, s25;
	v56 =	vld [tilespmem:s19+$0x0];
	s19 =	sor.u32 s2, s25;
	v61 =	vmul.f32 v4, v51;
	[tilespmem:s10+$0x0] =	vst v5  }
0x427: {  	s11 =	sadd.s32 $0x100, s11;
	s12 =	sadd.s32 $0x20, s12;
	s10 =	sadd.s32 $0x1B800, s17;
	v57 =	vld [tilespmem:s19+$0x0];
	v60 =	vmul.f32 v6, v52;
	v58 =	vadd.f32 v62, v58  }
0x428: {  	v4 =	vld [tilespmem:s13+$0x0]  }
0x429: {  	v5 =	vld [tilespmem:s16+$0x0]  }
0x42a: {  	v6 =	vadd.f32 v61, v59;
	s6 =	sor.u32 $0xD, s26;
	s11 =	sor.u32 $0x10D, s26;
	v54 =	vmul.f32 v54, v53;
	v55 =	vmul.f32 v55, v51  }
0x42b: {  	v61 =	vmov s6;
	v62 =	vmov s11  }
0x42c: {  	v6 =	vadd.f32 v60, v6;
	v60 =	vmul.f32 v56, v53;
	v54 =	vadd.f32 v55, v54  }
0x42d: {  	v55 =	vmul.f32 v57, v52;
	v4 =	vmul.f32 v4, v51;
	v51 =	vand.u32 $0xFFFFFFED, v61  }
0x42e: {  	v5 =	vmul.f32 v5, v52;
	v52 =	vand.u32 $0xFFFFFFED, v62;
	v51 =	vbroadcast v51, $0x0  }
0x42f: {  	s13 =	sor.u32 s30, s10;
	v52 =	vbroadcast v52, $0x0;
	v4 =	vadd.f32 v4, v60  }
0x430: {  	s14 =	sor.u32 s29, s10;
	s0 =	sadd.s32 $0x1B800, s0;
	[tilespmem:s13+$0x0] =	vst v58;
	v54 =	vadd.f32 v55, v54  }
0x431: {  	s12 =	sor.u32 $0x20D, s26;
	s2 =	sor.u32 s2, s0;
	[tilespmem:s14+$0x0] =	vst v6;
	v4 =	vadd.f32 v5, v4  }
0x432: {  	s16 =	simm.s32 $0x0;
	v63 =	vmov s12;
	s0 =	sor.u32 s31, s0;
	[tilespmem:s2+$0x0] =	vst v54  }
0x433: {  	s29 =	sand.u32 $0x60, s16;
	s10 =	sand.u32 $0x1C00, s16;
	v60 =	vand.u32 $0xFFFFFFED, v63;
	[tilespmem:s0+$0x0] =	vst v4  }
0x434: {  	s30 =	sor.u32 $0x10, s29;
	s17 =	sadd.s32 $0xB600, s10;
	v61 =	vbroadcast v60, $0x0;
	v53 =	vld.idx.msk [tilespmem:v51+s15+$0x0], $0xffff  }
0x435: {  	s11 =	sadd.s32 $0xB680, s10;
	s25 =	sor.u32 s30, s17;
	v51 =	vld.idx.msk [tilespmem:v52+s15+$0x0], $0xffff  }
0x436: {  	s12 =	sor.u32 s30, s11;
	s0 =	sadd.s32 $0x9980, s10;
	v5 =	vld [tilespmem:s25+$0x0]  }
0x437: {  	s19 =	sor.u32 s30, s0;
	v62 =	vld [tilespmem:s12+$0x0]  }
0x438: {  	s2 =	sor.u32 s29, s17;
	v4 =	vld [tilespmem:s19+$0x0]  }
0x439: {  	v63 =	vld [tilespmem:s2+$0x0]  }
0x43a: {  	s13 =	simm.s32 $0x100;
	s14 =	simm.s32 $0x20;
	s0 =	sor.u32 s29, s0;
	v52 =	vld.idx.msk [tilespmem:v61+s15+$0x0], $0xffff  }
0x43b: {  	s11 =	sor.u32 s29, s11;
	s31 =	sand.u32 $0x60, s14;
	v6 =	vld [tilespmem:s0+$0x0];
	s0 =	sand.u32 $0x1C00, s13  }
0x43c: {  	s2 =	sor.u32 $0x10, s31;
	v58 =	vld [tilespmem:s11+$0x0];
	s12 =	sadd.s32 $0x9980, s0  }
0x43d: {  	s16 =	sadd.s32 $0xB600, s0;
	s17 =	sor.u32 s2, s12;
	v5 =	vmul.f32 v5, v51;
	v4 =	vmul.f32 v4, v53  }
0x43e: {  	s19 =	sor.u32 s2, s16;
	v54 =	vld [tilespmem:s17+$0x0]  }
0x43f: {  	s6 =	simm.s32 $0x2;
	s14 =	sadd.s32 $0xB680, s0;
	s12 =	sor.u32 s31, s12;
	v55 =	vld [tilespmem:s19+$0x0];
	v4 =	vadd.f32 v5, v4;
	v5 =	vmul.f32 v62, v52  }
0x440: {  	s10 =	sadd.s32 $0x1B880, s10;
	s11 =	simm.s32 $0x200;
	s25 =	sor.u32 s2, s14;
	v56 =	vld [tilespmem:s12+$0x0];
	v61 =	vmul.f32 v63, v51  }
0x441: {  	s13 =	sor.u32 s31, s16;
	s16 =	sor.u32 s31, s14;
	v57 =	vld [tilespmem:s25+$0x0];
	s12 =	simm.s32 $0x40;
	v59 =	vmul.f32 v6, v53;
	v60 =	vmul.f32 v58, v52;
	v58 =	vadd.f32 v5, v4  }
.LBB2_33:
0x442: {  	s14 =	sand.u32 $0x60, s12;
	v4 =	vld [tilespmem:s13+$0x0];
	s13 =	sor.u32 s30, s10;
	s17 =	smov.u32 s0  }
0x443: {  	v5 =	vadd.f32 v61, v59;
	s0 =	sand.u32 $0x1C00, s11;
	s30 =	smov.u32 s2;
	s6 =	sadd.s32 $0x2, s6  }
0x444: {  	s19 =	sadd.s32 $0x9980, s0;
	s2 =	sor.u32 $0x10, s14;
	v6 =	vld [tilespmem:s16+$0x0];
	[tilespmem:s13+$0x0] =	vst v58;
	p0 =	slt.u32 s6, $0x3E  }
.Ltmp16:
0x445: {  	s16 =	sadd.s32 $0xB600, s0;
	v58 =	vmul.f32 v54, v53;
	s25 =	sor.u32 s2, s19;
	v61 =	vmul.f32 v55, v51;
	v5 =	vadd.f32 v60, v5;
	(pc) =	sbr.rel @p0 .LBB2_33-.Ltmp16, $4  }
0x446: {  	s19 =	sor.u32 s14, s19;
	s13 =	sor.u32 s14, s16;
	s16 =	sor.u32 s2, s16;
	v54 =	vld [tilespmem:s25+$0x0];
	v59 =	vmul.f32 v56, v53  }
0x447: {  	s10 =	sor.u32 s29, s10;
	s29 =	smov.u32 s31;
	s25 =	sadd.s32 $0xB680, s0;
	v55 =	vld [tilespmem:s16+$0x0];
	v58 =	vadd.f32 v61, v58;
	v62 =	vmul.f32 v57, v52  }
0x448: {  	s31 =	smov.u32 s14;
	s16 =	sor.u32 s14, s25;
	v56 =	vld [tilespmem:s19+$0x0];
	s19 =	sor.u32 s2, s25;
	v61 =	vmul.f32 v4, v51;
	[tilespmem:s10+$0x0] =	vst v5  }
0x449: {  	s11 =	sadd.s32 $0x100, s11;
	s12 =	sadd.s32 $0x20, s12;
	s10 =	sadd.s32 $0x1B880, s17;
	v57 =	vld [tilespmem:s19+$0x0];
	v60 =	vmul.f32 v6, v52;
	v58 =	vadd.f32 v62, v58  }
0x44a: {  	v4 =	vld [tilespmem:s13+$0x0]  }
0x44b: {  	v5 =	vld [tilespmem:s16+$0x0]  }
0x44c: {  	v6 =	vadd.f32 v61, v59;
	s6 =	sor.u32 $0xE, s26;
	s11 =	sor.u32 $0x10E, s26;
	v54 =	vmul.f32 v54, v53;
	v55 =	vmul.f32 v55, v51  }
0x44d: {  	v61 =	vmov s6;
	v62 =	vmov s11  }
0x44e: {  	v6 =	vadd.f32 v60, v6;
	v60 =	vmul.f32 v56, v53;
	v54 =	vadd.f32 v55, v54  }
0x44f: {  	v55 =	vmul.f32 v57, v52;
	v4 =	vmul.f32 v4, v51;
	v51 =	vand.u32 $0xFFFFFFEE, v61  }
0x450: {  	v5 =	vmul.f32 v5, v52;
	v52 =	vand.u32 $0xFFFFFFEE, v62;
	v51 =	vbroadcast v51, $0x0  }
0x451: {  	s13 =	sor.u32 s30, s10;
	v52 =	vbroadcast v52, $0x0;
	v4 =	vadd.f32 v4, v60  }
0x452: {  	s14 =	sor.u32 s29, s10;
	s0 =	sadd.s32 $0x1B880, s0;
	[tilespmem:s13+$0x0] =	vst v58;
	v54 =	vadd.f32 v55, v54  }
0x453: {  	s12 =	sor.u32 $0x20E, s26;
	s2 =	sor.u32 s2, s0;
	[tilespmem:s14+$0x0] =	vst v6;
	v4 =	vadd.f32 v5, v4  }
0x454: {  	s16 =	simm.s32 $0x0;
	v63 =	vmov s12;
	s0 =	sor.u32 s31, s0;
	[tilespmem:s2+$0x0] =	vst v54  }
0x455: {  	s29 =	sand.u32 $0x60, s16;
	s10 =	sand.u32 $0x1C00, s16;
	v60 =	vand.u32 $0xFFFFFFEE, v63;
	[tilespmem:s0+$0x0] =	vst v4  }
0x456: {  	s30 =	sor.u32 $0x10, s29;
	s17 =	sadd.s32 $0xB780, s10;
	v61 =	vbroadcast v60, $0x0;
	v53 =	vld.idx.msk [tilespmem:v51+s15+$0x0], $0xffff  }
0x457: {  	s11 =	sadd.s32 $0xB800, s10;
	s25 =	sor.u32 s30, s17;
	v51 =	vld.idx.msk [tilespmem:v52+s15+$0x0], $0xffff  }
0x458: {  	s12 =	sor.u32 s30, s11;
	s0 =	sadd.s32 $0xB700, s10;
	v5 =	vld [tilespmem:s25+$0x0]  }
0x459: {  	s19 =	sor.u32 s30, s0;
	v62 =	vld [tilespmem:s12+$0x0]  }
0x45a: {  	s2 =	sor.u32 s29, s17;
	v4 =	vld [tilespmem:s19+$0x0]  }
0x45b: {  	v63 =	vld [tilespmem:s2+$0x0]  }
0x45c: {  	s13 =	simm.s32 $0x100;
	s14 =	simm.s32 $0x20;
	s0 =	sor.u32 s29, s0;
	v52 =	vld.idx.msk [tilespmem:v61+s15+$0x0], $0xffff  }
0x45d: {  	s11 =	sor.u32 s29, s11;
	s31 =	sand.u32 $0x60, s14;
	v6 =	vld [tilespmem:s0+$0x0];
	s0 =	sand.u32 $0x1C00, s13  }
0x45e: {  	s2 =	sor.u32 $0x10, s31;
	v58 =	vld [tilespmem:s11+$0x0];
	s12 =	sadd.s32 $0xB700, s0  }
0x45f: {  	s16 =	sadd.s32 $0xB780, s0;
	s17 =	sor.u32 s2, s12;
	v5 =	vmul.f32 v5, v51;
	v4 =	vmul.f32 v4, v53  }
0x460: {  	s19 =	sor.u32 s2, s16;
	v54 =	vld [tilespmem:s17+$0x0]  }
0x461: {  	s6 =	simm.s32 $0x2;
	s14 =	sadd.s32 $0xB800, s0;
	s12 =	sor.u32 s31, s12;
	v55 =	vld [tilespmem:s19+$0x0];
	v4 =	vadd.f32 v5, v4;
	v5 =	vmul.f32 v62, v52  }
0x462: {  	s10 =	sadd.s32 $0x1B900, s10;
	s11 =	simm.s32 $0x200;
	s25 =	sor.u32 s2, s14;
	v56 =	vld [tilespmem:s12+$0x0];
	v61 =	vmul.f32 v63, v51  }
0x463: {  	s13 =	sor.u32 s31, s16;
	s16 =	sor.u32 s31, s14;
	v57 =	vld [tilespmem:s25+$0x0];
	s12 =	simm.s32 $0x40;
	v59 =	vmul.f32 v6, v53;
	v60 =	vmul.f32 v58, v52;
	v58 =	vadd.f32 v5, v4  }
.LBB2_35:
0x464: {  	s14 =	sand.u32 $0x60, s12;
	v4 =	vld [tilespmem:s13+$0x0];
	s13 =	sor.u32 s30, s10;
	s17 =	smov.u32 s0  }
0x465: {  	v5 =	vadd.f32 v61, v59;
	s0 =	sand.u32 $0x1C00, s11;
	s30 =	smov.u32 s2;
	s6 =	sadd.s32 $0x2, s6  }
0x466: {  	s19 =	sadd.s32 $0xB700, s0;
	s2 =	sor.u32 $0x10, s14;
	v6 =	vld [tilespmem:s16+$0x0];
	[tilespmem:s13+$0x0] =	vst v58;
	p0 =	slt.u32 s6, $0x3E  }
.Ltmp17:
0x467: {  	s16 =	sadd.s32 $0xB780, s0;
	v58 =	vmul.f32 v54, v53;
	s25 =	sor.u32 s2, s19;
	v61 =	vmul.f32 v55, v51;
	v5 =	vadd.f32 v60, v5;
	(pc) =	sbr.rel @p0 .LBB2_35-.Ltmp17, $4  }
0x468: {  	s19 =	sor.u32 s14, s19;
	s13 =	sor.u32 s14, s16;
	s16 =	sor.u32 s2, s16;
	v54 =	vld [tilespmem:s25+$0x0];
	v59 =	vmul.f32 v56, v53  }
0x469: {  	s10 =	sor.u32 s29, s10;
	s29 =	smov.u32 s31;
	s25 =	sadd.s32 $0xB800, s0;
	v55 =	vld [tilespmem:s16+$0x0];
	v58 =	vadd.f32 v61, v58;
	v62 =	vmul.f32 v57, v52  }
0x46a: {  	s31 =	smov.u32 s14;
	s16 =	sor.u32 s14, s25;
	v56 =	vld [tilespmem:s19+$0x0];
	s19 =	sor.u32 s2, s25;
	v61 =	vmul.f32 v4, v51;
	[tilespmem:s10+$0x0] =	vst v5  }
0x46b: {  	s11 =	sadd.s32 $0x100, s11;
	s12 =	sadd.s32 $0x20, s12;
	s10 =	sadd.s32 $0x1B900, s17;
	v57 =	vld [tilespmem:s19+$0x0];
	v60 =	vmul.f32 v6, v52;
	v58 =	vadd.f32 v62, v58  }
0x46c: {  	v4 =	vld [tilespmem:s13+$0x0]  }
0x46d: {  	v5 =	vld [tilespmem:s16+$0x0]  }
0x46e: {  	v6 =	vadd.f32 v61, v59;
	s6 =	sor.u32 $0xF, s26;
	s17 =	sor.u32 $0x10F, s26;
	v54 =	vmul.f32 v54, v53;
	v55 =	vmul.f32 v55, v51  }
0x46f: {  	v61 =	vmov s6;
	v62 =	vmov s17  }
0x470: {  	v6 =	vadd.f32 v60, v6;
	v60 =	vmul.f32 v56, v53;
	v54 =	vadd.f32 v55, v54  }
0x471: {  	v55 =	vmul.f32 v57, v52;
	v4 =	vmul.f32 v4, v51;
	v51 =	vand.u32 $0xFFFFFFEF, v61  }
0x472: {  	v5 =	vmul.f32 v5, v52;
	v52 =	vand.u32 $0xFFFFFFEF, v62;
	v51 =	vbroadcast v51, $0x0  }
0x473: {  	s25 =	sor.u32 s30, s10;
	v52 =	vbroadcast v52, $0x0;
	v4 =	vadd.f32 v4, v60  }
0x474: {  	s10 =	sor.u32 s29, s10;
	s0 =	sadd.s32 $0x1B900, s0;
	[tilespmem:s25+$0x0] =	vst v58;
	v54 =	vadd.f32 v55, v54  }
0x475: {  	s19 =	sor.u32 $0x20F, s26;
	s2 =	sor.u32 s2, s0;
	[tilespmem:s10+$0x0] =	vst v6;
	v4 =	vadd.f32 v5, v4  }
0x476: {  	s11 =	simm.s32 $0x0;
	v63 =	vmov s19;
	s0 =	sor.u32 s31, s0;
	[tilespmem:s2+$0x0] =	vst v54  }
0x477: {  	s13 =	sand.u32 $0x1C00, s11;
	v60 =	vand.u32 $0xFFFFFFEF, v63;
	[tilespmem:s0+$0x0] =	vst v4  }
0x478: {  	s29 =	sand.u32 $0x60, s11;
	s12 =	sadd.s32 $0xB880, s13;
	v61 =	vbroadcast v60, $0x0;
	v51 =	vld.idx.msk [tilespmem:v51+s15+$0x0], $0xffff  }
0x479: {  	s2 =	sor.u32 s29, s12;
	s0 =	sor.u32 $0x10, s29;
	v53 =	vld.idx.msk [tilespmem:v52+s15+$0x0], $0xffff  }
0x47a: {  	s14 =	sadd.s32 $0xB900, s13;
	s16 =	sor.u32 s0, s12;
	v6 =	vld [tilespmem:s2+$0x0]  }
0x47b: {  	s11 =	sadd.s32 $0xB980, s13;
	s17 =	sor.u32 s0, s14;
	v4 =	vld [tilespmem:s16+$0x0]  }
0x47c: {  	s19 =	sor.u32 s0, s11;
	v5 =	vld [tilespmem:s17+$0x0]  }
0x47d: {  	v62 =	vld [tilespmem:s19+$0x0]  }
0x47e: {  	s25 =	sor.u32 s29, s14;
	s12 =	simm.s32 $0x100;
	s14 =	simm.s32 $0x20;
	v52 =	vld.idx.msk [tilespmem:v61+s15+$0x0], $0xffff  }
0x47f: {  	s11 =	sor.u32 s29, s11;
	v63 =	vld [tilespmem:s25+$0x0];
	s2 =	sand.u32 $0x60, s14;
	s6 =	sand.u32 $0x1C00, s12  }
0x480: {  	v59 =	vld [tilespmem:s11+$0x0];
	s12 =	sadd.s32 $0xB880, s6;
	s30 =	sor.u32 $0x10, s2  }
0x481: {  	s16 =	sadd.s32 $0xB900, s6;
	s19 =	sor.u32 s30, s12;
	v4 =	vmul.f32 v4, v51;
	v5 =	vmul.f32 v5, v53  }
0x482: {  	s14 =	sor.u32 s30, s16;
	v54 =	vld [tilespmem:s19+$0x0]  }
0x483: {  	s13 =	sadd.s32 $0x1B980, s13;
	s17 =	sadd.s32 $0xB980, s6;
	s12 =	sor.u32 s2, s12;
	v55 =	vld [tilespmem:s14+$0x0];
	v4 =	vadd.f32 v5, v4;
	v5 =	vmul.f32 v62, v52  }
0x484: {  	s10 =	simm.s32 $0x2;
	s11 =	simm.s32 $0x200;
	s25 =	sor.u32 s30, s17;
	v56 =	vld [tilespmem:s12+$0x0];
	v58 =	vmul.f32 v6, v51  }
0x485: {  	s31 =	sor.u32 s2, s16;
	s16 =	sor.u32 s2, s17;
	v57 =	vld [tilespmem:s25+$0x0];
	s12 =	simm.s32 $0x40;
	v61 =	vmul.f32 v63, v53;
	v59 =	vmul.f32 v59, v52;
	v60 =	vadd.f32 v5, v4  }
.LBB2_37:
0x486: {  	s14 =	sand.u32 $0x60, s12;
	s17 =	sor.u32 s0, s13;
	s19 =	smov.u32 s6  }
0x487: {  	v4 =	vld [tilespmem:s31+$0x0];
	v5 =	vadd.f32 v61, v58;
	s6 =	sand.u32 $0x1C00, s11;
	s0 =	smov.u32 s30;
	s10 =	sadd.s32 $0x2, s10  }
0x488: {  	s25 =	sadd.s32 $0xB880, s6;
	s30 =	sor.u32 $0x10, s14;
	v6 =	vld [tilespmem:s16+$0x0];
	[tilespmem:s17+$0x0] =	vst v60;
	p0 =	slt.u32 s10, $0x3E  }
.Ltmp18:
0x489: {  	s16 =	sadd.s32 $0xB900, s6;
	v60 =	vmul.f32 v54, v51;
	s17 =	sor.u32 s30, s25;
	v61 =	vmul.f32 v55, v53;
	v5 =	vadd.f32 v59, v5;
	(pc) =	sbr.rel @p0 .LBB2_37-.Ltmp18, $4  }
0x48a: {  	s25 =	sor.u32 s14, s25;
	s31 =	sor.u32 s14, s16;
	s16 =	sor.u32 s30, s16;
	v54 =	vld [tilespmem:s17+$0x0];
	v58 =	vmul.f32 v56, v51  }
0x48b: {  	s13 =	sor.u32 s29, s13;
	s29 =	smov.u32 s2;
	s17 =	sadd.s32 $0xB980, s6;
	v55 =	vld [tilespmem:s16+$0x0];
	v60 =	vadd.f32 v61, v60;
	v62 =	vmul.f32 v57, v52  }
0x48c: {  	s2 =	smov.u32 s14;
	s16 =	sor.u32 s14, s17;
	s17 =	sor.u32 s30, s17;
	v56 =	vld [tilespmem:s25+$0x0];
	v61 =	vmul.f32 v4, v53;
	[tilespmem:s13+$0x0] =	vst v5  }
0x48d: {  	s11 =	sadd.s32 $0x100, s11;
	s12 =	sadd.s32 $0x20, s12;
	s13 =	sadd.s32 $0x1B980, s19;
	v57 =	vld [tilespmem:s17+$0x0];
	v59 =	vmul.f32 v6, v52;
	v60 =	vadd.f32 v62, v60  }
0x48e: {  	v4 =	vld [tilespmem:s31+$0x0];
	_ =	sdelay $0x1  }
0x48f: {  	v5 =	vld [tilespmem:s16+$0x0];
	_ =	sdelay $0x1  }
0x490: {  	v6 =	vmul.f32 v54, v51;
	v54 =	vmul.f32 v55, v53  }
0x491: {  	v62 =	vadd.f32 v61, v58;
	v63 =	vmul.f32 v56, v51;
	v4 =	vmul.f32 v4, v53  }
0x492: {  	v6 =	vadd.f32 v54, v6;
	v58 =	vmul.f32 v57, v52  }
0x493: {  	s0 =	sor.u32 s0, s13;
	v61 =	vadd.f32 v59, v62;
	v5 =	vmul.f32 v5, v52;
	v4 =	vadd.f32 v4, v63  }
0x494: {  	s19 =	sor.u32 s29, s13;
	s6 =	sadd.s32 $0x1B980, s6;
	[tilespmem:s0+$0x0] =	vst v60;
	v6 =	vadd.f32 v58, v6  }
0x495: {  	s10 =	sadd.s32 s5, s28;
	p0 =	seq.s32 s23, $0x7;
	s25 =	sor.u32 s30, s6;
	[tilespmem:s19+$0x0] =	vst v61;
	v4 =	vadd.f32 v5, v4  }
0x496: {  	s6 =	sor.u32 s2, s6;
	s10 =	sshll.u32 s10, $0x7;
	s0 =	sshll.u32 @!p0 s23, $0x9;
	[tilespmem:s25+$0x0] =	vst v6  }
0x497: {  	s11 =	sadd.s32 s3, s10;
	s28 =	sand.u32 @!p0 $0x3FFFFE00, s0;
	[tilespmem:s6+$0x0] =	vst v4  }
0x498: {  	[hbm4b:s11+s4] =	stream.linear.scatter [tilespmem:s20], [sflag:$0x6], $0x2000, $0x38;
	[tilespmem:$0x1D600] =	vst v63  }
0x499: {  	v4 =	vld @!p0 [tilespmem:s28+$0x280];
	_ =	sdelay $0x4  }
0x49a: {  	v5 =	vshll.u32 @!p0 v4, $0x3  }
0x49b: {  	v6 =	vlaneseq.u32 @!p0;
	v4 =	vand.u32 @!p0 $0x7, v4;
	v5 =	vand.u32 @!p0 $0xFFFFFFC0, v5  }
0x49c: {  	v51 =	vshrl.u32 @!p0 v6, $0x3;
	v4 =	vor.u32 @!p0 v4, v5;
	v5 =	vand.u32 @!p0 $0x7, v6  }
0x49d: {  	v51 =	vmul.u32 @!p0 $0x8, v51;
	v52 =	vperm.xlane @!p0 v4, v5;
	_ =	sdelay $0x1  }
0x49e: {  	v52 =	vadd.s32 @!p0 v51, v52;
	_ =	sdelay $0x3  }
0x49f: {  	vm1 =	vmmov @!p0 $0xffff;
	s2 =	simm.s32 @!p0 $0x7600;
	s0 =	simm.s32 @!p0 $0x0  }
0x4a0: {  	v6 =	vor.u32 @!p0 $0x8, v6;
	[tilespmem:s2], [sflag:$0x2] =	stream.indirect_vreg.gather @!p0 [hbm4b:s1+s0], $0x80, v52, vm1, $0xb8;
	[tilespmem:$0x1D600] =	vst v63  }
0x4a1: {  	v4 =	vperm.xlane @!p0 v4, v6;
	s2 =	simm.s32 @!p0 $0x7E00  }
0x4a2: {  	[tilespmem:s2], [sflag:$0x2] =	stream.indirect_vreg.gather @!p0 [hbm4b:s7+s0], $0x80, v52, vm1, $0xb8;
	[tilespmem:$0x1D600] =	vst v63  }
0x4a3: {  	v4 =	vadd.s32 @!p0 v51, v4;
	s2 =	simm.s32 @!p0 $0x8600  }
0x4a4: {  	[tilespmem:s2], [sflag:$0x2] =	stream.indirect_vreg.gather @!p0 [hbm4b:s8+s0], $0x80, v52, vm1, $0xb8;
	[tilespmem:$0x1D600] =	vst v63  }
0x4a5: {  	s2 =	simm.s32 @!p0 $0x8E00  }
0x4a6: {  	[tilespmem:s2], [sflag:$0x2] =	stream.indirect_vreg.gather @!p0 [hbm4b:s9+s0], $0x80, v52, vm1, $0xb8;
	[tilespmem:$0x1D600] =	vst v63  }
0x4a7: {  	s2 =	simm.s32 @!p0 $0x9600  }
0x4a8: {  	[tilespmem:s2], [sflag:$0x2] =	stream.indirect_vreg.gather @!p0 [hbm4b:s1+s0], $0x80, v4, vm1, $0xb8;
	[tilespmem:$0x1D600] =	vst v63  }
0x4a9: {  	s2 =	simm.s32 @!p0 $0x9E00  }
0x4aa: {  	[tilespmem:s2], [sflag:$0x2] =	stream.indirect_vreg.gather @!p0 [hbm4b:s7+s0], $0x80, v4, vm1, $0xb8;
	[tilespmem:$0x1D600] =	vst v63  }
0x4ab: {  	s2 =	simm.s32 @!p0 $0xA600  }
0x4ac: {  	[tilespmem:s2], [sflag:$0x2] =	stream.indirect_vreg.gather @!p0 [hbm4b:s8+s0], $0x80, v4, vm1, $0xb8;
	[tilespmem:$0x1D600] =	vst v63  }
0x4ad: {  	s2 =	simm.s32 @!p0 $0xAE00  }
0x4ae: {  	[tilespmem:s2], [sflag:$0x2] =	stream.indirect_vreg.gather @!p0 [hbm4b:s9+s0], $0x80, v4, vm1, $0xb8;
	[tilespmem:$0x1D600] =	vst v63  }
0x4af: {  	v4 =	vld.msk @!p0 [tilespmem:s28+$0x290], $0xff;
	_ =	sdelay $0x4  }
0x4b0: {  	v6 =	vshll.u32 @!p0 v4, $0x3  }
0x4b1: {  	v4 =	vand.u32 @!p0 $0x7, v4;
	v6 =	vand.u32 @!p0 $0xFFFFFFC0, v6  }
0x4b2: {  	v4 =	vor.u32 @!p0 v4, v6  }
0x4b3: {  	v4 =	vperm.xlane @!p0 v4, v5;
	_ =	sdelay $0x1  }
0x4b4: {  	v4 =	vadd.s32 @!p0 v51, v4;
	_ =	sdelay $0x3  }
0x4b5: {  	s2 =	simm.s32 @!p0 $0xB600  }
0x4b6: {  	[tilespmem:s2], [sflag:$0x2] =	stream.indirect_vreg.gather @!p0 [hbm4b:s1+s0], $0x80, v4, vm1, $0xb8;
	[tilespmem:$0x1D600] =	vst v63  }
0x4b7: {  	s2 =	simm.s32 @!p0 $0xBE00  }
0x4b8: {  	[tilespmem:s2], [sflag:$0x2] =	stream.indirect_vreg.gather @!p0 [hbm4b:s7+s0], $0x80, v4, vm1, $0xb8;
	[tilespmem:$0x1D600] =	vst v63  }
0x4b9: {  	s12 =	sor.u32 $0x110, s26;
	s2 =	simm.s32 @!p0 $0xC600  }
0x4ba: {  	[tilespmem:s2], [sflag:$0x2] =	stream.indirect_vreg.gather @!p0 [hbm4b:s8+s0], $0x80, v4, vm1, $0xb8;
	[tilespmem:$0x1D600] =	vst v63  }
0x4bb: {  	s13 =	sor.u32 $0x210, s26;
	s14 =	simm.s32 $0x3;
	v5 =	vmov s12;
	s2 =	simm.s32 @!p0 $0xCE00  }
0x4bc: {  	v6 =	vmov s13;
	v5 =	vand.u32 $0xFFFFFFF0, v5;
	[tilespmem:s2], [sflag:$0x2] =	stream.indirect_vreg.gather @!p0 [hbm4b:s9+s0], $0x80, v4, vm1, $0xb8;
	[tilespmem:$0x1D600] =	vst v63  }
0x4bd: {  	s29 =	sor.u32 $0x10, s26;
	v6 =	vand.u32 $0xFFFFFFF0, v6;
	v5 =	vbroadcast v5, $0x0;
	_ =	swait.ge [sflag:s14], $0x6000  }
0x4be: {  	v6 =	vbroadcast v6, $0x0;
	v4 =	vmov s29;
	[sflag:s14] =	ssyncset.done $0x0  }
0x4bf: {  	v4 =	vand.u32 $0xFFFFFFF0, v4;
	[sflag:s14] =	ssyncadd.s32 $0xFFFFA000  }
0x4c0: {  	v4 =	vbroadcast v4, $0x0;
	_ =	swait.ge [sflag:s21], $0x2000  }
0x4c1: {  	s16 =	simm.s32 $0x0;
	[sflag:s21] =	ssyncset.done $0x0  }
0x4c2: {  	s30 =	sand.u32 $0x60, s16;
	s11 =	sand.u32 $0x1C00, s16;
	[sflag:s21] =	ssyncadd.s32 $0xFFFFE000  }
0x4c3: {  	s31 =	sor.u32 $0x10, s30;
	s17 =	sadd.s32 $0xD680, s11;
	v51 =	vld.idx.msk [tilespmem:v5+s15+$0x0], $0xffff  }
0x4c4: {  	s20 =	sor.u32 s31, s17;
	v52 =	vld.idx.msk [tilespmem:v6+s15+$0x0], $0xffff  }
0x4c5: {  	s0 =	sadd.s32 $0xD600, s11;
	v5 =	vld [tilespmem:s20+$0x0]  }
0x4c6: {  	s19 =	sor.u32 s31, s0;
	v53 =	vld.idx.msk [tilespmem:v4+s15+$0x0], $0xffff  }
0x4c7: {  	s25 =	sadd.s32 $0xD700, s11;
	s0 =	sor.u32 s30, s0;
	v4 =	vld [tilespmem:s19+$0x0]  }
0x4c8: {  	s6 =	sor.u32 s31, s25;
	v6 =	vld [tilespmem:s0+$0x0]  }
0x4c9: {  	s13 =	simm.s32 $0x100;
	s12 =	sor.u32 s30, s17;
	s14 =	simm.s32 $0x20;
	v62 =	vld [tilespmem:s6+$0x0]  }
0x4ca: {  	s10 =	sor.u32 s30, s25;
	s2 =	sand.u32 $0x1C00, s13;
	s0 =	sand.u32 $0x60, s14;
	v63 =	vld [tilespmem:s12+$0x0]  }
0x4cb: {  	s12 =	sadd.s32 $0xD600, s2;
	v58 =	vld [tilespmem:s10+$0x0];
	s6 =	sor.u32 $0x10, s0  }
0x4cc: {  	s16 =	sadd.s32 $0xD680, s2;
	s19 =	sor.u32 s6, s12;
	v5 =	vmul.f32 v5, v51;
	v4 =	vmul.f32 v4, v53  }
0x4cd: {  	s14 =	sor.u32 s6, s16;
	v54 =	vld [tilespmem:s19+$0x0]  }
0x4ce: {  	s13 =	simm.s32 $0x40;
	s17 =	sadd.s32 $0xD700, s2;
	s12 =	sor.u32 s0, s12;
	v55 =	vld [tilespmem:s14+$0x0];
	v4 =	vadd.f32 v5, v4;
	v5 =	vmul.f32 v62, v52  }
0x4cf: {  	s11 =	sadd.s32 $0x19600, s11;
	s10 =	simm.s32 $0x2;
	s20 =	sor.u32 s6, s17;
	v56 =	vld [tilespmem:s12+$0x0];
	v61 =	vmul.f32 v63, v51  }
0x4d0: {  	s25 =	sor.u32 s0, s16;
	s16 =	sor.u32 s0, s17;
	v57 =	vld [tilespmem:s20+$0x0];
	s12 =	simm.s32 $0x200;
	v60 =	vmul.f32 v58, v52;
	v59 =	vmul.f32 v6, v53;
	v58 =	vadd.f32 v5, v4  }
.LBB2_39:
0x4d1: {  	s14 =	sand.u32 $0x60, s13;
	s17 =	sor.u32 s31, s11;
	s19 =	smov.u32 s2  }
0x4d2: {  	v4 =	vld [tilespmem:s25+$0x0];
	v5 =	vadd.f32 v61, v59;
	s2 =	sand.u32 $0x1C00, s12;
	s31 =	smov.u32 s6;
	s10 =	sadd.s32 $0x2, s10  }
0x4d3: {  	s25 =	sadd.s32 $0xD600, s2;
	s6 =	sor.u32 $0x10, s14;
	v6 =	vld [tilespmem:s16+$0x0];
	[tilespmem:s17+$0x0] =	vst v58;
	p1 =	slt.u32 s10, $0x3E  }
.Ltmp19:
0x4d4: {  	s16 =	sadd.s32 $0xD680, s2;
	v58 =	vmul.f32 v54, v53;
	s17 =	sor.u32 s6, s25;
	v61 =	vmul.f32 v55, v51;
	v5 =	vadd.f32 v60, v5;
	(pc) =	sbr.rel @p1 .LBB2_39-.Ltmp19, $4  }
0x4d5: {  	s20 =	sor.u32 s14, s25;
	s25 =	sor.u32 s14, s16;
	s16 =	sor.u32 s6, s16;
	v54 =	vld [tilespmem:s17+$0x0];
	v59 =	vmul.f32 v56, v53  }
0x4d6: {  	s11 =	sor.u32 s30, s11;
	s30 =	smov.u32 s0;
	s17 =	sadd.s32 $0xD700, s2;
	v55 =	vld [tilespmem:s16+$0x0];
	v58 =	vadd.f32 v61, v58;
	v62 =	vmul.f32 v57, v52  }
0x4d7: {  	s0 =	smov.u32 s14;
	s16 =	sor.u32 s14, s17;
	s17 =	sor.u32 s6, s17;
	v56 =	vld [tilespmem:s20+$0x0];
	v61 =	vmul.f32 v4, v51;
	[tilespmem:s11+$0x0] =	vst v5  }
0x4d8: {  	s12 =	sadd.s32 $0x100, s12;
	s13 =	sadd.s32 $0x20, s13;
	s11 =	sadd.s32 $0x19600, s19;
	v57 =	vld [tilespmem:s17+$0x0];
	v60 =	vmul.f32 v6, v52;
	v58 =	vadd.f32 v62, v58  }
0x4d9: {  	v4 =	vld [tilespmem:s25+$0x0]  }
0x4da: {  	v5 =	vld [tilespmem:s16+$0x0]  }
0x4db: {  	v6 =	vadd.f32 v61, v59;
	s10 =	sor.u32 $0x11, s26;
	s13 =	sor.u32 $0x111, s26;
	v54 =	vmul.f32 v54, v53;
	v55 =	vmul.f32 v55, v51  }
0x4dc: {  	v61 =	vmov s10;
	v62 =	vmov s13  }
0x4dd: {  	v6 =	vadd.f32 v60, v6;
	v60 =	vmul.f32 v56, v53;
	v54 =	vadd.f32 v55, v54  }
0x4de: {  	v55 =	vmul.f32 v57, v52;
	v4 =	vmul.f32 v4, v51;
	v51 =	vand.u32 $0xFFFFFFF1, v61  }
0x4df: {  	v5 =	vmul.f32 v5, v52;
	v52 =	vand.u32 $0xFFFFFFF1, v62;
	v51 =	vbroadcast v51, $0x0  }
0x4e0: {  	s16 =	sor.u32 s31, s11;
	v52 =	vbroadcast v52, $0x0;
	v4 =	vadd.f32 v4, v60  }
0x4e1: {  	s17 =	sor.u32 s30, s11;
	s2 =	sadd.s32 $0x19600, s2;
	[tilespmem:s16+$0x0] =	vst v58;
	v54 =	vadd.f32 v55, v54  }
0x4e2: {  	s14 =	sor.u32 $0x211, s26;
	s6 =	sor.u32 s6, s2;
	[tilespmem:s17+$0x0] =	vst v6;
	v4 =	vadd.f32 v5, v4  }
0x4e3: {  	s19 =	simm.s32 $0x0;
	v63 =	vmov s14;
	s0 =	sor.u32 s0, s2;
	[tilespmem:s6+$0x0] =	vst v54  }
0x4e4: {  	s30 =	sand.u32 $0x60, s19;
	s11 =	sand.u32 $0x1C00, s19;
	v60 =	vand.u32 $0xFFFFFFF1, v63;
	[tilespmem:s0+$0x0] =	vst v4  }
0x4e5: {  	s31 =	sor.u32 $0x10, s30;
	s20 =	sadd.s32 $0xD800, s11;
	v61 =	vbroadcast v60, $0x0;
	v53 =	vld.idx.msk [tilespmem:v51+s15+$0x0], $0xffff  }
0x4e6: {  	s12 =	sadd.s32 $0xD880, s11;
	s10 =	sor.u32 s31, s20;
	v51 =	vld.idx.msk [tilespmem:v52+s15+$0x0], $0xffff  }
0x4e7: {  	s13 =	sor.u32 s31, s12;
	s0 =	sadd.s32 $0xD780, s11;
	v5 =	vld [tilespmem:s10+$0x0]  }
0x4e8: {  	s25 =	sor.u32 s31, s0;
	v62 =	vld [tilespmem:s13+$0x0]  }
0x4e9: {  	s14 =	sor.u32 s30, s20;
	v4 =	vld [tilespmem:s25+$0x0]  }
0x4ea: {  	v63 =	vld [tilespmem:s14+$0x0]  }
0x4eb: {  	s16 =	simm.s32 $0x100;
	s17 =	simm.s32 $0x20;
	s0 =	sor.u32 s30, s0;
	v52 =	vld.idx.msk [tilespmem:v61+s15+$0x0], $0xffff  }
0x4ec: {  	s2 =	sand.u32 $0x1C00, s16;
	s10 =	sor.u32 s30, s12;
	v6 =	vld [tilespmem:s0+$0x0];
	s0 =	sand.u32 $0x60, s17  }
0x4ed: {  	s12 =	sadd.s32 $0xD780, s2;
	v58 =	vld [tilespmem:s10+$0x0];
	s6 =	sor.u32 $0x10, s0  }
0x4ee: {  	s13 =	sadd.s32 $0xD800, s2;
	s19 =	sor.u32 s6, s12;
	v5 =	vmul.f32 v5, v51;
	v4 =	vmul.f32 v4, v53  }
0x4ef: {  	s14 =	sor.u32 s6, s13;
	v54 =	vld [tilespmem:s19+$0x0]  }
0x4f0: {  	s11 =	sadd.s32 $0x19600, s11;
	s17 =	sadd.s32 $0xD880, s2;
	s12 =	sor.u32 s0, s12;
	v55 =	vld [tilespmem:s14+$0x0];
	v4 =	vadd.f32 v5, v4;
	v5 =	vmul.f32 v62, v52  }
0x4f1: {  	s10 =	simm.s32 $0x2;
	s25 =	sor.u32 s0, s13;
	s20 =	sor.u32 s6, s17;
	v56 =	vld [tilespmem:s12+$0x0];
	v61 =	vmul.f32 v63, v51  }
0x4f2: {  	s16 =	sor.u32 s0, s17;
	s13 =	simm.s32 $0x40;
	v57 =	vld [tilespmem:s20+$0x0];
	s12 =	simm.s32 $0x200;
	v59 =	vmul.f32 v6, v53;
	v60 =	vmul.f32 v58, v52;
	v58 =	vadd.f32 v5, v4  }
.LBB2_41:
0x4f3: {  	s14 =	sand.u32 $0x60, s13;
	s17 =	sor.u32 s31, s11;
	s19 =	smov.u32 s2  }
0x4f4: {  	v4 =	vld [tilespmem:s25+$0x0];
	v5 =	vadd.f32 v61, v59;
	s2 =	sand.u32 $0x1C00, s12;
	s31 =	smov.u32 s6;
	s10 =	sadd.s32 $0x2, s10  }
0x4f5: {  	s20 =	sadd.s32 $0xD780, s2;
	s6 =	sor.u32 $0x10, s14;
	v6 =	vld [tilespmem:s16+$0x0];
	[tilespmem:s17+$0x80] =	vst v58;
	p1 =	slt.u32 s10, $0x3E  }
.Ltmp20:
0x4f6: {  	s16 =	sadd.s32 $0xD800, s2;
	v58 =	vmul.f32 v54, v53;
	s17 =	sor.u32 s6, s20;
	v61 =	vmul.f32 v55, v51;
	v5 =	vadd.f32 v60, v5;
	(pc) =	sbr.rel @p1 .LBB2_41-.Ltmp20, $4  }
0x4f7: {  	s20 =	sor.u32 s14, s20;
	s25 =	sor.u32 s14, s16;
	s16 =	sor.u32 s6, s16;
	v54 =	vld [tilespmem:s17+$0x0];
	v59 =	vmul.f32 v56, v53  }
0x4f8: {  	s11 =	sor.u32 s30, s11;
	s30 =	smov.u32 s0;
	s17 =	sadd.s32 $0xD880, s2;
	v55 =	vld [tilespmem:s16+$0x0];
	v58 =	vadd.f32 v61, v58;
	v62 =	vmul.f32 v57, v52  }
0x4f9: {  	s0 =	smov.u32 s14;
	s16 =	sor.u32 s14, s17;
	s17 =	sor.u32 s6, s17;
	v56 =	vld [tilespmem:s20+$0x0];
	v61 =	vmul.f32 v4, v51;
	[tilespmem:s11+$0x80] =	vst v5  }
0x4fa: {  	s12 =	sadd.s32 $0x100, s12;
	s13 =	sadd.s32 $0x20, s13;
	s11 =	sadd.s32 $0x19600, s19;
	v57 =	vld [tilespmem:s17+$0x0];
	v60 =	vmul.f32 v6, v52;
	v58 =	vadd.f32 v62, v58  }
0x4fb: {  	v4 =	vld [tilespmem:s25+$0x0]  }
0x4fc: {  	v5 =	vld [tilespmem:s16+$0x0]  }
0x4fd: {  	v6 =	vadd.f32 v61, v59;
	s10 =	sor.u32 $0x12, s26;
	s13 =	sor.u32 $0x112, s26;
	v54 =	vmul.f32 v54, v53;
	v55 =	vmul.f32 v55, v51  }
0x4fe: {  	v61 =	vmov s10;
	v62 =	vmov s13  }
0x4ff: {  	v6 =	vadd.f32 v60, v6;
	v60 =	vmul.f32 v56, v53;
	v54 =	vadd.f32 v55, v54  }
0x500: {  	v55 =	vmul.f32 v57, v52;
	v4 =	vmul.f32 v4, v51;
	v51 =	vand.u32 $0xFFFFFFF2, v61  }
0x501: {  	v5 =	vmul.f32 v5, v52;
	v52 =	vand.u32 $0xFFFFFFF2, v62;
	v51 =	vbroadcast v51, $0x0  }
0x502: {  	s16 =	sor.u32 s31, s11;
	v52 =	vbroadcast v52, $0x0;
	v4 =	vadd.f32 v4, v60  }
0x503: {  	s17 =	sor.u32 s30, s11;
	s2 =	sadd.s32 $0x19600, s2;
	[tilespmem:s16+$0x80] =	vst v58;
	v54 =	vadd.f32 v55, v54  }
0x504: {  	s14 =	sor.u32 $0x212, s26;
	s6 =	sor.u32 s6, s2;
	[tilespmem:s17+$0x80] =	vst v6;
	v4 =	vadd.f32 v5, v4  }
0x505: {  	s19 =	simm.s32 $0x0;
	v63 =	vmov s14;
	s0 =	sor.u32 s0, s2;
	[tilespmem:s6+$0x80] =	vst v54  }
0x506: {  	s30 =	sand.u32 $0x60, s19;
	s11 =	sand.u32 $0x1C00, s19;
	v60 =	vand.u32 $0xFFFFFFF2, v63;
	[tilespmem:s0+$0x80] =	vst v4  }
0x507: {  	s31 =	sor.u32 $0x10, s30;
	s20 =	sadd.s32 $0xD980, s11;
	v61 =	vbroadcast v60, $0x0;
	v53 =	vld.idx.msk [tilespmem:v51+s15+$0x0], $0xffff  }
0x508: {  	s12 =	sadd.s32 $0xF600, s11;
	s10 =	sor.u32 s31, s20;
	v51 =	vld.idx.msk [tilespmem:v52+s15+$0x0], $0xffff  }
0x509: {  	s13 =	sor.u32 s31, s12;
	s0 =	sadd.s32 $0xD900, s11;
	v5 =	vld [tilespmem:s10+$0x0]  }
0x50a: {  	s25 =	sor.u32 s31, s0;
	v62 =	vld [tilespmem:s13+$0x0]  }
0x50b: {  	s14 =	sor.u32 s30, s20;
	v4 =	vld [tilespmem:s25+$0x0]  }
0x50c: {  	v63 =	vld [tilespmem:s14+$0x0]  }
0x50d: {  	s16 =	simm.s32 $0x100;
	s17 =	simm.s32 $0x20;
	s0 =	sor.u32 s30, s0;
	v52 =	vld.idx.msk [tilespmem:v61+s15+$0x0], $0xffff  }
0x50e: {  	s2 =	sand.u32 $0x1C00, s16;
	s10 =	sor.u32 s30, s12;
	v6 =	vld [tilespmem:s0+$0x0];
	s0 =	sand.u32 $0x60, s17  }
0x50f: {  	s12 =	sadd.s32 $0xD900, s2;
	v58 =	vld [tilespmem:s10+$0x0];
	s6 =	sor.u32 $0x10, s0  }
0x510: {  	s13 =	sadd.s32 $0xD980, s2;
	s19 =	sor.u32 s6, s12;
	v5 =	vmul.f32 v5, v51;
	v4 =	vmul.f32 v4, v53  }
0x511: {  	s14 =	sor.u32 s6, s13;
	v54 =	vld [tilespmem:s19+$0x0]  }
0x512: {  	s11 =	sadd.s32 $0x19600, s11;
	s17 =	sadd.s32 $0xF600, s2;
	s12 =	sor.u32 s0, s12;
	v55 =	vld [tilespmem:s14+$0x0];
	v4 =	vadd.f32 v5, v4;
	v5 =	vmul.f32 v62, v52  }
0x513: {  	s10 =	simm.s32 $0x2;
	s25 =	sor.u32 s0, s13;
	s20 =	sor.u32 s6, s17;
	v56 =	vld [tilespmem:s12+$0x0];
	v61 =	vmul.f32 v63, v51  }
0x514: {  	s16 =	sor.u32 s0, s17;
	s13 =	simm.s32 $0x40;
	v57 =	vld [tilespmem:s20+$0x0];
	s12 =	simm.s32 $0x200;
	v59 =	vmul.f32 v6, v53;
	v60 =	vmul.f32 v58, v52;
	v58 =	vadd.f32 v5, v4  }
.LBB2_43:
0x515: {  	s14 =	sand.u32 $0x60, s13;
	s17 =	sor.u32 s31, s11;
	s19 =	smov.u32 s2  }
0x516: {  	v4 =	vld [tilespmem:s25+$0x0];
	v5 =	vadd.f32 v61, v59;
	s2 =	sand.u32 $0x1C00, s12;
	s31 =	smov.u32 s6;
	s10 =	sadd.s32 $0x2, s10  }
0x517: {  	s20 =	sadd.s32 $0xD900, s2;
	s6 =	sor.u32 $0x10, s14;
	v6 =	vld [tilespmem:s16+$0x0];
	[tilespmem:s17+$0x100] =	vst v58;
	p1 =	slt.u32 s10, $0x3E  }
.Ltmp21:
0x518: {  	s16 =	sadd.s32 $0xD980, s2;
	v58 =	vmul.f32 v54, v53;
	s17 =	sor.u32 s6, s20;
	v61 =	vmul.f32 v55, v51;
	v5 =	vadd.f32 v60, v5;
	(pc) =	sbr.rel @p1 .LBB2_43-.Ltmp21, $4  }
0x519: {  	s20 =	sor.u32 s14, s20;
	s25 =	sor.u32 s14, s16;
	s16 =	sor.u32 s6, s16;
	v54 =	vld [tilespmem:s17+$0x0];
	v59 =	vmul.f32 v56, v53  }
0x51a: {  	s11 =	sor.u32 s30, s11;
	s30 =	smov.u32 s0;
	s17 =	sadd.s32 $0xF600, s2;
	v55 =	vld [tilespmem:s16+$0x0];
	v58 =	vadd.f32 v61, v58;
	v62 =	vmul.f32 v57, v52  }
0x51b: {  	s0 =	smov.u32 s14;
	s16 =	sor.u32 s14, s17;
	s17 =	sor.u32 s6, s17;
	v56 =	vld [tilespmem:s20+$0x0];
	v61 =	vmul.f32 v4, v51;
	[tilespmem:s11+$0x100] =	vst v5  }
0x51c: {  	s12 =	sadd.s32 $0x100, s12;
	s13 =	sadd.s32 $0x20, s13;
	s11 =	sadd.s32 $0x19600, s19;
	v57 =	vld [tilespmem:s17+$0x0];
	v60 =	vmul.f32 v6, v52;
	v58 =	vadd.f32 v62, v58  }
0x51d: {  	v4 =	vld [tilespmem:s25+$0x0]  }
0x51e: {  	v5 =	vld [tilespmem:s16+$0x0]  }
0x51f: {  	v6 =	vadd.f32 v61, v59;
	s10 =	sor.u32 $0x13, s26;
	s13 =	sor.u32 $0x113, s26;
	v54 =	vmul.f32 v54, v53;
	v55 =	vmul.f32 v55, v51  }
0x520: {  	v61 =	vmov s10;
	v62 =	vmov s13  }
0x521: {  	v6 =	vadd.f32 v60, v6;
	v60 =	vmul.f32 v56, v53;
	v54 =	vadd.f32 v55, v54  }
0x522: {  	v55 =	vmul.f32 v57, v52;
	v4 =	vmul.f32 v4, v51;
	v51 =	vand.u32 $0xFFFFFFF3, v61  }
0x523: {  	v5 =	vmul.f32 v5, v52;
	v52 =	vand.u32 $0xFFFFFFF3, v62;
	v51 =	vbroadcast v51, $0x0  }
0x524: {  	s16 =	sor.u32 s31, s11;
	v52 =	vbroadcast v52, $0x0;
	v4 =	vadd.f32 v4, v60  }
0x525: {  	s17 =	sor.u32 s30, s11;
	s2 =	sadd.s32 $0x19600, s2;
	[tilespmem:s16+$0x100] =	vst v58;
	v54 =	vadd.f32 v55, v54  }
0x526: {  	s14 =	sor.u32 $0x213, s26;
	s6 =	sor.u32 s6, s2;
	[tilespmem:s17+$0x100] =	vst v6;
	v4 =	vadd.f32 v5, v4  }
0x527: {  	s19 =	simm.s32 $0x0;
	v63 =	vmov s14;
	s0 =	sor.u32 s0, s2;
	[tilespmem:s6+$0x100] =	vst v54  }
0x528: {  	s30 =	sand.u32 $0x60, s19;
	s11 =	sand.u32 $0x1C00, s19;
	v60 =	vand.u32 $0xFFFFFFF3, v63;
	[tilespmem:s0+$0x100] =	vst v4  }
0x529: {  	s31 =	sor.u32 $0x10, s30;
	s20 =	sadd.s32 $0xF700, s11;
	v61 =	vbroadcast v60, $0x0;
	v53 =	vld.idx.msk [tilespmem:v51+s15+$0x0], $0xffff  }
0x52a: {  	s12 =	sadd.s32 $0xF780, s11;
	s10 =	sor.u32 s31, s20;
	v51 =	vld.idx.msk [tilespmem:v52+s15+$0x0], $0xffff  }
0x52b: {  	s13 =	sor.u32 s31, s12;
	s0 =	sadd.s32 $0xF680, s11;
	v5 =	vld [tilespmem:s10+$0x0]  }
0x52c: {  	s25 =	sor.u32 s31, s0;
	v62 =	vld [tilespmem:s13+$0x0]  }
0x52d: {  	s14 =	sor.u32 s30, s20;
	v4 =	vld [tilespmem:s25+$0x0]  }
0x52e: {  	v63 =	vld [tilespmem:s14+$0x0]  }
0x52f: {  	s16 =	simm.s32 $0x100;
	s17 =	simm.s32 $0x20;
	s0 =	sor.u32 s30, s0;
	v52 =	vld.idx.msk [tilespmem:v61+s15+$0x0], $0xffff  }
0x530: {  	s2 =	sand.u32 $0x1C00, s16;
	s10 =	sor.u32 s30, s12;
	v6 =	vld [tilespmem:s0+$0x0];
	s0 =	sand.u32 $0x60, s17  }
0x531: {  	s12 =	sadd.s32 $0xF680, s2;
	v58 =	vld [tilespmem:s10+$0x0];
	s6 =	sor.u32 $0x10, s0  }
0x532: {  	s13 =	sadd.s32 $0xF700, s2;
	s19 =	sor.u32 s6, s12;
	v5 =	vmul.f32 v5, v51;
	v4 =	vmul.f32 v4, v53  }
0x533: {  	s14 =	sor.u32 s6, s13;
	v54 =	vld [tilespmem:s19+$0x0]  }
0x534: {  	s11 =	sadd.s32 $0x19600, s11;
	s17 =	sadd.s32 $0xF780, s2;
	s12 =	sor.u32 s0, s12;
	v55 =	vld [tilespmem:s14+$0x0];
	v4 =	vadd.f32 v5, v4;
	v5 =	vmul.f32 v62, v52  }
0x535: {  	s10 =	simm.s32 $0x2;
	s25 =	sor.u32 s0, s13;
	s20 =	sor.u32 s6, s17;
	v56 =	vld [tilespmem:s12+$0x0];
	v61 =	vmul.f32 v63, v51  }
0x536: {  	s16 =	sor.u32 s0, s17;
	s13 =	simm.s32 $0x40;
	v57 =	vld [tilespmem:s20+$0x0];
	s12 =	simm.s32 $0x200;
	v59 =	vmul.f32 v6, v53;
	v60 =	vmul.f32 v58, v52;
	v58 =	vadd.f32 v5, v4  }
.LBB2_45:
0x537: {  	s14 =	sand.u32 $0x60, s13;
	s17 =	sor.u32 s31, s11;
	s19 =	smov.u32 s2  }
0x538: {  	v4 =	vld [tilespmem:s25+$0x0];
	v5 =	vadd.f32 v61, v59;
	s2 =	sand.u32 $0x1C00, s12;
	s31 =	smov.u32 s6;
	s10 =	sadd.s32 $0x2, s10  }
0x539: {  	s20 =	sadd.s32 $0xF680, s2;
	s6 =	sor.u32 $0x10, s14;
	v6 =	vld [tilespmem:s16+$0x0];
	[tilespmem:s17+$0x180] =	vst v58;
	p1 =	slt.u32 s10, $0x3E  }
.Ltmp22:
0x53a: {  	s16 =	sadd.s32 $0xF700, s2;
	v58 =	vmul.f32 v54, v53;
	s17 =	sor.u32 s6, s20;
	v61 =	vmul.f32 v55, v51;
	v5 =	vadd.f32 v60, v5;
	(pc) =	sbr.rel @p1 .LBB2_45-.Ltmp22, $4  }
0x53b: {  	s20 =	sor.u32 s14, s20;
	s25 =	sor.u32 s14, s16;
	s16 =	sor.u32 s6, s16;
	v54 =	vld [tilespmem:s17+$0x0];
	v59 =	vmul.f32 v56, v53  }
0x53c: {  	s11 =	sor.u32 s30, s11;
	s30 =	smov.u32 s0;
	s17 =	sadd.s32 $0xF780, s2;
	v55 =	vld [tilespmem:s16+$0x0];
	v58 =	vadd.f32 v61, v58;
	v62 =	vmul.f32 v57, v52  }
0x53d: {  	s0 =	smov.u32 s14;
	s16 =	sor.u32 s14, s17;
	s17 =	sor.u32 s6, s17;
	v56 =	vld [tilespmem:s20+$0x0];
	v61 =	vmul.f32 v4, v51;
	[tilespmem:s11+$0x180] =	vst v5  }
0x53e: {  	s12 =	sadd.s32 $0x100, s12;
	s13 =	sadd.s32 $0x20, s13;
	s11 =	sadd.s32 $0x19600, s19;
	v57 =	vld [tilespmem:s17+$0x0];
	v60 =	vmul.f32 v6, v52;
	v58 =	vadd.f32 v62, v58  }
0x53f: {  	v4 =	vld [tilespmem:s25+$0x0]  }
0x540: {  	v5 =	vld [tilespmem:s16+$0x0]  }
0x541: {  	v6 =	vadd.f32 v61, v59;
	s10 =	sor.u32 $0x14, s26;
	s13 =	sor.u32 $0x114, s26;
	v54 =	vmul.f32 v54, v53;
	v55 =	vmul.f32 v55, v51  }
0x542: {  	v61 =	vmov s10;
	v62 =	vmov s13  }
0x543: {  	v6 =	vadd.f32 v60, v6;
	v60 =	vmul.f32 v56, v53;
	v54 =	vadd.f32 v55, v54  }
0x544: {  	v55 =	vmul.f32 v57, v52;
	v4 =	vmul.f32 v4, v51;
	v51 =	vand.u32 $0xFFFFFFF4, v61  }
0x545: {  	v5 =	vmul.f32 v5, v52;
	v52 =	vand.u32 $0xFFFFFFF4, v62;
	v51 =	vbroadcast v51, $0x0  }
0x546: {  	s16 =	sor.u32 s31, s11;
	v52 =	vbroadcast v52, $0x0;
	v4 =	vadd.f32 v4, v60  }
0x547: {  	s17 =	sor.u32 s30, s11;
	s2 =	sadd.s32 $0x19600, s2;
	[tilespmem:s16+$0x180] =	vst v58;
	v54 =	vadd.f32 v55, v54  }
0x548: {  	s14 =	sor.u32 $0x214, s26;
	s6 =	sor.u32 s6, s2;
	[tilespmem:s17+$0x180] =	vst v6;
	v4 =	vadd.f32 v5, v4  }
0x549: {  	s19 =	simm.s32 $0x0;
	v63 =	vmov s14;
	s0 =	sor.u32 s0, s2;
	[tilespmem:s6+$0x180] =	vst v54  }
0x54a: {  	s30 =	sand.u32 $0x60, s19;
	s11 =	sand.u32 $0x1C00, s19;
	v60 =	vand.u32 $0xFFFFFFF4, v63;
	[tilespmem:s0+$0x180] =	vst v4  }
0x54b: {  	s31 =	sor.u32 $0x10, s30;
	s20 =	sadd.s32 $0xF880, s11;
	v61 =	vbroadcast v60, $0x0;
	v53 =	vld.idx.msk [tilespmem:v51+s15+$0x0], $0xffff  }
0x54c: {  	s12 =	sadd.s32 $0xF900, s11;
	s10 =	sor.u32 s31, s20;
	v51 =	vld.idx.msk [tilespmem:v52+s15+$0x0], $0xffff  }
0x54d: {  	s13 =	sor.u32 s31, s12;
	s0 =	sadd.s32 $0xF800, s11;
	v5 =	vld [tilespmem:s10+$0x0]  }
0x54e: {  	s25 =	sor.u32 s31, s0;
	v62 =	vld [tilespmem:s13+$0x0]  }
0x54f: {  	s14 =	sor.u32 s30, s20;
	v4 =	vld [tilespmem:s25+$0x0]  }
0x550: {  	v63 =	vld [tilespmem:s14+$0x0]  }
0x551: {  	s16 =	simm.s32 $0x100;
	s17 =	simm.s32 $0x20;
	s0 =	sor.u32 s30, s0;
	v52 =	vld.idx.msk [tilespmem:v61+s15+$0x0], $0xffff  }
0x552: {  	s2 =	sand.u32 $0x1C00, s16;
	s10 =	sor.u32 s30, s12;
	v6 =	vld [tilespmem:s0+$0x0];
	s0 =	sand.u32 $0x60, s17  }
0x553: {  	s12 =	sadd.s32 $0xF800, s2;
	v58 =	vld [tilespmem:s10+$0x0];
	s6 =	sor.u32 $0x10, s0  }
0x554: {  	s13 =	sadd.s32 $0xF880, s2;
	s19 =	sor.u32 s6, s12;
	v5 =	vmul.f32 v5, v51;
	v4 =	vmul.f32 v4, v53  }
0x555: {  	s14 =	sor.u32 s6, s13;
	v54 =	vld [tilespmem:s19+$0x0]  }
0x556: {  	s11 =	sadd.s32 $0x19600, s11;
	s17 =	sadd.s32 $0xF900, s2;
	s12 =	sor.u32 s0, s12;
	v55 =	vld [tilespmem:s14+$0x0];
	v4 =	vadd.f32 v5, v4;
	v5 =	vmul.f32 v62, v52  }
0x557: {  	s10 =	simm.s32 $0x2;
	s25 =	sor.u32 s0, s13;
	s20 =	sor.u32 s6, s17;
	v56 =	vld [tilespmem:s12+$0x0];
	v61 =	vmul.f32 v63, v51  }
0x558: {  	s16 =	sor.u32 s0, s17;
	s13 =	simm.s32 $0x40;
	v57 =	vld [tilespmem:s20+$0x0];
	s12 =	simm.s32 $0x200;
	v59 =	vmul.f32 v6, v53;
	v60 =	vmul.f32 v58, v52;
	v58 =	vadd.f32 v5, v4  }
.LBB2_47:
0x559: {  	s14 =	sand.u32 $0x60, s13;
	s17 =	sor.u32 s31, s11;
	s19 =	smov.u32 s2  }
0x55a: {  	v4 =	vld [tilespmem:s25+$0x0];
	v5 =	vadd.f32 v61, v59;
	s2 =	sand.u32 $0x1C00, s12;
	s31 =	smov.u32 s6;
	s10 =	sadd.s32 $0x2, s10  }
0x55b: {  	s20 =	sadd.s32 $0xF800, s2;
	s6 =	sor.u32 $0x10, s14;
	v6 =	vld [tilespmem:s16+$0x0];
	[tilespmem:s17+$0x200] =	vst v58;
	p1 =	slt.u32 s10, $0x3E  }
.Ltmp23:
0x55c: {  	s16 =	sadd.s32 $0xF880, s2;
	v58 =	vmul.f32 v54, v53;
	s17 =	sor.u32 s6, s20;
	v61 =	vmul.f32 v55, v51;
	v5 =	vadd.f32 v60, v5;
	(pc) =	sbr.rel @p1 .LBB2_47-.Ltmp23, $4  }
0x55d: {  	s20 =	sor.u32 s14, s20;
	s25 =	sor.u32 s14, s16;
	s16 =	sor.u32 s6, s16;
	v54 =	vld [tilespmem:s17+$0x0];
	v59 =	vmul.f32 v56, v53  }
0x55e: {  	s11 =	sor.u32 s30, s11;
	s30 =	smov.u32 s0;
	s17 =	sadd.s32 $0xF900, s2;
	v55 =	vld [tilespmem:s16+$0x0];
	v58 =	vadd.f32 v61, v58;
	v62 =	vmul.f32 v57, v52  }
0x55f: {  	s0 =	smov.u32 s14;
	s16 =	sor.u32 s14, s17;
	s17 =	sor.u32 s6, s17;
	v56 =	vld [tilespmem:s20+$0x0];
	v61 =	vmul.f32 v4, v51;
	[tilespmem:s11+$0x200] =	vst v5  }
0x560: {  	s12 =	sadd.s32 $0x100, s12;
	s13 =	sadd.s32 $0x20, s13;
	s11 =	sadd.s32 $0x19600, s19;
	v57 =	vld [tilespmem:s17+$0x0];
	v60 =	vmul.f32 v6, v52;
	v58 =	vadd.f32 v62, v58  }
0x561: {  	v4 =	vld [tilespmem:s25+$0x0]  }
0x562: {  	v5 =	vld [tilespmem:s16+$0x0];
	v6 =	vadd.f32 v61, v59  }
0x563: {  	s10 =	sor.u32 $0x15, s26;
	v54 =	vmul.f32 v54, v53;
	v55 =	vmul.f32 v55, v51  }
0x564: {  	s13 =	sor.u32 $0x115, s26;
	v59 =	vmov s10;
	v6 =	vadd.f32 v60, v6  }
0x565: {  	v60 =	vmov s13;
	v62 =	vmul.f32 v56, v53;
	v54 =	vadd.f32 v55, v54  }
0x566: {  	v63 =	vmul.f32 v57, v52;
	v4 =	vmul.f32 v4, v51;
	v51 =	vand.u32 $0xFFFFFFF5, v59  }
0x567: {  	v5 =	vmul.f32 v5, v52;
	v52 =	vand.u32 $0xFFFFFFF5, v60;
	v51 =	vbroadcast v51, $0x0  }
0x568: {  	s16 =	sor.u32 s31, s11;
	v52 =	vbroadcast v52, $0x0;
	v4 =	vadd.f32 v4, v62  }
0x569: {  	s17 =	sor.u32 s30, s11;
	s2 =	sadd.s32 $0x19600, s2;
	[tilespmem:s16+$0x200] =	vst v58;
	v54 =	vadd.f32 v63, v54  }
0x56a: {  	s14 =	sor.u32 $0x215, s26;
	s6 =	sor.u32 s6, s2;
	[tilespmem:s17+$0x200] =	vst v6;
	v4 =	vadd.f32 v5, v4  }
0x56b: {  	s19 =	simm.s32 $0x0;
	v61 =	vmov s14;
	s0 =	sor.u32 s0, s2;
	[tilespmem:s6+$0x200] =	vst v54  }
0x56c: {  	s30 =	sand.u32 $0x60, s19;
	s11 =	sand.u32 $0x1C00, s19;
	v62 =	vand.u32 $0xFFFFFFF5, v61;
	[tilespmem:s0+$0x200] =	vst v4  }
0x56d: {  	s31 =	sor.u32 $0x10, s30;
	s20 =	sadd.s32 $0x11600, s11;
	v63 =	vbroadcast v62, $0x0;
	v53 =	vld.idx.msk [tilespmem:v51+s15+$0x0], $0xffff  }
0x56e: {  	s12 =	sadd.s32 $0x11680, s11;
	s10 =	sor.u32 s31, s20;
	v52 =	vld.idx.msk [tilespmem:v52+s15+$0x0], $0xffff  }
0x56f: {  	s13 =	sor.u32 s31, s12;
	s0 =	sadd.s32 $0xF980, s11;
	v5 =	vld [tilespmem:s10+$0x0]  }
0x570: {  	s25 =	sor.u32 s31, s0;
	v56 =	vld [tilespmem:s13+$0x0]  }
0x571: {  	s14 =	sor.u32 s30, s20;
	v4 =	vld [tilespmem:s25+$0x0]  }
0x572: {  	v59 =	vld [tilespmem:s14+$0x0]  }
0x573: {  	s16 =	simm.s32 $0x100;
	s17 =	simm.s32 $0x20;
	s0 =	sor.u32 s30, s0;
	v51 =	vld.idx.msk [tilespmem:v63+s15+$0x0], $0xffff  }
0x574: {  	s2 =	sand.u32 $0x1C00, s16;
	s10 =	sor.u32 s30, s12;
	v6 =	vld [tilespmem:s0+$0x0];
	s0 =	sand.u32 $0x60, s17  }
0x575: {  	s12 =	sadd.s32 $0xF980, s2;
	v60 =	vld [tilespmem:s10+$0x0];
	s6 =	sor.u32 $0x10, s0  }
0x576: {  	s13 =	sadd.s32 $0x11600, s2;
	s19 =	sor.u32 s6, s12;
	v5 =	vmul.f32 v5, v52;
	v4 =	vmul.f32 v4, v53  }
0x577: {  	s14 =	sor.u32 s6, s13;
	v54 =	vld [tilespmem:s19+$0x0]  }
0x578: {  	s11 =	sadd.s32 $0x19600, s11;
	s17 =	sadd.s32 $0x11680, s2;
	s12 =	sor.u32 s0, s12;
	v55 =	vld [tilespmem:s14+$0x0];
	v4 =	vadd.f32 v5, v4;
	v5 =	vmul.f32 v56, v51  }
0x579: {  	s10 =	simm.s32 $0x2;
	s25 =	sor.u32 s0, s13;
	s20 =	sor.u32 s6, s17;
	v57 =	vld [tilespmem:s12+$0x0];
	v61 =	vmul.f32 v59, v52  }
0x57a: {  	s16 =	sor.u32 s0, s17;
	s13 =	simm.s32 $0x40;
	s12 =	simm.s32 $0x200;
	v58 =	vmul.f32 v6, v53;
	v60 =	vmul.f32 v60, v51;
	v56 =	vld [tilespmem:s20+$0x0];
	v59 =	vadd.f32 v5, v4  }
.LBB2_49:
0x57b: {  	s14 =	sand.u32 $0x60, s13;
	s17 =	sor.u32 s31, s11;
	s19 =	smov.u32 s2  }
0x57c: {  	v4 =	vld [tilespmem:s25+$0x0];
	v5 =	vadd.f32 v61, v58;
	s2 =	sand.u32 $0x1C00, s12;
	s31 =	smov.u32 s6;
	s10 =	sadd.s32 $0x2, s10  }
0x57d: {  	s20 =	sadd.s32 $0xF980, s2;
	s6 =	sor.u32 $0x10, s14;
	v6 =	vld [tilespmem:s16+$0x0];
	[tilespmem:s17+$0x280] =	vst v59;
	p1 =	slt.u32 s10, $0x3E  }
.Ltmp24:
0x57e: {  	s16 =	sadd.s32 $0x11600, s2;
	v59 =	vmul.f32 v54, v53;
	s17 =	sor.u32 s6, s20;
	v61 =	vmul.f32 v55, v52;
	v5 =	vadd.f32 v60, v5;
	(pc) =	sbr.rel @p1 .LBB2_49-.Ltmp24, $4  }
0x57f: {  	s20 =	sor.u32 s14, s20;
	s25 =	sor.u32 s14, s16;
	s16 =	sor.u32 s6, s16;
	v54 =	vld [tilespmem:s17+$0x0];
	v58 =	vmul.f32 v57, v53  }
0x580: {  	s11 =	sor.u32 s30, s11;
	s30 =	smov.u32 s0;
	s17 =	sadd.s32 $0x11680, s2;
	v55 =	vld [tilespmem:s16+$0x0];
	v59 =	vadd.f32 v61, v59;
	v62 =	vmul.f32 v56, v51  }
0x581: {  	s0 =	smov.u32 s14;
	s16 =	sor.u32 s14, s17;
	s17 =	sor.u32 s6, s17;
	v57 =	vld [tilespmem:s20+$0x0];
	v61 =	vmul.f32 v4, v52;
	[tilespmem:s11+$0x280] =	vst v5  }
0x582: {  	s12 =	sadd.s32 $0x100, s12;
	s13 =	sadd.s32 $0x20, s13;
	s11 =	sadd.s32 $0x19600, s19;
	v56 =	vld [tilespmem:s17+$0x0];
	v60 =	vmul.f32 v6, v51;
	v59 =	vadd.f32 v62, v59  }
0x583: {  	v4 =	vld [tilespmem:s25+$0x0];
	_ =	sdelay $0x1  }
0x584: {  	v5 =	vadd.f32 v61, v58;
	v6 =	vld [tilespmem:s16+$0x0];
	s10 =	sor.u32 $0x16, s26  }
0x585: {  	s12 =	sor.u32 $0x116, s26;
	v54 =	vmul.f32 v54, v53;
	v61 =	vmov s10;
	v55 =	vmul.f32 v55, v52  }
0x586: {  	v63 =	vmov s12;
	v5 =	vadd.f32 v60, v5;
	v62 =	vand.u32 $0xFFFFFFF6, v61  }
0x587: {  	v60 =	vmul.f32 v57, v53;
	v54 =	vadd.f32 v55, v54;
	v4 =	vmul.f32 v4, v52  }
0x588: {  	v56 =	vmul.f32 v56, v51;
	v55 =	vand.u32 $0xFFFFFFF6, v63;
	v52 =	vbroadcast v62, $0x0  }
0x589: {  	s13 =	sor.u32 s31, s11;
	s12 =	sor.u32 $0x216, s26;
	v6 =	vmul.f32 v6, v51;
	v58 =	vbroadcast v55, $0x0;
	v4 =	vadd.f32 v4, v60  }
0x58a: {  	s14 =	sor.u32 s30, s11;
	s2 =	sadd.s32 $0x19600, s2;
	[tilespmem:s13+$0x280] =	vst v59;
	v61 =	vmov s12;
	v60 =	vadd.f32 v56, v54  }
0x58b: {  	s6 =	sor.u32 s6, s2;
	[tilespmem:s14+$0x280] =	vst v5;
	v5 =	vand.u32 $0xFFFFFFF6, v61;
	v4 =	vadd.f32 v6, v4  }
0x58c: {  	s0 =	sor.u32 s0, s2;
	s2 =	simm.s32 $0x0;
	v5 =	vbroadcast v5, $0x0;
	[tilespmem:s6+$0x280] =	vst v60  }
0x58d: {  	s16 =	sand.u32 $0x60, s2;
	s17 =	sand.u32 $0x1C00, s2;
	[tilespmem:s0+$0x280] =	vst v4  }
0x58e: {  	s19 =	sadd.s32 $0x11700, s17;
	s20 =	sor.u32 $0x10, s16;
	v52 =	vld.idx.msk [tilespmem:v52+s15+$0x0], $0xffff  }
0x58f: {  	s25 =	sadd.s32 $0x11780, s17;
	s13 =	sor.u32 s20, s19;
	v51 =	vld.idx.msk [tilespmem:v58+s15+$0x0], $0xffff  }
0x590: {  	s30 =	sor.u32 s20, s25;
	v4 =	vld [tilespmem:s13+$0x0]  }
0x591: {  	s14 =	sadd.s32 $0x11800, s17;
	v6 =	vld [tilespmem:s30+$0x0]  }
0x592: {  	s0 =	sor.u32 s20, s14;
	v53 =	vld.idx.msk [tilespmem:v5+s15+$0x0], $0xffff  }
0x593: {  	s10 =	sor.u32 s16, s19;
	v5 =	vld [tilespmem:s0+$0x0]  }
0x594: {  	s12 =	simm.s32 $0x20;
	s31 =	sor.u32 s16, s25;
	v62 =	vld [tilespmem:s10+$0x0];
	s0 =	simm.s32 $0x100  }
0x595: {  	v63 =	vld [tilespmem:s31+$0x0];
	s10 =	sand.u32 $0x60, s12;
	s13 =	sand.u32 $0x1C00, s0  }
0x596: {  	s6 =	sor.u32 s16, s14;
	s30 =	sor.u32 $0x10, s10;
	s25 =	sadd.s32 $0x11700, s13;
	v4 =	vmul.f32 v4, v52;
	v6 =	vmul.f32 v6, v51  }
0x597: {  	s31 =	sand.u32 $0x3, s2;
	v58 =	vld [tilespmem:s6+$0x0];
	s17 =	sadd.s32 $0x11780, s13;
	s19 =	sor.u32 s30, s25  }
0x598: {  	s2 =	simm.s32 $0x2;
	s14 =	sshll.u32 s31, $0x5;
	s20 =	sor.u32 s30, s17;
	v54 =	vld [tilespmem:s19+$0x0];
	v5 =	vmul.f32 v5, v53;
	v4 =	vadd.f32 v6, v4  }
0x599: {  	s11 =	sadd.s32 $0x11800, s13;
	s14 =	sadd.s32 $0x0, s14;
	s12 =	sor.u32 s10, s25;
	v55 =	vld [tilespmem:s20+$0x0]  }
0x59a: {  	s6 =	sor.u32 s10, s17;
	s25 =	sor.u32 s30, s11;
	s30 =	sadd.s32 $0x10, s14;
	v56 =	vld [tilespmem:s12+$0x0];
	v60 =	vmul.f32 v63, v51;
	v6 =	vmul.f32 v62, v52;
	v4 =	vadd.f32 v5, v4  }
0x59b: {  	s13 =	sor.u32 s10, s11;
	s10 =	sor.u32 $0x300, s14;
	v57 =	vld [tilespmem:s25+$0x0];
	s31 =	sor.u32 $0x300, s30  }
0x59c: {  	s11 =	simm.s32 $0x200;
	s12 =	simm.s32 $0x40;
	v59 =	vmul.f32 v58, v53;
	v58 =	vld [tilespmem:s6+$0x0];
	s6 =	simm.s32 $0x1;
	v60 =	vadd.f32 v60, v6;
	[tilespmem:s31+$0x19600] =	vst v4  }
.LBB2_51:
0x59d: {  	s14 =	sand.u32 $0x60, s12  }
0x59e: {  	s16 =	sand.u32 $0x1C00, s11;
	s17 =	sand.u32 $0x3, s6;
	v4 =	vld [tilespmem:s13+$0x0];
	v5 =	vadd.f32 v59, v60;
	s2 =	sadd.s32 $0x2, s2  }
0x59f: {  	v6 =	vmul.f32 v54, v52;
	s13 =	sadd.s32 $0x11700, s16;
	s19 =	sor.u32 $0x10, s14;
	v55 =	vmul.f32 v55, v51;
	s20 =	sadd.s32 $0x11780, s16  }
0x5a0: {  	p1 =	slt.u32 s2, $0x3E;
	s17 =	sshll.u32 s17, $0x5;
	s25 =	sor.u32 s19, s13;
	v60 =	vmul.f32 v56, v52;
	[tilespmem:s10+$0x19600] =	vst v5  }
.Ltmp25:
0x5a1: {  	s10 =	sor.u32 s14, s13;
	s13 =	sor.u32 s19, s20;
	v54 =	vld [tilespmem:s25+$0x0];
	v5 =	vadd.f32 v55, v6;
	v6 =	vmul.f32 v57, v53;
	(pc) =	sbr.rel @p1 .LBB2_51-.Ltmp25, $4  }
0x5a2: {  	s16 =	sadd.s32 $0x11800, s16;
	s20 =	sor.u32 s14, s20;
	s0 =	sadd.s32 s17, s0;
	v55 =	vld [tilespmem:s13+$0x0];
	v58 =	vmul.f32 v58, v51  }
0x5a3: {  	s13 =	sor.u32 s14, s16;
	s14 =	sadd.s32 $0x10, s0;
	v56 =	vld [tilespmem:s10+$0x0];
	s10 =	sor.u32 s19, s16;
	v59 =	vmul.f32 v4, v53;
	v4 =	vadd.f32 v6, v5  }
0x5a4: {  	s14 =	sor.u32 $0x300, s14;
	v57 =	vld [tilespmem:s10+$0x0];
	v60 =	vadd.f32 v58, v60;
	s10 =	sor.u32 $0x300, s0;
	s0 =	smov.u32 s11  }
0x5a5: {  	s12 =	sadd.s32 $0x20, s12;
	s6 =	sadd.s32 $0x1, s6;
	s11 =	sadd.s32 $0x100, s11;
	v58 =	vld [tilespmem:s20+$0x0];
	[tilespmem:s14+$0x19600] =	vst v4  }
0x5a6: {  	v4 =	vld [tilespmem:s13+$0x0]  }
0x5a7: {  	v5 =	vmul.f32 v54, v52;
	v54 =	vadd.f32 v59, v60;
	s2 =	sor.u32 $0x17, s26;
	s12 =	sor.u32 $0x117, s26  }
0x5a8: {  	s13 =	sor.u32 $0x217, s26;
	v6 =	vmul.f32 v55, v51;
	v60 =	vmov s2;
	v62 =	vmov s12  }
0x5a9: {  	v63 =	vmov s13;
	v52 =	vmul.f32 v56, v52;
	v61 =	vand.u32 $0xFFFFFFF7, v60  }
0x5aa: {  	s6 =	sand.u32 $0x3, s6;
	v5 =	vadd.f32 v6, v5;
	v6 =	vmul.f32 v57, v53;
	v51 =	vmul.f32 v58, v51  }
0x5ab: {  	s6 =	sshll.u32 s6, $0x5;
	v55 =	vand.u32 $0xFFFFFFF7, v62;
	v4 =	vmul.f32 v4, v53;
	v53 =	vbroadcast v61, $0x0  }
0x5ac: {  	s0 =	sadd.s32 s6, s0;
	v60 =	vand.u32 $0xFFFFFFF7, v63;
	v55 =	vbroadcast v55, $0x0;
	v51 =	vadd.f32 v51, v52  }
0x5ad: {  	s14 =	sadd.s32 $0x10, s0;
	v5 =	vadd.f32 v6, v5;
	v6 =	vbroadcast v60, $0x0  }
0x5ae: {  	[tilespmem:s10+$0x19600] =	vst v54;
	s2 =	sor.u32 $0x300, s14;
	v4 =	vadd.f32 v4, v51  }
0x5af: {  	s0 =	sor.u32 $0x300, s0;
	[tilespmem:s2+$0x19600] =	vst v5  }
0x5b0: {  	s2 =	simm.s32 $0x0;
	[tilespmem:s0+$0x19600] =	vst v4  }
0x5b1: {  	s16 =	sand.u32 $0x60, s2;
	s17 =	sand.u32 $0x1C00, s2;
	v52 =	vld.idx.msk [tilespmem:v53+s15+$0x0], $0xffff  }
0x5b2: {  	s19 =	sadd.s32 $0x11880, s17;
	s11 =	sor.u32 $0x10, s16;
	v53 =	vld.idx.msk [tilespmem:v55+s15+$0x0], $0xffff  }
0x5b3: {  	s12 =	sadd.s32 $0x11900, s17;
	s20 =	sor.u32 s11, s19;
	v51 =	vld.idx.msk [tilespmem:v6+s15+$0x0], $0xffff  }
0x5b4: {  	s25 =	sor.u32 s11, s12;
	v4 =	vld [tilespmem:s20+$0x0]  }
0x5b5: {  	s6 =	sadd.s32 $0x11980, s17;
	s10 =	sor.u32 s16, s19;
	v5 =	vld [tilespmem:s25+$0x0]  }
0x5b6: {  	s26 =	sor.u32 s11, s6;
	v6 =	vld [tilespmem:s10+$0x0]  }
0x5b7: {  	s30 =	sor.u32 s16, s12;
	v61 =	vld [tilespmem:s26+$0x0]  }
0x5b8: {  	s11 =	simm.s32 $0x100;
	s12 =	simm.s32 $0x20;
	v62 =	vld [tilespmem:s30+$0x0]  }
0x5b9: {  	s0 =	sor.u32 s16, s6;
	s13 =	sand.u32 $0x60, s12;
	s31 =	sand.u32 $0x1C00, s11  }
0x5ba: {  	v63 =	vld [tilespmem:s0+$0x0];
	s14 =	sadd.s32 $0x11880, s31;
	s16 =	sor.u32 $0x10, s13  }
0x5bb: {  	s6 =	simm.s32 $0x2;
	s17 =	sadd.s32 $0x11900, s31;
	s19 =	sor.u32 s16, s14;
	v4 =	vmul.f32 v4, v52;
	v5 =	vmul.f32 v5, v53  }
0x5bc: {  	s20 =	sor.u32 s2, s2;
	s2 =	sand.u32 $0x3, s2;
	s25 =	sor.u32 s16, s17;
	v54 =	vld [tilespmem:s19+$0x0];
	v6 =	vmul.f32 v6, v52  }
0x5bd: {  	s10 =	sor.u32 $0x380, s20;
	s20 =	sadd.s32 $0x11980, s31;
	s14 =	sor.u32 s13, s14;
	v55 =	vld [tilespmem:s25+$0x0];
	v58 =	vmul.f32 v62, v53;
	v4 =	vadd.f32 v5, v4;
	v5 =	vmul.f32 v61, v51  }
0x5be: {  	s0 =	simm.s32 $0x10;
	s2 =	sshll.u32 s2, $0x5;
	s26 =	sor.u32 s16, s20;
	v56 =	vld [tilespmem:s14+$0x0]  }
0x5bf: {  	s11 =	sor.u32 s12, s11;
	s2 =	sadd.s32 $0x10, s2;
	s30 =	sor.u32 s13, s17;
	v57 =	vld [tilespmem:s26+$0x0];
	v60 =	vmul.f32 v63, v51;
	v4 =	vadd.f32 v5, v4;
	v5 =	vadd.f32 v58, v6  }
0x5c0: {  	s12 =	simm.s32 $0x200;
	s13 =	sor.u32 s13, s20;
	s31 =	sor.u32 $0x380, s2;
	v59 =	vld [tilespmem:s30+$0x0]  }
0x5c1: {  	s2 =	sor.u32 $0x380, s11;
	s26 =	simm.s32 $0x40;
	s11 =	simm.s32 $0x1;
	v58 =	vld [tilespmem:s13+$0x0];
	[tilespmem:s31+$0x19600] =	vst v4;
	v60 =	vadd.f32 v60, v5  }
.LBB2_53:
0x5c2: {  	s13 =	sand.u32 $0x60, s26  }
0x5c3: {  	s14 =	sand.u32 $0x1C00, s12;
	s16 =	sand.u32 $0x3, s11;
	v4 =	vmul.f32 v54, v52;
	v5 =	vmul.f32 v55, v53;
	[tilespmem:s10+$0x19600] =	vst v60;
	s6 =	sadd.s32 $0x2, s6  }
0x5c4: {  	s0 =	sadd.s32 $0x100, s0;
	s10 =	sadd.s32 $0x11880, s14;
	s17 =	sor.u32 $0x10, s13;
	v6 =	vmul.f32 v56, v52  }
0x5c5: {  	s19 =	sadd.s32 $0x11900, s14;
	p1 =	slt.u32 s6, $0x3E;
	s20 =	sor.u32 s17, s10;
	v4 =	vadd.f32 v5, v4;
	v5 =	vmul.f32 v57, v51  }
0x5c6: {  	s16 =	sshll.u32 s16, $0x5;
	s14 =	sadd.s32 $0x11980, s14;
	v54 =	vld [tilespmem:s20+$0x0];
	s20 =	sor.u32 s17, s19;
	v57 =	vmul.f32 v59, v53  }
.Ltmp26:
0x5c7: {  	s10 =	sor.u32 s13, s10;
	s16 =	sadd.s32 s16, s0;
	v55 =	vld [tilespmem:s20+$0x0];
	v58 =	vmul.f32 v58, v51;
	v4 =	vadd.f32 v5, v4;
	(pc) =	sbr.rel @p1 .LBB2_53-.Ltmp26, $4  }
0x5c8: {  	s19 =	sor.u32 s13, s19;
	s16 =	sor.u32 $0x380, s16;
	v56 =	vld [tilespmem:s10+$0x0];
	s10 =	sor.u32 s17, s14;
	v5 =	vadd.f32 v57, v6  }
0x5c9: {  	s13 =	sor.u32 s13, s14;
	s14 =	sor.u32 s26, s12;
	v57 =	vld [tilespmem:s10+$0x0];
	[tilespmem:s16+$0x19600] =	vst v4;
	s10 =	smov.u32 s2  }
0x5ca: {  	s2 =	sor.u32 $0x380, s14;
	v59 =	vld [tilespmem:s19+$0x0];
	v60 =	vadd.f32 v58, v5  }
0x5cb: {  	s11 =	sadd.s32 $0x1, s11;
	s12 =	sadd.s32 $0x100, s12;
	s26 =	sadd.s32 $0x20, s26;
	v58 =	vld [tilespmem:s13+$0x0]  }
0x5cc: {  	_ =	sdelay $0x1  }
0x5cd: {  	v4 =	vmul.f32 v54, v52;
	v5 =	vmul.f32 v55, v53  }
0x5ce: {  	v6 =	vmul.f32 v56, v52;
	v59 =	vmul.f32 v59, v53  }
0x5cf: {  	s6 =	sand.u32 $0x3, s11;
	v4 =	vadd.f32 v5, v4;
	v5 =	vmul.f32 v57, v51  }
0x5d0: {  	s0 =	sadd.s32 $0x100, s0;
	s6 =	sshll.u32 s6, $0x5;
	v61 =	vmul.f32 v58, v51;
	v6 =	vadd.f32 v59, v6  }
0x5d1: {  	s0 =	sadd.s32 s6, s0;
	v4 =	vadd.f32 v5, v4  }
0x5d2: {  	[tilespmem:s10+$0x19600] =	vst v60;
	s30 =	sadd.s32 s5, s29;
	s0 =	sor.u32 $0x380, s0;
	v5 =	vadd.f32 v61, v6  }
0x5d3: {  	s31 =	sshll.u32 s30, $0x7;
	[tilespmem:s0+$0x19600] =	vst v4  }
0x5d4: {  	s6 =	simm.s32 $0x19600;
	s0 =	sadd.s32 s3, s31;
	[tilespmem:s2+$0x19600] =	vst v5  }
0x5d5: {  	[hbm4b:s0+s4] =	stream.linear.scatter [tilespmem:s6], [sflag:$0x5], $0x2000, $0x38;
	[tilespmem:$0x1D600] =	vst v63  }
0x5d6: {  	v4 =	vld @!p0 [tilespmem:s28+$0x300];
	_ =	sdelay $0x4  }
0x5d7: {  	v5 =	vshll.u32 @!p0 v4, $0x3  }
0x5d8: {  	v6 =	vlaneseq.u32 @!p0;
	v4 =	vand.u32 @!p0 $0x7, v4;
	v5 =	vand.u32 @!p0 $0xFFFFFFC0, v5  }
0x5d9: {  	v51 =	vshrl.u32 @!p0 v6, $0x3;
	v4 =	vor.u32 @!p0 v4, v5;
	v5 =	vand.u32 @!p0 $0x7, v6  }
0x5da: {  	v51 =	vmul.u32 @!p0 $0x8, v51;
	v52 =	vperm.xlane @!p0 v4, v5;
	_ =	sdelay $0x1  }
0x5db: {  	v52 =	vadd.s32 @!p0 v51, v52;
	_ =	sdelay $0x3  }
0x5dc: {  	s2 =	simm.s32 @!p0 $0xD600;
	s0 =	simm.s32 @!p0 $0x0  }
0x5dd: {  	v6 =	vor.u32 @!p0 $0x8, v6;
	[tilespmem:s2], [sflag:$0x3] =	stream.indirect_vreg.gather @!p0 [hbm4b:s1+s0], $0x80, v52, vm1, $0xb8;
	[tilespmem:$0x1D600] =	vst v63  }
0x5de: {  	v4 =	vperm.xlane @!p0 v4, v6;
	s2 =	simm.s32 @!p0 $0xDE00  }
0x5df: {  	[tilespmem:s2], [sflag:$0x3] =	stream.indirect_vreg.gather @!p0 [hbm4b:s7+s0], $0x80, v52, vm1, $0xb8;
	[tilespmem:$0x1D600] =	vst v63  }
0x5e0: {  	v4 =	vadd.s32 @!p0 v51, v4;
	s2 =	simm.s32 @!p0 $0xE600  }
0x5e1: {  	[tilespmem:s2], [sflag:$0x3] =	stream.indirect_vreg.gather @!p0 [hbm4b:s8+s0], $0x80, v52, vm1, $0xb8;
	[tilespmem:$0x1D600] =	vst v63  }
0x5e2: {  	s2 =	simm.s32 @!p0 $0xEE00  }
0x5e3: {  	[tilespmem:s2], [sflag:$0x3] =	stream.indirect_vreg.gather @!p0 [hbm4b:s9+s0], $0x80, v52, vm1, $0xb8;
	[tilespmem:$0x1D600] =	vst v63  }
0x5e4: {  	s2 =	simm.s32 @!p0 $0xF600  }
0x5e5: {  	[tilespmem:s2], [sflag:$0x3] =	stream.indirect_vreg.gather @!p0 [hbm4b:s1+s0], $0x80, v4, vm1, $0xb8;
	[tilespmem:$0x1D600] =	vst v63  }
0x5e6: {  	s2 =	simm.s32 @!p0 $0xFE00  }
0x5e7: {  	[tilespmem:s2], [sflag:$0x3] =	stream.indirect_vreg.gather @!p0 [hbm4b:s7+s0], $0x80, v4, vm1, $0xb8;
	[tilespmem:$0x1D600] =	vst v63  }
0x5e8: {  	s2 =	simm.s32 @!p0 $0x10600  }
0x5e9: {  	[tilespmem:s2], [sflag:$0x3] =	stream.indirect_vreg.gather @!p0 [hbm4b:s8+s0], $0x80, v4, vm1, $0xb8;
	[tilespmem:$0x1D600] =	vst v63  }
0x5ea: {  	s2 =	simm.s32 @!p0 $0x10E00  }
0x5eb: {  	[tilespmem:s2], [sflag:$0x3] =	stream.indirect_vreg.gather @!p0 [hbm4b:s9+s0], $0x80, v4, vm1, $0xb8;
	[tilespmem:$0x1D600] =	vst v63  }
0x5ec: {  	v4 =	vld.msk @!p0 [tilespmem:s28+$0x310], $0xff;
	_ =	sdelay $0x4  }
0x5ed: {  	v6 =	vshll.u32 @!p0 v4, $0x3  }
0x5ee: {  	v4 =	vand.u32 @!p0 $0x7, v4;
	v6 =	vand.u32 @!p0 $0xFFFFFFC0, v6  }
0x5ef: {  	v4 =	vor.u32 @!p0 v4, v6  }
0x5f0: {  	v4 =	vperm.xlane @!p0 v4, v5;
	_ =	sdelay $0x1  }
0x5f1: {  	v4 =	vadd.s32 @!p0 v51, v4;
	_ =	sdelay $0x3  }
0x5f2: {  	s2 =	simm.s32 @!p0 $0x11600  }
0x5f3: {  	[tilespmem:s2], [sflag:$0x3] =	stream.indirect_vreg.gather @!p0 [hbm4b:s1+s0], $0x80, v4, vm1, $0xb8;
	[tilespmem:$0x1D600] =	vst v63  }
0x5f4: {  	s2 =	simm.s32 @!p0 $0x11E00  }
0x5f5: {  	[tilespmem:s2], [sflag:$0x3] =	stream.indirect_vreg.gather @!p0 [hbm4b:s7+s0], $0x80, v4, vm1, $0xb8;
	[tilespmem:$0x1D600] =	vst v63  }
0x5f6: {  	s24 =	sshll.u32 s24, $0x3;
	s2 =	simm.s32 @!p0 $0x12600  }
0x5f7: {  	[tilespmem:s2], [sflag:$0x3] =	stream.indirect_vreg.gather @!p0 [hbm4b:s8+s0], $0x80, v4, vm1, $0xb8;
	[tilespmem:$0x1D600] =	vst v63  }
0x5f8: {  	s10 =	sor.u32 $0x100, s24;
	s2 =	simm.s32 @!p0 $0x12E00  }
0x5f9: {  	[tilespmem:s2], [sflag:$0x3] =	stream.indirect_vreg.gather @!p0 [hbm4b:s9+s0], $0x80, v4, vm1, $0xb8;
	v4 =	vmov s24;
	[tilespmem:$0x1D600] =	vst v63  }
0x5fa: {  	s11 =	sor.u32 $0x200, s24;
	v5 =	vmov s10;
	_ =	swait.ge [sflag:s22], $0x6000;
	v4 =	vbroadcast v4, $0x0  }
0x5fb: {  	v6 =	vmov s11;
	v5 =	vbroadcast v5, $0x0;
	[sflag:s22] =	ssyncset.done $0x0  }
0x5fc: {  	v6 =	vbroadcast v6, $0x0;
	[sflag:s22] =	ssyncadd.s32 $0xFFFFA000  }
0x5fd: {  	_ =	swait.ge [sflag:s18], $0x2000  }
0x5fe: {  	[sflag:s18] =	ssyncset.done $0x0  }
0x5ff: {  	s12 =	simm.s32 $0x0;
	[sflag:s18] =	ssyncadd.s32 $0xFFFFE000  }
0x600: {  	s26 =	sand.u32 $0x60, s12;
	s11 =	sand.u32 $0x1C00, s12;
	v53 =	vld.idx.msk [tilespmem:v4+s15+$0x0], $0xffff  }
0x601: {  	s28 =	sor.u32 $0x10, s26;
	s0 =	sadd.s32 $0x13600, s11;
	v51 =	vld.idx.msk [tilespmem:v5+s15+$0x0], $0xffff  }
0x602: {  	s13 =	sadd.s32 $0x13680, s11;
	s14 =	sor.u32 s28, s0;
	v52 =	vld.idx.msk [tilespmem:v6+s15+$0x0], $0xffff  }
0x603: {  	s16 =	sor.u32 s28, s13;
	v4 =	vld [tilespmem:s14+$0x0]  }
0x604: {  	s17 =	sadd.s32 $0x13700, s11;
	s0 =	sor.u32 s26, s0;
	v5 =	vld [tilespmem:s16+$0x0]  }
0x605: {  	s19 =	sor.u32 s28, s17;
	v6 =	vld [tilespmem:s0+$0x0]  }
0x606: {  	s25 =	simm.s32 $0x100;
	s29 =	simm.s32 $0x20;
	s20 =	sor.u32 s26, s13;
	v62 =	vld [tilespmem:s19+$0x0]  }
0x607: {  	s10 =	sor.u32 s26, s17;
	s2 =	sand.u32 $0x1C00, s25;
	s0 =	sand.u32 $0x60, s29;
	v63 =	vld [tilespmem:s20+$0x0]  }
0x608: {  	s12 =	sadd.s32 $0x13600, s2;
	v58 =	vld [tilespmem:s10+$0x0];
	s6 =	sor.u32 $0x10, s0  }
0x609: {  	s13 =	sadd.s32 $0x13680, s2;
	s30 =	sor.u32 s6, s12;
	v4 =	vmul.f32 v4, v53;
	v5 =	vmul.f32 v5, v51  }
0x60a: {  	s14 =	sor.u32 s6, s13;
	v54 =	vld [tilespmem:s30+$0x0]  }
0x60b: {  	s11 =	sadd.s32 $0x1B600, s11;
	s17 =	sadd.s32 $0x13700, s2;
	s12 =	sor.u32 s0, s12;
	v55 =	vld [tilespmem:s14+$0x0];
	v4 =	vadd.f32 v5, v4;
	v5 =	vmul.f32 v62, v52  }
0x60c: {  	s10 =	simm.s32 $0x2;
	s25 =	sor.u32 s0, s13;
	s31 =	sor.u32 s6, s17;
	v56 =	vld [tilespmem:s12+$0x0];
	v59 =	vmul.f32 v6, v53  }
0x60d: {  	s16 =	sor.u32 s0, s17;
	s13 =	simm.s32 $0x40;
	v57 =	vld [tilespmem:s31+$0x0];
	s12 =	simm.s32 $0x200;
	v61 =	vmul.f32 v63, v51;
	v60 =	vmul.f32 v58, v52;
	v58 =	vadd.f32 v5, v4  }
.LBB2_55:
0x60e: {  	s14 =	sand.u32 $0x60, s13;
	s17 =	sor.u32 s28, s11;
	s19 =	smov.u32 s2  }
0x60f: {  	v4 =	vld [tilespmem:s25+$0x0];
	v5 =	vadd.f32 v61, v59;
	s2 =	sand.u32 $0x1C00, s12;
	s28 =	smov.u32 s6;
	s10 =	sadd.s32 $0x2, s10  }
0x610: {  	s20 =	sadd.s32 $0x13600, s2;
	s6 =	sor.u32 $0x10, s14;
	v6 =	vld [tilespmem:s16+$0x0];
	[tilespmem:s17+$0x0] =	vst v58;
	p0 =	slt.u32 s10, $0x3E  }
.Ltmp27:
0x611: {  	s16 =	sadd.s32 $0x13680, s2;
	v58 =	vmul.f32 v54, v53;
	s17 =	sor.u32 s6, s20;
	v61 =	vmul.f32 v55, v51;
	v5 =	vadd.f32 v60, v5;
	(pc) =	sbr.rel @p0 .LBB2_55-.Ltmp27, $4  }
0x612: {  	s20 =	sor.u32 s14, s20;
	s25 =	sor.u32 s14, s16;
	s16 =	sor.u32 s6, s16;
	v54 =	vld [tilespmem:s17+$0x0];
	v59 =	vmul.f32 v56, v53  }
0x613: {  	s11 =	sor.u32 s26, s11;
	s26 =	smov.u32 s0;
	s17 =	sadd.s32 $0x13700, s2;
	v55 =	vld [tilespmem:s16+$0x0];
	v58 =	vadd.f32 v61, v58;
	v62 =	vmul.f32 v57, v52  }
0x614: {  	s0 =	smov.u32 s14;
	s16 =	sor.u32 s14, s17;
	s17 =	sor.u32 s6, s17;
	v56 =	vld [tilespmem:s20+$0x0];
	v61 =	vmul.f32 v4, v51;
	[tilespmem:s11+$0x0] =	vst v5  }
0x615: {  	s12 =	sadd.s32 $0x100, s12;
	s13 =	sadd.s32 $0x20, s13;
	s11 =	sadd.s32 $0x1B600, s19;
	v57 =	vld [tilespmem:s17+$0x0];
	v60 =	vmul.f32 v6, v52;
	v58 =	vadd.f32 v62, v58  }
0x616: {  	v4 =	vld [tilespmem:s25+$0x0]  }
0x617: {  	v5 =	vld [tilespmem:s16+$0x0]  }
0x618: {  	v6 =	vadd.f32 v61, v59;
	s10 =	sor.u32 $0x1, s24;
	s29 =	sor.u32 $0x101, s24;
	v54 =	vmul.f32 v54, v53;
	v55 =	vmul.f32 v55, v51  }
0x619: {  	v61 =	vmov s10;
	v62 =	vmov s29  }
0x61a: {  	v6 =	vadd.f32 v60, v6;
	v60 =	vmul.f32 v56, v53;
	v54 =	vadd.f32 v55, v54  }
0x61b: {  	v55 =	vmul.f32 v57, v52;
	v4 =	vmul.f32 v4, v51;
	v51 =	vand.u32 $0xFFFFFFF9, v61  }
0x61c: {  	v5 =	vmul.f32 v5, v52;
	v52 =	vand.u32 $0xFFFFFFF9, v62;
	v51 =	vbroadcast v51, $0x0  }
0x61d: {  	s31 =	sor.u32 s28, s11;
	v52 =	vbroadcast v52, $0x0;
	v4 =	vadd.f32 v4, v60  }
0x61e: {  	s11 =	sor.u32 s26, s11;
	s2 =	sadd.s32 $0x1B600, s2;
	[tilespmem:s31+$0x0] =	vst v58;
	v54 =	vadd.f32 v55, v54  }
0x61f: {  	s30 =	sor.u32 $0x201, s24;
	s6 =	sor.u32 s6, s2;
	[tilespmem:s11+$0x0] =	vst v6;
	v4 =	vadd.f32 v5, v4  }
0x620: {  	s12 =	simm.s32 $0x0;
	v63 =	vmov s30;
	s0 =	sor.u32 s0, s2;
	[tilespmem:s6+$0x0] =	vst v54  }
0x621: {  	s26 =	sand.u32 $0x60, s12;
	s11 =	sand.u32 $0x1C00, s12;
	v60 =	vand.u32 $0xFFFFFFF9, v63;
	[tilespmem:s0+$0x0] =	vst v4  }
0x622: {  	s28 =	sor.u32 $0x10, s26;
	s13 =	sadd.s32 $0x13800, s11;
	v61 =	vbroadcast v60, $0x0;
	v53 =	vld.idx.msk [tilespmem:v51+s15+$0x0], $0xffff  }
0x623: {  	s17 =	sadd.s32 $0x13880, s11;
	s16 =	sor.u32 s28, s13;
	v51 =	vld.idx.msk [tilespmem:v52+s15+$0x0], $0xffff  }
0x624: {  	s19 =	sor.u32 s28, s17;
	s0 =	sadd.s32 $0x13780, s11;
	v5 =	vld [tilespmem:s16+$0x0]  }
0x625: {  	s14 =	sor.u32 s28, s0;
	v62 =	vld [tilespmem:s19+$0x0]  }
0x626: {  	s20 =	sor.u32 s26, s13;
	v4 =	vld [tilespmem:s14+$0x0]  }
0x627: {  	v63 =	vld [tilespmem:s20+$0x0]  }
0x628: {  	s25 =	simm.s32 $0x100;
	s29 =	simm.s32 $0x20;
	s0 =	sor.u32 s26, s0;
	v52 =	vld.idx.msk [tilespmem:v61+s15+$0x0], $0xffff  }
0x629: {  	s2 =	sand.u32 $0x1C00, s25;
	s10 =	sor.u32 s26, s17;
	v6 =	vld [tilespmem:s0+$0x0];
	s0 =	sand.u32 $0x60, s29  }
0x62a: {  	s12 =	sadd.s32 $0x13780, s2;
	v58 =	vld [tilespmem:s10+$0x0];
	s6 =	sor.u32 $0x10, s0  }
0x62b: {  	s13 =	sadd.s32 $0x13800, s2;
	s30 =	sor.u32 s6, s12;
	v5 =	vmul.f32 v5, v51;
	v4 =	vmul.f32 v4, v53  }
0x62c: {  	s14 =	sor.u32 s6, s13;
	v54 =	vld [tilespmem:s30+$0x0]  }
0x62d: {  	s17 =	sadd.s32 $0x13880, s2;
	s11 =	sadd.s32 $0x1B680, s11;
	s12 =	sor.u32 s0, s12;
	v55 =	vld [tilespmem:s14+$0x0];
	v4 =	vadd.f32 v5, v4;
	v5 =	vmul.f32 v62, v52  }
0x62e: {  	s10 =	simm.s32 $0x2;
	s25 =	sor.u32 s0, s13;
	s31 =	sor.u32 s6, s17;
	v56 =	vld [tilespmem:s12+$0x0];
	v61 =	vmul.f32 v63, v51  }
0x62f: {  	s16 =	sor.u32 s0, s17;
	s13 =	simm.s32 $0x40;
	v57 =	vld [tilespmem:s31+$0x0];
	s12 =	simm.s32 $0x200;
	v59 =	vmul.f32 v6, v53;
	v60 =	vmul.f32 v58, v52;
	v58 =	vadd.f32 v5, v4  }
.LBB2_57:
0x630: {  	s14 =	sand.u32 $0x60, s13;
	s17 =	sor.u32 s28, s11;
	s19 =	smov.u32 s2  }
0x631: {  	v4 =	vld [tilespmem:s25+$0x0];
	v5 =	vadd.f32 v61, v59;
	s2 =	sand.u32 $0x1C00, s12;
	s28 =	smov.u32 s6;
	s10 =	sadd.s32 $0x2, s10  }
0x632: {  	s20 =	sadd.s32 $0x13780, s2;
	s6 =	sor.u32 $0x10, s14;
	v6 =	vld [tilespmem:s16+$0x0];
	[tilespmem:s17+$0x0] =	vst v58;
	p0 =	slt.u32 s10, $0x3E  }
.Ltmp28:
0x633: {  	s16 =	sadd.s32 $0x13800, s2;
	v58 =	vmul.f32 v54, v53;
	s17 =	sor.u32 s6, s20;
	v61 =	vmul.f32 v55, v51;
	v5 =	vadd.f32 v60, v5;
	(pc) =	sbr.rel @p0 .LBB2_57-.Ltmp28, $4  }
0x634: {  	s20 =	sor.u32 s14, s20;
	s25 =	sor.u32 s14, s16;
	s16 =	sor.u32 s6, s16;
	v54 =	vld [tilespmem:s17+$0x0];
	v59 =	vmul.f32 v56, v53  }
0x635: {  	s11 =	sor.u32 s26, s11;
	s26 =	smov.u32 s0;
	s17 =	sadd.s32 $0x13880, s2;
	v55 =	vld [tilespmem:s16+$0x0];
	v58 =	vadd.f32 v61, v58;
	v62 =	vmul.f32 v57, v52  }
0x636: {  	s0 =	smov.u32 s14;
	s16 =	sor.u32 s14, s17;
	s17 =	sor.u32 s6, s17;
	v56 =	vld [tilespmem:s20+$0x0];
	v61 =	vmul.f32 v4, v51;
	[tilespmem:s11+$0x0] =	vst v5  }
0x637: {  	s12 =	sadd.s32 $0x100, s12;
	s13 =	sadd.s32 $0x20, s13;
	s11 =	sadd.s32 $0x1B680, s19;
	v57 =	vld [tilespmem:s17+$0x0];
	v60 =	vmul.f32 v6, v52;
	v58 =	vadd.f32 v62, v58  }
0x638: {  	v4 =	vld [tilespmem:s25+$0x0]  }
0x639: {  	v5 =	vld [tilespmem:s16+$0x0]  }
0x63a: {  	v6 =	vadd.f32 v61, v59;
	s10 =	sor.u32 $0x2, s24;
	s29 =	sor.u32 $0x102, s24;
	v54 =	vmul.f32 v54, v53;
	v55 =	vmul.f32 v55, v51  }
0x63b: {  	v61 =	vmov s10;
	v62 =	vmov s29  }
0x63c: {  	v6 =	vadd.f32 v60, v6;
	v60 =	vmul.f32 v56, v53;
	v54 =	vadd.f32 v55, v54  }
0x63d: {  	v55 =	vmul.f32 v57, v52;
	v4 =	vmul.f32 v4, v51;
	v51 =	vand.u32 $0xFFFFFFFA, v61  }
0x63e: {  	v5 =	vmul.f32 v5, v52;
	v52 =	vand.u32 $0xFFFFFFFA, v62;
	v51 =	vbroadcast v51, $0x0  }
0x63f: {  	s31 =	sor.u32 s28, s11;
	v52 =	vbroadcast v52, $0x0;
	v4 =	vadd.f32 v4, v60  }
0x640: {  	s11 =	sor.u32 s26, s11;
	s2 =	sadd.s32 $0x1B680, s2;
	[tilespmem:s31+$0x0] =	vst v58;
	v54 =	vadd.f32 v55, v54  }
0x641: {  	s30 =	sor.u32 $0x202, s24;
	s6 =	sor.u32 s6, s2;
	[tilespmem:s11+$0x0] =	vst v6;
	v4 =	vadd.f32 v5, v4  }
0x642: {  	s12 =	simm.s32 $0x0;
	v63 =	vmov s30;
	s0 =	sor.u32 s0, s2;
	[tilespmem:s6+$0x0] =	vst v54  }
0x643: {  	s26 =	sand.u32 $0x60, s12;
	s11 =	sand.u32 $0x1C00, s12;
	v60 =	vand.u32 $0xFFFFFFFA, v63;
	[tilespmem:s0+$0x0] =	vst v4  }
0x644: {  	s28 =	sor.u32 $0x10, s26;
	s13 =	sadd.s32 $0x13980, s11;
	v61 =	vbroadcast v60, $0x0;
	v53 =	vld.idx.msk [tilespmem:v51+s15+$0x0], $0xffff  }
0x645: {  	s17 =	sadd.s32 $0x15600, s11;
	s16 =	sor.u32 s28, s13;
	v51 =	vld.idx.msk [tilespmem:v52+s15+$0x0], $0xffff  }
0x646: {  	s19 =	sor.u32 s28, s17;
	s0 =	sadd.s32 $0x13900, s11;
	v5 =	vld [tilespmem:s16+$0x0]  }
0x647: {  	s14 =	sor.u32 s28, s0;
	v62 =	vld [tilespmem:s19+$0x0]  }
0x648: {  	s20 =	sor.u32 s26, s13;
	v4 =	vld [tilespmem:s14+$0x0]  }
0x649: {  	v63 =	vld [tilespmem:s20+$0x0]  }
0x64a: {  	s25 =	simm.s32 $0x100;
	s29 =	simm.s32 $0x20;
	s0 =	sor.u32 s26, s0;
	v52 =	vld.idx.msk [tilespmem:v61+s15+$0x0], $0xffff  }
0x64b: {  	s2 =	sand.u32 $0x1C00, s25;
	s10 =	sor.u32 s26, s17;
	v6 =	vld [tilespmem:s0+$0x0];
	s0 =	sand.u32 $0x60, s29  }
0x64c: {  	s12 =	sadd.s32 $0x13900, s2;
	v58 =	vld [tilespmem:s10+$0x0];
	s6 =	sor.u32 $0x10, s0  }
0x64d: {  	s13 =	sadd.s32 $0x13980, s2;
	s30 =	sor.u32 s6, s12;
	v5 =	vmul.f32 v5, v51;
	v4 =	vmul.f32 v4, v53  }
0x64e: {  	s14 =	sor.u32 s6, s13;
	v54 =	vld [tilespmem:s30+$0x0]  }
0x64f: {  	s17 =	sadd.s32 $0x15600, s2;
	s11 =	sadd.s32 $0x1B700, s11;
	s12 =	sor.u32 s0, s12;
	v55 =	vld [tilespmem:s14+$0x0];
	v4 =	vadd.f32 v5, v4;
	v5 =	vmul.f32 v62, v52  }
0x650: {  	s10 =	simm.s32 $0x2;
	s25 =	sor.u32 s0, s13;
	s31 =	sor.u32 s6, s17;
	v56 =	vld [tilespmem:s12+$0x0];
	v61 =	vmul.f32 v63, v51  }
0x651: {  	s16 =	sor.u32 s0, s17;
	s13 =	simm.s32 $0x40;
	v57 =	vld [tilespmem:s31+$0x0];
	s12 =	simm.s32 $0x200;
	v59 =	vmul.f32 v6, v53;
	v60 =	vmul.f32 v58, v52;
	v58 =	vadd.f32 v5, v4  }
.LBB2_59:
0x652: {  	s14 =	sand.u32 $0x60, s13;
	s17 =	sor.u32 s28, s11;
	s19 =	smov.u32 s2  }
0x653: {  	v4 =	vld [tilespmem:s25+$0x0];
	v5 =	vadd.f32 v61, v59;
	s2 =	sand.u32 $0x1C00, s12;
	s28 =	smov.u32 s6;
	s10 =	sadd.s32 $0x2, s10  }
0x654: {  	s20 =	sadd.s32 $0x13900, s2;
	s6 =	sor.u32 $0x10, s14;
	v6 =	vld [tilespmem:s16+$0x0];
	[tilespmem:s17+$0x0] =	vst v58;
	p0 =	slt.u32 s10, $0x3E  }
.Ltmp29:
0x655: {  	s16 =	sadd.s32 $0x13980, s2;
	v58 =	vmul.f32 v54, v53;
	s17 =	sor.u32 s6, s20;
	v61 =	vmul.f32 v55, v51;
	v5 =	vadd.f32 v60, v5;
	(pc) =	sbr.rel @p0 .LBB2_59-.Ltmp29, $4  }
0x656: {  	s20 =	sor.u32 s14, s20;
	s25 =	sor.u32 s14, s16;
	s16 =	sor.u32 s6, s16;
	v54 =	vld [tilespmem:s17+$0x0];
	v59 =	vmul.f32 v56, v53  }
0x657: {  	s11 =	sor.u32 s26, s11;
	s26 =	smov.u32 s0;
	s17 =	sadd.s32 $0x15600, s2;
	v55 =	vld [tilespmem:s16+$0x0];
	v58 =	vadd.f32 v61, v58;
	v62 =	vmul.f32 v57, v52  }
0x658: {  	s0 =	smov.u32 s14;
	s16 =	sor.u32 s14, s17;
	s17 =	sor.u32 s6, s17;
	v56 =	vld [tilespmem:s20+$0x0];
	v61 =	vmul.f32 v4, v51;
	[tilespmem:s11+$0x0] =	vst v5  }
0x659: {  	s12 =	sadd.s32 $0x100, s12;
	s13 =	sadd.s32 $0x20, s13;
	s11 =	sadd.s32 $0x1B700, s19;
	v57 =	vld [tilespmem:s17+$0x0];
	v60 =	vmul.f32 v6, v52;
	v58 =	vadd.f32 v62, v58  }
0x65a: {  	v4 =	vld [tilespmem:s25+$0x0]  }
0x65b: {  	v5 =	vld [tilespmem:s16+$0x0]  }
0x65c: {  	v6 =	vadd.f32 v61, v59;
	s10 =	sor.u32 $0x3, s24;
	s29 =	sor.u32 $0x103, s24;
	v54 =	vmul.f32 v54, v53;
	v55 =	vmul.f32 v55, v51  }
0x65d: {  	v61 =	vmov s10;
	v62 =	vmov s29  }
0x65e: {  	v6 =	vadd.f32 v60, v6;
	v60 =	vmul.f32 v56, v53;
	v54 =	vadd.f32 v55, v54  }
0x65f: {  	v55 =	vmul.f32 v57, v52;
	v4 =	vmul.f32 v4, v51;
	v51 =	vand.u32 $0xFFFFFFFB, v61  }
0x660: {  	v5 =	vmul.f32 v5, v52;
	v52 =	vand.u32 $0xFFFFFFFB, v62;
	v51 =	vbroadcast v51, $0x0  }
0x661: {  	s31 =	sor.u32 s28, s11;
	v52 =	vbroadcast v52, $0x0;
	v4 =	vadd.f32 v4, v60  }
0x662: {  	s11 =	sor.u32 s26, s11;
	s2 =	sadd.s32 $0x1B700, s2;
	[tilespmem:s31+$0x0] =	vst v58;
	v54 =	vadd.f32 v55, v54  }
0x663: {  	s30 =	sor.u32 $0x203, s24;
	s6 =	sor.u32 s6, s2;
	[tilespmem:s11+$0x0] =	vst v6;
	v4 =	vadd.f32 v5, v4  }
0x664: {  	s12 =	simm.s32 $0x0;
	v63 =	vmov s30;
	s0 =	sor.u32 s0, s2;
	[tilespmem:s6+$0x0] =	vst v54  }
0x665: {  	s26 =	sand.u32 $0x60, s12;
	s11 =	sand.u32 $0x1C00, s12;
	v60 =	vand.u32 $0xFFFFFFFB, v63;
	[tilespmem:s0+$0x0] =	vst v4  }
0x666: {  	s28 =	sor.u32 $0x10, s26;
	s13 =	sadd.s32 $0x15700, s11;
	v61 =	vbroadcast v60, $0x0;
	v53 =	vld.idx.msk [tilespmem:v51+s15+$0x0], $0xffff  }
0x667: {  	s17 =	sadd.s32 $0x15780, s11;
	s16 =	sor.u32 s28, s13;
	v51 =	vld.idx.msk [tilespmem:v52+s15+$0x0], $0xffff  }
0x668: {  	s19 =	sor.u32 s28, s17;
	s0 =	sadd.s32 $0x15680, s11;
	v5 =	vld [tilespmem:s16+$0x0]  }
0x669: {  	s14 =	sor.u32 s28, s0;
	v62 =	vld [tilespmem:s19+$0x0]  }
0x66a: {  	s20 =	sor.u32 s26, s13;
	v4 =	vld [tilespmem:s14+$0x0]  }
0x66b: {  	v63 =	vld [tilespmem:s20+$0x0]  }
0x66c: {  	s25 =	simm.s32 $0x100;
	s29 =	simm.s32 $0x20;
	s0 =	sor.u32 s26, s0;
	v52 =	vld.idx.msk [tilespmem:v61+s15+$0x0], $0xffff  }
0x66d: {  	s2 =	sand.u32 $0x1C00, s25;
	s10 =	sor.u32 s26, s17;
	v6 =	vld [tilespmem:s0+$0x0];
	s0 =	sand.u32 $0x60, s29  }
0x66e: {  	s12 =	sadd.s32 $0x15680, s2;
	v58 =	vld [tilespmem:s10+$0x0];
	s6 =	sor.u32 $0x10, s0  }
0x66f: {  	s13 =	sadd.s32 $0x15700, s2;
	s30 =	sor.u32 s6, s12;
	v5 =	vmul.f32 v5, v51;
	v4 =	vmul.f32 v4, v53  }
0x670: {  	s14 =	sor.u32 s6, s13;
	v54 =	vld [tilespmem:s30+$0x0]  }
0x671: {  	s17 =	sadd.s32 $0x15780, s2;
	s11 =	sadd.s32 $0x1B780, s11;
	s12 =	sor.u32 s0, s12;
	v55 =	vld [tilespmem:s14+$0x0];
	v4 =	vadd.f32 v5, v4;
	v5 =	vmul.f32 v62, v52  }
0x672: {  	s10 =	simm.s32 $0x2;
	s25 =	sor.u32 s0, s13;
	s31 =	sor.u32 s6, s17;
	v56 =	vld [tilespmem:s12+$0x0];
	v61 =	vmul.f32 v63, v51  }
0x673: {  	s16 =	sor.u32 s0, s17;
	s13 =	simm.s32 $0x40;
	v57 =	vld [tilespmem:s31+$0x0];
	s12 =	simm.s32 $0x200;
	v59 =	vmul.f32 v6, v53;
	v60 =	vmul.f32 v58, v52;
	v58 =	vadd.f32 v5, v4  }
.LBB2_61:
0x674: {  	s14 =	sand.u32 $0x60, s13;
	s17 =	sor.u32 s28, s11;
	s19 =	smov.u32 s2  }
0x675: {  	v4 =	vld [tilespmem:s25+$0x0];
	v5 =	vadd.f32 v61, v59;
	s2 =	sand.u32 $0x1C00, s12;
	s28 =	smov.u32 s6;
	s10 =	sadd.s32 $0x2, s10  }
0x676: {  	s20 =	sadd.s32 $0x15680, s2;
	s6 =	sor.u32 $0x10, s14;
	v6 =	vld [tilespmem:s16+$0x0];
	[tilespmem:s17+$0x0] =	vst v58;
	p0 =	slt.u32 s10, $0x3E  }
.Ltmp30:
0x677: {  	s16 =	sadd.s32 $0x15700, s2;
	v58 =	vmul.f32 v54, v53;
	s17 =	sor.u32 s6, s20;
	v61 =	vmul.f32 v55, v51;
	v5 =	vadd.f32 v60, v5;
	(pc) =	sbr.rel @p0 .LBB2_61-.Ltmp30, $4  }
0x678: {  	s20 =	sor.u32 s14, s20;
	s25 =	sor.u32 s14, s16;
	s16 =	sor.u32 s6, s16;
	v54 =	vld [tilespmem:s17+$0x0];
	v59 =	vmul.f32 v56, v53  }
0x679: {  	s11 =	sor.u32 s26, s11;
	s26 =	smov.u32 s0;
	s17 =	sadd.s32 $0x15780, s2;
	v55 =	vld [tilespmem:s16+$0x0];
	v58 =	vadd.f32 v61, v58;
	v62 =	vmul.f32 v57, v52  }
0x67a: {  	s0 =	smov.u32 s14;
	s16 =	sor.u32 s14, s17;
	s17 =	sor.u32 s6, s17;
	v56 =	vld [tilespmem:s20+$0x0];
	v61 =	vmul.f32 v4, v51;
	[tilespmem:s11+$0x0] =	vst v5  }
0x67b: {  	s12 =	sadd.s32 $0x100, s12;
	s13 =	sadd.s32 $0x20, s13;
	s11 =	sadd.s32 $0x1B780, s19;
	v57 =	vld [tilespmem:s17+$0x0];
	v60 =	vmul.f32 v6, v52;
	v58 =	vadd.f32 v62, v58  }
0x67c: {  	v4 =	vld [tilespmem:s25+$0x0]  }
0x67d: {  	v5 =	vld [tilespmem:s16+$0x0]  }
0x67e: {  	v6 =	vadd.f32 v61, v59;
	s10 =	sor.u32 $0x4, s24;
	s29 =	sor.u32 $0x104, s24;
	v54 =	vmul.f32 v54, v53;
	v55 =	vmul.f32 v55, v51  }
0x67f: {  	v61 =	vmov s10;
	v62 =	vmov s29  }
0x680: {  	v6 =	vadd.f32 v60, v6;
	v60 =	vmul.f32 v56, v53;
	v54 =	vadd.f32 v55, v54  }
0x681: {  	v55 =	vmul.f32 v57, v52;
	v4 =	vmul.f32 v4, v51;
	v51 =	vand.u32 $0xFFFFFFFC, v61  }
0x682: {  	v5 =	vmul.f32 v5, v52;
	v52 =	vand.u32 $0xFFFFFFFC, v62;
	v51 =	vbroadcast v51, $0x0  }
0x683: {  	s31 =	sor.u32 s28, s11;
	v52 =	vbroadcast v52, $0x0;
	v4 =	vadd.f32 v4, v60  }
0x684: {  	s11 =	sor.u32 s26, s11;
	s2 =	sadd.s32 $0x1B780, s2;
	[tilespmem:s31+$0x0] =	vst v58;
	v54 =	vadd.f32 v55, v54  }
0x685: {  	s30 =	sor.u32 $0x204, s24;
	s6 =	sor.u32 s6, s2;
	[tilespmem:s11+$0x0] =	vst v6;
	v4 =	vadd.f32 v5, v4  }
0x686: {  	s12 =	simm.s32 $0x0;
	v63 =	vmov s30;
	s0 =	sor.u32 s0, s2;
	[tilespmem:s6+$0x0] =	vst v54  }
0x687: {  	s26 =	sand.u32 $0x60, s12;
	s11 =	sand.u32 $0x1C00, s12;
	v60 =	vand.u32 $0xFFFFFFFC, v63;
	[tilespmem:s0+$0x0] =	vst v4  }
0x688: {  	s28 =	sor.u32 $0x10, s26;
	s13 =	sadd.s32 $0x15880, s11;
	v61 =	vbroadcast v60, $0x0;
	v53 =	vld.idx.msk [tilespmem:v51+s15+$0x0], $0xffff  }
0x689: {  	s17 =	sadd.s32 $0x15900, s11;
	s16 =	sor.u32 s28, s13;
	v51 =	vld.idx.msk [tilespmem:v52+s15+$0x0], $0xffff  }
0x68a: {  	s19 =	sor.u32 s28, s17;
	s0 =	sadd.s32 $0x15800, s11;
	v5 =	vld [tilespmem:s16+$0x0]  }
0x68b: {  	s14 =	sor.u32 s28, s0;
	v62 =	vld [tilespmem:s19+$0x0]  }
0x68c: {  	s20 =	sor.u32 s26, s13;
	v4 =	vld [tilespmem:s14+$0x0]  }
0x68d: {  	v63 =	vld [tilespmem:s20+$0x0]  }
0x68e: {  	s25 =	simm.s32 $0x100;
	s29 =	simm.s32 $0x20;
	s0 =	sor.u32 s26, s0;
	v52 =	vld.idx.msk [tilespmem:v61+s15+$0x0], $0xffff  }
0x68f: {  	s2 =	sand.u32 $0x1C00, s25;
	s10 =	sor.u32 s26, s17;
	v6 =	vld [tilespmem:s0+$0x0];
	s0 =	sand.u32 $0x60, s29  }
0x690: {  	s12 =	sadd.s32 $0x15800, s2;
	v58 =	vld [tilespmem:s10+$0x0];
	s6 =	sor.u32 $0x10, s0  }
0x691: {  	s13 =	sadd.s32 $0x15880, s2;
	s30 =	sor.u32 s6, s12;
	v5 =	vmul.f32 v5, v51;
	v4 =	vmul.f32 v4, v53  }
0x692: {  	s14 =	sor.u32 s6, s13;
	v54 =	vld [tilespmem:s30+$0x0]  }
0x693: {  	s17 =	sadd.s32 $0x15900, s2;
	s11 =	sadd.s32 $0x1B800, s11;
	s12 =	sor.u32 s0, s12;
	v55 =	vld [tilespmem:s14+$0x0];
	v4 =	vadd.f32 v5, v4;
	v5 =	vmul.f32 v62, v52  }
0x694: {  	s10 =	simm.s32 $0x2;
	s25 =	sor.u32 s0, s13;
	s31 =	sor.u32 s6, s17;
	v56 =	vld [tilespmem:s12+$0x0];
	v61 =	vmul.f32 v63, v51  }
0x695: {  	s16 =	sor.u32 s0, s17;
	s13 =	simm.s32 $0x40;
	v57 =	vld [tilespmem:s31+$0x0];
	s12 =	simm.s32 $0x200;
	v59 =	vmul.f32 v6, v53;
	v60 =	vmul.f32 v58, v52;
	v58 =	vadd.f32 v5, v4  }
.LBB2_63:
0x696: {  	s14 =	sand.u32 $0x60, s13;
	s17 =	sor.u32 s28, s11;
	s19 =	smov.u32 s2  }
0x697: {  	v4 =	vld [tilespmem:s25+$0x0];
	v5 =	vadd.f32 v61, v59;
	s2 =	sand.u32 $0x1C00, s12;
	s28 =	smov.u32 s6;
	s10 =	sadd.s32 $0x2, s10  }
0x698: {  	s20 =	sadd.s32 $0x15800, s2;
	s6 =	sor.u32 $0x10, s14;
	v6 =	vld [tilespmem:s16+$0x0];
	[tilespmem:s17+$0x0] =	vst v58;
	p0 =	slt.u32 s10, $0x3E  }
.Ltmp31:
0x699: {  	s16 =	sadd.s32 $0x15880, s2;
	v58 =	vmul.f32 v54, v53;
	s17 =	sor.u32 s6, s20;
	v61 =	vmul.f32 v55, v51;
	v5 =	vadd.f32 v60, v5;
	(pc) =	sbr.rel @p0 .LBB2_63-.Ltmp31, $4  }
0x69a: {  	s20 =	sor.u32 s14, s20;
	s25 =	sor.u32 s14, s16;
	s16 =	sor.u32 s6, s16;
	v54 =	vld [tilespmem:s17+$0x0];
	v59 =	vmul.f32 v56, v53  }
0x69b: {  	s11 =	sor.u32 s26, s11;
	s26 =	smov.u32 s0;
	s17 =	sadd.s32 $0x15900, s2;
	v55 =	vld [tilespmem:s16+$0x0];
	v58 =	vadd.f32 v61, v58;
	v62 =	vmul.f32 v57, v52  }
0x69c: {  	s0 =	smov.u32 s14;
	s16 =	sor.u32 s14, s17;
	s17 =	sor.u32 s6, s17;
	v56 =	vld [tilespmem:s20+$0x0];
	v61 =	vmul.f32 v4, v51;
	[tilespmem:s11+$0x0] =	vst v5  }
0x69d: {  	s12 =	sadd.s32 $0x100, s12;
	s13 =	sadd.s32 $0x20, s13;
	s11 =	sadd.s32 $0x1B800, s19;
	v57 =	vld [tilespmem:s17+$0x0];
	v60 =	vmul.f32 v6, v52;
	v58 =	vadd.f32 v62, v58  }
0x69e: {  	v4 =	vld [tilespmem:s25+$0x0]  }
0x69f: {  	v5 =	vld [tilespmem:s16+$0x0]  }
0x6a0: {  	v6 =	vadd.f32 v61, v59;
	s10 =	sor.u32 $0x5, s24;
	s29 =	sor.u32 $0x105, s24;
	v54 =	vmul.f32 v54, v53;
	v55 =	vmul.f32 v55, v51  }
0x6a1: {  	v61 =	vmov s10;
	v62 =	vmov s29  }
0x6a2: {  	v6 =	vadd.f32 v60, v6;
	v60 =	vmul.f32 v56, v53;
	v54 =	vadd.f32 v55, v54  }
0x6a3: {  	v55 =	vmul.f32 v57, v52;
	v4 =	vmul.f32 v4, v51;
	v51 =	vand.u32 $0xFFFFFFFD, v61  }
0x6a4: {  	v5 =	vmul.f32 v5, v52;
	v52 =	vand.u32 $0xFFFFFFFD, v62;
	v51 =	vbroadcast v51, $0x0  }
0x6a5: {  	s31 =	sor.u32 s28, s11;
	v52 =	vbroadcast v52, $0x0;
	v4 =	vadd.f32 v4, v60  }
0x6a6: {  	s11 =	sor.u32 s26, s11;
	s2 =	sadd.s32 $0x1B800, s2;
	[tilespmem:s31+$0x0] =	vst v58;
	v54 =	vadd.f32 v55, v54  }
0x6a7: {  	s30 =	sor.u32 $0x205, s24;
	s6 =	sor.u32 s6, s2;
	[tilespmem:s11+$0x0] =	vst v6;
	v4 =	vadd.f32 v5, v4  }
0x6a8: {  	s12 =	simm.s32 $0x0;
	v63 =	vmov s30;
	s0 =	sor.u32 s0, s2;
	[tilespmem:s6+$0x0] =	vst v54  }
0x6a9: {  	s26 =	sand.u32 $0x60, s12;
	s11 =	sand.u32 $0x1C00, s12;
	v60 =	vand.u32 $0xFFFFFFFD, v63;
	[tilespmem:s0+$0x0] =	vst v4  }
0x6aa: {  	s28 =	sor.u32 $0x10, s26;
	s13 =	sadd.s32 $0x17600, s11;
	v61 =	vbroadcast v60, $0x0;
	v53 =	vld.idx.msk [tilespmem:v51+s15+$0x0], $0xffff  }
0x6ab: {  	s17 =	sadd.s32 $0x17680, s11;
	s16 =	sor.u32 s28, s13;
	v51 =	vld.idx.msk [tilespmem:v52+s15+$0x0], $0xffff  }
0x6ac: {  	s19 =	sor.u32 s28, s17;
	s0 =	sadd.s32 $0x15980, s11;
	v5 =	vld [tilespmem:s16+$0x0]  }
0x6ad: {  	s14 =	sor.u32 s28, s0;
	v62 =	vld [tilespmem:s19+$0x0]  }
0x6ae: {  	s20 =	sor.u32 s26, s13;
	v4 =	vld [tilespmem:s14+$0x0]  }
0x6af: {  	v63 =	vld [tilespmem:s20+$0x0]  }
0x6b0: {  	s25 =	simm.s32 $0x100;
	s29 =	simm.s32 $0x20;
	s0 =	sor.u32 s26, s0;
	v52 =	vld.idx.msk [tilespmem:v61+s15+$0x0], $0xffff  }
0x6b1: {  	s2 =	sand.u32 $0x1C00, s25;
	s10 =	sor.u32 s26, s17;
	v6 =	vld [tilespmem:s0+$0x0];
	s0 =	sand.u32 $0x60, s29  }
0x6b2: {  	s12 =	sadd.s32 $0x15980, s2;
	v58 =	vld [tilespmem:s10+$0x0];
	s6 =	sor.u32 $0x10, s0  }
0x6b3: {  	s13 =	sadd.s32 $0x17600, s2;
	s30 =	sor.u32 s6, s12;
	v5 =	vmul.f32 v5, v51;
	v4 =	vmul.f32 v4, v53  }
0x6b4: {  	s14 =	sor.u32 s6, s13;
	v54 =	vld [tilespmem:s30+$0x0]  }
0x6b5: {  	s17 =	sadd.s32 $0x17680, s2;
	s11 =	sadd.s32 $0x1B880, s11;
	s12 =	sor.u32 s0, s12;
	v55 =	vld [tilespmem:s14+$0x0];
	v4 =	vadd.f32 v5, v4;
	v5 =	vmul.f32 v62, v52  }
0x6b6: {  	s10 =	simm.s32 $0x2;
	s25 =	sor.u32 s0, s13;
	s31 =	sor.u32 s6, s17;
	v56 =	vld [tilespmem:s12+$0x0];
	v61 =	vmul.f32 v63, v51  }
0x6b7: {  	s16 =	sor.u32 s0, s17;
	s13 =	simm.s32 $0x40;
	v57 =	vld [tilespmem:s31+$0x0];
	s12 =	simm.s32 $0x200;
	v59 =	vmul.f32 v6, v53;
	v60 =	vmul.f32 v58, v52;
	v58 =	vadd.f32 v5, v4  }
.LBB2_65:
0x6b8: {  	s14 =	sand.u32 $0x60, s13;
	s17 =	sor.u32 s28, s11;
	s19 =	smov.u32 s2  }
0x6b9: {  	v4 =	vld [tilespmem:s25+$0x0];
	v5 =	vadd.f32 v61, v59;
	s2 =	sand.u32 $0x1C00, s12;
	s28 =	smov.u32 s6;
	s10 =	sadd.s32 $0x2, s10  }
0x6ba: {  	s20 =	sadd.s32 $0x15980, s2;
	s6 =	sor.u32 $0x10, s14;
	v6 =	vld [tilespmem:s16+$0x0];
	[tilespmem:s17+$0x0] =	vst v58;
	p0 =	slt.u32 s10, $0x3E  }
.Ltmp32:
0x6bb: {  	s16 =	sadd.s32 $0x17600, s2;
	v58 =	vmul.f32 v54, v53;
	s17 =	sor.u32 s6, s20;
	v61 =	vmul.f32 v55, v51;
	v5 =	vadd.f32 v60, v5;
	(pc) =	sbr.rel @p0 .LBB2_65-.Ltmp32, $4  }
0x6bc: {  	s20 =	sor.u32 s14, s20;
	s25 =	sor.u32 s14, s16;
	s16 =	sor.u32 s6, s16;
	v54 =	vld [tilespmem:s17+$0x0];
	v59 =	vmul.f32 v56, v53  }
0x6bd: {  	s11 =	sor.u32 s26, s11;
	s26 =	smov.u32 s0;
	s17 =	sadd.s32 $0x17680, s2;
	v55 =	vld [tilespmem:s16+$0x0];
	v58 =	vadd.f32 v61, v58;
	v62 =	vmul.f32 v57, v52  }
0x6be: {  	s0 =	smov.u32 s14;
	s16 =	sor.u32 s14, s17;
	s17 =	sor.u32 s6, s17;
	v56 =	vld [tilespmem:s20+$0x0];
	v61 =	vmul.f32 v4, v51;
	[tilespmem:s11+$0x0] =	vst v5  }
0x6bf: {  	s12 =	sadd.s32 $0x100, s12;
	s13 =	sadd.s32 $0x20, s13;
	s11 =	sadd.s32 $0x1B880, s19;
	v57 =	vld [tilespmem:s17+$0x0];
	v60 =	vmul.f32 v6, v52;
	v58 =	vadd.f32 v62, v58  }
0x6c0: {  	v4 =	vld [tilespmem:s25+$0x0]  }
0x6c1: {  	v5 =	vld [tilespmem:s16+$0x0]  }
0x6c2: {  	v6 =	vadd.f32 v61, v59;
	s10 =	sor.u32 $0x6, s24;
	s25 =	sor.u32 $0x106, s24;
	v54 =	vmul.f32 v54, v53;
	v55 =	vmul.f32 v55, v51  }
0x6c3: {  	v61 =	vmov s10;
	v62 =	vmov s25  }
0x6c4: {  	v6 =	vadd.f32 v60, v6;
	v60 =	vmul.f32 v56, v53;
	v54 =	vadd.f32 v55, v54  }
0x6c5: {  	v55 =	vmul.f32 v57, v52;
	v4 =	vmul.f32 v4, v51;
	v51 =	vand.u32 $0xFFFFFFFE, v61  }
0x6c6: {  	v5 =	vmul.f32 v5, v52;
	v52 =	vand.u32 $0xFFFFFFFE, v62;
	v51 =	vbroadcast v51, $0x0  }
0x6c7: {  	s30 =	sor.u32 s28, s11;
	v59 =	vbroadcast v52, $0x0;
	v4 =	vadd.f32 v4, v60  }
0x6c8: {  	s29 =	sor.u32 $0x206, s24;
	s31 =	sor.u32 s26, s11;
	s2 =	sadd.s32 $0x1B880, s2;
	[tilespmem:s30+$0x0] =	vst v58;
	v54 =	vadd.f32 v55, v54  }
0x6c9: {  	v63 =	vmov s29;
	s6 =	sor.u32 s6, s2;
	[tilespmem:s31+$0x0] =	vst v6;
	v4 =	vadd.f32 v5, v4  }
0x6ca: {  	s11 =	simm.s32 $0x0;
	s0 =	sor.u32 s0, s2;
	v60 =	vand.u32 $0xFFFFFFFE, v63;
	[tilespmem:s6+$0x0] =	vst v54  }
0x6cb: {  	s26 =	sand.u32 $0x60, s11;
	s11 =	sand.u32 $0x1C00, s11;
	v61 =	vbroadcast v60, $0x0;
	[tilespmem:s0+$0x0] =	vst v4  }
0x6cc: {  	s12 =	sadd.s32 $0x17700, s11;
	v52 =	vld.idx.msk [tilespmem:v51+s15+$0x0], $0xffff  }
0x6cd: {  	s2 =	sor.u32 s26, s12;
	s0 =	sor.u32 $0x10, s26;
	v53 =	vld.idx.msk [tilespmem:v59+s15+$0x0], $0xffff  }
0x6ce: {  	s13 =	sadd.s32 $0x17780, s11;
	s14 =	sor.u32 s0, s12;
	v6 =	vld [tilespmem:s2+$0x0]  }
0x6cf: {  	s16 =	sor.u32 s0, s13;
	v4 =	vld [tilespmem:s14+$0x0]  }
0x6d0: {  	s12 =	sadd.s32 $0x17800, s11;
	v5 =	vld [tilespmem:s16+$0x0]  }
0x6d1: {  	s17 =	sor.u32 s0, s12;
	v51 =	vld.idx.msk [tilespmem:v61+s15+$0x0], $0xffff  }
0x6d2: {  	s20 =	simm.s32 $0x100;
	s25 =	simm.s32 $0x20;
	s19 =	sor.u32 s26, s13;
	v62 =	vld [tilespmem:s17+$0x0]  }
0x6d3: {  	s6 =	sand.u32 $0x1C00, s20;
	s2 =	sand.u32 $0x60, s25;
	v63 =	vld [tilespmem:s19+$0x0];
	s12 =	sor.u32 s26, s12  }
0x6d4: {  	s13 =	sadd.s32 $0x17700, s6;
	s28 =	sor.u32 $0x10, s2;
	v59 =	vld [tilespmem:s12+$0x0]  }
0x6d5: {  	s29 =	sadd.s32 $0x17780, s6;
	s30 =	sor.u32 s28, s13;
	v4 =	vmul.f32 v4, v52;
	v5 =	vmul.f32 v5, v53  }
0x6d6: {  	s14 =	sor.u32 s28, s29;
	v54 =	vld [tilespmem:s30+$0x0]  }
0x6d7: {  	s10 =	simm.s32 $0x2;
	s13 =	sor.u32 s2, s13;
	s17 =	sadd.s32 $0x17800, s6;
	v55 =	vld [tilespmem:s14+$0x0];
	v4 =	vadd.f32 v5, v4;
	v5 =	vmul.f32 v62, v51  }
0x6d8: {  	s11 =	sadd.s32 $0x1B900, s11;
	s25 =	sor.u32 s2, s29;
	v56 =	vld [tilespmem:s13+$0x0];
	s31 =	sor.u32 s28, s17;
	v58 =	vmul.f32 v6, v52  }
0x6d9: {  	s12 =	simm.s32 $0x200;
	s16 =	sor.u32 s2, s17;
	s13 =	simm.s32 $0x40;
	v57 =	vld [tilespmem:s31+$0x0];
	v61 =	vmul.f32 v63, v53;
	v59 =	vmul.f32 v59, v51;
	v60 =	vadd.f32 v5, v4  }
.LBB2_67:
0x6da: {  	s14 =	sand.u32 $0x60, s13;
	s17 =	sor.u32 s0, s11;
	s19 =	smov.u32 s6  }
0x6db: {  	v4 =	vld [tilespmem:s25+$0x0];
	v5 =	vadd.f32 v61, v58;
	s6 =	sand.u32 $0x1C00, s12;
	s0 =	smov.u32 s28;
	s10 =	sadd.s32 $0x2, s10  }
0x6dc: {  	s20 =	sadd.s32 $0x17700, s6;
	s28 =	sor.u32 $0x10, s14;
	v6 =	vld [tilespmem:s16+$0x0];
	[tilespmem:s17+$0x0] =	vst v60;
	p0 =	slt.u32 s10, $0x3E  }
.Ltmp33:
0x6dd: {  	s16 =	sadd.s32 $0x17780, s6;
	v60 =	vmul.f32 v54, v52;
	s17 =	sor.u32 s28, s20;
	v61 =	vmul.f32 v55, v53;
	v5 =	vadd.f32 v59, v5;
	(pc) =	sbr.rel @p0 .LBB2_67-.Ltmp33, $4  }
0x6de: {  	s20 =	sor.u32 s14, s20;
	s25 =	sor.u32 s14, s16;
	s16 =	sor.u32 s28, s16;
	v54 =	vld [tilespmem:s17+$0x0];
	v58 =	vmul.f32 v56, v52  }
0x6df: {  	s11 =	sor.u32 s26, s11;
	s26 =	smov.u32 s2;
	s17 =	sadd.s32 $0x17800, s6;
	v55 =	vld [tilespmem:s16+$0x0];
	v60 =	vadd.f32 v61, v60;
	v62 =	vmul.f32 v57, v51  }
0x6e0: {  	s2 =	smov.u32 s14;
	s16 =	sor.u32 s14, s17;
	s17 =	sor.u32 s28, s17;
	v56 =	vld [tilespmem:s20+$0x0];
	v61 =	vmul.f32 v4, v53;
	[tilespmem:s11+$0x0] =	vst v5  }
0x6e1: {  	s12 =	sadd.s32 $0x100, s12;
	s13 =	sadd.s32 $0x20, s13;
	s11 =	sadd.s32 $0x1B900, s19;
	v57 =	vld [tilespmem:s17+$0x0];
	v59 =	vmul.f32 v6, v51;
	v60 =	vadd.f32 v62, v60  }
0x6e2: {  	v4 =	vld [tilespmem:s25+$0x0];
	_ =	sdelay $0x1  }
0x6e3: {  	v5 =	vld [tilespmem:s16+$0x0];
	_ =	sdelay $0x1  }
0x6e4: {  	v6 =	vadd.f32 v61, v58;
	v54 =	vmul.f32 v54, v52;
	v55 =	vmul.f32 v55, v53  }
0x6e5: {  	v62 =	vmul.f32 v56, v52;
	v4 =	vmul.f32 v4, v53  }
0x6e6: {  	s10 =	sor.u32 $0x7, s24;
	v6 =	vadd.f32 v59, v6;
	v63 =	vadd.f32 v55, v54;
	v58 =	vmul.f32 v57, v51  }
0x6e7: {  	s0 =	sor.u32 s0, s11;
	s25 =	sor.u32 $0x107, s24;
	v59 =	vmov s10;
	v5 =	vmul.f32 v5, v51;
	v4 =	vadd.f32 v4, v62  }
0x6e8: {  	s26 =	sor.u32 s26, s11;
	s6 =	sadd.s32 $0x1B900, s6;
	[tilespmem:s0+$0x0] =	vst v60;
	v61 =	vmov s25;
	v60 =	vadd.f32 v58, v63  }
0x6e9: {  	s29 =	sor.u32 $0x207, s24;
	s30 =	sor.u32 s28, s6;
	[tilespmem:s26+$0x0] =	vst v6;
	v4 =	vadd.f32 v5, v4  }
0x6ea: {  	s31 =	sor.u32 s2, s6;
	s2 =	simm.s32 $0x0;
	[tilespmem:s30+$0x0] =	vst v60;
	v5 =	vmov s29  }
0x6eb: {  	s13 =	sand.u32 $0x1C00, s2;
	s26 =	sand.u32 $0x60, s2;
	[tilespmem:s31+$0x0] =	vst v4  }
0x6ec: {  	s6 =	sadd.s32 $0x17880, s13;
	s0 =	sor.u32 $0x10, s26;
	v51 =	vld.idx.msk [tilespmem:v59+s15+$0x0], $0xffff  }
0x6ed: {  	s12 =	sor.u32 s0, s6;
	v53 =	vld.idx.msk [tilespmem:v61+s15+$0x0], $0xffff  }
0x6ee: {  	s11 =	sadd.s32 $0x17900, s13;
	v4 =	vld [tilespmem:s12+$0x0]  }
0x6ef: {  	s14 =	sor.u32 s0, s11;
	v52 =	vld.idx.msk [tilespmem:v5+s15+$0x0], $0xffff  }
0x6f0: {  	s16 =	sadd.s32 $0x17980, s13;
	s2 =	sor.u32 s26, s6;
	v5 =	vld [tilespmem:s14+$0x0]  }
0x6f1: {  	s17 =	sor.u32 s0, s16;
	v6 =	vld [tilespmem:s2+$0x0]  }
0x6f2: {  	s20 =	simm.s32 $0x100;
	s25 =	simm.s32 $0x20;
	s19 =	sor.u32 s26, s11;
	v62 =	vld [tilespmem:s17+$0x0]  }
0x6f3: {  	s11 =	sor.u32 s26, s16;
	s6 =	sand.u32 $0x1C00, s20;
	s2 =	sand.u32 $0x60, s25;
	v63 =	vld [tilespmem:s19+$0x0]  }
0x6f4: {  	s12 =	sadd.s32 $0x17880, s6;
	v59 =	vld [tilespmem:s11+$0x0];
	s28 =	sor.u32 $0x10, s2  }
0x6f5: {  	s29 =	sadd.s32 $0x17900, s6;
	s30 =	sor.u32 s28, s12;
	v4 =	vmul.f32 v4, v51;
	v5 =	vmul.f32 v5, v53  }
0x6f6: {  	s14 =	sor.u32 s28, s29;
	v54 =	vld [tilespmem:s30+$0x0]  }
0x6f7: {  	s10 =	simm.s32 $0x2;
	s17 =	sadd.s32 $0x17980, s6;
	s12 =	sor.u32 s2, s12;
	v55 =	vld [tilespmem:s14+$0x0];
	v4 =	vadd.f32 v5, v4;
	v5 =	vmul.f32 v62, v52  }
0x6f8: {  	s13 =	sadd.s32 $0x1B980, s13;
	s11 =	simm.s32 $0x200;
	s31 =	sor.u32 s28, s17;
	v56 =	vld [tilespmem:s12+$0x0];
	v58 =	vmul.f32 v6, v51  }
0x6f9: {  	s25 =	sor.u32 s2, s29;
	s16 =	sor.u32 s2, s17;
	v57 =	vld [tilespmem:s31+$0x0];
	s12 =	simm.s32 $0x40;
	v61 =	vmul.f32 v63, v53;
	v59 =	vmul.f32 v59, v52;
	v60 =	vadd.f32 v5, v4  }
.LBB2_69:
0x6fa: {  	s14 =	sand.u32 $0x60, s12;
	s17 =	sor.u32 s0, s13;
	s19 =	smov.u32 s6  }
0x6fb: {  	v4 =	vld [tilespmem:s25+$0x0];
	v5 =	vadd.f32 v61, v58;
	s6 =	sand.u32 $0x1C00, s11;
	s0 =	smov.u32 s28;
	s10 =	sadd.s32 $0x2, s10  }
0x6fc: {  	s20 =	sadd.s32 $0x17880, s6;
	s28 =	sor.u32 $0x10, s14;
	v6 =	vld [tilespmem:s16+$0x0];
	[tilespmem:s17+$0x0] =	vst v60;
	p0 =	slt.u32 s10, $0x3E  }
.Ltmp34:
0x6fd: {  	s16 =	sadd.s32 $0x17900, s6;
	v60 =	vmul.f32 v54, v51;
	s17 =	sor.u32 s28, s20;
	v61 =	vmul.f32 v55, v53;
	v5 =	vadd.f32 v59, v5;
	(pc) =	sbr.rel @p0 .LBB2_69-.Ltmp34, $4  }
0x6fe: {  	s20 =	sor.u32 s14, s20;
	s25 =	sor.u32 s14, s16;
	s16 =	sor.u32 s28, s16;
	v54 =	vld [tilespmem:s17+$0x0];
	v58 =	vmul.f32 v56, v51  }
0x6ff: {  	s13 =	sor.u32 s26, s13;
	s26 =	smov.u32 s2;
	s17 =	sadd.s32 $0x17980, s6;
	v55 =	vld [tilespmem:s16+$0x0];
	v60 =	vadd.f32 v61, v60;
	v62 =	vmul.f32 v57, v52  }
0x700: {  	s2 =	smov.u32 s14;
	s16 =	sor.u32 s14, s17;
	s17 =	sor.u32 s28, s17;
	v56 =	vld [tilespmem:s20+$0x0];
	v61 =	vmul.f32 v4, v53;
	[tilespmem:s13+$0x0] =	vst v5  }
0x701: {  	s11 =	sadd.s32 $0x100, s11;
	s12 =	sadd.s32 $0x20, s12;
	s13 =	sadd.s32 $0x1B980, s19;
	v57 =	vld [tilespmem:s17+$0x0];
	v59 =	vmul.f32 v6, v52;
	v60 =	vadd.f32 v62, v60  }
0x702: {  	v4 =	vld [tilespmem:s25+$0x0];
	_ =	sdelay $0x1  }
0x703: {  	v5 =	vld [tilespmem:s16+$0x0];
	_ =	sdelay $0x1  }
0x704: {  	v6 =	vmul.f32 v54, v51;
	v63 =	vmul.f32 v55, v53  }
0x705: {  	v58 =	vadd.f32 v61, v58;
	v61 =	vmul.f32 v56, v51;
	v4 =	vmul.f32 v4, v53  }
0x706: {  	s23 =	sadd.s32 $0x1, s23;
	v6 =	vadd.f32 v63, v6;
	v62 =	vmul.f32 v57, v52  }
0x707: {  	s0 =	sor.u32 s0, s13;
	p0 =	sne.s32 s23, $0x8;
	v63 =	vadd.f32 v59, v58;
	v5 =	vmul.f32 v5, v52;
	v4 =	vadd.f32 v4, v61  }
.Ltmp35:
0x708: {  	s26 =	sor.u32 s26, s13;
	s6 =	sadd.s32 $0x1B980, s6;
	[tilespmem:s0+$0x0] =	vst v60;
	v6 =	vadd.f32 v62, v6;
	(pc) =	sbr.rel @p0 .LBB2_2-.Ltmp35, $4  }
0x709: {  	s10 =	sadd.s32 s5, s24;
	s28 =	sor.u32 s28, s6;
	[tilespmem:s26+$0x0] =	vst v63;
	v4 =	vadd.f32 v5, v4  }
0x70a: {  	s29 =	sor.u32 s2, s6;
	s30 =	sshll.u32 s10, $0x7;
	[tilespmem:s28+$0x0] =	vst v6  }
0x70b: {  	s20 =	simm.s32 $0x1B600;
	s31 =	sadd.s32 s3, s30;
	[tilespmem:s29+$0x0] =	vst v4  }
0x70c: {  	[hbm4b:s31+s4] =	stream.linear.scatter [tilespmem:s20], [sflag:$0x6], $0x2000, $0x38;
	[tilespmem:$0x1D600] =	vst v63  }
0x70d: {  	_ =	swait.ge [sflag:s21], $0x2000  }
0x70e: {  	[sflag:s21] =	ssyncset.done $0x0  }
0x70f: {  	[sflag:s21] =	ssyncadd.s32 $0xFFFFE000  }
0x710: {  	_ =	swait.ge [sflag:s18], $0x2000  }
0x711: {  	s2 =	rddreg [dreg:$0x7]  }
0x712: {  	s0 =	rddreg [dreg:$0x6];
	s2 =	sadd.s32 $0x1, s2  }
0x713: {  	p0 =	sne.s32 s2, s0  }
.Ltmp36:
0x714: {  	_ = 	snop;
	(pc) =	sbr.rel @p0 .LBB2_1-.Ltmp36, $3  }
0x715: {  	_ =	sdelay $0x1  }
0x716: {  	[sflag:s18] =	ssyncset.done $0x0  }
0x717: {  	[sflag:s18] =	ssyncadd.s32 $0xFFFFE000  }
0x718: {  	_ =	sfence.sel $0x180000  }
0x719: {  	[bflag:$0x0] =	sbarrier.arrive $0xFFFF  }
0x71a: {  	_ =	strace $0x90000047  }
0x71b: {  	s0 =	stileid.u32;
	[bflag:$0x2] =	sbarrier.arrive $0xFFFF  }
0x71c: {  	p0 =	sne.s32 s0, $0x0;
	s0 =	rddreg [dreg:$0x3]  }
0x71d: {  	s0 =	sadd.s32 @!p0 $0x100000, s0  }
0x71e: {  	[sflag:s0] =	ssyncadd.tile.s32 @!p0 $0x1;
	_ =	shalt  }
.Lfunc_end2:
_tile_overlayer_lowered:
.L_overlay_start_2:
0x71f: {  	(tag) =	ssettag $0x2  }
0x720: {  	s0 =	rddreg [dreg:$0x0];
	s2 =	stileid.u32  }
0x721: {  	s1 =	rddreg [dreg:$0x1];
	p0 =	sne.s32 s2, $0x0  }
0x722: {  	s3 =	rddreg [dreg:$0x2];
	[bflag:$0x3] =	sbarrier.arrive $0xFFFF;
	s2 =	simm.s32 @!p0 $0x1C07  }
0x723: {  	[timem:s3], [sflag:s2] =	dma.local @!p0 [hbm:s0], s1  }
0x724: {  	s0 =	simm.s32 @!p0 $0x7  }
0x725: {  	_ =	swait.ge @!p0 [sflag:s0], s1  }
0x726: {  	s1 =	ssub.s32 @!p0 $0x0, s1;
	[sflag:s0] =	ssyncset.done @!p0 $0x0  }
0x727: {  	[sflag:s0] =	ssyncadd.s32 @!p0 s1  }
0x728: {  	[bflag:$0x3] =	sbarrier.arrive $0xFFFF  }
0x729: {  	_ =	shalt  }

</sc_bundles>
